<compile_context>
chip_gen: v7x
topology: tpu7x:2x2x1
jax: 0.10.2.dev20260603
libtpu: 0.0.44.dev20260713+nightly
codegen_flags: <defaults>
</compile_context>

<pallas_src>
import jax
import jax.numpy as jnp
from jax import lax
from jax.experimental import pallas as pl
from jax.experimental.pallas import tpu as pltpu
from jax.experimental.pallas import tpu_sc as plsc

_THETA = ((3.0, -3.0, 0.75), (0.0, 3.0, -1.5), (0.0, 0.0, 0.75))

_N = 10000
_NP = 10240
_E = 320000
_EP = 327680
_CHUNK = 128
_NCHUNK = _EP // (32 * _CHUNK)
_RPS = _NP // 16
_DH = 64

_BLK = 2000
_GRID = _N // _BLK


def _mesh():
    return plsc.VectorSubcoreMesh(core_axis_name="c", subcore_axis_name="s")


_SC_PARAMS = pltpu.CompilerParams(use_tc_tiling_on_sc=False)



def _deg_body(dst0, dst1, ones_hbm, zeros_hbm, out, didx0, didx1, ones_v,
              z_v, d0_sh, d1_sh, sem0, sem1):
    c = lax.axis_index("c")
    s = lax.axis_index("s")
    w = c * 16 + s
    pltpu.sync_copy(ones_hbm, ones_v)
    pltpu.sync_copy(zeros_hbm, z_v)
    rowbase = s * _RPS
    for i in range(_RPS // _CHUNK):
        pltpu.sync_copy(z_v, d0_sh.at[pl.ds(rowbase + i * _CHUNK, _CHUNK), :])
        pltpu.sync_copy(z_v, d1_sh.at[pl.ds(rowbase + i * _CHUNK, _CHUNK), :])
    pltpu.sync_copy(dst0.at[pl.ds(w * _NCHUNK, _NCHUNK), :], didx0)
    pltpu.sync_copy(dst1.at[pl.ds(w * _NCHUNK, _NCHUNK), :], didx1)
    plsc.subcore_barrier()

    def chunk(k, carry):
        pltpu.async_copy(ones_v, d0_sh.at[didx0.at[k]], sem0, add=True)
        pltpu.async_copy(ones_v, d1_sh.at[didx1.at[k]], sem1, add=True)
        return carry

    lax.fori_loop(0, _NCHUNK, chunk, 0)

    def drain(k, carry):
        pltpu.make_async_copy(ones_v, d0_sh.at[didx0.at[k]], sem0).wait()
        pltpu.make_async_copy(ones_v, d1_sh.at[didx1.at[k]], sem1).wait()
        return carry

    lax.fori_loop(0, _NCHUNK, drain, 0)
    plsc.subcore_barrier()
    rows = pl.ds(rowbase, _RPS)
    pltpu.sync_copy(d0_sh.at[rows, :], out.at[c, 0, rows, :])
    pltpu.sync_copy(d1_sh.at[rows, :], out.at[c, 1, rows, :])


def _deg_call(dst0, dst1):
    ones = jnp.ones((_CHUNK, 16), jnp.float32)
    zeros = jnp.zeros((_CHUNK, 16), jnp.float32)
    fn = pl.kernel(
        _deg_body,
        out_type=jax.ShapeDtypeStruct((2, 2, _NP, 16), jnp.float32),
        mesh=_mesh(),
        scratch_types=[
            pltpu.VMEM((_NCHUNK, _CHUNK), jnp.int32),
            pltpu.VMEM((_NCHUNK, _CHUNK), jnp.int32),
            pltpu.VMEM((_CHUNK, 16), jnp.float32),
            pltpu.VMEM((_CHUNK, 16), jnp.float32),
            pltpu.VMEM_SHARED((_NP, 16), jnp.float32),
            pltpu.VMEM_SHARED((_NP, 16), jnp.float32),
            pltpu.SemaphoreType.DMA,
            pltpu.SemaphoreType.DMA,
        ],
        compiler_params=_SC_PARAMS,
    )
    return fn(dst0, dst1, ones, zeros)


_NBUF = 7
_LOOK = 4


def _prop_body(g, src, dst, zeros_hbm, out, sidx, didx, rows_v, agg_sh,
               gsem, ssem):
    c = lax.axis_index("c")
    s = lax.axis_index("s")
    w = c * 16 + s
    z_v = rows_v.at[0]
    pltpu.sync_copy(zeros_hbm, z_v)
    rowbase = s * _RPS
    for i in range(_RPS // _CHUNK):
        pltpu.sync_copy(z_v, agg_sh.at[pl.ds(rowbase + i * _CHUNK, _CHUNK), :])
    pltpu.sync_copy(src.at[pl.ds(w * _NCHUNK, _NCHUNK), :], sidx)
    pltpu.sync_copy(dst.at[pl.ds(w * _NCHUNK, _NCHUNK), :], didx)
    plsc.subcore_barrier()

    def fire_gather(k):
        slot = lax.rem(k, _NBUF)
        pltpu.async_copy(g.at[sidx.at[k]], rows_v.at[slot], gsem.at[slot])

    def wait_gather(k):
        slot = lax.rem(k, _NBUF)
        pltpu.make_async_copy(g.at[sidx.at[k]], rows_v.at[slot],
                              gsem.at[slot]).wait()

    def fire_scatter(k):
        slot = lax.rem(k, _NBUF)
        pltpu.async_copy(rows_v.at[slot], agg_sh.at[didx.at[k]],
                         ssem.at[slot], add=True)

    def wait_scatter(k):
        slot = lax.rem(k, _NBUF)
        pltpu.make_async_copy(rows_v.at[slot], agg_sh.at[didx.at[k]],
                              ssem.at[slot]).wait()

    for b in range(_LOOK):
        fire_gather(b)

    def warm(k, carry):
        wait_gather(k)
        fire_scatter(k)
        fire_gather(k + _LOOK)
        return carry

    def steady(k, carry):
        wait_gather(k)
        fire_scatter(k)
        wait_scatter(k + _LOOK - _NBUF)
        fire_gather(k + _LOOK)
        return carry

    def tail(k, carry):
        wait_gather(k)
        fire_scatter(k)
        return carry

    lax.fori_loop(0, _NBUF - _LOOK, warm, 0)
    lax.fori_loop(_NBUF - _LOOK, _NCHUNK - _LOOK, steady, 0)
    lax.fori_loop(_NCHUNK - _LOOK, _NCHUNK, tail, 0)

    def drain(k, carry):
        wait_scatter(k)
        return carry

    lax.fori_loop(_NCHUNK - _NBUF, _NCHUNK, drain, 0)
    plsc.subcore_barrier()
    rows = pl.ds(rowbase, _RPS)
    pltpu.sync_copy(agg_sh.at[rows, :], out.at[c, rows, :])


def _prop_call(g, src, dst):
    zeros = jnp.zeros((_CHUNK, _DH), jnp.float32)
    fn = pl.kernel(
        _prop_body,
        out_type=jax.ShapeDtypeStruct((2, _NP, _DH), jnp.float32),
        mesh=_mesh(),
        scratch_types=[
            pltpu.VMEM((_NCHUNK, _CHUNK), jnp.int32),
            pltpu.VMEM((_NCHUNK, _CHUNK), jnp.int32),
            pltpu.VMEM((_NBUF, _CHUNK, _DH), jnp.float32),
            pltpu.VMEM_SHARED((_NP, _DH), jnp.float32),
            pltpu.SemaphoreType.DMA((_NBUF,)),
            pltpu.SemaphoreType.DMA((_NBUF,)),
        ],
        compiler_params=_SC_PARAMS,
    )
    return fn(g, src, dst, zeros)



def _dinv_from(degp_ref):
    d = degp_ref[0, 0, :, 0:1] + degp_ref[1, 0, :, 0:1] + 1.0
    return lax.rsqrt(jnp.maximum(d, 1.0))


def _premlp_body(x_ref, w1_ref, b1_ref, w2_ref, b2_ref, h_ref):
    x = x_ref[...]
    h = jnp.maximum(
        lax.dot_general(x, w1_ref[...], (((1,), (1,)), ((), ())),
                        preferred_element_type=jnp.float32, precision=lax.Precision.HIGHEST) + b1_ref[...], 0.0)
    h = jnp.maximum(
        lax.dot_general(h, w2_ref[...], (((1,), (1,)), ((), ())),
                        preferred_element_type=jnp.float32, precision=lax.Precision.HIGHEST) + b2_ref[...], 0.0)
    h_ref[...] = h


def _premlp_call(x, w1, b1, w2, b2):
    n, d_in = x.shape
    return pl.pallas_call(
        _premlp_body,
        grid=(_GRID,),
        in_specs=[
            pl.BlockSpec((_BLK, d_in), lambda i: (i, 0)),
            pl.BlockSpec(w1.shape, lambda i: (0, 0)),
            pl.BlockSpec((1, _DH), lambda i: (0, 0)),
            pl.BlockSpec(w2.shape, lambda i: (0, 0)),
            pl.BlockSpec((1, _DH), lambda i: (0, 0)),
        ],
        out_specs=pl.BlockSpec((_BLK, _DH), lambda i: (i, 0)),
        out_shape=jax.ShapeDtypeStruct((n, _DH), jnp.float32),
    )(x, w1, b1, w2, b2)


def _norm_body(h_ref, degp_ref, dinv_ref, g_ref):
    dinv = _dinv_from(degp_ref)
    dinv_ref[...] = dinv
    g_ref[...] = h_ref[...] * dinv


def _norm_call(h, degp):
    return pl.pallas_call(
        _norm_body,
        grid=(_GRID,),
        in_specs=[
            pl.BlockSpec((_BLK, _DH), lambda i: (i, 0)),
            pl.BlockSpec((2, 1, _BLK, 16), lambda i: (0, 0, i, 0)),
        ],
        out_specs=[
            pl.BlockSpec((_BLK, 1), lambda i: (i, 0)),
            pl.BlockSpec((_BLK, _DH), lambda i: (i, 0)),
        ],
        out_shape=[
            jax.ShapeDtypeStruct((_N, 1), jnp.float32),
            jax.ShapeDtypeStruct((_N, _DH), jnp.float32),
        ],
    )(h, degp)


def _fuse_body(f_ref, gp_ref, p_ref, dinv_ref, fo_ref, go_ref):
    agg = p_ref[0] + p_ref[1] + gp_ref[...]
    dinv = dinv_ref[...]
    f = f_ref[...] - agg * dinv
    fo_ref[...] = f
    go_ref[...] = f * dinv


def _fuse_call(f, gp, p, dinv):
    return pl.pallas_call(
        _fuse_body,
        grid=(_GRID,),
        in_specs=[
            pl.BlockSpec((_BLK, _DH), lambda i: (i, 0)),
            pl.BlockSpec((_BLK, _DH), lambda i: (i, 0)),
            pl.BlockSpec((2, _BLK, _DH), lambda i: (0, i, 0)),
            pl.BlockSpec((_BLK, 1), lambda i: (i, 0)),
        ],
        out_specs=[
            pl.BlockSpec((_BLK, _DH), lambda i: (i, 0)),
            pl.BlockSpec((_BLK, _DH), lambda i: (i, 0)),
        ],
        out_shape=[
            jax.ShapeDtypeStruct((_N, _DH), jnp.float32),
            jax.ShapeDtypeStruct((_N, _DH), jnp.float32),
        ],
    )(f, gp, p, dinv)


def _poly_out(f0, f1, f2, w3, b3):
    acc = jnp.broadcast_to(b3, (f0.shape[0], _DH))
    fs = (f0, f1, f2)
    for k in range(3):
        m_k = None
        for j in range(3):
            t = _THETA[j][k]
            if t == 0.0:
                continue
            blk = w3[:, _DH * j:_DH * (j + 1)] * t
            m_k = blk if m_k is None else m_k + blk
        acc = acc + lax.dot_general(fs[k], m_k, (((1,), (1,)), ((), ())),
                                    preferred_element_type=jnp.float32, precision=lax.Precision.HIGHEST)
    return acc


def _mid_body(f0_ref, f1_ref, g1_ref, q_ref, dinv_ref, w3_ref, b3_ref,
              degp_ref, h_ref, dinv1_ref, g_ref):
    dinv = dinv_ref[...]
    f2 = f1_ref[...] - (q_ref[0] + q_ref[1] + g1_ref[...]) * dinv
    h = _poly_out(f0_ref[...], f1_ref[...], f2, w3_ref[...], b3_ref[...])
    d1 = degp_ref[0, 0, :, 0:1] + degp_ref[1, 0, :, 0:1] + 1.0
    dinv1 = lax.rsqrt(jnp.maximum(d1, 1.0))
    h_ref[...] = h
    dinv1_ref[...] = dinv1
    g_ref[...] = h * dinv1


def _mid_call(f0, f1, g1, q, dinv, w3, b3, degp1):
    return pl.pallas_call(
        _mid_body,
        grid=(_GRID,),
        in_specs=[
            pl.BlockSpec((_BLK, _DH), lambda i: (i, 0)),
            pl.BlockSpec((_BLK, _DH), lambda i: (i, 0)),
            pl.BlockSpec((_BLK, _DH), lambda i: (i, 0)),
            pl.BlockSpec((2, _BLK, _DH), lambda i: (0, i, 0)),
            pl.BlockSpec((_BLK, 1), lambda i: (i, 0)),
            pl.BlockSpec(w3.shape, lambda i: (0, 0)),
            pl.BlockSpec((1, _DH), lambda i: (0, 0)),
            pl.BlockSpec((2, 1, _BLK, 16), lambda i: (0, 1, i, 0)),
        ],
        out_specs=[
            pl.BlockSpec((_BLK, _DH), lambda i: (i, 0)),
            pl.BlockSpec((_BLK, 1), lambda i: (i, 0)),
            pl.BlockSpec((_BLK, _DH), lambda i: (i, 0)),
        ],
        out_shape=[
            jax.ShapeDtypeStruct((_N, _DH), jnp.float32),
            jax.ShapeDtypeStruct((_N, 1), jnp.float32),
            jax.ShapeDtypeStruct((_N, _DH), jnp.float32),
        ],
    )(f0, f1, g1, q, dinv, w3, b3, degp1)


def _final_body(f0_ref, f1_ref, g1_ref, q_ref, dinv_ref, w3_ref, b3_ref,
                w4_ref, b4_ref, out_ref):
    dinv = dinv_ref[...]
    f2 = f1_ref[...] - (q_ref[0] + q_ref[1] + g1_ref[...]) * dinv
    f0 = f0_ref[...]
    h2 = _poly_out(f0, f1_ref[...], f2, w3_ref[...], b3_ref[...])
    hs = jnp.maximum(f0 + h2, 0.0)
    out_ref[...] = lax.dot_general(hs, w4_ref[...], (((1,), (1,)), ((), ())),
                                   preferred_element_type=jnp.float32, precision=lax.Precision.HIGHEST) + b4_ref[...]


def _final_call(f0, f1, g1, q, dinv, w3, b3, w4, b4):
    n_cls = w4.shape[0]
    return pl.pallas_call(
        _final_body,
        grid=(_GRID,),
        in_specs=[
            pl.BlockSpec((_BLK, _DH), lambda i: (i, 0)),
            pl.BlockSpec((_BLK, _DH), lambda i: (i, 0)),
            pl.BlockSpec((_BLK, _DH), lambda i: (i, 0)),
            pl.BlockSpec((2, _BLK, _DH), lambda i: (0, i, 0)),
            pl.BlockSpec((_BLK, 1), lambda i: (i, 0)),
            pl.BlockSpec(w3.shape, lambda i: (0, 0)),
            pl.BlockSpec((1, _DH), lambda i: (0, 0)),
            pl.BlockSpec(w4.shape, lambda i: (0, 0)),
            pl.BlockSpec((1, n_cls), lambda i: (0, 0)),
        ],
        out_specs=pl.BlockSpec((_BLK, n_cls), lambda i: (i, 0)),
        out_shape=jax.ShapeDtypeStruct((_N, n_cls), jnp.float32),
    )(f0, f1, g1, q, dinv, w3, b3, w4, b4)



def _pad_edges(ei):
    pad = _EP - ei.shape[1]
    r = jnp.arange(pad, dtype=ei.dtype)
    src = jnp.concatenate([ei[0], (r * 97) % _N])
    dst = jnp.concatenate([ei[1], _N + r % (_NP - _N)])
    return (src.reshape(_EP // _CHUNK, _CHUNK).astype(jnp.int32),
            dst.reshape(_EP // _CHUNK, _CHUNK).astype(jnp.int32))


def kernel(in_feat, edge_index_r0, edge_index_r1, W1, b1, W2, b2, W3, b3,
           W4, b4, relation_weights):
    del relation_weights
    src0, dst0 = _pad_edges(edge_index_r0)
    src1, dst1 = _pad_edges(edge_index_r1)
    b1r = b1.reshape(1, -1)
    b2r = b2.reshape(1, -1)
    b3r = b3.reshape(1, -1)
    b4r = b4.reshape(1, -1)

    degp = _deg_call(dst0, dst1)
    h = _premlp_call(in_feat, W1, b1r, W2, b2r)

    dinv, g0 = _norm_call(h, degp)
    p = _prop_call(g0, src0, dst0)
    f1, g1 = _fuse_call(h, g0, p, dinv)
    q = _prop_call(g1, src0, dst0)
    h1, dinv1, g0b = _mid_call(h, f1, g1, q, dinv, W3, b3r, degp)

    p = _prop_call(g0b, src1, dst1)
    f1b, g1b = _fuse_call(h1, g0b, p, dinv1)
    q = _prop_call(g1b, src1, dst1)
    return _final_call(h1, f1b, g1b, q, dinv1, W3, b3r, W4, b4r)

# --- scband reference (transcript-rebuilt; emitter-appended) ---
"""Pipeline reference for scband-weight-fusion-70866960384016 (READ-ONLY COPY).

The authoritative reference and input builder live on the scoring server;
editing this copy changes nothing except your own understanding.
"""

import jax, jax.numpy as jnp
import numpy as np

# Bernstein-basis thetas from calculate_theta2(d=2)
THETAS = [[3.0, -3.0, 0.75], [0.0, 3.0, -1.5], [0.0, 0.0, 0.75]]


def _polyconv(feat, src, dst, theta, n):
    # D^{-1/2} from in-degrees (self-loops already included in src/dst)
    deg = jnp.zeros((n,), feat.dtype).at[dst].add(1.0)
    d_invsqrt = jnp.power(jnp.clip(deg, 1.0, None), -0.5)[:, None]
    h = theta[0] * feat
    f = feat
    for k in range(1, len(theta)):
        # unnLaplacian: f - D^{-1/2} A D^{-1/2} f  via copy_u + scatter-add to dst
        m = (f * d_invsqrt)[src]
        agg = jnp.zeros_like(f).at[dst].add(m)
        f = f - agg * d_invsqrt
        h = h + theta[k] * f
    return h


def setup_inputs(seed: int = 0) -> dict:
    key = jax.random.key(seed)
    ks = jax.random.split(key, 10)
    n, d_in, d_h, n_cls, n_edges = 10000, 128, 64, 2, 320000
    s = 0.05
    inp = {}
    inp["in_feat"] = jax.random.normal(ks[0], (n, d_in), dtype=jnp.float32)
    inp["edge_index_r0"] = jax.random.randint(ks[1], (2, n_edges), 0, n, dtype=jnp.int32)
    inp["edge_index_r1"] = jax.random.randint(ks[2], (2, n_edges), 0, n, dtype=jnp.int32)
    # learned parameters (torch nn.Linear convention: y = x @ W.T + b)
    inp["W1"] = jax.random.normal(ks[3], (d_h, d_in), dtype=jnp.float32) * s
    inp["b1"] = jnp.zeros((d_h,), jnp.float32)
    inp["W2"] = jax.random.normal(ks[4], (d_h, d_h), dtype=jnp.float32) * s
    inp["b2"] = jnp.zeros((d_h,), jnp.float32)
    inp["W3"] = jax.random.normal(ks[5], (d_h, d_h * len(THETAS)), dtype=jnp.float32) * s
    inp["b3"] = jnp.zeros((d_h,), jnp.float32)
    inp["W4"] = jax.random.normal(ks[6], (n_cls, d_h), dtype=jnp.float32) * s
    inp["b4"] = jnp.zeros((n_cls,), jnp.float32)
    inp["relation_weights"] = jnp.ones((2, 1, 1), jnp.float32)
    return inp


def reference(in_feat, edge_index_r0, edge_index_r1, W1, b1, W2, b2, W3, b3, W4, b4, relation_weights):
    n = in_feat.shape[0]
    h = jax.nn.relu(in_feat @ W1.T + b1)
    h = jax.nn.relu(h @ W2.T + b2)
    loop = jnp.arange(n, dtype=edge_index_r0.dtype)
    h_all = []
    for ei in (edge_index_r0, edge_index_r1):
        # dgl.add_self_loop per etype
        src = jnp.concatenate([ei[0], loop])
        dst = jnp.concatenate([ei[1], loop])
        h_final = jnp.concatenate([_polyconv(h, src, dst, th, n) for th in THETAS], axis=-1)
        h = h_final @ W3.T + b3
        h_all.append(h)
    h_all = jnp.stack(h_all)
    w = jax.nn.softmax(relation_weights, axis=-1)  # singleton last dim -> all ones, kept for faithfulness
    h_sum = jnp.sum(h_all * w, axis=0)
    h_sum = jax.nn.relu(h_sum)
    return h_sum @ W4.T + b4

if __name__ == "__main__":
    import jax
    _d = setup_inputs()
    print(jax.jit(kernel)(*tuple(_d.values())))

</pallas_src>

<mosaic_0001>
#map = affine_map<(d0, d1) -> (0, 0)>
#map1 = affine_map<(d0, d1) -> (0, 0, 0)>
module attributes {stable_mosaic.version = 14 : i64} {
  func.func @_prop_body(%arg0: i32, %arg1: i32, %arg2: memref<10000x64xf32, #tpu.memory_space<hbm>>, %arg3: memref<2560x128xi32, #tpu.memory_space<hbm>>, %arg4: memref<2560x128xi32, #tpu.memory_space<hbm>>, %arg5: memref<128x64xf32, #tpu.memory_space<hbm>>, %arg6: memref<2x10240x64xf32, #tpu.memory_space<hbm>>, %arg7: memref<80x128xi32, #tpu.memory_space<vmem>>, %arg8: memref<80x128xi32, #tpu.memory_space<vmem>>, %arg9: memref<7x128x64xf32, #tpu.memory_space<vmem>>, %arg10: memref<10240x64xf32, #tpu.memory_space<vmem_shared>>, %arg11: memref<7x!tpu.dma_semaphore, #tpu.memory_space<semaphore_mem>>, %arg12: memref<7x!tpu.dma_semaphore, #tpu.memory_space<semaphore_mem>>) attributes {dimension_semantics = [#tpu.dimension_semantics<core_parallel>, #tpu.dimension_semantics<subcore_parallel>], iteration_bounds = array<i64: 2, 16>, scalar_prefetch = 0 : i64, scratch_operands = 6 : i64, tpu.core_type = #tpu.core_type<sc_vector_subcore>, window_params = [{transform_indices = #map}, {transform_indices = #map}, {transform_indices = #map}, {transform_indices = #map}, {transform_indices = #map1}]} {
    %mul3A = arith.constant 16 : i32
    %mul3A_0 = arith.muli %arg0, %mul3A : i32
    %add3A = arith.addi %mul3A_0, %arg1 : i32
    %run_scoped3A = arith.constant 0 : i32
    "tpu.region"() ({
      %run_scoped3A_108 = tpu.sem_alloc : memref<!tpu.dma_semaphore, #tpu.memory_space<semaphore_mem>>
      %dma_start3A_109 = arith.constant 0 : i32
      %dma_start3A_110 = arith.constant 0 : i32
      %dma_start3A_111 = tpu.memref_slice %arg9[%run_scoped3A, %dma_start3A_109, %dma_start3A_110] : memref<7x128x64xf32, #tpu.memory_space<vmem>> -> memref<1x128x64xf32, #tpu.memory_space<vmem>>
      %dma_start3A_112 = tpu.memref_squeeze %dma_start3A_111 : memref<1x128x64xf32, #tpu.memory_space<vmem>> -> memref<128x64xf32, #tpu.memory_space<vmem>>
      %dma_start3A_113 = arith.constant 0 : i32
      %dma_start3A_114 = arith.constant 0 : i32
      %dma_start3A_115 = tpu.memref_slice %arg9[%run_scoped3A, %dma_start3A_113, %dma_start3A_114] : memref<7x128x64xf32, #tpu.memory_space<vmem>> -> memref<1x128x64xf32, #tpu.memory_space<vmem>>
      %dma_start3A_116 = tpu.memref_squeeze %dma_start3A_115 : memref<1x128x64xf32, #tpu.memory_space<vmem>> -> memref<128x64xf32, #tpu.memory_space<vmem>>
      tpu.enqueue_dma source(%arg5 : memref<128x64xf32, #tpu.memory_space<hbm>>) target(%dma_start3A_116 : memref<128x64xf32, #tpu.memory_space<vmem>>) target_semaphore(%run_scoped3A_108 : memref<!tpu.dma_semaphore, #tpu.memory_space<semaphore_mem>>)
      %dma_wait3A = arith.constant 0 : i32
      %dma_wait3A_117 = arith.constant 0 : i32
      %dma_wait3A_118 = tpu.memref_slice %arg9[%run_scoped3A, %dma_wait3A, %dma_wait3A_117] : memref<7x128x64xf32, #tpu.memory_space<vmem>> -> memref<1x128x64xf32, #tpu.memory_space<vmem>>
      %dma_wait3A_119 = tpu.memref_squeeze %dma_wait3A_118 : memref<1x128x64xf32, #tpu.memory_space<vmem>> -> memref<128x64xf32, #tpu.memory_space<vmem>>
      %dma_wait3A_120 = arith.constant 0 : i32
      %dma_wait3A_121 = arith.constant 0 : i32
      %dma_wait3A_122 = tpu.memref_slice %arg9[%run_scoped3A, %dma_wait3A_120, %dma_wait3A_121] : memref<7x128x64xf32, #tpu.memory_space<vmem>> -> memref<1x128x64xf32, #tpu.memory_space<vmem>>
      %dma_wait3A_123 = tpu.memref_squeeze %dma_wait3A_122 : memref<1x128x64xf32, #tpu.memory_space<vmem>> -> memref<128x64xf32, #tpu.memory_space<vmem>>
      tpu.wait_dma2 semaphore(%run_scoped3A_108 : memref<!tpu.dma_semaphore, #tpu.memory_space<semaphore_mem>>) src(%arg5 : memref<128x64xf32, #tpu.memory_space<hbm>>) dst(%dma_wait3A_123 : memref<128x64xf32, #tpu.memory_space<vmem>>)
      tpu.yield
    }) : () -> ()
    %mul3A_1 = arith.constant 640 : i32
    %mul3A_2 = arith.muli %arg1, %mul3A_1 : i32
    %add3A_3 = arith.constant 0 : i32
    %add3A_4 = arith.addi %mul3A_2, %add3A_3 : i32
    %run_scoped3A_5 = arith.constant 0 : i32
    "tpu.region"() ({
      %run_scoped3A_108 = tpu.sem_alloc : memref<!tpu.dma_semaphore, #tpu.memory_space<semaphore_mem>>
      %dma_start3A_109 = arith.constant 0 : i32
      %dma_start3A_110 = arith.constant 0 : i32
      %dma_start3A_111 = tpu.memref_slice %arg9[%run_scoped3A_5, %dma_start3A_109, %dma_start3A_110] : memref<7x128x64xf32, #tpu.memory_space<vmem>> -> memref<1x128x64xf32, #tpu.memory_space<vmem>>
      %dma_start3A_112 = tpu.memref_squeeze %dma_start3A_111 : memref<1x128x64xf32, #tpu.memory_space<vmem>> -> memref<128x64xf32, #tpu.memory_space<vmem>>
      %dma_start3A_113 = arith.constant 0 : i32
      %dma_start3A_114 = tpu.memref_slice %arg10[%add3A_4, %dma_start3A_113] : memref<10240x64xf32, #tpu.memory_space<vmem_shared>> -> memref<128x64xf32, #tpu.memory_space<vmem_shared>>
      %dma_start3A_115 = arith.constant 0 : i32
      %dma_start3A_116 = tpu.memref_slice %arg10[%add3A_4, %dma_start3A_115] : memref<10240x64xf32, #tpu.memory_space<vmem_shared>> -> memref<128x64xf32, #tpu.memory_space<vmem_shared>>
      %dma_start3A_117 = arith.constant 0 : i32
      %dma_start3A_118 = arith.constant 0 : i32
      %dma_start3A_119 = tpu.memref_slice %arg9[%run_scoped3A_5, %dma_start3A_117, %dma_start3A_118] : memref<7x128x64xf32, #tpu.memory_space<vmem>> -> memref<1x128x64xf32, #tpu.memory_space<vmem>>
      %dma_start3A_120 = tpu.memref_squeeze %dma_start3A_119 : memref<1x128x64xf32, #tpu.memory_space<vmem>> -> memref<128x64xf32, #tpu.memory_space<vmem>>
      tpu.enqueue_dma source(%dma_start3A_120 : memref<128x64xf32, #tpu.memory_space<vmem>>) target(%dma_start3A_116 : memref<128x64xf32, #tpu.memory_space<vmem_shared>>) target_semaphore(%run_scoped3A_108 : memref<!tpu.dma_semaphore, #tpu.memory_space<semaphore_mem>>)
      %dma_wait3A = arith.constant 0 : i32
      %dma_wait3A_121 = arith.constant 0 : i32
      %dma_wait3A_122 = tpu.memref_slice %arg9[%run_scoped3A_5, %dma_wait3A, %dma_wait3A_121] : memref<7x128x64xf32, #tpu.memory_space<vmem>> -> memref<1x128x64xf32, #tpu.memory_space<vmem>>
      %dma_wait3A_123 = tpu.memref_squeeze %dma_wait3A_122 : memref<1x128x64xf32, #tpu.memory_space<vmem>> -> memref<128x64xf32, #tpu.memory_space<vmem>>
      %dma_wait3A_124 = arith.constant 0 : i32
      %dma_wait3A_125 = tpu.memref_slice %arg10[%add3A_4, %dma_wait3A_124] : memref<10240x64xf32, #tpu.memory_space<vmem_shared>> -> memref<128x64xf32, #tpu.memory_space<vmem_shared>>
      %dma_wait3A_126 = arith.constant 0 : i32
      %dma_wait3A_127 = tpu.memref_slice %arg10[%add3A_4, %dma_wait3A_126] : memref<10240x64xf32, #tpu.memory_space<vmem_shared>> -> memref<128x64xf32, #tpu.memory_space<vmem_shared>>
      %dma_wait3A_128 = arith.constant 0 : i32
      %dma_wait3A_129 = arith.constant 0 : i32
      %dma_wait3A_130 = tpu.memref_slice %arg9[%run_scoped3A_5, %dma_wait3A_128, %dma_wait3A_129] : memref<7x128x64xf32, #tpu.memory_space<vmem>> -> memref<1x128x64xf32, #tpu.memory_space<vmem>>
      %dma_wait3A_131 = tpu.memref_squeeze %dma_wait3A_130 : memref<1x128x64xf32, #tpu.memory_space<vmem>> -> memref<128x64xf32, #tpu.memory_space<vmem>>
      tpu.wait_dma2 semaphore(%run_scoped3A_108 : memref<!tpu.dma_semaphore, #tpu.memory_space<semaphore_mem>>) src(%dma_wait3A_131 : memref<128x64xf32, #tpu.memory_space<vmem>>) dst(%dma_wait3A_127 : memref<128x64xf32, #tpu.memory_space<vmem_shared>>)
      tpu.yield
    }) : () -> ()
    %add3A_6 = arith.constant 128 : i32
    %add3A_7 = arith.addi %mul3A_2, %add3A_6 : i32
    %run_scoped3A_8 = arith.constant 0 : i32
    "tpu.region"() ({
      %run_scoped3A_108 = tpu.sem_alloc : memref<!tpu.dma_semaphore, #tpu.memory_space<semaphore_mem>>
      %dma_start3A_109 = arith.constant 0 : i32
      %dma_start3A_110 = arith.constant 0 : i32
      %dma_start3A_111 = tpu.memref_slice %arg9[%run_scoped3A_8, %dma_start3A_109, %dma_start3A_110] : memref<7x128x64xf32, #tpu.memory_space<vmem>> -> memref<1x128x64xf32, #tpu.memory_space<vmem>>
      %dma_start3A_112 = tpu.memref_squeeze %dma_start3A_111 : memref<1x128x64xf32, #tpu.memory_space<vmem>> -> memref<128x64xf32, #tpu.memory_space<vmem>>
      %dma_start3A_113 = arith.constant 0 : i32
      %dma_start3A_114 = tpu.memref_slice %arg10[%add3A_7, %dma_start3A_113] : memref<10240x64xf32, #tpu.memory_space<vmem_shared>> -> memref<128x64xf32, #tpu.memory_space<vmem_shared>>
      %dma_start3A_115 = arith.constant 0 : i32
      %dma_start3A_116 = tpu.memref_slice %arg10[%add3A_7, %dma_start3A_115] : memref<10240x64xf32, #tpu.memory_space<vmem_shared>> -> memref<128x64xf32, #tpu.memory_space<vmem_shared>>
      %dma_start3A_117 = arith.constant 0 : i32
      %dma_start3A_118 = arith.constant 0 : i32
      %dma_start3A_119 = tpu.memref_slice %arg9[%run_scoped3A_8, %dma_start3A_117, %dma_start3A_118] : memref<7x128x64xf32, #tpu.memory_space<vmem>> -> memref<1x128x64xf32, #tpu.memory_space<vmem>>
      %dma_start3A_120 = tpu.memref_squeeze %dma_start3A_119 : memref<1x128x64xf32, #tpu.memory_space<vmem>> -> memref<128x64xf32, #tpu.memory_space<vmem>>
      tpu.enqueue_dma source(%dma_start3A_120 : memref<128x64xf32, #tpu.memory_space<vmem>>) target(%dma_start3A_116 : memref<128x64xf32, #tpu.memory_space<vmem_shared>>) target_semaphore(%run_scoped3A_108 : memref<!tpu.dma_semaphore, #tpu.memory_space<semaphore_mem>>)
      %dma_wait3A = arith.constant 0 : i32
      %dma_wait3A_121 = arith.constant 0 : i32
      %dma_wait3A_122 = tpu.memref_slice %arg9[%run_scoped3A_8, %dma_wait3A, %dma_wait3A_121] : memref<7x128x64xf32, #tpu.memory_space<vmem>> -> memref<1x128x64xf32, #tpu.memory_space<vmem>>
      %dma_wait3A_123 = tpu.memref_squeeze %dma_wait3A_122 : memref<1x128x64xf32, #tpu.memory_space<vmem>> -> memref<128x64xf32, #tpu.memory_space<vmem>>
      %dma_wait3A_124 = arith.constant 0 : i32
      %dma_wait3A_125 = tpu.memref_slice %arg10[%add3A_7, %dma_wait3A_124] : memref<10240x64xf32, #tpu.memory_space<vmem_shared>> -> memref<128x64xf32, #tpu.memory_space<vmem_shared>>
      %dma_wait3A_126 = arith.constant 0 : i32
      %dma_wait3A_127 = tpu.memref_slice %arg10[%add3A_7, %dma_wait3A_126] : memref<10240x64xf32, #tpu.memory_space<vmem_shared>> -> memref<128x64xf32, #tpu.memory_space<vmem_shared>>
      %dma_wait3A_128 = arith.constant 0 : i32
      %dma_wait3A_129 = arith.constant 0 : i32
      %dma_wait3A_130 = tpu.memref_slice %arg9[%run_scoped3A_8, %dma_wait3A_128, %dma_wait3A_129] : memref<7x128x64xf32, #tpu.memory_space<vmem>> -> memref<1x128x64xf32, #tpu.memory_space<vmem>>
      %dma_wait3A_131 = tpu.memref_squeeze %dma_wait3A_130 : memref<1x128x64xf32, #tpu.memory_space<vmem>> -> memref<128x64xf32, #tpu.memory_space<vmem>>
      tpu.wait_dma2 semaphore(%run_scoped3A_108 : memref<!tpu.dma_semaphore, #tpu.memory_space<semaphore_mem>>) src(%dma_wait3A_131 : memref<128x64xf32, #tpu.memory_space<vmem>>) dst(%dma_wait3A_127 : memref<128x64xf32, #tpu.memory_space<vmem_shared>>)
      tpu.yield
    }) : () -> ()
    %add3A_9 = arith.constant 256 : i32
    %add3A_10 = arith.addi %mul3A_2, %add3A_9 : i32
    %run_scoped3A_11 = arith.constant 0 : i32
    "tpu.region"() ({
      %run_scoped3A_108 = tpu.sem_alloc : memref<!tpu.dma_semaphore, #tpu.memory_space<semaphore_mem>>
      %dma_start3A_109 = arith.constant 0 : i32
      %dma_start3A_110 = arith.constant 0 : i32
      %dma_start3A_111 = tpu.memref_slice %arg9[%run_scoped3A_11, %dma_start3A_109, %dma_start3A_110] : memref<7x128x64xf32, #tpu.memory_space<vmem>> -> memref<1x128x64xf32, #tpu.memory_space<vmem>>
      %dma_start3A_112 = tpu.memref_squeeze %dma_start3A_111 : memref<1x128x64xf32, #tpu.memory_space<vmem>> -> memref<128x64xf32, #tpu.memory_space<vmem>>
      %dma_start3A_113 = arith.constant 0 : i32
      %dma_start3A_114 = tpu.memref_slice %arg10[%add3A_10, %dma_start3A_113] : memref<10240x64xf32, #tpu.memory_space<vmem_shared>> -> memref<128x64xf32, #tpu.memory_space<vmem_shared>>
      %dma_start3A_115 = arith.constant 0 : i32
      %dma_start3A_116 = tpu.memref_slice %arg10[%add3A_10, %dma_start3A_115] : memref<10240x64xf32, #tpu.memory_space<vmem_shared>> -> memref<128x64xf32, #tpu.memory_space<vmem_shared>>
      %dma_start3A_117 = arith.constant 0 : i32
      %dma_start3A_118 = arith.constant 0 : i32
      %dma_start3A_119 = tpu.memref_slice %arg9[%run_scoped3A_11, %dma_start3A_117, %dma_start3A_118] : memref<7x128x64xf32, #tpu.memory_space<vmem>> -> memref<1x128x64xf32, #tpu.memory_space<vmem>>
      %dma_start3A_120 = tpu.memref_squeeze %dma_start3A_119 : memref<1x128x64xf32, #tpu.memory_space<vmem>> -> memref<128x64xf32, #tpu.memory_space<vmem>>
      tpu.enqueue_dma source(%dma_start3A_120 : memref<128x64xf32, #tpu.memory_space<vmem>>) target(%dma_start3A_116 : memref<128x64xf32, #tpu.memory_space<vmem_shared>>) target_semaphore(%run_scoped3A_108 : memref<!tpu.dma_semaphore, #tpu.memory_space<semaphore_mem>>)
      %dma_wait3A = arith.constant 0 : i32
      %dma_wait3A_121 = arith.constant 0 : i32
      %dma_wait3A_122 = tpu.memref_slice %arg9[%run_scoped3A_11, %dma_wait3A, %dma_wait3A_121] : memref<7x128x64xf32, #tpu.memory_space<vmem>> -> memref<1x128x64xf32, #tpu.memory_space<vmem>>
      %dma_wait3A_123 = tpu.memref_squeeze %dma_wait3A_122 : memref<1x128x64xf32, #tpu.memory_space<vmem>> -> memref<128x64xf32, #tpu.memory_space<vmem>>
      %dma_wait3A_124 = arith.constant 0 : i32
      %dma_wait3A_125 = tpu.memref_slice %arg10[%add3A_10, %dma_wait3A_124] : memref<10240x64xf32, #tpu.memory_space<vmem_shared>> -> memref<128x64xf32, #tpu.memory_space<vmem_shared>>
      %dma_wait3A_126 = arith.constant 0 : i32
      %dma_wait3A_127 = tpu.memref_slice %arg10[%add3A_10, %dma_wait3A_126] : memref<10240x64xf32, #tpu.memory_space<vmem_shared>> -> memref<128x64xf32, #tpu.memory_space<vmem_shared>>
      %dma_wait3A_128 = arith.constant 0 : i32
      %dma_wait3A_129 = arith.constant 0 : i32
      %dma_wait3A_130 = tpu.memref_slice %arg9[%run_scoped3A_11, %dma_wait3A_128, %dma_wait3A_129] : memref<7x128x64xf32, #tpu.memory_space<vmem>> -> memref<1x128x64xf32, #tpu.memory_space<vmem>>
      %dma_wait3A_131 = tpu.memref_squeeze %dma_wait3A_130 : memref<1x128x64xf32, #tpu.memory_space<vmem>> -> memref<128x64xf32, #tpu.memory_space<vmem>>
      tpu.wait_dma2 semaphore(%run_scoped3A_108 : memref<!tpu.dma_semaphore, #tpu.memory_space<semaphore_mem>>) src(%dma_wait3A_131 : memref<128x64xf32, #tpu.memory_space<vmem>>) dst(%dma_wait3A_127 : memref<128x64xf32, #tpu.memory_space<vmem_shared>>)
      tpu.yield
    }) : () -> ()
    %add3A_12 = arith.constant 384 : i32
    %add3A_13 = arith.addi %mul3A_2, %add3A_12 : i32
    %run_scoped3A_14 = arith.constant 0 : i32
    "tpu.region"() ({
      %run_scoped3A_108 = tpu.sem_alloc : memref<!tpu.dma_semaphore, #tpu.memory_space<semaphore_mem>>
      %dma_start3A_109 = arith.constant 0 : i32
      %dma_start3A_110 = arith.constant 0 : i32
      %dma_start3A_111 = tpu.memref_slice %arg9[%run_scoped3A_14, %dma_start3A_109, %dma_start3A_110] : memref<7x128x64xf32, #tpu.memory_space<vmem>> -> memref<1x128x64xf32, #tpu.memory_space<vmem>>
      %dma_start3A_112 = tpu.memref_squeeze %dma_start3A_111 : memref<1x128x64xf32, #tpu.memory_space<vmem>> -> memref<128x64xf32, #tpu.memory_space<vmem>>
      %dma_start3A_113 = arith.constant 0 : i32
      %dma_start3A_114 = tpu.memref_slice %arg10[%add3A_13, %dma_start3A_113] : memref<10240x64xf32, #tpu.memory_space<vmem_shared>> -> memref<128x64xf32, #tpu.memory_space<vmem_shared>>
      %dma_start3A_115 = arith.constant 0 : i32
      %dma_start3A_116 = tpu.memref_slice %arg10[%add3A_13, %dma_start3A_115] : memref<10240x64xf32, #tpu.memory_space<vmem_shared>> -> memref<128x64xf32, #tpu.memory_space<vmem_shared>>
      %dma_start3A_117 = arith.constant 0 : i32
      %dma_start3A_118 = arith.constant 0 : i32
      %dma_start3A_119 = tpu.memref_slice %arg9[%run_scoped3A_14, %dma_start3A_117, %dma_start3A_118] : memref<7x128x64xf32, #tpu.memory_space<vmem>> -> memref<1x128x64xf32, #tpu.memory_space<vmem>>
      %dma_start3A_120 = tpu.memref_squeeze %dma_start3A_119 : memref<1x128x64xf32, #tpu.memory_space<vmem>> -> memref<128x64xf32, #tpu.memory_space<vmem>>
      tpu.enqueue_dma source(%dma_start3A_120 : memref<128x64xf32, #tpu.memory_space<vmem>>) target(%dma_start3A_116 : memref<128x64xf32, #tpu.memory_space<vmem_shared>>) target_semaphore(%run_scoped3A_108 : memref<!tpu.dma_semaphore, #tpu.memory_space<semaphore_mem>>)
      %dma_wait3A = arith.constant 0 : i32
      %dma_wait3A_121 = arith.constant 0 : i32
      %dma_wait3A_122 = tpu.memref_slice %arg9[%run_scoped3A_14, %dma_wait3A, %dma_wait3A_121] : memref<7x128x64xf32, #tpu.memory_space<vmem>> -> memref<1x128x64xf32, #tpu.memory_space<vmem>>
      %dma_wait3A_123 = tpu.memref_squeeze %dma_wait3A_122 : memref<1x128x64xf32, #tpu.memory_space<vmem>> -> memref<128x64xf32, #tpu.memory_space<vmem>>
      %dma_wait3A_124 = arith.constant 0 : i32
      %dma_wait3A_125 = tpu.memref_slice %arg10[%add3A_13, %dma_wait3A_124] : memref<10240x64xf32, #tpu.memory_space<vmem_shared>> -> memref<128x64xf32, #tpu.memory_space<vmem_shared>>
      %dma_wait3A_126 = arith.constant 0 : i32
      %dma_wait3A_127 = tpu.memref_slice %arg10[%add3A_13, %dma_wait3A_126] : memref<10240x64xf32, #tpu.memory_space<vmem_shared>> -> memref<128x64xf32, #tpu.memory_space<vmem_shared>>
      %dma_wait3A_128 = arith.constant 0 : i32
      %dma_wait3A_129 = arith.constant 0 : i32
      %dma_wait3A_130 = tpu.memref_slice %arg9[%run_scoped3A_14, %dma_wait3A_128, %dma_wait3A_129] : memref<7x128x64xf32, #tpu.memory_space<vmem>> -> memref<1x128x64xf32, #tpu.memory_space<vmem>>
      %dma_wait3A_131 = tpu.memref_squeeze %dma_wait3A_130 : memref<1x128x64xf32, #tpu.memory_space<vmem>> -> memref<128x64xf32, #tpu.memory_space<vmem>>
      tpu.wait_dma2 semaphore(%run_scoped3A_108 : memref<!tpu.dma_semaphore, #tpu.memory_space<semaphore_mem>>) src(%dma_wait3A_131 : memref<128x64xf32, #tpu.memory_space<vmem>>) dst(%dma_wait3A_127 : memref<128x64xf32, #tpu.memory_space<vmem_shared>>)
      tpu.yield
    }) : () -> ()
    %add3A_15 = arith.constant 512 : i32
    %add3A_16 = arith.addi %mul3A_2, %add3A_15 : i32
    %run_scoped3A_17 = arith.constant 0 : i32
    "tpu.region"() ({
      %run_scoped3A_108 = tpu.sem_alloc : memref<!tpu.dma_semaphore, #tpu.memory_space<semaphore_mem>>
      %dma_start3A_109 = arith.constant 0 : i32
      %dma_start3A_110 = arith.constant 0 : i32
      %dma_start3A_111 = tpu.memref_slice %arg9[%run_scoped3A_17, %dma_start3A_109, %dma_start3A_110] : memref<7x128x64xf32, #tpu.memory_space<vmem>> -> memref<1x128x64xf32, #tpu.memory_space<vmem>>
      %dma_start3A_112 = tpu.memref_squeeze %dma_start3A_111 : memref<1x128x64xf32, #tpu.memory_space<vmem>> -> memref<128x64xf32, #tpu.memory_space<vmem>>
      %dma_start3A_113 = arith.constant 0 : i32
      %dma_start3A_114 = tpu.memref_slice %arg10[%add3A_16, %dma_start3A_113] : memref<10240x64xf32, #tpu.memory_space<vmem_shared>> -> memref<128x64xf32, #tpu.memory_space<vmem_shared>>
      %dma_start3A_115 = arith.constant 0 : i32
      %dma_start3A_116 = tpu.memref_slice %arg10[%add3A_16, %dma_start3A_115] : memref<10240x64xf32, #tpu.memory_space<vmem_shared>> -> memref<128x64xf32, #tpu.memory_space<vmem_shared>>
      %dma_start3A_117 = arith.constant 0 : i32
      %dma_start3A_118 = arith.constant 0 : i32
      %dma_start3A_119 = tpu.memref_slice %arg9[%run_scoped3A_17, %dma_start3A_117, %dma_start3A_118] : memref<7x128x64xf32, #tpu.memory_space<vmem>> -> memref<1x128x64xf32, #tpu.memory_space<vmem>>
      %dma_start3A_120 = tpu.memref_squeeze %dma_start3A_119 : memref<1x128x64xf32, #tpu.memory_space<vmem>> -> memref<128x64xf32, #tpu.memory_space<vmem>>
      tpu.enqueue_dma source(%dma_start3A_120 : memref<128x64xf32, #tpu.memory_space<vmem>>) target(%dma_start3A_116 : memref<128x64xf32, #tpu.memory_space<vmem_shared>>) target_semaphore(%run_scoped3A_108 : memref<!tpu.dma_semaphore, #tpu.memory_space<semaphore_mem>>)
      %dma_wait3A = arith.constant 0 : i32
      %dma_wait3A_121 = arith.constant 0 : i32
      %dma_wait3A_122 = tpu.memref_slice %arg9[%run_scoped3A_17, %dma_wait3A, %dma_wait3A_121] : memref<7x128x64xf32, #tpu.memory_space<vmem>> -> memref<1x128x64xf32, #tpu.memory_space<vmem>>
      %dma_wait3A_123 = tpu.memref_squeeze %dma_wait3A_122 : memref<1x128x64xf32, #tpu.memory_space<vmem>> -> memref<128x64xf32, #tpu.memory_space<vmem>>
      %dma_wait3A_124 = arith.constant 0 : i32
      %dma_wait3A_125 = tpu.memref_slice %arg10[%add3A_16, %dma_wait3A_124] : memref<10240x64xf32, #tpu.memory_space<vmem_shared>> -> memref<128x64xf32, #tpu.memory_space<vmem_shared>>
      %dma_wait3A_126 = arith.constant 0 : i32
      %dma_wait3A_127 = tpu.memref_slice %arg10[%add3A_16, %dma_wait3A_126] : memref<10240x64xf32, #tpu.memory_space<vmem_shared>> -> memref<128x64xf32, #tpu.memory_space<vmem_shared>>
      %dma_wait3A_128 = arith.constant 0 : i32
      %dma_wait3A_129 = arith.constant 0 : i32
      %dma_wait3A_130 = tpu.memref_slice %arg9[%run_scoped3A_17, %dma_wait3A_128, %dma_wait3A_129] : memref<7x128x64xf32, #tpu.memory_space<vmem>> -> memref<1x128x64xf32, #tpu.memory_space<vmem>>
      %dma_wait3A_131 = tpu.memref_squeeze %dma_wait3A_130 : memref<1x128x64xf32, #tpu.memory_space<vmem>> -> memref<128x64xf32, #tpu.memory_space<vmem>>
      tpu.wait_dma2 semaphore(%run_scoped3A_108 : memref<!tpu.dma_semaphore, #tpu.memory_space<semaphore_mem>>) src(%dma_wait3A_131 : memref<128x64xf32, #tpu.memory_space<vmem>>) dst(%dma_wait3A_127 : memref<128x64xf32, #tpu.memory_space<vmem_shared>>)
      tpu.yield
    }) : () -> ()
    %mul3A_18 = arith.constant 80 : i32
    %mul3A_19 = arith.muli %add3A, %mul3A_18 : i32
    "tpu.region"() ({
      %run_scoped3A_108 = tpu.sem_alloc : memref<!tpu.dma_semaphore, #tpu.memory_space<semaphore_mem>>
      %dma_start3A_109 = arith.constant 0 : i32
      %dma_start3A_110 = tpu.memref_slice %arg3[%mul3A_19, %dma_start3A_109] : memref<2560x128xi32, #tpu.memory_space<hbm>> -> memref<80x128xi32, #tpu.memory_space<hbm>>
      %dma_start3A_111 = arith.constant 0 : i32
      %dma_start3A_112 = tpu.memref_slice %arg3[%mul3A_19, %dma_start3A_111] : memref<2560x128xi32, #tpu.memory_space<hbm>> -> memref<80x128xi32, #tpu.memory_space<hbm>>
      tpu.enqueue_dma source(%dma_start3A_112 : memref<80x128xi32, #tpu.memory_space<hbm>>) target(%arg7 : memref<80x128xi32, #tpu.memory_space<vmem>>) target_semaphore(%run_scoped3A_108 : memref<!tpu.dma_semaphore, #tpu.memory_space<semaphore_mem>>)
      %dma_wait3A = arith.constant 0 : i32
      %dma_wait3A_113 = tpu.memref_slice %arg3[%mul3A_19, %dma_wait3A] : memref<2560x128xi32, #tpu.memory_space<hbm>> -> memref<80x128xi32, #tpu.memory_space<hbm>>
      %dma_wait3A_114 = arith.constant 0 : i32
      %dma_wait3A_115 = tpu.memref_slice %arg3[%mul3A_19, %dma_wait3A_114] : memref<2560x128xi32, #tpu.memory_space<hbm>> -> memref<80x128xi32, #tpu.memory_space<hbm>>
      tpu.wait_dma2 semaphore(%run_scoped3A_108 : memref<!tpu.dma_semaphore, #tpu.memory_space<semaphore_mem>>) src(%dma_wait3A_115 : memref<80x128xi32, #tpu.memory_space<hbm>>) dst(%arg7 : memref<80x128xi32, #tpu.memory_space<vmem>>)
      tpu.yield
    }) : () -> ()
    %mul3A_20 = arith.constant 80 : i32
    %mul3A_21 = arith.muli %add3A, %mul3A_20 : i32
    "tpu.region"() ({
      %run_scoped3A_108 = tpu.sem_alloc : memref<!tpu.dma_semaphore, #tpu.memory_space<semaphore_mem>>
      %dma_start3A_109 = arith.constant 0 : i32
      %dma_start3A_110 = tpu.memref_slice %arg4[%mul3A_21, %dma_start3A_109] : memref<2560x128xi32, #tpu.memory_space<hbm>> -> memref<80x128xi32, #tpu.memory_space<hbm>>
      %dma_start3A_111 = arith.constant 0 : i32
      %dma_start3A_112 = tpu.memref_slice %arg4[%mul3A_21, %dma_start3A_111] : memref<2560x128xi32, #tpu.memory_space<hbm>> -> memref<80x128xi32, #tpu.memory_space<hbm>>
      tpu.enqueue_dma source(%dma_start3A_112 : memref<80x128xi32, #tpu.memory_space<hbm>>) target(%arg8 : memref<80x128xi32, #tpu.memory_space<vmem>>) target_semaphore(%run_scoped3A_108 : memref<!tpu.dma_semaphore, #tpu.memory_space<semaphore_mem>>)
      %dma_wait3A = arith.constant 0 : i32
      %dma_wait3A_113 = tpu.memref_slice %arg4[%mul3A_21, %dma_wait3A] : memref<2560x128xi32, #tpu.memory_space<hbm>> -> memref<80x128xi32, #tpu.memory_space<hbm>>
      %dma_wait3A_114 = arith.constant 0 : i32
      %dma_wait3A_115 = tpu.memref_slice %arg4[%mul3A_21, %dma_wait3A_114] : memref<2560x128xi32, #tpu.memory_space<hbm>> -> memref<80x128xi32, #tpu.memory_space<hbm>>
      tpu.wait_dma2 semaphore(%run_scoped3A_108 : memref<!tpu.dma_semaphore, #tpu.memory_space<semaphore_mem>>) src(%dma_wait3A_115 : memref<80x128xi32, #tpu.memory_space<hbm>>) dst(%arg8 : memref<80x128xi32, #tpu.memory_space<vmem>>)
      tpu.yield
    }) : () -> ()
    %barrier3A = arith.constant 0 : index
    tpu.barrier barrier_id(%barrier3A)
    %rem3A = arith.constant 0 : i32
    %rem3A_22 = arith.constant 7 : i32
    %rem3A_23 = arith.remsi %rem3A, %rem3A_22 : i32
    %dma_start3A = arith.constant 0 : i32
    %dma_start3A_24 = arith.constant 0 : i32
    %dma_start3A_25 = arith.constant 0 : i32
    %dma_start3A_26 = tpu.memref_slice %arg9[%rem3A_23, %dma_start3A_24, %dma_start3A_25] : memref<7x128x64xf32, #tpu.memory_space<vmem>> -> memref<1x128x64xf32, #tpu.memory_space<vmem>>
    %dma_start3A_27 = tpu.memref_squeeze %dma_start3A_26 : memref<1x128x64xf32, #tpu.memory_space<vmem>> -> memref<128x64xf32, #tpu.memory_space<vmem>>
    %dma_start3A_28 = arith.constant 0 : i32
    %dma_start3A_29 = tpu.memref_slice %arg7[%dma_start3A, %dma_start3A_28] : memref<80x128xi32, #tpu.memory_space<vmem>> -> memref<1x128xi32, #tpu.memory_space<vmem>>
    %dma_start3A_30 = tpu.memref_squeeze %dma_start3A_29 : memref<1x128xi32, #tpu.memory_space<vmem>> -> memref<128xi32, #tpu.memory_space<vmem>>
    %dma_start3A_31 = arith.constant 0 : i32
    %dma_start3A_32 = arith.constant 0 : i32
    %dma_start3A_33 = tpu.memref_slice %arg2[%dma_start3A_31, %dma_start3A_32] : memref<10000x64xf32, #tpu.memory_space<hbm>> -> memref<10000x64xf32, #tpu.memory_space<hbm>>
    %dma_start3A_34 = tpu.memref_slice %arg11[%rem3A_23] : memref<7x!tpu.dma_semaphore, #tpu.memory_space<semaphore_mem>> -> memref<1x!tpu.dma_semaphore, #tpu.memory_space<semaphore_mem>>
    %dma_start3A_35 = tpu.memref_squeeze %dma_start3A_34 : memref<1x!tpu.dma_semaphore, #tpu.memory_space<semaphore_mem>> -> memref<!tpu.dma_semaphore, #tpu.memory_space<semaphore_mem>>
    tpu.enqueue_indirect_dma source(%dma_start3A_33 : memref<10000x64xf32, #tpu.memory_space<hbm>>) target(%dma_start3A_27 : memref<128x64xf32, #tpu.memory_space<vmem>>) offsets(%dma_start3A_30 : memref<128xi32, #tpu.memory_space<vmem>>) semaphore(%dma_start3A_35 : memref<!tpu.dma_semaphore, #tpu.memory_space<semaphore_mem>>)
    %rem3A_36 = arith.constant 1 : i32
    %rem3A_37 = arith.constant 7 : i32
    %rem3A_38 = arith.remsi %rem3A_36, %rem3A_37 : i32
    %dma_start3A_39 = arith.constant 1 : i32
    %dma_start3A_40 = arith.constant 0 : i32
    %dma_start3A_41 = arith.constant 0 : i32
    %dma_start3A_42 = tpu.memref_slice %arg9[%rem3A_38, %dma_start3A_40, %dma_start3A_41] : memref<7x128x64xf32, #tpu.memory_space<vmem>> -> memref<1x128x64xf32, #tpu.memory_space<vmem>>
    %dma_start3A_43 = tpu.memref_squeeze %dma_start3A_42 : memref<1x128x64xf32, #tpu.memory_space<vmem>> -> memref<128x64xf32, #tpu.memory_space<vmem>>
    %dma_start3A_44 = arith.constant 0 : i32
    %dma_start3A_45 = tpu.memref_slice %arg7[%dma_start3A_39, %dma_start3A_44] : memref<80x128xi32, #tpu.memory_space<vmem>> -> memref<1x128xi32, #tpu.memory_space<vmem>>
    %dma_start3A_46 = tpu.memref_squeeze %dma_start3A_45 : memref<1x128xi32, #tpu.memory_space<vmem>> -> memref<128xi32, #tpu.memory_space<vmem>>
    %dma_start3A_47 = arith.constant 0 : i32
    %dma_start3A_48 = arith.constant 0 : i32
    %dma_start3A_49 = tpu.memref_slice %arg2[%dma_start3A_47, %dma_start3A_48] : memref<10000x64xf32, #tpu.memory_space<hbm>> -> memref<10000x64xf32, #tpu.memory_space<hbm>>
    %dma_start3A_50 = tpu.memref_slice %arg11[%rem3A_38] : memref<7x!tpu.dma_semaphore, #tpu.memory_space<semaphore_mem>> -> memref<1x!tpu.dma_semaphore, #tpu.memory_space<semaphore_mem>>
    %dma_start3A_51 = tpu.memref_squeeze %dma_start3A_50 : memref<1x!tpu.dma_semaphore, #tpu.memory_space<semaphore_mem>> -> memref<!tpu.dma_semaphore, #tpu.memory_space<semaphore_mem>>
    tpu.enqueue_indirect_dma source(%dma_start3A_49 : memref<10000x64xf32, #tpu.memory_space<hbm>>) target(%dma_start3A_43 : memref<128x64xf32, #tpu.memory_space<vmem>>) offsets(%dma_start3A_46 : memref<128xi32, #tpu.memory_space<vmem>>) semaphore(%dma_start3A_51 : memref<!tpu.dma_semaphore, #tpu.memory_space<semaphore_mem>>)
    %rem3A_52 = arith.constant 2 : i32
    %rem3A_53 = arith.constant 7 : i32
    %rem3A_54 = arith.remsi %rem3A_52, %rem3A_53 : i32
    %dma_start3A_55 = arith.constant 2 : i32
    %dma_start3A_56 = arith.constant 0 : i32
    %dma_start3A_57 = arith.constant 0 : i32
    %dma_start3A_58 = tpu.memref_slice %arg9[%rem3A_54, %dma_start3A_56, %dma_start3A_57] : memref<7x128x64xf32, #tpu.memory_space<vmem>> -> memref<1x128x64xf32, #tpu.memory_space<vmem>>
    %dma_start3A_59 = tpu.memref_squeeze %dma_start3A_58 : memref<1x128x64xf32, #tpu.memory_space<vmem>> -> memref<128x64xf32, #tpu.memory_space<vmem>>
    %dma_start3A_60 = arith.constant 0 : i32
    %dma_start3A_61 = tpu.memref_slice %arg7[%dma_start3A_55, %dma_start3A_60] : memref<80x128xi32, #tpu.memory_space<vmem>> -> memref<1x128xi32, #tpu.memory_space<vmem>>
    %dma_start3A_62 = tpu.memref_squeeze %dma_start3A_61 : memref<1x128xi32, #tpu.memory_space<vmem>> -> memref<128xi32, #tpu.memory_space<vmem>>
    %dma_start3A_63 = arith.constant 0 : i32
    %dma_start3A_64 = arith.constant 0 : i32
    %dma_start3A_65 = tpu.memref_slice %arg2[%dma_start3A_63, %dma_start3A_64] : memref<10000x64xf32, #tpu.memory_space<hbm>> -> memref<10000x64xf32, #tpu.memory_space<hbm>>
    %dma_start3A_66 = tpu.memref_slice %arg11[%rem3A_54] : memref<7x!tpu.dma_semaphore, #tpu.memory_space<semaphore_mem>> -> memref<1x!tpu.dma_semaphore, #tpu.memory_space<semaphore_mem>>
    %dma_start3A_67 = tpu.memref_squeeze %dma_start3A_66 : memref<1x!tpu.dma_semaphore, #tpu.memory_space<semaphore_mem>> -> memref<!tpu.dma_semaphore, #tpu.memory_space<semaphore_mem>>
    tpu.enqueue_indirect_dma source(%dma_start3A_65 : memref<10000x64xf32, #tpu.memory_space<hbm>>) target(%dma_start3A_59 : memref<128x64xf32, #tpu.memory_space<vmem>>) offsets(%dma_start3A_62 : memref<128xi32, #tpu.memory_space<vmem>>) semaphore(%dma_start3A_67 : memref<!tpu.dma_semaphore, #tpu.memory_space<semaphore_mem>>)
    %rem3A_68 = arith.constant 3 : i32
    %rem3A_69 = arith.constant 7 : i32
    %rem3A_70 = arith.remsi %rem3A_68, %rem3A_69 : i32
    %dma_start3A_71 = arith.constant 3 : i32
    %dma_start3A_72 = arith.constant 0 : i32
    %dma_start3A_73 = arith.constant 0 : i32
    %dma_start3A_74 = tpu.memref_slice %arg9[%rem3A_70, %dma_start3A_72, %dma_start3A_73] : memref<7x128x64xf32, #tpu.memory_space<vmem>> -> memref<1x128x64xf32, #tpu.memory_space<vmem>>
    %dma_start3A_75 = tpu.memref_squeeze %dma_start3A_74 : memref<1x128x64xf32, #tpu.memory_space<vmem>> -> memref<128x64xf32, #tpu.memory_space<vmem>>
    %dma_start3A_76 = arith.constant 0 : i32
    %dma_start3A_77 = tpu.memref_slice %arg7[%dma_start3A_71, %dma_start3A_76] : memref<80x128xi32, #tpu.memory_space<vmem>> -> memref<1x128xi32, #tpu.memory_space<vmem>>
    %dma_start3A_78 = tpu.memref_squeeze %dma_start3A_77 : memref<1x128xi32, #tpu.memory_space<vmem>> -> memref<128xi32, #tpu.memory_space<vmem>>
    %dma_start3A_79 = arith.constant 0 : i32
    %dma_start3A_80 = arith.constant 0 : i32
    %dma_start3A_81 = tpu.memref_slice %arg2[%dma_start3A_79, %dma_start3A_80] : memref<10000x64xf32, #tpu.memory_space<hbm>> -> memref<10000x64xf32, #tpu.memory_space<hbm>>
    %dma_start3A_82 = tpu.memref_slice %arg11[%rem3A_70] : memref<7x!tpu.dma_semaphore, #tpu.memory_space<semaphore_mem>> -> memref<1x!tpu.dma_semaphore, #tpu.memory_space<semaphore_mem>>
    %dma_start3A_83 = tpu.memref_squeeze %dma_start3A_82 : memref<1x!tpu.dma_semaphore, #tpu.memory_space<semaphore_mem>> -> memref<!tpu.dma_semaphore, #tpu.memory_space<semaphore_mem>>
    tpu.enqueue_indirect_dma source(%dma_start3A_81 : memref<10000x64xf32, #tpu.memory_space<hbm>>) target(%dma_start3A_75 : memref<128x64xf32, #tpu.memory_space<vmem>>) offsets(%dma_start3A_78 : memref<128xi32, #tpu.memory_space<vmem>>) semaphore(%dma_start3A_83 : memref<!tpu.dma_semaphore, #tpu.memory_space<semaphore_mem>>)
    %scan3A = arith.constant 0 : i32
    %scan3A_84 = arith.constant 0 : i32
    %scan3A_85 = arith.constant 3 : i32
    %scan3A_86 = arith.addi %scan3A_84, %scan3A_85 : i32
    %scan3A_87 = arith.constant 1 : i32
    scf.for %scan3A_108 = %scan3A_84 to %scan3A_86 step %scan3A_87  : i32 {
      %rem3A_109 = arith.constant 7 : i32
      %rem3A_110 = arith.remsi %scan3A_108, %rem3A_109 : i32
      %dma_wait3A = arith.constant 0 : i32
      %dma_wait3A_111 = arith.constant 0 : i32
      %dma_wait3A_112 = tpu.memref_slice %arg9[%rem3A_110, %dma_wait3A, %dma_wait3A_111] : memref<7x128x64xf32, #tpu.memory_space<vmem>> -> memref<1x128x64xf32, #tpu.memory_space<vmem>>
      %dma_wait3A_113 = tpu.memref_squeeze %dma_wait3A_112 : memref<1x128x64xf32, #tpu.memory_space<vmem>> -> memref<128x64xf32, #tpu.memory_space<vmem>>
      %dma_wait3A_114 = arith.constant 0 : i32
      %dma_wait3A_115 = tpu.memref_slice %arg7[%scan3A_108, %dma_wait3A_114] : memref<80x128xi32, #tpu.memory_space<vmem>> -> memref<1x128xi32, #tpu.memory_space<vmem>>
      %dma_wait3A_116 = tpu.memref_squeeze %dma_wait3A_115 : memref<1x128xi32, #tpu.memory_space<vmem>> -> memref<128xi32, #tpu.memory_space<vmem>>
      %dma_wait3A_117 = arith.constant 0 : i32
      %dma_wait3A_118 = arith.constant 0 : i32
      %dma_wait3A_119 = tpu.memref_slice %arg2[%dma_wait3A_117, %dma_wait3A_118] : memref<10000x64xf32, #tpu.memory_space<hbm>> -> memref<10000x64xf32, #tpu.memory_space<hbm>>
      %dma_wait3A_120 = tpu.memref_slice %arg11[%rem3A_110] : memref<7x!tpu.dma_semaphore, #tpu.memory_space<semaphore_mem>> -> memref<1x!tpu.dma_semaphore, #tpu.memory_space<semaphore_mem>>
      %dma_wait3A_121 = tpu.memref_squeeze %dma_wait3A_120 : memref<1x!tpu.dma_semaphore, #tpu.memory_space<semaphore_mem>> -> memref<!tpu.dma_semaphore, #tpu.memory_space<semaphore_mem>>
      tpu.wait_indirect_dma semaphore(%dma_wait3A_121 : memref<!tpu.dma_semaphore, #tpu.memory_space<semaphore_mem>>) src(%dma_wait3A_119 : memref<10000x64xf32, #tpu.memory_space<hbm>>) dst(%dma_wait3A_113 : memref<128x64xf32, #tpu.memory_space<vmem>>)
      %rem3A_122 = arith.constant 7 : i32
      %rem3A_123 = arith.remsi %scan3A_108, %rem3A_122 : i32
      %dma_start3A_124 = arith.constant 0 : i32
      %dma_start3A_125 = arith.constant 0 : i32
      %dma_start3A_126 = tpu.memref_slice %arg9[%rem3A_123, %dma_start3A_124, %dma_start3A_125] : memref<7x128x64xf32, #tpu.memory_space<vmem>> -> memref<1x128x64xf32, #tpu.memory_space<vmem>>
      %dma_start3A_127 = tpu.memref_squeeze %dma_start3A_126 : memref<1x128x64xf32, #tpu.memory_space<vmem>> -> memref<128x64xf32, #tpu.memory_space<vmem>>
      %dma_start3A_128 = arith.constant 0 : i32
      %dma_start3A_129 = tpu.memref_slice %arg8[%scan3A_108, %dma_start3A_128] : memref<80x128xi32, #tpu.memory_space<vmem>> -> memref<1x128xi32, #tpu.memory_space<vmem>>
      %dma_start3A_130 = tpu.memref_squeeze %dma_start3A_129 : memref<1x128xi32, #tpu.memory_space<vmem>> -> memref<128xi32, #tpu.memory_space<vmem>>
      %dma_start3A_131 = arith.constant 0 : i32
      %dma_start3A_132 = arith.constant 0 : i32
      %dma_start3A_133 = tpu.memref_slice %arg10[%dma_start3A_131, %dma_start3A_132] : memref<10240x64xf32, #tpu.memory_space<vmem_shared>> -> memref<10240x64xf32, #tpu.memory_space<vmem_shared>>
      %dma_start3A_134 = tpu.memref_slice %arg12[%rem3A_123] : memref<7x!tpu.dma_semaphore, #tpu.memory_space<semaphore_mem>> -> memref<1x!tpu.dma_semaphore, #tpu.memory_space<semaphore_mem>>
      %dma_start3A_135 = tpu.memref_squeeze %dma_start3A_134 : memref<1x!tpu.dma_semaphore, #tpu.memory_space<semaphore_mem>> -> memref<!tpu.dma_semaphore, #tpu.memory_space<semaphore_mem>>
      tpu.enqueue_indirect_dma source(%dma_start3A_127 : memref<128x64xf32, #tpu.memory_space<vmem>>) target(%dma_start3A_133 : memref<10240x64xf32, #tpu.memory_space<vmem_shared>>) offsets(%dma_start3A_130 : memref<128xi32, #tpu.memory_space<vmem>>) semaphore(%dma_start3A_135 : memref<!tpu.dma_semaphore, #tpu.memory_space<semaphore_mem>>) {add = true}
      %add3A_136 = arith.constant 4 : i32
      %add3A_137 = arith.addi %scan3A_108, %add3A_136 : i32
      %rem3A_138 = arith.constant 7 : i32
      %rem3A_139 = arith.remsi %add3A_137, %rem3A_138 : i32
      %dma_start3A_140 = arith.constant 0 : i32
      %dma_start3A_141 = arith.constant 0 : i32
      %dma_start3A_142 = tpu.memref_slice %arg9[%rem3A_139, %dma_start3A_140, %dma_start3A_141] : memref<7x128x64xf32, #tpu.memory_space<vmem>> -> memref<1x128x64xf32, #tpu.memory_space<vmem>>
      %dma_start3A_143 = tpu.memref_squeeze %dma_start3A_142 : memref<1x128x64xf32, #tpu.memory_space<vmem>> -> memref<128x64xf32, #tpu.memory_space<vmem>>
      %dma_start3A_144 = arith.constant 0 : i32
      %dma_start3A_145 = tpu.memref_slice %arg7[%add3A_137, %dma_start3A_144] : memref<80x128xi32, #tpu.memory_space<vmem>> -> memref<1x128xi32, #tpu.memory_space<vmem>>
      %dma_start3A_146 = tpu.memref_squeeze %dma_start3A_145 : memref<1x128xi32, #tpu.memory_space<vmem>> -> memref<128xi32, #tpu.memory_space<vmem>>
      %dma_start3A_147 = arith.constant 0 : i32
      %dma_start3A_148 = arith.constant 0 : i32
      %dma_start3A_149 = tpu.memref_slice %arg2[%dma_start3A_147, %dma_start3A_148] : memref<10000x64xf32, #tpu.memory_space<hbm>> -> memref<10000x64xf32, #tpu.memory_space<hbm>>
      %dma_start3A_150 = tpu.memref_slice %arg11[%rem3A_139] : memref<7x!tpu.dma_semaphore, #tpu.memory_space<semaphore_mem>> -> memref<1x!tpu.dma_semaphore, #tpu.memory_space<semaphore_mem>>
      %dma_start3A_151 = tpu.memref_squeeze %dma_start3A_150 : memref<1x!tpu.dma_semaphore, #tpu.memory_space<semaphore_mem>> -> memref<!tpu.dma_semaphore, #tpu.memory_space<semaphore_mem>>
      tpu.enqueue_indirect_dma source(%dma_start3A_149 : memref<10000x64xf32, #tpu.memory_space<hbm>>) target(%dma_start3A_143 : memref<128x64xf32, #tpu.memory_space<vmem>>) offsets(%dma_start3A_146 : memref<128xi32, #tpu.memory_space<vmem>>) semaphore(%dma_start3A_151 : memref<!tpu.dma_semaphore, #tpu.memory_space<semaphore_mem>>)
    }
    %scan3A_88 = arith.constant 3 : i32
    %scan3A_89 = arith.constant 0 : i32
    %scan3A_90 = arith.constant 3 : i32
    %scan3A_91 = arith.constant 73 : i32
    %scan3A_92 = arith.addi %scan3A_90, %scan3A_91 : i32
    %scan3A_93 = arith.constant 1 : i32
    scf.for %scan3A_108 = %scan3A_90 to %scan3A_92 step %scan3A_93  : i32 {
      %rem3A_109 = arith.constant 7 : i32
      %rem3A_110 = arith.remsi %scan3A_108, %rem3A_109 : i32
      %dma_wait3A = arith.constant 0 : i32
      %dma_wait3A_111 = arith.constant 0 : i32
      %dma_wait3A_112 = tpu.memref_slice %arg9[%rem3A_110, %dma_wait3A, %dma_wait3A_111] : memref<7x128x64xf32, #tpu.memory_space<vmem>> -> memref<1x128x64xf32, #tpu.memory_space<vmem>>
      %dma_wait3A_113 = tpu.memref_squeeze %dma_wait3A_112 : memref<1x128x64xf32, #tpu.memory_space<vmem>> -> memref<128x64xf32, #tpu.memory_space<vmem>>
      %dma_wait3A_114 = arith.constant 0 : i32
      %dma_wait3A_115 = tpu.memref_slice %arg7[%scan3A_108, %dma_wait3A_114] : memref<80x128xi32, #tpu.memory_space<vmem>> -> memref<1x128xi32, #tpu.memory_space<vmem>>
      %dma_wait3A_116 = tpu.memref_squeeze %dma_wait3A_115 : memref<1x128xi32, #tpu.memory_space<vmem>> -> memref<128xi32, #tpu.memory_space<vmem>>
      %dma_wait3A_117 = arith.constant 0 : i32
      %dma_wait3A_118 = arith.constant 0 : i32
      %dma_wait3A_119 = tpu.memref_slice %arg2[%dma_wait3A_117, %dma_wait3A_118] : memref<10000x64xf32, #tpu.memory_space<hbm>> -> memref<10000x64xf32, #tpu.memory_space<hbm>>
      %dma_wait3A_120 = tpu.memref_slice %arg11[%rem3A_110] : memref<7x!tpu.dma_semaphore, #tpu.memory_space<semaphore_mem>> -> memref<1x!tpu.dma_semaphore, #tpu.memory_space<semaphore_mem>>
      %dma_wait3A_121 = tpu.memref_squeeze %dma_wait3A_120 : memref<1x!tpu.dma_semaphore, #tpu.memory_space<semaphore_mem>> -> memref<!tpu.dma_semaphore, #tpu.memory_space<semaphore_mem>>
      tpu.wait_indirect_dma semaphore(%dma_wait3A_121 : memref<!tpu.dma_semaphore, #tpu.memory_space<semaphore_mem>>) src(%dma_wait3A_119 : memref<10000x64xf32, #tpu.memory_space<hbm>>) dst(%dma_wait3A_113 : memref<128x64xf32, #tpu.memory_space<vmem>>)
      %rem3A_122 = arith.constant 7 : i32
      %rem3A_123 = arith.remsi %scan3A_108, %rem3A_122 : i32
      %dma_start3A_124 = arith.constant 0 : i32
      %dma_start3A_125 = arith.constant 0 : i32
      %dma_start3A_126 = tpu.memref_slice %arg9[%rem3A_123, %dma_start3A_124, %dma_start3A_125] : memref<7x128x64xf32, #tpu.memory_space<vmem>> -> memref<1x128x64xf32, #tpu.memory_space<vmem>>
      %dma_start3A_127 = tpu.memref_squeeze %dma_start3A_126 : memref<1x128x64xf32, #tpu.memory_space<vmem>> -> memref<128x64xf32, #tpu.memory_space<vmem>>
      %dma_start3A_128 = arith.constant 0 : i32
      %dma_start3A_129 = tpu.memref_slice %arg8[%scan3A_108, %dma_start3A_128] : memref<80x128xi32, #tpu.memory_space<vmem>> -> memref<1x128xi32, #tpu.memory_space<vmem>>
      %dma_start3A_130 = tpu.memref_squeeze %dma_start3A_129 : memref<1x128xi32, #tpu.memory_space<vmem>> -> memref<128xi32, #tpu.memory_space<vmem>>
      %dma_start3A_131 = arith.constant 0 : i32
      %dma_start3A_132 = arith.constant 0 : i32
      %dma_start3A_133 = tpu.memref_slice %arg10[%dma_start3A_131, %dma_start3A_132] : memref<10240x64xf32, #tpu.memory_space<vmem_shared>> -> memref<10240x64xf32, #tpu.memory_space<vmem_shared>>
      %dma_start3A_134 = tpu.memref_slice %arg12[%rem3A_123] : memref<7x!tpu.dma_semaphore, #tpu.memory_space<semaphore_mem>> -> memref<1x!tpu.dma_semaphore, #tpu.memory_space<semaphore_mem>>
      %dma_start3A_135 = tpu.memref_squeeze %dma_start3A_134 : memref<1x!tpu.dma_semaphore, #tpu.memory_space<semaphore_mem>> -> memref<!tpu.dma_semaphore, #tpu.memory_space<semaphore_mem>>
      tpu.enqueue_indirect_dma source(%dma_start3A_127 : memref<128x64xf32, #tpu.memory_space<vmem>>) target(%dma_start3A_133 : memref<10240x64xf32, #tpu.memory_space<vmem_shared>>) offsets(%dma_start3A_130 : memref<128xi32, #tpu.memory_space<vmem>>) semaphore(%dma_start3A_135 : memref<!tpu.dma_semaphore, #tpu.memory_space<semaphore_mem>>) {add = true}
      %add3A_136 = arith.constant 4 : i32
      %add3A_137 = arith.addi %scan3A_108, %add3A_136 : i32
      %sub3A = arith.constant 7 : i32
      %sub3A_138 = arith.subi %add3A_137, %sub3A : i32
      %rem3A_139 = arith.constant 7 : i32
      %rem3A_140 = arith.remsi %sub3A_138, %rem3A_139 : i32
      %dma_wait3A_141 = arith.constant 0 : i32
      %dma_wait3A_142 = arith.constant 0 : i32
      %dma_wait3A_143 = tpu.memref_slice %arg9[%rem3A_140, %dma_wait3A_141, %dma_wait3A_142] : memref<7x128x64xf32, #tpu.memory_space<vmem>> -> memref<1x128x64xf32, #tpu.memory_space<vmem>>
      %dma_wait3A_144 = tpu.memref_squeeze %dma_wait3A_143 : memref<1x128x64xf32, #tpu.memory_space<vmem>> -> memref<128x64xf32, #tpu.memory_space<vmem>>
      %dma_wait3A_145 = arith.constant 0 : i32
      %dma_wait3A_146 = tpu.memref_slice %arg8[%sub3A_138, %dma_wait3A_145] : memref<80x128xi32, #tpu.memory_space<vmem>> -> memref<1x128xi32, #tpu.memory_space<vmem>>
      %dma_wait3A_147 = tpu.memref_squeeze %dma_wait3A_146 : memref<1x128xi32, #tpu.memory_space<vmem>> -> memref<128xi32, #tpu.memory_space<vmem>>
      %dma_wait3A_148 = arith.constant 0 : i32
      %dma_wait3A_149 = arith.constant 0 : i32
      %dma_wait3A_150 = tpu.memref_slice %arg10[%dma_wait3A_148, %dma_wait3A_149] : memref<10240x64xf32, #tpu.memory_space<vmem_shared>> -> memref<10240x64xf32, #tpu.memory_space<vmem_shared>>
      %dma_wait3A_151 = tpu.memref_slice %arg12[%rem3A_140] : memref<7x!tpu.dma_semaphore, #tpu.memory_space<semaphore_mem>> -> memref<1x!tpu.dma_semaphore, #tpu.memory_space<semaphore_mem>>
      %dma_wait3A_152 = tpu.memref_squeeze %dma_wait3A_151 : memref<1x!tpu.dma_semaphore, #tpu.memory_space<semaphore_mem>> -> memref<!tpu.dma_semaphore, #tpu.memory_space<semaphore_mem>>
      tpu.wait_indirect_dma semaphore(%dma_wait3A_152 : memref<!tpu.dma_semaphore, #tpu.memory_space<semaphore_mem>>) src(%dma_wait3A_144 : memref<128x64xf32, #tpu.memory_space<vmem>>) dst(%dma_wait3A_150 : memref<10240x64xf32, #tpu.memory_space<vmem_shared>>)
      %add3A_153 = arith.constant 4 : i32
      %add3A_154 = arith.addi %scan3A_108, %add3A_153 : i32
      %rem3A_155 = arith.constant 7 : i32
      %rem3A_156 = arith.remsi %add3A_154, %rem3A_155 : i32
      %dma_start3A_157 = arith.constant 0 : i32
      %dma_start3A_158 = arith.constant 0 : i32
      %dma_start3A_159 = tpu.memref_slice %arg9[%rem3A_156, %dma_start3A_157, %dma_start3A_158] : memref<7x128x64xf32, #tpu.memory_space<vmem>> -> memref<1x128x64xf32, #tpu.memory_space<vmem>>
      %dma_start3A_160 = tpu.memref_squeeze %dma_start3A_159 : memref<1x128x64xf32, #tpu.memory_space<vmem>> -> memref<128x64xf32, #tpu.memory_space<vmem>>
      %dma_start3A_161 = arith.constant 0 : i32
      %dma_start3A_162 = tpu.memref_slice %arg7[%add3A_154, %dma_start3A_161] : memref<80x128xi32, #tpu.memory_space<vmem>> -> memref<1x128xi32, #tpu.memory_space<vmem>>
      %dma_start3A_163 = tpu.memref_squeeze %dma_start3A_162 : memref<1x128xi32, #tpu.memory_space<vmem>> -> memref<128xi32, #tpu.memory_space<vmem>>
      %dma_start3A_164 = arith.constant 0 : i32
      %dma_start3A_165 = arith.constant 0 : i32
      %dma_start3A_166 = tpu.memref_slice %arg2[%dma_start3A_164, %dma_start3A_165] : memref<10000x64xf32, #tpu.memory_space<hbm>> -> memref<10000x64xf32, #tpu.memory_space<hbm>>
      %dma_start3A_167 = tpu.memref_slice %arg11[%rem3A_156] : memref<7x!tpu.dma_semaphore, #tpu.memory_space<semaphore_mem>> -> memref<1x!tpu.dma_semaphore, #tpu.memory_space<semaphore_mem>>
      %dma_start3A_168 = tpu.memref_squeeze %dma_start3A_167 : memref<1x!tpu.dma_semaphore, #tpu.memory_space<semaphore_mem>> -> memref<!tpu.dma_semaphore, #tpu.memory_space<semaphore_mem>>
      tpu.enqueue_indirect_dma source(%dma_start3A_166 : memref<10000x64xf32, #tpu.memory_space<hbm>>) target(%dma_start3A_160 : memref<128x64xf32, #tpu.memory_space<vmem>>) offsets(%dma_start3A_163 : memref<128xi32, #tpu.memory_space<vmem>>) semaphore(%dma_start3A_168 : memref<!tpu.dma_semaphore, #tpu.memory_space<semaphore_mem>>)
    }
    %scan3A_94 = arith.constant 73 : i32
    %scan3A_95 = arith.constant 0 : i32
    %scan3A_96 = arith.constant 76 : i32
    %scan3A_97 = arith.constant 4 : i32
    %scan3A_98 = arith.addi %scan3A_96, %scan3A_97 : i32
    %scan3A_99 = arith.constant 1 : i32
    scf.for %scan3A_108 = %scan3A_96 to %scan3A_98 step %scan3A_99  : i32 {
      %rem3A_109 = arith.constant 7 : i32
      %rem3A_110 = arith.remsi %scan3A_108, %rem3A_109 : i32
      %dma_wait3A = arith.constant 0 : i32
      %dma_wait3A_111 = arith.constant 0 : i32
      %dma_wait3A_112 = tpu.memref_slice %arg9[%rem3A_110, %dma_wait3A, %dma_wait3A_111] : memref<7x128x64xf32, #tpu.memory_space<vmem>> -> memref<1x128x64xf32, #tpu.memory_space<vmem>>
      %dma_wait3A_113 = tpu.memref_squeeze %dma_wait3A_112 : memref<1x128x64xf32, #tpu.memory_space<vmem>> -> memref<128x64xf32, #tpu.memory_space<vmem>>
      %dma_wait3A_114 = arith.constant 0 : i32
      %dma_wait3A_115 = tpu.memref_slice %arg7[%scan3A_108, %dma_wait3A_114] : memref<80x128xi32, #tpu.memory_space<vmem>> -> memref<1x128xi32, #tpu.memory_space<vmem>>
      %dma_wait3A_116 = tpu.memref_squeeze %dma_wait3A_115 : memref<1x128xi32, #tpu.memory_space<vmem>> -> memref<128xi32, #tpu.memory_space<vmem>>
      %dma_wait3A_117 = arith.constant 0 : i32
      %dma_wait3A_118 = arith.constant 0 : i32
      %dma_wait3A_119 = tpu.memref_slice %arg2[%dma_wait3A_117, %dma_wait3A_118] : memref<10000x64xf32, #tpu.memory_space<hbm>> -> memref<10000x64xf32, #tpu.memory_space<hbm>>
      %dma_wait3A_120 = tpu.memref_slice %arg11[%rem3A_110] : memref<7x!tpu.dma_semaphore, #tpu.memory_space<semaphore_mem>> -> memref<1x!tpu.dma_semaphore, #tpu.memory_space<semaphore_mem>>
      %dma_wait3A_121 = tpu.memref_squeeze %dma_wait3A_120 : memref<1x!tpu.dma_semaphore, #tpu.memory_space<semaphore_mem>> -> memref<!tpu.dma_semaphore, #tpu.memory_space<semaphore_mem>>
      tpu.wait_indirect_dma semaphore(%dma_wait3A_121 : memref<!tpu.dma_semaphore, #tpu.memory_space<semaphore_mem>>) src(%dma_wait3A_119 : memref<10000x64xf32, #tpu.memory_space<hbm>>) dst(%dma_wait3A_113 : memref<128x64xf32, #tpu.memory_space<vmem>>)
      %rem3A_122 = arith.constant 7 : i32
      %rem3A_123 = arith.remsi %scan3A_108, %rem3A_122 : i32
      %dma_start3A_124 = arith.constant 0 : i32
      %dma_start3A_125 = arith.constant 0 : i32
      %dma_start3A_126 = tpu.memref_slice %arg9[%rem3A_123, %dma_start3A_124, %dma_start3A_125] : memref<7x128x64xf32, #tpu.memory_space<vmem>> -> memref<1x128x64xf32, #tpu.memory_space<vmem>>
      %dma_start3A_127 = tpu.memref_squeeze %dma_start3A_126 : memref<1x128x64xf32, #tpu.memory_space<vmem>> -> memref<128x64xf32, #tpu.memory_space<vmem>>
      %dma_start3A_128 = arith.constant 0 : i32
      %dma_start3A_129 = tpu.memref_slice %arg8[%scan3A_108, %dma_start3A_128] : memref<80x128xi32, #tpu.memory_space<vmem>> -> memref<1x128xi32, #tpu.memory_space<vmem>>
      %dma_start3A_130 = tpu.memref_squeeze %dma_start3A_129 : memref<1x128xi32, #tpu.memory_space<vmem>> -> memref<128xi32, #tpu.memory_space<vmem>>
      %dma_start3A_131 = arith.constant 0 : i32
      %dma_start3A_132 = arith.constant 0 : i32
      %dma_start3A_133 = tpu.memref_slice %arg10[%dma_start3A_131, %dma_start3A_132] : memref<10240x64xf32, #tpu.memory_space<vmem_shared>> -> memref<10240x64xf32, #tpu.memory_space<vmem_shared>>
      %dma_start3A_134 = tpu.memref_slice %arg12[%rem3A_123] : memref<7x!tpu.dma_semaphore, #tpu.memory_space<semaphore_mem>> -> memref<1x!tpu.dma_semaphore, #tpu.memory_space<semaphore_mem>>
      %dma_start3A_135 = tpu.memref_squeeze %dma_start3A_134 : memref<1x!tpu.dma_semaphore, #tpu.memory_space<semaphore_mem>> -> memref<!tpu.dma_semaphore, #tpu.memory_space<semaphore_mem>>
      tpu.enqueue_indirect_dma source(%dma_start3A_127 : memref<128x64xf32, #tpu.memory_space<vmem>>) target(%dma_start3A_133 : memref<10240x64xf32, #tpu.memory_space<vmem_shared>>) offsets(%dma_start3A_130 : memref<128xi32, #tpu.memory_space<vmem>>) semaphore(%dma_start3A_135 : memref<!tpu.dma_semaphore, #tpu.memory_space<semaphore_mem>>) {add = true}
    }
    %scan3A_100 = arith.constant 4 : i32
    %scan3A_101 = arith.constant 0 : i32
    %scan3A_102 = arith.constant 73 : i32
    %scan3A_103 = arith.constant 7 : i32
    %scan3A_104 = arith.addi %scan3A_102, %scan3A_103 : i32
    %scan3A_105 = arith.constant 1 : i32
    scf.for %scan3A_108 = %scan3A_102 to %scan3A_104 step %scan3A_105  : i32 {
      %rem3A_109 = arith.constant 7 : i32
      %rem3A_110 = arith.remsi %scan3A_108, %rem3A_109 : i32
      %dma_wait3A = arith.constant 0 : i32
      %dma_wait3A_111 = arith.constant 0 : i32
      %dma_wait3A_112 = tpu.memref_slice %arg9[%rem3A_110, %dma_wait3A, %dma_wait3A_111] : memref<7x128x64xf32, #tpu.memory_space<vmem>> -> memref<1x128x64xf32, #tpu.memory_space<vmem>>
      %dma_wait3A_113 = tpu.memref_squeeze %dma_wait3A_112 : memref<1x128x64xf32, #tpu.memory_space<vmem>> -> memref<128x64xf32, #tpu.memory_space<vmem>>
      %dma_wait3A_114 = arith.constant 0 : i32
      %dma_wait3A_115 = tpu.memref_slice %arg8[%scan3A_108, %dma_wait3A_114] : memref<80x128xi32, #tpu.memory_space<vmem>> -> memref<1x128xi32, #tpu.memory_space<vmem>>
      %dma_wait3A_116 = tpu.memref_squeeze %dma_wait3A_115 : memref<1x128xi32, #tpu.memory_space<vmem>> -> memref<128xi32, #tpu.memory_space<vmem>>
      %dma_wait3A_117 = arith.constant 0 : i32
      %dma_wait3A_118 = arith.constant 0 : i32
      %dma_wait3A_119 = tpu.memref_slice %arg10[%dma_wait3A_117, %dma_wait3A_118] : memref<10240x64xf32, #tpu.memory_space<vmem_shared>> -> memref<10240x64xf32, #tpu.memory_space<vmem_shared>>
      %dma_wait3A_120 = tpu.memref_slice %arg12[%rem3A_110] : memref<7x!tpu.dma_semaphore, #tpu.memory_space<semaphore_mem>> -> memref<1x!tpu.dma_semaphore, #tpu.memory_space<semaphore_mem>>
      %dma_wait3A_121 = tpu.memref_squeeze %dma_wait3A_120 : memref<1x!tpu.dma_semaphore, #tpu.memory_space<semaphore_mem>> -> memref<!tpu.dma_semaphore, #tpu.memory_space<semaphore_mem>>
      tpu.wait_indirect_dma semaphore(%dma_wait3A_121 : memref<!tpu.dma_semaphore, #tpu.memory_space<semaphore_mem>>) src(%dma_wait3A_113 : memref<128x64xf32, #tpu.memory_space<vmem>>) dst(%dma_wait3A_119 : memref<10240x64xf32, #tpu.memory_space<vmem_shared>>)
    }
    %scan3A_106 = arith.constant 7 : i32
    %barrier3A_107 = arith.constant 0 : index
    tpu.barrier barrier_id(%barrier3A_107)
    "tpu.region"() ({
      %run_scoped3A_108 = tpu.sem_alloc : memref<!tpu.dma_semaphore, #tpu.memory_space<semaphore_mem>>
      %dma_start3A_109 = arith.constant 0 : i32
      %dma_start3A_110 = tpu.memref_slice %arg6[%arg0, %mul3A_2, %dma_start3A_109] : memref<2x10240x64xf32, #tpu.memory_space<hbm>> -> memref<1x640x64xf32, #tpu.memory_space<hbm>>
      %dma_start3A_111 = tpu.memref_squeeze %dma_start3A_110 : memref<1x640x64xf32, #tpu.memory_space<hbm>> -> memref<640x64xf32, #tpu.memory_space<hbm>>
      %dma_start3A_112 = arith.constant 0 : i32
      %dma_start3A_113 = tpu.memref_slice %arg10[%mul3A_2, %dma_start3A_112] : memref<10240x64xf32, #tpu.memory_space<vmem_shared>> -> memref<640x64xf32, #tpu.memory_space<vmem_shared>>
      tpu.enqueue_dma source(%dma_start3A_113 : memref<640x64xf32, #tpu.memory_space<vmem_shared>>) target(%dma_start3A_111 : memref<640x64xf32, #tpu.memory_space<hbm>>) target_semaphore(%run_scoped3A_108 : memref<!tpu.dma_semaphore, #tpu.memory_space<semaphore_mem>>)
      %dma_wait3A = arith.constant 0 : i32
      %dma_wait3A_114 = tpu.memref_slice %arg6[%arg0, %mul3A_2, %dma_wait3A] : memref<2x10240x64xf32, #tpu.memory_space<hbm>> -> memref<1x640x64xf32, #tpu.memory_space<hbm>>
      %dma_wait3A_115 = tpu.memref_squeeze %dma_wait3A_114 : memref<1x640x64xf32, #tpu.memory_space<hbm>> -> memref<640x64xf32, #tpu.memory_space<hbm>>
      %dma_wait3A_116 = arith.constant 0 : i32
      %dma_wait3A_117 = tpu.memref_slice %arg10[%mul3A_2, %dma_wait3A_116] : memref<10240x64xf32, #tpu.memory_space<vmem_shared>> -> memref<640x64xf32, #tpu.memory_space<vmem_shared>>
      tpu.wait_dma2 semaphore(%run_scoped3A_108 : memref<!tpu.dma_semaphore, #tpu.memory_space<semaphore_mem>>) src(%dma_wait3A_117 : memref<640x64xf32, #tpu.memory_space<vmem_shared>>) dst(%dma_wait3A_115 : memref<640x64xf32, #tpu.memory_space<hbm>>)
      tpu.yield
    }) : () -> ()
    return
  }
}

#map = affine_map<(d0, d1) -> (0, 0)>
#map1 = affine_map<(d0, d1) -> (0, 0, 0)>
module attributes {stable_mosaic.version = 14 : i64} {
  func.func @_prop_body(%arg0: i32, %arg1: i32, %arg2: memref<10000x64xf32, #tpu.memory_space<hbm>>, %arg3: memref<2560x128xi32, #tpu.memory_space<hbm>>, %arg4: memref<2560x128xi32, #tpu.memory_space<hbm>>, %arg5: memref<128x64xf32, #tpu.memory_space<hbm>>, %arg6: memref<2x10240x64xf32, #tpu.memory_space<hbm>>, %arg7: memref<80x128xi32, #tpu.memory_space<vmem>>, %arg8: memref<80x128xi32, #tpu.memory_space<vmem>>, %arg9: memref<7x128x64xf32, #tpu.memory_space<vmem>>, %arg10: memref<10240x64xf32, #tpu.memory_space<vmem_shared>>, %arg11: memref<7x!tpu.dma_semaphore, #tpu.memory_space<semaphore_mem>>, %arg12: memref<7x!tpu.dma_semaphore, #tpu.memory_space<semaphore_mem>>) attributes {dimension_semantics = [#tpu.dimension_semantics<core_parallel>, #tpu.dimension_semantics<subcore_parallel>], iteration_bounds = array<i64: 2, 16>, scalar_prefetch = 0 : i64, scratch_operands = 6 : i64, tpu.core_type = #tpu.core_type<sc_vector_subcore>, window_params = [{transform_indices = #map}, {transform_indices = #map}, {transform_indices = #map}, {transform_indices = #map}, {transform_indices = #map1}]} {
    %mul3A = arith.constant 16 : i32
    %mul3A_0 = arith.muli %arg0, %mul3A : i32
    %add3A = arith.addi %mul3A_0, %arg1 : i32
    %run_scoped3A = arith.constant 0 : i32
    "tpu.region"() ({
      %run_scoped3A_108 = tpu.sem_alloc : memref<!tpu.dma_semaphore, #tpu.memory_space<semaphore_mem>>
      %dma_start3A_109 = arith.constant 0 : i32
      %dma_start3A_110 = arith.constant 0 : i32
      %dma_start3A_111 = tpu.memref_slice %arg9[%run_scoped3A, %dma_start3A_109, %dma_start3A_110] : memref<7x128x64xf32, #tpu.memory_space<vmem>> -> memref<1x128x64xf32, #tpu.memory_space<vmem>>
      %dma_start3A_112 = tpu.memref_squeeze %dma_start3A_111 : memref<1x128x64xf32, #tpu.memory_space<vmem>> -> memref<128x64xf32, #tpu.memory_space<vmem>>
      %dma_start3A_113 = arith.constant 0 : i32
      %dma_start3A_114 = arith.constant 0 : i32
      %dma_start3A_115 = tpu.memref_slice %arg9[%run_scoped3A, %dma_start3A_113, %dma_start3A_114] : memref<7x128x64xf32, #tpu.memory_space<vmem>> -> memref<1x128x64xf32, #tpu.memory_space<vmem>>
      %dma_start3A_116 = tpu.memref_squeeze %dma_start3A_115 : memref<1x128x64xf32, #tpu.memory_space<vmem>> -> memref<128x64xf32, #tpu.memory_space<vmem>>
      tpu.enqueue_dma source(%arg5 : memref<128x64xf32, #tpu.memory_space<hbm>>) target(%dma_start3A_116 : memref<128x64xf32, #tpu.memory_space<vmem>>) target_semaphore(%run_scoped3A_108 : memref<!tpu.dma_semaphore, #tpu.memory_space<semaphore_mem>>)
      %dma_wait3A = arith.constant 0 : i32
      %dma_wait3A_117 = arith.constant 0 : i32
      %dma_wait3A_118 = tpu.memref_slice %arg9[%run_scoped3A, %dma_wait3A, %dma_wait3A_117] : memref<7x128x64xf32, #tpu.memory_space<vmem>> -> memref<1x128x64xf32, #tpu.memory_space<vmem>>
      %dma_wait3A_119 = tpu.memref_squeeze %dma_wait3A_118 : memref<1x128x64xf32, #tpu.memory_space<vmem>> -> memref<128x64xf32, #tpu.memory_space<vmem>>
      %dma_wait3A_120 = arith.constant 0 : i32
      %dma_wait3A_121 = arith.constant 0 : i32
      %dma_wait3A_122 = tpu.memref_slice %arg9[%run_scoped3A, %dma_wait3A_120, %dma_wait3A_121] : memref<7x128x64xf32, #tpu.memory_space<vmem>> -> memref<1x128x64xf32, #tpu.memory_space<vmem>>
      %dma_wait3A_123 = tpu.memref_squeeze %dma_wait3A_122 : memref<1x128x64xf32, #tpu.memory_space<vmem>> -> memref<128x64xf32, #tpu.memory_space<vmem>>
      tpu.wait_dma2 semaphore(%run_scoped3A_108 : memref<!tpu.dma_semaphore, #tpu.memory_space<semaphore_mem>>) src(%arg5 : memref<128x64xf32, #tpu.memory_space<hbm>>) dst(%dma_wait3A_123 : memref<128x64xf32, #tpu.memory_space<vmem>>)
      tpu.yield
    }) : () -> ()
    %mul3A_1 = arith.constant 640 : i32
    %mul3A_2 = arith.muli %arg1, %mul3A_1 : i32
    %add3A_3 = arith.constant 0 : i32
    %add3A_4 = arith.addi %mul3A_2, %add3A_3 : i32
    %run_scoped3A_5 = arith.constant 0 : i32
    "tpu.region"() ({
      %run_scoped3A_108 = tpu.sem_alloc : memref<!tpu.dma_semaphore, #tpu.memory_space<semaphore_mem>>
      %dma_start3A_109 = arith.constant 0 : i32
      %dma_start3A_110 = arith.constant 0 : i32
      %dma_start3A_111 = tpu.memref_slice %arg9[%run_scoped3A_5, %dma_start3A_109, %dma_start3A_110] : memref<7x128x64xf32, #tpu.memory_space<vmem>> -> memref<1x128x64xf32, #tpu.memory_space<vmem>>
      %dma_start3A_112 = tpu.memref_squeeze %dma_start3A_111 : memref<1x128x64xf32, #tpu.memory_space<vmem>> -> memref<128x64xf32, #tpu.memory_space<vmem>>
      %dma_start3A_113 = arith.constant 0 : i32
      %dma_start3A_114 = tpu.memref_slice %arg10[%add3A_4, %dma_start3A_113] : memref<10240x64xf32, #tpu.memory_space<vmem_shared>> -> memref<128x64xf32, #tpu.memory_space<vmem_shared>>
      %dma_start3A_115 = arith.constant 0 : i32
      %dma_start3A_116 = tpu.memref_slice %arg10[%add3A_4, %dma_start3A_115] : memref<10240x64xf32, #tpu.memory_space<vmem_shared>> -> memref<128x64xf32, #tpu.memory_space<vmem_shared>>
      %dma_start3A_117 = arith.constant 0 : i32
      %dma_start3A_118 = arith.constant 0 : i32
      %dma_start3A_119 = tpu.memref_slice %arg9[%run_scoped3A_5, %dma_start3A_117, %dma_start3A_118] : memref<7x128x64xf32, #tpu.memory_space<vmem>> -> memref<1x128x64xf32, #tpu.memory_space<vmem>>
      %dma_start3A_120 = tpu.memref_squeeze %dma_start3A_119 : memref<1x128x64xf32, #tpu.memory_space<vmem>> -> memref<128x64xf32, #tpu.memory_space<vmem>>
      tpu.enqueue_dma source(%dma_start3A_120 : memref<128x64xf32, #tpu.memory_space<vmem>>) target(%dma_start3A_116 : memref<128x64xf32, #tpu.memory_space<vmem_shared>>) target_semaphore(%run_scoped3A_108 : memref<!tpu.dma_semaphore, #tpu.memory_space<semaphore_mem>>)
      %dma_wait3A = arith.constant 0 : i32
      %dma_wait3A_121 = arith.constant 0 : i32
      %dma_wait3A_122 = tpu.memref_slice %arg9[%run_scoped3A_5, %dma_wait3A, %dma_wait3A_121] : memref<7x128x64xf32, #tpu.memory_space<vmem>> -> memref<1x128x64xf32, #tpu.memory_space<vmem>>
      %dma_wait3A_123 = tpu.memref_squeeze %dma_wait3A_122 : memref<1x128x64xf32, #tpu.memory_space<vmem>> -> memref<128x64xf32, #tpu.memory_space<vmem>>
      %dma_wait3A_124 = arith.constant 0 : i32
      %dma_wait3A_125 = tpu.memref_slice %arg10[%add3A_4, %dma_wait3A_124] : memref<10240x64xf32, #tpu.memory_space<vmem_shared>> -> memref<128x64xf32, #tpu.memory_space<vmem_shared>>
      %dma_wait3A_126 = arith.constant 0 : i32
      %dma_wait3A_127 = tpu.memref_slice %arg10[%add3A_4, %dma_wait3A_126] : memref<10240x64xf32, #tpu.memory_space<vmem_shared>> -> memref<128x64xf32, #tpu.memory_space<vmem_shared>>
      %dma_wait3A_128 = arith.constant 0 : i32
      %dma_wait3A_129 = arith.constant 0 : i32
      %dma_wait3A_130 = tpu.memref_slice %arg9[%run_scoped3A_5, %dma_wait3A_128, %dma_wait3A_129] : memref<7x128x64xf32, #tpu.memory_space<vmem>> -> memref<1x128x64xf32, #tpu.memory_space<vmem>>
      %dma_wait3A_131 = tpu.memref_squeeze %dma_wait3A_130 : memref<1x128x64xf32, #tpu.memory_space<vmem>> -> memref<128x64xf32, #tpu.memory_space<vmem>>
      tpu.wait_dma2 semaphore(%run_scoped3A_108 : memref<!tpu.dma_semaphore, #tpu.memory_space<semaphore_mem>>) src(%dma_wait3A_131 : memref<128x64xf32, #tpu.memory_space<vmem>>) dst(%dma_wait3A_127 : memref<128x64xf32, #tpu.memory_space<vmem_shared>>)
      tpu.yield
    }) : () -> ()
    %add3A_6 = arith.constant 128 : i32
    %add3A_7 = arith.addi %mul3A_2, %add3A_6 : i32
    %run_scoped3A_8 = arith.constant 0 : i32
    "tpu.region"() ({
      %run_scoped3A_108 = tpu.sem_alloc : memref<!tpu.dma_semaphore, #tpu.memory_space<semaphore_mem>>
      %dma_start3A_109 = arith.constant 0 : i32
      %dma_start3A_110 = arith.constant 0 : i32
      %dma_start3A_111 = tpu.memref_slice %arg9[%run_scoped3A_8, %dma_start3A_109, %dma_start3A_110] : memref<7x128x64xf32, #tpu.memory_space<vmem>> -> memref<1x128x64xf32, #tpu.memory_space<vmem>>
      %dma_start3A_112 = tpu.memref_squeeze %dma_start3A_111 : memref<1x128x64xf32, #tpu.memory_space<vmem>> -> memref<128x64xf32, #tpu.memory_space<vmem>>
      %dma_start3A_113 = arith.constant 0 : i32
      %dma_start3A_114 = tpu.memref_slice %arg10[%add3A_7, %dma_start3A_113] : memref<10240x64xf32, #tpu.memory_space<vmem_shared>> -> memref<128x64xf32, #tpu.memory_space<vmem_shared>>
      %dma_start3A_115 = arith.constant 0 : i32
      %dma_start3A_116 = tpu.memref_slice %arg10[%add3A_7, %dma_start3A_115] : memref<10240x64xf32, #tpu.memory_space<vmem_shared>> -> memref<128x64xf32, #tpu.memory_space<vmem_shared>>
      %dma_start3A_117 = arith.constant 0 : i32
      %dma_start3A_118 = arith.constant 0 : i32
      %dma_start3A_119 = tpu.memref_slice %arg9[%run_scoped3A_8, %dma_start3A_117, %dma_start3A_118] : memref<7x128x64xf32, #tpu.memory_space<vmem>> -> memref<1x128x64xf32, #tpu.memory_space<vmem>>
      %dma_start3A_120 = tpu.memref_squeeze %dma_start3A_119 : memref<1x128x64xf32, #tpu.memory_space<vmem>> -> memref<128x64xf32, #tpu.memory_space<vmem>>
      tpu.enqueue_dma source(%dma_start3A_120 : memref<128x64xf32, #tpu.memory_space<vmem>>) target(%dma_start3A_116 : memref<128x64xf32, #tpu.memory_space<vmem_shared>>) target_semaphore(%run_scoped3A_108 : memref<!tpu.dma_semaphore, #tpu.memory_space<semaphore_mem>>)
      %dma_wait3A = arith.constant 0 : i32
      %dma_wait3A_121 = arith.constant 0 : i32
      %dma_wait3A_122 = tpu.memref_slice %arg9[%run_scoped3A_8, %dma_wait3A, %dma_wait3A_121] : memref<7x128x64xf32, #tpu.memory_space<vmem>> -> memref<1x128x64xf32, #tpu.memory_space<vmem>>
      %dma_wait3A_123 = tpu.memref_squeeze %dma_wait3A_122 : memref<1x128x64xf32, #tpu.memory_space<vmem>> -> memref<128x64xf32, #tpu.memory_space<vmem>>
      %dma_wait3A_124 = arith.constant 0 : i32
      %dma_wait3A_125 = tpu.memref_slice %arg10[%add3A_7, %dma_wait3A_124] : memref<10240x64xf32, #tpu.memory_space<vmem_shared>> -> memref<128x64xf32, #tpu.memory_space<vmem_shared>>
      %dma_wait3A_126 = arith.constant 0 : i32
      %dma_wait3A_127 = tpu.memref_slice %arg10[%add3A_7, %dma_wait3A_126] : memref<10240x64xf32, #tpu.memory_space<vmem_shared>> -> memref<128x64xf32, #tpu.memory_space<vmem_shared>>
      %dma_wait3A_128 = arith.constant 0 : i32
      %dma_wait3A_129 = arith.constant 0 : i32
      %dma_wait3A_130 = tpu.memref_slice %arg9[%run_scoped3A_8, %dma_wait3A_128, %dma_wait3A_129] : memref<7x128x64xf32, #tpu.memory_space<vmem>> -> memref<1x128x64xf32, #tpu.memory_space<vmem>>
      %dma_wait3A_131 = tpu.memref_squeeze %dma_wait3A_130 : memref<1x128x64xf32, #tpu.memory_space<vmem>> -> memref<128x64xf32, #tpu.memory_space<vmem>>
      tpu.wait_dma2 semaphore(%run_scoped3A_108 : memref<!tpu.dma_semaphore, #tpu.memory_space<semaphore_mem>>) src(%dma_wait3A_131 : memref<128x64xf32, #tpu.memory_space<vmem>>) dst(%dma_wait3A_127 : memref<128x64xf32, #tpu.memory_space<vmem_shared>>)
      tpu.yield
    }) : () -> ()
    %add3A_9 = arith.constant 256 : i32
    %add3A_10 = arith.addi %mul3A_2, %add3A_9 : i32
    %run_scoped3A_11 = arith.constant 0 : i32
    "tpu.region"() ({
      %run_scoped3A_108 = tpu.sem_alloc : memref<!tpu.dma_semaphore, #tpu.memory_space<semaphore_mem>>
      %dma_start3A_109 = arith.constant 0 : i32
      %dma_start3A_110 = arith.constant 0 : i32
      %dma_start3A_111 = tpu.memref_slice %arg9[%run_scoped3A_11, %dma_start3A_109, %dma_start3A_110] : memref<7x128x64xf32, #tpu.memory_space<vmem>> -> memref<1x128x64xf32, #tpu.memory_space<vmem>>
      %dma_start3A_112 = tpu.memref_squeeze %dma_start3A_111 : memref<1x128x64xf32, #tpu.memory_space<vmem>> -> memref<128x64xf32, #tpu.memory_space<vmem>>
      %dma_start3A_113 = arith.constant 0 : i32
      %dma_start3A_114 = tpu.memref_slice %arg10[%add3A_10, %dma_start3A_113] : memref<10240x64xf32, #tpu.memory_space<vmem_shared>> -> memref<128x64xf32, #tpu.memory_space<vmem_shared>>
      %dma_start3A_115 = arith.constant 0 : i32
      %dma_start3A_116 = tpu.memref_slice %arg10[%add3A_10, %dma_start3A_115] : memref<10240x64xf32, #tpu.memory_space<vmem_shared>> -> memref<128x64xf32, #tpu.memory_space<vmem_shared>>
      %dma_start3A_117 = arith.constant 0 : i32
      %dma_start3A_118 = arith.constant 0 : i32
      %dma_start3A_119 = tpu.memref_slice %arg9[%run_scoped3A_11, %dma_start3A_117, %dma_start3A_118] : memref<7x128x64xf32, #tpu.memory_space<vmem>> -> memref<1x128x64xf32, #tpu.memory_space<vmem>>
      %dma_start3A_120 = tpu.memref_squeeze %dma_start3A_119 : memref<1x128x64xf32, #tpu.memory_space<vmem>> -> memref<128x64xf32, #tpu.memory_space<vmem>>
      tpu.enqueue_dma source(%dma_start3A_120 : memref<128x64xf32, #tpu.memory_space<vmem>>) target(%dma_start3A_116 : memref<128x64xf32, #tpu.memory_space<vmem_shared>>) target_semaphore(%run_scoped3A_108 : memref<!tpu.dma_semaphore, #tpu.memory_space<semaphore_mem>>)
      %dma_wait3A = arith.constant 0 : i32
      %dma_wait3A_121 = arith.constant 0 : i32
      %dma_wait3A_122 = tpu.memref_slice %arg9[%run_scoped3A_11, %dma_wait3A, %dma_wait3A_121] : memref<7x128x64xf32, #tpu.memory_space<vmem>> -> memref<1x128x64xf32, #tpu.memory_space<vmem>>
      %dma_wait3A_123 = tpu.memref_squeeze %dma_wait3A_122 : memref<1x128x64xf32, #tpu.memory_space<vmem>> -> memref<128x64xf32, #tpu.memory_space<vmem>>
      %dma_wait3A_124 = arith.constant 0 : i32
      %dma_wait3A_125 = tpu.memref_slice %arg10[%add3A_10, %dma_wait3A_124] : memref<10240x64xf32, #tpu.memory_space<vmem_shared>> -> memref<128x64xf32, #tpu.memory_space<vmem_shared>>
      %dma_wait3A_126 = arith.constant 0 : i32
      %dma_wait3A_127 = tpu.memref_slice %arg10[%add3A_10, %dma_wait3A_126] : memref<10240x64xf32, #tpu.memory_space<vmem_shared>> -> memref<128x64xf32, #tpu.memory_space<vmem_shared>>
      %dma_wait3A_128 = arith.constant 0 : i32
      %dma_wait3A_129 = arith.constant 0 : i32
      %dma_wait3A_130 = tpu.memref_slice %arg9[%run_scoped3A_11, %dma_wait3A_128, %dma_wait3A_129] : memref<7x128x64xf32, #tpu.memory_space<vmem>> -> memref<1x128x64xf32, #tpu.memory_space<vmem>>
      %dma_wait3A_131 = tpu.memref_squeeze %dma_wait3A_130 : memref<1x128x64xf32, #tpu.memory_space<vmem>> -> memref<128x64xf32, #tpu.memory_space<vmem>>
      tpu.wait_dma2 semaphore(%run_scoped3A_108 : memref<!tpu.dma_semaphore, #tpu.memory_space<semaphore_mem>>) src(%dma_wait3A_131 : memref<128x64xf32, #tpu.memory_space<vmem>>) dst(%dma_wait3A_127 : memref<128x64xf32, #tpu.memory_space<vmem_shared>>)
      tpu.yield
    }) : () -> ()
    %add3A_12 = arith.constant 384 : i32
    %add3A_13 = arith.addi %mul3A_2, %add3A_12 : i32
    %run_scoped3A_14 = arith.constant 0 : i32
    "tpu.region"() ({
      %run_scoped3A_108 = tpu.sem_alloc : memref<!tpu.dma_semaphore, #tpu.memory_space<semaphore_mem>>
      %dma_start3A_109 = arith.constant 0 : i32
      %dma_start3A_110 = arith.constant 0 : i32
      %dma_start3A_111 = tpu.memref_slice %arg9[%run_scoped3A_14, %dma_start3A_109, %dma_start3A_110] : memref<7x128x64xf32, #tpu.memory_space<vmem>> -> memref<1x128x64xf32, #tpu.memory_space<vmem>>
      %dma_start3A_112 = tpu.memref_squeeze %dma_start3A_111 : memref<1x128x64xf32, #tpu.memory_space<vmem>> -> memref<128x64xf32, #tpu.memory_space<vmem>>
      %dma_start3A_113 = arith.constant 0 : i32
      %dma_start3A_114 = tpu.memref_slice %arg10[%add3A_13, %dma_start3A_113] : memref<10240x64xf32, #tpu.memory_space<vmem_shared>> -> memref<128x64xf32, #tpu.memory_space<vmem_shared>>
      %dma_start3A_115 = arith.constant 0 : i32
      %dma_start3A_116 = tpu.memref_slice %arg10[%add3A_13, %dma_start3A_115] : memref<10240x64xf32, #tpu.memory_space<vmem_shared>> -> memref<128x64xf32, #tpu.memory_space<vmem_shared>>
      %dma_start3A_117 = arith.constant 0 : i32
      %dma_start3A_118 = arith.constant 0 : i32
      %dma_start3A_119 = tpu.memref_slice %arg9[%run_scoped3A_14, %dma_start3A_117, %dma_start3A_118] : memref<7x128x64xf32, #tpu.memory_space<vmem>> -> memref<1x128x64xf32, #tpu.memory_space<vmem>>
      %dma_start3A_120 = tpu.memref_squeeze %dma_start3A_119 : memref<1x128x64xf32, #tpu.memory_space<vmem>> -> memref<128x64xf32, #tpu.memory_space<vmem>>
      tpu.enqueue_dma source(%dma_start3A_120 : memref<128x64xf32, #tpu.memory_space<vmem>>) target(%dma_start3A_116 : memref<128x64xf32, #tpu.memory_space<vmem_shared>>) target_semaphore(%run_scoped3A_108 : memref<!tpu.dma_semaphore, #tpu.memory_space<semaphore_mem>>)
      %dma_wait3A = arith.constant 0 : i32
      %dma_wait3A_121 = arith.constant 0 : i32
      %dma_wait3A_122 = tpu.memref_slice %arg9[%run_scoped3A_14, %dma_wait3A, %dma_wait3A_121] : memref<7x128x64xf32, #tpu.memory_space<vmem>> -> memref<1x128x64xf32, #tpu.memory_space<vmem>>
      %dma_wait3A_123 = tpu.memref_squeeze %dma_wait3A_122 : memref<1x128x64xf32, #tpu.memory_space<vmem>> -> memref<128x64xf32, #tpu.memory_space<vmem>>
      %dma_wait3A_124 = arith.constant 0 : i32
      %dma_wait3A_125 = tpu.memref_slice %arg10[%add3A_13, %dma_wait3A_124] : memref<10240x64xf32, #tpu.memory_space<vmem_shared>> -> memref<128x64xf32, #tpu.memory_space<vmem_shared>>
      %dma_wait3A_126 = arith.constant 0 : i32
      %dma_wait3A_127 = tpu.memref_slice %arg10[%add3A_13, %dma_wait3A_126] : memref<10240x64xf32, #tpu.memory_space<vmem_shared>> -> memref<128x64xf32, #tpu.memory_space<vmem_shared>>
      %dma_wait3A_128 = arith.constant 0 : i32
      %dma_wait3A_129 = arith.constant 0 : i32
      %dma_wait3A_130 = tpu.memref_slice %arg9[%run_scoped3A_14, %dma_wait3A_128, %dma_wait3A_129] : memref<7x128x64xf32, #tpu.memory_space<vmem>> -> memref<1x128x64xf32, #tpu.memory_space<vmem>>
      %dma_wait3A_131 = tpu.memref_squeeze %dma_wait3A_130 : memref<1x128x64xf32, #tpu.memory_space<vmem>> -> memref<128x64xf32, #tpu.memory_space<vmem>>
      tpu.wait_dma2 semaphore(%run_scoped3A_108 : memref<!tpu.dma_semaphore, #tpu.memory_space<semaphore_mem>>) src(%dma_wait3A_131 : memref<128x64xf32, #tpu.memory_space<vmem>>) dst(%dma_wait3A_127 : memref<128x64xf32, #tpu.memory_space<vmem_shared>>)
      tpu.yield
    }) : () -> ()
    %add3A_15 = arith.constant 512 : i32
    %add3A_16 = arith.addi %mul3A_2, %add3A_15 : i32
    %run_scoped3A_17 = arith.constant 0 : i32
    "tpu.region"() ({
      %run_scoped3A_108 = tpu.sem_alloc : memref<!tpu.dma_semaphore, #tpu.memory_space<semaphore_mem>>
      %dma_start3A_109 = arith.constant 0 : i32
      %dma_start3A_110 = arith.constant 0 : i32
      %dma_start3A_111 = tpu.memref_slice %arg9[%run_scoped3A_17, %dma_start3A_109, %dma_start3A_110] : memref<7x128x64xf32, #tpu.memory_space<vmem>> -> memref<1x128x64xf32, #tpu.memory_space<vmem>>
      %dma_start3A_112 = tpu.memref_squeeze %dma_start3A_111 : memref<1x128x64xf32, #tpu.memory_space<vmem>> -> memref<128x64xf32, #tpu.memory_space<vmem>>
      %dma_start3A_113 = arith.constant 0 : i32
      %dma_start3A_114 = tpu.memref_slice %arg10[%add3A_16, %dma_start3A_113] : memref<10240x64xf32, #tpu.memory_space<vmem_shared>> -> memref<128x64xf32, #tpu.memory_space<vmem_shared>>
      %dma_start3A_115 = arith.constant 0 : i32
      %dma_start3A_116 = tpu.memref_slice %arg10[%add3A_16, %dma_start3A_115] : memref<10240x64xf32, #tpu.memory_space<vmem_shared>> -> memref<128x64xf32, #tpu.memory_space<vmem_shared>>
      %dma_start3A_117 = arith.constant 0 : i32
      %dma_start3A_118 = arith.constant 0 : i32
      %dma_start3A_119 = tpu.memref_slice %arg9[%run_scoped3A_17, %dma_start3A_117, %dma_start3A_118] : memref<7x128x64xf32, #tpu.memory_space<vmem>> -> memref<1x128x64xf32, #tpu.memory_space<vmem>>
      %dma_start3A_120 = tpu.memref_squeeze %dma_start3A_119 : memref<1x128x64xf32, #tpu.memory_space<vmem>> -> memref<128x64xf32, #tpu.memory_space<vmem>>
      tpu.enqueue_dma source(%dma_start3A_120 : memref<128x64xf32, #tpu.memory_space<vmem>>) target(%dma_start3A_116 : memref<128x64xf32, #tpu.memory_space<vmem_shared>>) target_semaphore(%run_scoped3A_108 : memref<!tpu.dma_semaphore, #tpu.memory_space<semaphore_mem>>)
      %dma_wait3A = arith.constant 0 : i32
      %dma_wait3A_121 = arith.constant 0 : i32
      %dma_wait3A_122 = tpu.memref_slice %arg9[%run_scoped3A_17, %dma_wait3A, %dma_wait3A_121] : memref<7x128x64xf32, #tpu.memory_space<vmem>> -> memref<1x128x64xf32, #tpu.memory_space<vmem>>
      %dma_wait3A_123 = tpu.memref_squeeze %dma_wait3A_122 : memref<1x128x64xf32, #tpu.memory_space<vmem>> -> memref<128x64xf32, #tpu.memory_space<vmem>>
      %dma_wait3A_124 = arith.constant 0 : i32
      %dma_wait3A_125 = tpu.memref_slice %arg10[%add3A_16, %dma_wait3A_124] : memref<10240x64xf32, #tpu.memory_space<vmem_shared>> -> memref<128x64xf32, #tpu.memory_space<vmem_shared>>
      %dma_wait3A_126 = arith.constant 0 : i32
      %dma_wait3A_127 = tpu.memref_slice %arg10[%add3A_16, %dma_wait3A_126] : memref<10240x64xf32, #tpu.memory_space<vmem_shared>> -> memref<128x64xf32, #tpu.memory_space<vmem_shared>>
      %dma_wait3A_128 = arith.constant 0 : i32
      %dma_wait3A_129 = arith.constant 0 : i32
      %dma_wait3A_130 = tpu.memref_slice %arg9[%run_scoped3A_17, %dma_wait3A_128, %dma_wait3A_129] : memref<7x128x64xf32, #tpu.memory_space<vmem>> -> memref<1x128x64xf32, #tpu.memory_space<vmem>>
      %dma_wait3A_131 = tpu.memref_squeeze %dma_wait3A_130 : memref<1x128x64xf32, #tpu.memory_space<vmem>> -> memref<128x64xf32, #tpu.memory_space<vmem>>
      tpu.wait_dma2 semaphore(%run_scoped3A_108 : memref<!tpu.dma_semaphore, #tpu.memory_space<semaphore_mem>>) src(%dma_wait3A_131 : memref<128x64xf32, #tpu.memory_space<vmem>>) dst(%dma_wait3A_127 : memref<128x64xf32, #tpu.memory_space<vmem_shared>>)
      tpu.yield
    }) : () -> ()
    %mul3A_18 = arith.constant 80 : i32
    %mul3A_19 = arith.muli %add3A, %mul3A_18 : i32
    "tpu.region"() ({
      %run_scoped3A_108 = tpu.sem_alloc : memref<!tpu.dma_semaphore, #tpu.memory_space<semaphore_mem>>
      %dma_start3A_109 = arith.constant 0 : i32
      %dma_start3A_110 = tpu.memref_slice %arg3[%mul3A_19, %dma_start3A_109] : memref<2560x128xi32, #tpu.memory_space<hbm>> -> memref<80x128xi32, #tpu.memory_space<hbm>>
      %dma_start3A_111 = arith.constant 0 : i32
      %dma_start3A_112 = tpu.memref_slice %arg3[%mul3A_19, %dma_start3A_111] : memref<2560x128xi32, #tpu.memory_space<hbm>> -> memref<80x128xi32, #tpu.memory_space<hbm>>
      tpu.enqueue_dma source(%dma_start3A_112 : memref<80x128xi32, #tpu.memory_space<hbm>>) target(%arg7 : memref<80x128xi32, #tpu.memory_space<vmem>>) target_semaphore(%run_scoped3A_108 : memref<!tpu.dma_semaphore, #tpu.memory_space<semaphore_mem>>)
      %dma_wait3A = arith.constant 0 : i32
      %dma_wait3A_113 = tpu.memref_slice %arg3[%mul3A_19, %dma_wait3A] : memref<2560x128xi32, #tpu.memory_space<hbm>> -> memref<80x128xi32, #tpu.memory_space<hbm>>
      %dma_wait3A_114 = arith.constant 0 : i32
      %dma_wait3A_115 = tpu.memref_slice %arg3[%mul3A_19, %dma_wait3A_114] : memref<2560x128xi32, #tpu.memory_space<hbm>> -> memref<80x128xi32, #tpu.memory_space<hbm>>
      tpu.wait_dma2 semaphore(%run_scoped3A_108 : memref<!tpu.dma_semaphore, #tpu.memory_space<semaphore_mem>>) src(%dma_wait3A_115 : memref<80x128xi32, #tpu.memory_space<hbm>>) dst(%arg7 : memref<80x128xi32, #tpu.memory_space<vmem>>)
      tpu.yield
    }) : () -> ()
    %mul3A_20 = arith.constant 80 : i32
    %mul3A_21 = arith.muli %add3A, %mul3A_20 : i32
    "tpu.region"() ({
      %run_scoped3A_108 = tpu.sem_alloc : memref<!tpu.dma_semaphore, #tpu.memory_space<semaphore_mem>>
      %dma_start3A_109 = arith.constant 0 : i32
      %dma_start3A_110 = tpu.memref_slice %arg4[%mul3A_21, %dma_start3A_109] : memref<2560x128xi32, #tpu.memory_space<hbm>> -> memref<80x128xi32, #tpu.memory_space<hbm>>
      %dma_start3A_111 = arith.constant 0 : i32
      %dma_start3A_112 = tpu.memref_slice %arg4[%mul3A_21, %dma_start3A_111] : memref<2560x128xi32, #tpu.memory_space<hbm>> -> memref<80x128xi32, #tpu.memory_space<hbm>>
      tpu.enqueue_dma source(%dma_start3A_112 : memref<80x128xi32, #tpu.memory_space<hbm>>) target(%arg8 : memref<80x128xi32, #tpu.memory_space<vmem>>) target_semaphore(%run_scoped3A_108 : memref<!tpu.dma_semaphore, #tpu.memory_space<semaphore_mem>>)
      %dma_wait3A = arith.constant 0 : i32
      %dma_wait3A_113 = tpu.memref_slice %arg4[%mul3A_21, %dma_wait3A] : memref<2560x128xi32, #tpu.memory_space<hbm>> -> memref<80x128xi32, #tpu.memory_space<hbm>>
      %dma_wait3A_114 = arith.constant 0 : i32
      %dma_wait3A_115 = tpu.memref_slice %arg4[%mul3A_21, %dma_wait3A_114] : memref<2560x128xi32, #tpu.memory_space<hbm>> -> memref<80x128xi32, #tpu.memory_space<hbm>>
      tpu.wait_dma2 semaphore(%run_scoped3A_108 : memref<!tpu.dma_semaphore, #tpu.memory_space<semaphore_mem>>) src(%dma_wait3A_115 : memref<80x128xi32, #tpu.memory_space<hbm>>) dst(%arg8 : memref<80x128xi32, #tpu.memory_space<vmem>>)
      tpu.yield
    }) : () -> ()
    %barrier3A = arith.constant 0 : index
    tpu.barrier barrier_id(%barrier3A)
    %rem3A = arith.constant 0 : i32
    %rem3A_22 = arith.constant 7 : i32
    %rem3A_23 = arith.remsi %rem3A, %rem3A_22 : i32
    %dma_start3A = arith.constant 0 : i32
    %dma_start3A_24 = arith.constant 0 : i32
    %dma_start3A_25 = arith.constant 0 : i32
    %dma_start3A_26 = tpu.memref_slice %arg9[%rem3A_23, %dma_start3A_24, %dma_start3A_25] : memref<7x128x64xf32, #tpu.memory_space<vmem>> -> memref<1x128x64xf32, #tpu.memory_space<vmem>>
    %dma_start3A_27 = tpu.memref_squeeze %dma_start3A_26 : memref<1x128x64xf32, #tpu.memory_space<vmem>> -> memref<128x64xf32, #tpu.memory_space<vmem>>
    %dma_start3A_28 = arith.constant 0 : i32
    %dma_start3A_29 = tpu.memref_slice %arg7[%dma_start3A, %dma_start3A_28] : memref<80x128xi32, #tpu.memory_space<vmem>> -> memref<1x128xi32, #tpu.memory_space<vmem>>
    %dma_start3A_30 = tpu.memref_squeeze %dma_start3A_29 : memref<1x128xi32, #tpu.memory_space<vmem>> -> memref<128xi32, #tpu.memory_space<vmem>>
    %dma_start3A_31 = arith.constant 0 : i32
    %dma_start3A_32 = arith.constant 0 : i32
    %dma_start3A_33 = tpu.memref_slice %arg2[%dma_start3A_31, %dma_start3A_32] : memref<10000x64xf32, #tpu.memory_space<hbm>> -> memref<10000x64xf32, #tpu.memory_space<hbm>>
    %dma_start3A_34 = tpu.memref_slice %arg11[%rem3A_23] : memref<7x!tpu.dma_semaphore, #tpu.memory_space<semaphore_mem>> -> memref<1x!tpu.dma_semaphore, #tpu.memory_space<semaphore_mem>>
    %dma_start3A_35 = tpu.memref_squeeze %dma_start3A_34 : memref<1x!tpu.dma_semaphore, #tpu.memory_space<semaphore_mem>> -> memref<!tpu.dma_semaphore, #tpu.memory_space<semaphore_mem>>
    tpu.enqueue_indirect_dma source(%dma_start3A_33 : memref<10000x64xf32, #tpu.memory_space<hbm>>) target(%dma_start3A_27 : memref<128x64xf32, #tpu.memory_space<vmem>>) offsets(%dma_start3A_30 : memref<128xi32, #tpu.memory_space<vmem>>) semaphore(%dma_start3A_35 : memref<!tpu.dma_semaphore, #tpu.memory_space<semaphore_mem>>)
    %rem3A_36 = arith.constant 1 : i32
    %rem3A_37 = arith.constant 7 : i32
    %rem3A_38 = arith.remsi %rem3A_36, %rem3A_37 : i32
    %dma_start3A_39 = arith.constant 1 : i32
    %dma_start3A_40 = arith.constant 0 : i32
    %dma_start3A_41 = arith.constant 0 : i32
    %dma_start3A_42 = tpu.memref_slice %arg9[%rem3A_38, %dma_start3A_40, %dma_start3A_41] : memref<7x128x64xf32, #tpu.memory_space<vmem>> -> memref<1x128x64xf32, #tpu.memory_space<vmem>>
    %dma_start3A_43 = tpu.memref_squeeze %dma_start3A_42 : memref<1x128x64xf32, #tpu.memory_space<vmem>> -> memref<128x64xf32, #tpu.memory_space<vmem>>
    %dma_start3A_44 = arith.constant 0 : i32
    %dma_start3A_45 = tpu.memref_slice %arg7[%dma_start3A_39, %dma_start3A_44] : memref<80x128xi32, #tpu.memory_space<vmem>> -> memref<1x128xi32, #tpu.memory_space<vmem>>
    %dma_start3A_46 = tpu.memref_squeeze %dma_start3A_45 : memref<1x128xi32, #tpu.memory_space<vmem>> -> memref<128xi32, #tpu.memory_space<vmem>>
    %dma_start3A_47 = arith.constant 0 : i32
    %dma_start3A_48 = arith.constant 0 : i32
    %dma_start3A_49 = tpu.memref_slice %arg2[%dma_start3A_47, %dma_start3A_48] : memref<10000x64xf32, #tpu.memory_space<hbm>> -> memref<10000x64xf32, #tpu.memory_space<hbm>>
    %dma_start3A_50 = tpu.memref_slice %arg11[%rem3A_38] : memref<7x!tpu.dma_semaphore, #tpu.memory_space<semaphore_mem>> -> memref<1x!tpu.dma_semaphore, #tpu.memory_space<semaphore_mem>>
    %dma_start3A_51 = tpu.memref_squeeze %dma_start3A_50 : memref<1x!tpu.dma_semaphore, #tpu.memory_space<semaphore_mem>> -> memref<!tpu.dma_semaphore, #tpu.memory_space<semaphore_mem>>
    tpu.enqueue_indirect_dma source(%dma_start3A_49 : memref<10000x64xf32, #tpu.memory_space<hbm>>) target(%dma_start3A_43 : memref<128x64xf32, #tpu.memory_space<vmem>>) offsets(%dma_start3A_46 : memref<128xi32, #tpu.memory_space<vmem>>) semaphore(%dma_start3A_51 : memref<!tpu.dma_semaphore, #tpu.memory_space<semaphore_mem>>)
    %rem3A_52 = arith.constant 2 : i32
    %rem3A_53 = arith.constant 7 : i32
    %rem3A_54 = arith.remsi %rem3A_52, %rem3A_53 : i32
    %dma_start3A_55 = arith.constant 2 : i32
    %dma_start3A_56 = arith.constant 0 : i32
    %dma_start3A_57 = arith.constant 0 : i32
    %dma_start3A_58 = tpu.memref_slice %arg9[%rem3A_54, %dma_start3A_56, %dma_start3A_57] : memref<7x128x64xf32, #tpu.memory_space<vmem>> -> memref<1x128x64xf32, #tpu.memory_space<vmem>>
    %dma_start3A_59 = tpu.memref_squeeze %dma_start3A_58 : memref<1x128x64xf32, #tpu.memory_space<vmem>> -> memref<128x64xf32, #tpu.memory_space<vmem>>
    %dma_start3A_60 = arith.constant 0 : i32
    %dma_start3A_61 = tpu.memref_slice %arg7[%dma_start3A_55, %dma_start3A_60] : memref<80x128xi32, #tpu.memory_space<vmem>> -> memref<1x128xi32, #tpu.memory_space<vmem>>
    %dma_start3A_62 = tpu.memref_squeeze %dma_start3A_61 : memref<1x128xi32, #tpu.memory_space<vmem>> -> memref<128xi32, #tpu.memory_space<vmem>>
    %dma_start3A_63 = arith.constant 0 : i32
    %dma_start3A_64 = arith.constant 0 : i32
    %dma_start3A_65 = tpu.memref_slice %arg2[%dma_start3A_63, %dma_start3A_64] : memref<10000x64xf32, #tpu.memory_space<hbm>> -> memref<10000x64xf32, #tpu.memory_space<hbm>>
    %dma_start3A_66 = tpu.memref_slice %arg11[%rem3A_54] : memref<7x!tpu.dma_semaphore, #tpu.memory_space<semaphore_mem>> -> memref<1x!tpu.dma_semaphore, #tpu.memory_space<semaphore_mem>>
    %dma_start3A_67 = tpu.memref_squeeze %dma_start3A_66 : memref<1x!tpu.dma_semaphore, #tpu.memory_space<semaphore_mem>> -> memref<!tpu.dma_semaphore, #tpu.memory_space<semaphore_mem>>
    tpu.enqueue_indirect_dma source(%dma_start3A_65 : memref<10000x64xf32, #tpu.memory_space<hbm>>) target(%dma_start3A_59 : memref<128x64xf32, #tpu.memory_space<vmem>>) offsets(%dma_start3A_62 : memref<128xi32, #tpu.memory_space<vmem>>) semaphore(%dma_start3A_67 : memref<!tpu.dma_semaphore, #tpu.memory_space<semaphore_mem>>)
    %rem3A_68 = arith.constant 3 : i32
    %rem3A_69 = arith.constant 7 : i32
    %rem3A_70 = arith.remsi %rem3A_68, %rem3A_69 : i32
    %dma_start3A_71 = arith.constant 3 : i32
    %dma_start3A_72 = arith.constant 0 : i32
    %dma_start3A_73 = arith.constant 0 : i32
    %dma_start3A_74 = tpu.memref_slice %arg9[%rem3A_70, %dma_start3A_72, %dma_start3A_73] : memref<7x128x64xf32, #tpu.memory_space<vmem>> -> memref<1x128x64xf32, #tpu.memory_space<vmem>>
    %dma_start3A_75 = tpu.memref_squeeze %dma_start3A_74 : memref<1x128x64xf32, #tpu.memory_space<vmem>> -> memref<128x64xf32, #tpu.memory_space<vmem>>
    %dma_start3A_76 = arith.constant 0 : i32
    %dma_start3A_77 = tpu.memref_slice %arg7[%dma_start3A_71, %dma_start3A_76] : memref<80x128xi32, #tpu.memory_space<vmem>> -> memref<1x128xi32, #tpu.memory_space<vmem>>
    %dma_start3A_78 = tpu.memref_squeeze %dma_start3A_77 : memref<1x128xi32, #tpu.memory_space<vmem>> -> memref<128xi32, #tpu.memory_space<vmem>>
    %dma_start3A_79 = arith.constant 0 : i32
    %dma_start3A_80 = arith.constant 0 : i32
    %dma_start3A_81 = tpu.memref_slice %arg2[%dma_start3A_79, %dma_start3A_80] : memref<10000x64xf32, #tpu.memory_space<hbm>> -> memref<10000x64xf32, #tpu.memory_space<hbm>>
    %dma_start3A_82 = tpu.memref_slice %arg11[%rem3A_70] : memref<7x!tpu.dma_semaphore, #tpu.memory_space<semaphore_mem>> -> memref<1x!tpu.dma_semaphore, #tpu.memory_space<semaphore_mem>>
    %dma_start3A_83 = tpu.memref_squeeze %dma_start3A_82 : memref<1x!tpu.dma_semaphore, #tpu.memory_space<semaphore_mem>> -> memref<!tpu.dma_semaphore, #tpu.memory_space<semaphore_mem>>
    tpu.enqueue_indirect_dma source(%dma_start3A_81 : memref<10000x64xf32, #tpu.memory_space<hbm>>) target(%dma_start3A_75 : memref<128x64xf32, #tpu.memory_space<vmem>>) offsets(%dma_start3A_78 : memref<128xi32, #tpu.memory_space<vmem>>) semaphore(%dma_start3A_83 : memref<!tpu.dma_semaphore, #tpu.memory_space<semaphore_mem>>)
    %scan3A = arith.constant 0 : i32
    %scan3A_84 = arith.constant 0 : i32
    %scan3A_85 = arith.constant 3 : i32
    %scan3A_86 = arith.addi %scan3A_84, %scan3A_85 : i32
    %scan3A_87 = arith.constant 1 : i32
    scf.for %scan3A_108 = %scan3A_84 to %scan3A_86 step %scan3A_87  : i32 {
      %rem3A_109 = arith.constant 7 : i32
      %rem3A_110 = arith.remsi %scan3A_108, %rem3A_109 : i32
      %dma_wait3A = arith.constant 0 : i32
      %dma_wait3A_111 = arith.constant 0 : i32
      %dma_wait3A_112 = tpu.memref_slice %arg9[%rem3A_110, %dma_wait3A, %dma_wait3A_111] : memref<7x128x64xf32, #tpu.memory_space<vmem>> -> memref<1x128x64xf32, #tpu.memory_space<vmem>>
      %dma_wait3A_113 = tpu.memref_squeeze %dma_wait3A_112 : memref<1x128x64xf32, #tpu.memory_space<vmem>> -> memref<128x64xf32, #tpu.memory_space<vmem>>
      %dma_wait3A_114 = arith.constant 0 : i32
      %dma_wait3A_115 = tpu.memref_slice %arg7[%scan3A_108, %dma_wait3A_114] : memref<80x128xi32, #tpu.memory_space<vmem>> -> memref<1x128xi32, #tpu.memory_space<vmem>>
      %dma_wait3A_116 = tpu.memref_squeeze %dma_wait3A_115 : memref<1x128xi32, #tpu.memory_space<vmem>> -> memref<128xi32, #tpu.memory_space<vmem>>
      %dma_wait3A_117 = arith.constant 0 : i32
      %dma_wait3A_118 = arith.constant 0 : i32
      %dma_wait3A_119 = tpu.memref_slice %arg2[%dma_wait3A_117, %dma_wait3A_118] : memref<10000x64xf32, #tpu.memory_space<hbm>> -> memref<10000x64xf32, #tpu.memory_space<hbm>>
      %dma_wait3A_120 = tpu.memref_slice %arg11[%rem3A_110] : memref<7x!tpu.dma_semaphore, #tpu.memory_space<semaphore_mem>> -> memref<1x!tpu.dma_semaphore, #tpu.memory_space<semaphore_mem>>
      %dma_wait3A_121 = tpu.memref_squeeze %dma_wait3A_120 : memref<1x!tpu.dma_semaphore, #tpu.memory_space<semaphore_mem>> -> memref<!tpu.dma_semaphore, #tpu.memory_space<semaphore_mem>>
      tpu.wait_indirect_dma semaphore(%dma_wait3A_121 : memref<!tpu.dma_semaphore, #tpu.memory_space<semaphore_mem>>) src(%dma_wait3A_119 : memref<10000x64xf32, #tpu.memory_space<hbm>>) dst(%dma_wait3A_113 : memref<128x64xf32, #tpu.memory_space<vmem>>)
      %rem3A_122 = arith.constant 7 : i32
      %rem3A_123 = arith.remsi %scan3A_108, %rem3A_122 : i32
      %dma_start3A_124 = arith.constant 0 : i32
      %dma_start3A_125 = arith.constant 0 : i32
      %dma_start3A_126 = tpu.memref_slice %arg9[%rem3A_123, %dma_start3A_124, %dma_start3A_125] : memref<7x128x64xf32, #tpu.memory_space<vmem>> -> memref<1x128x64xf32, #tpu.memory_space<vmem>>
      %dma_start3A_127 = tpu.memref_squeeze %dma_start3A_126 : memref<1x128x64xf32, #tpu.memory_space<vmem>> -> memref<128x64xf32, #tpu.memory_space<vmem>>
      %dma_start3A_128 = arith.constant 0 : i32
      %dma_start3A_129 = tpu.memref_slice %arg8[%scan3A_108, %dma_start3A_128] : memref<80x128xi32, #tpu.memory_space<vmem>> -> memref<1x128xi32, #tpu.memory_space<vmem>>
      %dma_start3A_130 = tpu.memref_squeeze %dma_start3A_129 : memref<1x128xi32, #tpu.memory_space<vmem>> -> memref<128xi32, #tpu.memory_space<vmem>>
      %dma_start3A_131 = arith.constant 0 : i32
      %dma_start3A_132 = arith.constant 0 : i32
      %dma_start3A_133 = tpu.memref_slice %arg10[%dma_start3A_131, %dma_start3A_132] : memref<10240x64xf32, #tpu.memory_space<vmem_shared>> -> memref<10240x64xf32, #tpu.memory_space<vmem_shared>>
      %dma_start3A_134 = tpu.memref_slice %arg12[%rem3A_123] : memref<7x!tpu.dma_semaphore, #tpu.memory_space<semaphore_mem>> -> memref<1x!tpu.dma_semaphore, #tpu.memory_space<semaphore_mem>>
      %dma_start3A_135 = tpu.memref_squeeze %dma_start3A_134 : memref<1x!tpu.dma_semaphore, #tpu.memory_space<semaphore_mem>> -> memref<!tpu.dma_semaphore, #tpu.memory_space<semaphore_mem>>
      tpu.enqueue_indirect_dma source(%dma_start3A_127 : memref<128x64xf32, #tpu.memory_space<vmem>>) target(%dma_start3A_133 : memref<10240x64xf32, #tpu.memory_space<vmem_shared>>) offsets(%dma_start3A_130 : memref<128xi32, #tpu.memory_space<vmem>>) semaphore(%dma_start3A_135 : memref<!tpu.dma_semaphore, #tpu.memory_space<semaphore_mem>>) {add = true}
      %add3A_136 = arith.constant 4 : i32
      %add3A_137 = arith.addi %scan3A_108, %add3A_136 : i32
      %rem3A_138 = arith.constant 7 : i32
      %rem3A_139 = arith.remsi %add3A_137, %rem3A_138 : i32
      %dma_start3A_140 = arith.constant 0 : i32
      %dma_start3A_141 = arith.constant 0 : i32
      %dma_start3A_142 = tpu.memref_slice %arg9[%rem3A_139, %dma_start3A_140, %dma_start3A_141] : memref<7x128x64xf32, #tpu.memory_space<vmem>> -> memref<1x128x64xf32, #tpu.memory_space<vmem>>
      %dma_start3A_143 = tpu.memref_squeeze %dma_start3A_142 : memref<1x128x64xf32, #tpu.memory_space<vmem>> -> memref<128x64xf32, #tpu.memory_space<vmem>>
      %dma_start3A_144 = arith.constant 0 : i32
      %dma_start3A_145 = tpu.memref_slice %arg7[%add3A_137, %dma_start3A_144] : memref<80x128xi32, #tpu.memory_space<vmem>> -> memref<1x128xi32, #tpu.memory_space<vmem>>
      %dma_start3A_146 = tpu.memref_squeeze %dma_start3A_145 : memref<1x128xi32, #tpu.memory_space<vmem>> -> memref<128xi32, #tpu.memory_space<vmem>>
      %dma_start3A_147 = arith.constant 0 : i32
      %dma_start3A_148 = arith.constant 0 : i32
      %dma_start3A_149 = tpu.memref_slice %arg2[%dma_start3A_147, %dma_start3A_148] : memref<10000x64xf32, #tpu.memory_space<hbm>> -> memref<10000x64xf32, #tpu.memory_space<hbm>>
      %dma_start3A_150 = tpu.memref_slice %arg11[%rem3A_139] : memref<7x!tpu.dma_semaphore, #tpu.memory_space<semaphore_mem>> -> memref<1x!tpu.dma_semaphore, #tpu.memory_space<semaphore_mem>>
      %dma_start3A_151 = tpu.memref_squeeze %dma_start3A_150 : memref<1x!tpu.dma_semaphore, #tpu.memory_space<semaphore_mem>> -> memref<!tpu.dma_semaphore, #tpu.memory_space<semaphore_mem>>
      tpu.enqueue_indirect_dma source(%dma_start3A_149 : memref<10000x64xf32, #tpu.memory_space<hbm>>) target(%dma_start3A_143 : memref<128x64xf32, #tpu.memory_space<vmem>>) offsets(%dma_start3A_146 : memref<128xi32, #tpu.memory_space<vmem>>) semaphore(%dma_start3A_151 : memref<!tpu.dma_semaphore, #tpu.memory_space<semaphore_mem>>)
    }
    %scan3A_88 = arith.constant 3 : i32
    %scan3A_89 = arith.constant 0 : i32
    %scan3A_90 = arith.constant 3 : i32
    %scan3A_91 = arith.constant 73 : i32
    %scan3A_92 = arith.addi %scan3A_90, %scan3A_91 : i32
    %scan3A_93 = arith.constant 1 : i32
    scf.for %scan3A_108 = %scan3A_90 to %scan3A_92 step %scan3A_93  : i32 {
      %rem3A_109 = arith.constant 7 : i32
      %rem3A_110 = arith.remsi %scan3A_108, %rem3A_109 : i32
      %dma_wait3A = arith.constant 0 : i32
      %dma_wait3A_111 = arith.constant 0 : i32
      %dma_wait3A_112 = tpu.memref_slice %arg9[%rem3A_110, %dma_wait3A, %dma_wait3A_111] : memref<7x128x64xf32, #tpu.memory_space<vmem>> -> memref<1x128x64xf32, #tpu.memory_space<vmem>>
      %dma_wait3A_113 = tpu.memref_squeeze %dma_wait3A_112 : memref<1x128x64xf32, #tpu.memory_space<vmem>> -> memref<128x64xf32, #tpu.memory_space<vmem>>
      %dma_wait3A_114 = arith.constant 0 : i32
      %dma_wait3A_115 = tpu.memref_slice %arg7[%scan3A_108, %dma_wait3A_114] : memref<80x128xi32, #tpu.memory_space<vmem>> -> memref<1x128xi32, #tpu.memory_space<vmem>>
      %dma_wait3A_116 = tpu.memref_squeeze %dma_wait3A_115 : memref<1x128xi32, #tpu.memory_space<vmem>> -> memref<128xi32, #tpu.memory_space<vmem>>
      %dma_wait3A_117 = arith.constant 0 : i32
      %dma_wait3A_118 = arith.constant 0 : i32
      %dma_wait3A_119 = tpu.memref_slice %arg2[%dma_wait3A_117, %dma_wait3A_118] : memref<10000x64xf32, #tpu.memory_space<hbm>> -> memref<10000x64xf32, #tpu.memory_space<hbm>>
      %dma_wait3A_120 = tpu.memref_slice %arg11[%rem3A_110] : memref<7x!tpu.dma_semaphore, #tpu.memory_space<semaphore_mem>> -> memref<1x!tpu.dma_semaphore, #tpu.memory_space<semaphore_mem>>
      %dma_wait3A_121 = tpu.memref_squeeze %dma_wait3A_120 : memref<1x!tpu.dma_semaphore, #tpu.memory_space<semaphore_mem>> -> memref<!tpu.dma_semaphore, #tpu.memory_space<semaphore_mem>>
      tpu.wait_indirect_dma semaphore(%dma_wait3A_121 : memref<!tpu.dma_semaphore, #tpu.memory_space<semaphore_mem>>) src(%dma_wait3A_119 : memref<10000x64xf32, #tpu.memory_space<hbm>>) dst(%dma_wait3A_113 : memref<128x64xf32, #tpu.memory_space<vmem>>)
      %rem3A_122 = arith.constant 7 : i32
      %rem3A_123 = arith.remsi %scan3A_108, %rem3A_122 : i32
      %dma_start3A_124 = arith.constant 0 : i32
      %dma_start3A_125 = arith.constant 0 : i32
      %dma_start3A_126 = tpu.memref_slice %arg9[%rem3A_123, %dma_start3A_124, %dma_start3A_125] : memref<7x128x64xf32, #tpu.memory_space<vmem>> -> memref<1x128x64xf32, #tpu.memory_space<vmem>>
      %dma_start3A_127 = tpu.memref_squeeze %dma_start3A_126 : memref<1x128x64xf32, #tpu.memory_space<vmem>> -> memref<128x64xf32, #tpu.memory_space<vmem>>
      %dma_start3A_128 = arith.constant 0 : i32
      %dma_start3A_129 = tpu.memref_slice %arg8[%scan3A_108, %dma_start3A_128] : memref<80x128xi32, #tpu.memory_space<vmem>> -> memref<1x128xi32, #tpu.memory_space<vmem>>
      %dma_start3A_130 = tpu.memref_squeeze %dma_start3A_129 : memref<1x128xi32, #tpu.memory_space<vmem>> -> memref<128xi32, #tpu.memory_space<vmem>>
      %dma_start3A_131 = arith.constant 0 : i32
      %dma_start3A_132 = arith.constant 0 : i32
      %dma_start3A_133 = tpu.memref_slice %arg10[%dma_start3A_131, %dma_start3A_132] : memref<10240x64xf32, #tpu.memory_space<vmem_shared>> -> memref<10240x64xf32, #tpu.memory_space<vmem_shared>>
      %dma_start3A_134 = tpu.memref_slice %arg12[%rem3A_123] : memref<7x!tpu.dma_semaphore, #tpu.memory_space<semaphore_mem>> -> memref<1x!tpu.dma_semaphore, #tpu.memory_space<semaphore_mem>>
      %dma_start3A_135 = tpu.memref_squeeze %dma_start3A_134 : memref<1x!tpu.dma_semaphore, #tpu.memory_space<semaphore_mem>> -> memref<!tpu.dma_semaphore, #tpu.memory_space<semaphore_mem>>
      tpu.enqueue_indirect_dma source(%dma_start3A_127 : memref<128x64xf32, #tpu.memory_space<vmem>>) target(%dma_start3A_133 : memref<10240x64xf32, #tpu.memory_space<vmem_shared>>) offsets(%dma_start3A_130 : memref<128xi32, #tpu.memory_space<vmem>>) semaphore(%dma_start3A_135 : memref<!tpu.dma_semaphore, #tpu.memory_space<semaphore_mem>>) {add = true}
      %add3A_136 = arith.constant 4 : i32
      %add3A_137 = arith.addi %scan3A_108, %add3A_136 : i32
      %sub3A = arith.constant 7 : i32
      %sub3A_138 = arith.subi %add3A_137, %sub3A : i32
      %rem3A_139 = arith.constant 7 : i32
      %rem3A_140 = arith.remsi %sub3A_138, %rem3A_139 : i32
      %dma_wait3A_141 = arith.constant 0 : i32
      %dma_wait3A_142 = arith.constant 0 : i32
      %dma_wait3A_143 = tpu.memref_slice %arg9[%rem3A_140, %dma_wait3A_141, %dma_wait3A_142] : memref<7x128x64xf32, #tpu.memory_space<vmem>> -> memref<1x128x64xf32, #tpu.memory_space<vmem>>
      %dma_wait3A_144 = tpu.memref_squeeze %dma_wait3A_143 : memref<1x128x64xf32, #tpu.memory_space<vmem>> -> memref<128x64xf32, #tpu.memory_space<vmem>>
      %dma_wait3A_145 = arith.constant 0 : i32
      %dma_wait3A_146 = tpu.memref_slice %arg8[%sub3A_138, %dma_wait3A_145] : memref<80x128xi32, #tpu.memory_space<vmem>> -> memref<1x128xi32, #tpu.memory_space<vmem>>
      %dma_wait3A_147 = tpu.memref_squeeze %dma_wait3A_146 : memref<1x128xi32, #tpu.memory_space<vmem>> -> memref<128xi32, #tpu.memory_space<vmem>>
      %dma_wait3A_148 = arith.constant 0 : i32
      %dma_wait3A_149 = arith.constant 0 : i32
      %dma_wait3A_150 = tpu.memref_slice %arg10[%dma_wait3A_148, %dma_wait3A_149] : memref<10240x64xf32, #tpu.memory_space<vmem_shared>> -> memref<10240x64xf32, #tpu.memory_space<vmem_shared>>
      %dma_wait3A_151 = tpu.memref_slice %arg12[%rem3A_140] : memref<7x!tpu.dma_semaphore, #tpu.memory_space<semaphore_mem>> -> memref<1x!tpu.dma_semaphore, #tpu.memory_space<semaphore_mem>>
      %dma_wait3A_152 = tpu.memref_squeeze %dma_wait3A_151 : memref<1x!tpu.dma_semaphore, #tpu.memory_space<semaphore_mem>> -> memref<!tpu.dma_semaphore, #tpu.memory_space<semaphore_mem>>
      tpu.wait_indirect_dma semaphore(%dma_wait3A_152 : memref<!tpu.dma_semaphore, #tpu.memory_space<semaphore_mem>>) src(%dma_wait3A_144 : memref<128x64xf32, #tpu.memory_space<vmem>>) dst(%dma_wait3A_150 : memref<10240x64xf32, #tpu.memory_space<vmem_shared>>)
      %add3A_153 = arith.constant 4 : i32
      %add3A_154 = arith.addi %scan3A_108, %add3A_153 : i32
      %rem3A_155 = arith.constant 7 : i32
      %rem3A_156 = arith.remsi %add3A_154, %rem3A_155 : i32
      %dma_start3A_157 = arith.constant 0 : i32
      %dma_start3A_158 = arith.constant 0 : i32
      %dma_start3A_159 = tpu.memref_slice %arg9[%rem3A_156, %dma_start3A_157, %dma_start3A_158] : memref<7x128x64xf32, #tpu.memory_space<vmem>> -> memref<1x128x64xf32, #tpu.memory_space<vmem>>
      %dma_start3A_160 = tpu.memref_squeeze %dma_start3A_159 : memref<1x128x64xf32, #tpu.memory_space<vmem>> -> memref<128x64xf32, #tpu.memory_space<vmem>>
      %dma_start3A_161 = arith.constant 0 : i32
      %dma_start3A_162 = tpu.memref_slice %arg7[%add3A_154, %dma_start3A_161] : memref<80x128xi32, #tpu.memory_space<vmem>> -> memref<1x128xi32, #tpu.memory_space<vmem>>
      %dma_start3A_163 = tpu.memref_squeeze %dma_start3A_162 : memref<1x128xi32, #tpu.memory_space<vmem>> -> memref<128xi32, #tpu.memory_space<vmem>>
      %dma_start3A_164 = arith.constant 0 : i32
      %dma_start3A_165 = arith.constant 0 : i32
      %dma_start3A_166 = tpu.memref_slice %arg2[%dma_start3A_164, %dma_start3A_165] : memref<10000x64xf32, #tpu.memory_space<hbm>> -> memref<10000x64xf32, #tpu.memory_space<hbm>>
      %dma_start3A_167 = tpu.memref_slice %arg11[%rem3A_156] : memref<7x!tpu.dma_semaphore, #tpu.memory_space<semaphore_mem>> -> memref<1x!tpu.dma_semaphore, #tpu.memory_space<semaphore_mem>>
      %dma_start3A_168 = tpu.memref_squeeze %dma_start3A_167 : memref<1x!tpu.dma_semaphore, #tpu.memory_space<semaphore_mem>> -> memref<!tpu.dma_semaphore, #tpu.memory_space<semaphore_mem>>
      tpu.enqueue_indirect_dma source(%dma_start3A_166 : memref<10000x64xf32, #tpu.memory_space<hbm>>) target(%dma_start3A_160 : memref<128x64xf32, #tpu.memory_space<vmem>>) offsets(%dma_start3A_163 : memref<128xi32, #tpu.memory_space<vmem>>) semaphore(%dma_start3A_168 : memref<!tpu.dma_semaphore, #tpu.memory_space<semaphore_mem>>)
    }
    %scan3A_94 = arith.constant 73 : i32
    %scan3A_95 = arith.constant 0 : i32
    %scan3A_96 = arith.constant 76 : i32
    %scan3A_97 = arith.constant 4 : i32
    %scan3A_98 = arith.addi %scan3A_96, %scan3A_97 : i32
    %scan3A_99 = arith.constant 1 : i32
    scf.for %scan3A_108 = %scan3A_96 to %scan3A_98 step %scan3A_99  : i32 {
      %rem3A_109 = arith.constant 7 : i32
      %rem3A_110 = arith.remsi %scan3A_108, %rem3A_109 : i32
      %dma_wait3A = arith.constant 0 : i32
      %dma_wait3A_111 = arith.constant 0 : i32
      %dma_wait3A_112 = tpu.memref_slice %arg9[%rem3A_110, %dma_wait3A, %dma_wait3A_111] : memref<7x128x64xf32, #tpu.memory_space<vmem>> -> memref<1x128x64xf32, #tpu.memory_space<vmem>>
      %dma_wait3A_113 = tpu.memref_squeeze %dma_wait3A_112 : memref<1x128x64xf32, #tpu.memory_space<vmem>> -> memref<128x64xf32, #tpu.memory_space<vmem>>
      %dma_wait3A_114 = arith.constant 0 : i32
      %dma_wait3A_115 = tpu.memref_slice %arg7[%scan3A_108, %dma_wait3A_114] : memref<80x128xi32, #tpu.memory_space<vmem>> -> memref<1x128xi32, #tpu.memory_space<vmem>>
      %dma_wait3A_116 = tpu.memref_squeeze %dma_wait3A_115 : memref<1x128xi32, #tpu.memory_space<vmem>> -> memref<128xi32, #tpu.memory_space<vmem>>
      %dma_wait3A_117 = arith.constant 0 : i32
      %dma_wait3A_118 = arith.constant 0 : i32
      %dma_wait3A_119 = tpu.memref_slice %arg2[%dma_wait3A_117, %dma_wait3A_118] : memref<10000x64xf32, #tpu.memory_space<hbm>> -> memref<10000x64xf32, #tpu.memory_space<hbm>>
      %dma_wait3A_120 = tpu.memref_slice %arg11[%rem3A_110] : memref<7x!tpu.dma_semaphore, #tpu.memory_space<semaphore_mem>> -> memref<1x!tpu.dma_semaphore, #tpu.memory_space<semaphore_mem>>
      %dma_wait3A_121 = tpu.memref_squeeze %dma_wait3A_120 : memref<1x!tpu.dma_semaphore, #tpu.memory_space<semaphore_mem>> -> memref<!tpu.dma_semaphore, #tpu.memory_space<semaphore_mem>>
      tpu.wait_indirect_dma semaphore(%dma_wait3A_121 : memref<!tpu.dma_semaphore, #tpu.memory_space<semaphore_mem>>) src(%dma_wait3A_119 : memref<10000x64xf32, #tpu.memory_space<hbm>>) dst(%dma_wait3A_113 : memref<128x64xf32, #tpu.memory_space<vmem>>)
      %rem3A_122 = arith.constant 7 : i32
      %rem3A_123 = arith.remsi %scan3A_108, %rem3A_122 : i32
      %dma_start3A_124 = arith.constant 0 : i32
      %dma_start3A_125 = arith.constant 0 : i32
      %dma_start3A_126 = tpu.memref_slice %arg9[%rem3A_123, %dma_start3A_124, %dma_start3A_125] : memref<7x128x64xf32, #tpu.memory_space<vmem>> -> memref<1x128x64xf32, #tpu.memory_space<vmem>>
      %dma_start3A_127 = tpu.memref_squeeze %dma_start3A_126 : memref<1x128x64xf32, #tpu.memory_space<vmem>> -> memref<128x64xf32, #tpu.memory_space<vmem>>
      %dma_start3A_128 = arith.constant 0 : i32
      %dma_start3A_129 = tpu.memref_slice %arg8[%scan3A_108, %dma_start3A_128] : memref<80x128xi32, #tpu.memory_space<vmem>> -> memref<1x128xi32, #tpu.memory_space<vmem>>
      %dma_start3A_130 = tpu.memref_squeeze %dma_start3A_129 : memref<1x128xi32, #tpu.memory_space<vmem>> -> memref<128xi32, #tpu.memory_space<vmem>>
      %dma_start3A_131 = arith.constant 0 : i32
      %dma_start3A_132 = arith.constant 0 : i32
      %dma_start3A_133 = tpu.memref_slice %arg10[%dma_start3A_131, %dma_start3A_132] : memref<10240x64xf32, #tpu.memory_space<vmem_shared>> -> memref<10240x64xf32, #tpu.memory_space<vmem_shared>>
      %dma_start3A_134 = tpu.memref_slice %arg12[%rem3A_123] : memref<7x!tpu.dma_semaphore, #tpu.memory_space<semaphore_mem>> -> memref<1x!tpu.dma_semaphore, #tpu.memory_space<semaphore_mem>>
      %dma_start3A_135 = tpu.memref_squeeze %dma_start3A_134 : memref<1x!tpu.dma_semaphore, #tpu.memory_space<semaphore_mem>> -> memref<!tpu.dma_semaphore, #tpu.memory_space<semaphore_mem>>
      tpu.enqueue_indirect_dma source(%dma_start3A_127 : memref<128x64xf32, #tpu.memory_space<vmem>>) target(%dma_start3A_133 : memref<10240x64xf32, #tpu.memory_space<vmem_shared>>) offsets(%dma_start3A_130 : memref<128xi32, #tpu.memory_space<vmem>>) semaphore(%dma_start3A_135 : memref<!tpu.dma_semaphore, #tpu.memory_space<semaphore_mem>>) {add = true}
    }
    %scan3A_100 = arith.constant 4 : i32
    %scan3A_101 = arith.constant 0 : i32
    %scan3A_102 = arith.constant 73 : i32
    %scan3A_103 = arith.constant 7 : i32
    %scan3A_104 = arith.addi %scan3A_102, %scan3A_103 : i32
    %scan3A_105 = arith.constant 1 : i32
    scf.for %scan3A_108 = %scan3A_102 to %scan3A_104 step %scan3A_105  : i32 {
      %rem3A_109 = arith.constant 7 : i32
      %rem3A_110 = arith.remsi %scan3A_108, %rem3A_109 : i32
      %dma_wait3A = arith.constant 0 : i32
      %dma_wait3A_111 = arith.constant 0 : i32
      %dma_wait3A_112 = tpu.memref_slice %arg9[%rem3A_110, %dma_wait3A, %dma_wait3A_111] : memref<7x128x64xf32, #tpu.memory_space<vmem>> -> memref<1x128x64xf32, #tpu.memory_space<vmem>>
      %dma_wait3A_113 = tpu.memref_squeeze %dma_wait3A_112 : memref<1x128x64xf32, #tpu.memory_space<vmem>> -> memref<128x64xf32, #tpu.memory_space<vmem>>
      %dma_wait3A_114 = arith.constant 0 : i32
      %dma_wait3A_115 = tpu.memref_slice %arg8[%scan3A_108, %dma_wait3A_114] : memref<80x128xi32, #tpu.memory_space<vmem>> -> memref<1x128xi32, #tpu.memory_space<vmem>>
      %dma_wait3A_116 = tpu.memref_squeeze %dma_wait3A_115 : memref<1x128xi32, #tpu.memory_space<vmem>> -> memref<128xi32, #tpu.memory_space<vmem>>
      %dma_wait3A_117 = arith.constant 0 : i32
      %dma_wait3A_118 = arith.constant 0 : i32
      %dma_wait3A_119 = tpu.memref_slice %arg10[%dma_wait3A_117, %dma_wait3A_118] : memref<10240x64xf32, #tpu.memory_space<vmem_shared>> -> memref<10240x64xf32, #tpu.memory_space<vmem_shared>>
      %dma_wait3A_120 = tpu.memref_slice %arg12[%rem3A_110] : memref<7x!tpu.dma_semaphore, #tpu.memory_space<semaphore_mem>> -> memref<1x!tpu.dma_semaphore, #tpu.memory_space<semaphore_mem>>
      %dma_wait3A_121 = tpu.memref_squeeze %dma_wait3A_120 : memref<1x!tpu.dma_semaphore, #tpu.memory_space<semaphore_mem>> -> memref<!tpu.dma_semaphore, #tpu.memory_space<semaphore_mem>>
      tpu.wait_indirect_dma semaphore(%dma_wait3A_121 : memref<!tpu.dma_semaphore, #tpu.memory_space<semaphore_mem>>) src(%dma_wait3A_113 : memref<128x64xf32, #tpu.memory_space<vmem>>) dst(%dma_wait3A_119 : memref<10240x64xf32, #tpu.memory_space<vmem_shared>>)
    }
    %scan3A_106 = arith.constant 7 : i32
    %barrier3A_107 = arith.constant 0 : index
    tpu.barrier barrier_id(%barrier3A_107)
    "tpu.region"() ({
      %run_scoped3A_108 = tpu.sem_alloc : memref<!tpu.dma_semaphore, #tpu.memory_space<semaphore_mem>>
      %dma_start3A_109 = arith.constant 0 : i32
      %dma_start3A_110 = tpu.memref_slice %arg6[%arg0, %mul3A_2, %dma_start3A_109] : memref<2x10240x64xf32, #tpu.memory_space<hbm>> -> memref<1x640x64xf32, #tpu.memory_space<hbm>>
      %dma_start3A_111 = tpu.memref_squeeze %dma_start3A_110 : memref<1x640x64xf32, #tpu.memory_space<hbm>> -> memref<640x64xf32, #tpu.memory_space<hbm>>
      %dma_start3A_112 = arith.constant 0 : i32
      %dma_start3A_113 = tpu.memref_slice %arg10[%mul3A_2, %dma_start3A_112] : memref<10240x64xf32, #tpu.memory_space<vmem_shared>> -> memref<640x64xf32, #tpu.memory_space<vmem_shared>>
      tpu.enqueue_dma source(%dma_start3A_113 : memref<640x64xf32, #tpu.memory_space<vmem_shared>>) target(%dma_start3A_111 : memref<640x64xf32, #tpu.memory_space<hbm>>) target_semaphore(%run_scoped3A_108 : memref<!tpu.dma_semaphore, #tpu.memory_space<semaphore_mem>>)
      %dma_wait3A = arith.constant 0 : i32
      %dma_wait3A_114 = tpu.memref_slice %arg6[%arg0, %mul3A_2, %dma_wait3A] : memref<2x10240x64xf32, #tpu.memory_space<hbm>> -> memref<1x640x64xf32, #tpu.memory_space<hbm>>
      %dma_wait3A_115 = tpu.memref_squeeze %dma_wait3A_114 : memref<1x640x64xf32, #tpu.memory_space<hbm>> -> memref<640x64xf32, #tpu.memory_space<hbm>>
      %dma_wait3A_116 = arith.constant 0 : i32
      %dma_wait3A_117 = tpu.memref_slice %arg10[%mul3A_2, %dma_wait3A_116] : memref<10240x64xf32, #tpu.memory_space<vmem_shared>> -> memref<640x64xf32, #tpu.memory_space<vmem_shared>>
      tpu.wait_dma2 semaphore(%run_scoped3A_108 : memref<!tpu.dma_semaphore, #tpu.memory_space<semaphore_mem>>) src(%dma_wait3A_117 : memref<640x64xf32, #tpu.memory_space<vmem_shared>>) dst(%dma_wait3A_115 : memref<640x64xf32, #tpu.memory_space<hbm>>)
      tpu.yield
    }) : () -> ()
    return
  }
}

#map = affine_map<(d0, d1) -> (0, 0)>
#map1 = affine_map<(d0, d1) -> (0, 0, 0, 0)>
module attributes {stable_mosaic.version = 14 : i64} {
  func.func @_deg_body(%arg0: i32, %arg1: i32, %arg2: memref<2560x128xi32, #tpu.memory_space<hbm>>, %arg3: memref<2560x128xi32, #tpu.memory_space<hbm>>, %arg4: memref<128x16xf32, #tpu.memory_space<hbm>>, %arg5: memref<128x16xf32, #tpu.memory_space<hbm>>, %arg6: memref<2x2x10240x16xf32, #tpu.memory_space<hbm>>, %arg7: memref<80x128xi32, #tpu.memory_space<vmem>>, %arg8: memref<80x128xi32, #tpu.memory_space<vmem>>, %arg9: memref<128x16xf32, #tpu.memory_space<vmem>>, %arg10: memref<128x16xf32, #tpu.memory_space<vmem>>, %arg11: memref<10240x16xf32, #tpu.memory_space<vmem_shared>>, %arg12: memref<10240x16xf32, #tpu.memory_space<vmem_shared>>, %arg13: memref<!tpu.dma_semaphore, #tpu.memory_space<semaphore_mem>>, %arg14: memref<!tpu.dma_semaphore, #tpu.memory_space<semaphore_mem>>) attributes {dimension_semantics = [#tpu.dimension_semantics<core_parallel>, #tpu.dimension_semantics<subcore_parallel>], iteration_bounds = array<i64: 2, 16>, scalar_prefetch = 0 : i64, scratch_operands = 8 : i64, tpu.core_type = #tpu.core_type<sc_vector_subcore>, window_params = [{transform_indices = #map}, {transform_indices = #map}, {transform_indices = #map}, {transform_indices = #map}, {transform_indices = #map1}]} {
    %mul3A = arith.constant 16 : i32
    %mul3A_0 = arith.muli %arg0, %mul3A : i32
    %add3A = arith.addi %mul3A_0, %arg1 : i32
    "tpu.region"() ({
      %run_scoped3A_40 = tpu.sem_alloc : memref<!tpu.dma_semaphore, #tpu.memory_space<semaphore_mem>>
      tpu.enqueue_dma source(%arg4 : memref<128x16xf32, #tpu.memory_space<hbm>>) target(%arg9 : memref<128x16xf32, #tpu.memory_space<vmem>>) target_semaphore(%run_scoped3A_40 : memref<!tpu.dma_semaphore, #tpu.memory_space<semaphore_mem>>)
      tpu.wait_dma2 semaphore(%run_scoped3A_40 : memref<!tpu.dma_semaphore, #tpu.memory_space<semaphore_mem>>) src(%arg4 : memref<128x16xf32, #tpu.memory_space<hbm>>) dst(%arg9 : memref<128x16xf32, #tpu.memory_space<vmem>>)
      tpu.yield
    }) : () -> ()
    "tpu.region"() ({
      %run_scoped3A_40 = tpu.sem_alloc : memref<!tpu.dma_semaphore, #tpu.memory_space<semaphore_mem>>
      tpu.enqueue_dma source(%arg5 : memref<128x16xf32, #tpu.memory_space<hbm>>) target(%arg10 : memref<128x16xf32, #tpu.memory_space<vmem>>) target_semaphore(%run_scoped3A_40 : memref<!tpu.dma_semaphore, #tpu.memory_space<semaphore_mem>>)
      tpu.wait_dma2 semaphore(%run_scoped3A_40 : memref<!tpu.dma_semaphore, #tpu.memory_space<semaphore_mem>>) src(%arg5 : memref<128x16xf32, #tpu.memory_space<hbm>>) dst(%arg10 : memref<128x16xf32, #tpu.memory_space<vmem>>)
      tpu.yield
    }) : () -> ()
    %mul3A_1 = arith.constant 640 : i32
    %mul3A_2 = arith.muli %arg1, %mul3A_1 : i32
    %add3A_3 = arith.constant 0 : i32
    %add3A_4 = arith.addi %mul3A_2, %add3A_3 : i32
    "tpu.region"() ({
      %run_scoped3A_40 = tpu.sem_alloc : memref<!tpu.dma_semaphore, #tpu.memory_space<semaphore_mem>>
      %dma_start3A = arith.constant 0 : i32
      %dma_start3A_41 = tpu.memref_slice %arg11[%add3A_4, %dma_start3A] : memref<10240x16xf32, #tpu.memory_space<vmem_shared>> -> memref<128x16xf32, #tpu.memory_space<vmem_shared>>
      %dma_start3A_42 = arith.constant 0 : i32
      %dma_start3A_43 = tpu.memref_slice %arg11[%add3A_4, %dma_start3A_42] : memref<10240x16xf32, #tpu.memory_space<vmem_shared>> -> memref<128x16xf32, #tpu.memory_space<vmem_shared>>
      tpu.enqueue_dma source(%arg10 : memref<128x16xf32, #tpu.memory_space<vmem>>) target(%dma_start3A_43 : memref<128x16xf32, #tpu.memory_space<vmem_shared>>) target_semaphore(%run_scoped3A_40 : memref<!tpu.dma_semaphore, #tpu.memory_space<semaphore_mem>>)
      %dma_wait3A = arith.constant 0 : i32
      %dma_wait3A_44 = tpu.memref_slice %arg11[%add3A_4, %dma_wait3A] : memref<10240x16xf32, #tpu.memory_space<vmem_shared>> -> memref<128x16xf32, #tpu.memory_space<vmem_shared>>
      %dma_wait3A_45 = arith.constant 0 : i32
      %dma_wait3A_46 = tpu.memref_slice %arg11[%add3A_4, %dma_wait3A_45] : memref<10240x16xf32, #tpu.memory_space<vmem_shared>> -> memref<128x16xf32, #tpu.memory_space<vmem_shared>>
      tpu.wait_dma2 semaphore(%run_scoped3A_40 : memref<!tpu.dma_semaphore, #tpu.memory_space<semaphore_mem>>) src(%arg10 : memref<128x16xf32, #tpu.memory_space<vmem>>) dst(%dma_wait3A_46 : memref<128x16xf32, #tpu.memory_space<vmem_shared>>)
      tpu.yield
    }) : () -> ()
    %add3A_5 = arith.constant 0 : i32
    %add3A_6 = arith.addi %mul3A_2, %add3A_5 : i32
    "tpu.region"() ({
      %run_scoped3A_40 = tpu.sem_alloc : memref<!tpu.dma_semaphore, #tpu.memory_space<semaphore_mem>>
      %dma_start3A = arith.constant 0 : i32
      %dma_start3A_41 = tpu.memref_slice %arg12[%add3A_6, %dma_start3A] : memref<10240x16xf32, #tpu.memory_space<vmem_shared>> -> memref<128x16xf32, #tpu.memory_space<vmem_shared>>
      %dma_start3A_42 = arith.constant 0 : i32
      %dma_start3A_43 = tpu.memref_slice %arg12[%add3A_6, %dma_start3A_42] : memref<10240x16xf32, #tpu.memory_space<vmem_shared>> -> memref<128x16xf32, #tpu.memory_space<vmem_shared>>
      tpu.enqueue_dma source(%arg10 : memref<128x16xf32, #tpu.memory_space<vmem>>) target(%dma_start3A_43 : memref<128x16xf32, #tpu.memory_space<vmem_shared>>) target_semaphore(%run_scoped3A_40 : memref<!tpu.dma_semaphore, #tpu.memory_space<semaphore_mem>>)
      %dma_wait3A = arith.constant 0 : i32
      %dma_wait3A_44 = tpu.memref_slice %arg12[%add3A_6, %dma_wait3A] : memref<10240x16xf32, #tpu.memory_space<vmem_shared>> -> memref<128x16xf32, #tpu.memory_space<vmem_shared>>
      %dma_wait3A_45 = arith.constant 0 : i32
      %dma_wait3A_46 = tpu.memref_slice %arg12[%add3A_6, %dma_wait3A_45] : memref<10240x16xf32, #tpu.memory_space<vmem_shared>> -> memref<128x16xf32, #tpu.memory_space<vmem_shared>>
      tpu.wait_dma2 semaphore(%run_scoped3A_40 : memref<!tpu.dma_semaphore, #tpu.memory_space<semaphore_mem>>) src(%arg10 : memref<128x16xf32, #tpu.memory_space<vmem>>) dst(%dma_wait3A_46 : memref<128x16xf32, #tpu.memory_space<vmem_shared>>)
      tpu.yield
    }) : () -> ()
    %add3A_7 = arith.constant 128 : i32
    %add3A_8 = arith.addi %mul3A_2, %add3A_7 : i32
    "tpu.region"() ({
      %run_scoped3A_40 = tpu.sem_alloc : memref<!tpu.dma_semaphore, #tpu.memory_space<semaphore_mem>>
      %dma_start3A = arith.constant 0 : i32
      %dma_start3A_41 = tpu.memref_slice %arg11[%add3A_8, %dma_start3A] : memref<10240x16xf32, #tpu.memory_space<vmem_shared>> -> memref<128x16xf32, #tpu.memory_space<vmem_shared>>
      %dma_start3A_42 = arith.constant 0 : i32
      %dma_start3A_43 = tpu.memref_slice %arg11[%add3A_8, %dma_start3A_42] : memref<10240x16xf32, #tpu.memory_space<vmem_shared>> -> memref<128x16xf32, #tpu.memory_space<vmem_shared>>
      tpu.enqueue_dma source(%arg10 : memref<128x16xf32, #tpu.memory_space<vmem>>) target(%dma_start3A_43 : memref<128x16xf32, #tpu.memory_space<vmem_shared>>) target_semaphore(%run_scoped3A_40 : memref<!tpu.dma_semaphore, #tpu.memory_space<semaphore_mem>>)
      %dma_wait3A = arith.constant 0 : i32
      %dma_wait3A_44 = tpu.memref_slice %arg11[%add3A_8, %dma_wait3A] : memref<10240x16xf32, #tpu.memory_space<vmem_shared>> -> memref<128x16xf32, #tpu.memory_space<vmem_shared>>
      %dma_wait3A_45 = arith.constant 0 : i32
      %dma_wait3A_46 = tpu.memref_slice %arg11[%add3A_8, %dma_wait3A_45] : memref<10240x16xf32, #tpu.memory_space<vmem_shared>> -> memref<128x16xf32, #tpu.memory_space<vmem_shared>>
      tpu.wait_dma2 semaphore(%run_scoped3A_40 : memref<!tpu.dma_semaphore, #tpu.memory_space<semaphore_mem>>) src(%arg10 : memref<128x16xf32, #tpu.memory_space<vmem>>) dst(%dma_wait3A_46 : memref<128x16xf32, #tpu.memory_space<vmem_shared>>)
      tpu.yield
    }) : () -> ()
    %add3A_9 = arith.constant 128 : i32
    %add3A_10 = arith.addi %mul3A_2, %add3A_9 : i32
    "tpu.region"() ({
      %run_scoped3A_40 = tpu.sem_alloc : memref<!tpu.dma_semaphore, #tpu.memory_space<semaphore_mem>>
      %dma_start3A = arith.constant 0 : i32
      %dma_start3A_41 = tpu.memref_slice %arg12[%add3A_10, %dma_start3A] : memref<10240x16xf32, #tpu.memory_space<vmem_shared>> -> memref<128x16xf32, #tpu.memory_space<vmem_shared>>
      %dma_start3A_42 = arith.constant 0 : i32
      %dma_start3A_43 = tpu.memref_slice %arg12[%add3A_10, %dma_start3A_42] : memref<10240x16xf32, #tpu.memory_space<vmem_shared>> -> memref<128x16xf32, #tpu.memory_space<vmem_shared>>
      tpu.enqueue_dma source(%arg10 : memref<128x16xf32, #tpu.memory_space<vmem>>) target(%dma_start3A_43 : memref<128x16xf32, #tpu.memory_space<vmem_shared>>) target_semaphore(%run_scoped3A_40 : memref<!tpu.dma_semaphore, #tpu.memory_space<semaphore_mem>>)
      %dma_wait3A = arith.constant 0 : i32
      %dma_wait3A_44 = tpu.memref_slice %arg12[%add3A_10, %dma_wait3A] : memref<10240x16xf32, #tpu.memory_space<vmem_shared>> -> memref<128x16xf32, #tpu.memory_space<vmem_shared>>
      %dma_wait3A_45 = arith.constant 0 : i32
      %dma_wait3A_46 = tpu.memref_slice %arg12[%add3A_10, %dma_wait3A_45] : memref<10240x16xf32, #tpu.memory_space<vmem_shared>> -> memref<128x16xf32, #tpu.memory_space<vmem_shared>>
      tpu.wait_dma2 semaphore(%run_scoped3A_40 : memref<!tpu.dma_semaphore, #tpu.memory_space<semaphore_mem>>) src(%arg10 : memref<128x16xf32, #tpu.memory_space<vmem>>) dst(%dma_wait3A_46 : memref<128x16xf32, #tpu.memory_space<vmem_shared>>)
      tpu.yield
    }) : () -> ()
    %add3A_11 = arith.constant 256 : i32
    %add3A_12 = arith.addi %mul3A_2, %add3A_11 : i32
    "tpu.region"() ({
      %run_scoped3A_40 = tpu.sem_alloc : memref<!tpu.dma_semaphore, #tpu.memory_space<semaphore_mem>>
      %dma_start3A = arith.constant 0 : i32
      %dma_start3A_41 = tpu.memref_slice %arg11[%add3A_12, %dma_start3A] : memref<10240x16xf32, #tpu.memory_space<vmem_shared>> -> memref<128x16xf32, #tpu.memory_space<vmem_shared>>
      %dma_start3A_42 = arith.constant 0 : i32
      %dma_start3A_43 = tpu.memref_slice %arg11[%add3A_12, %dma_start3A_42] : memref<10240x16xf32, #tpu.memory_space<vmem_shared>> -> memref<128x16xf32, #tpu.memory_space<vmem_shared>>
      tpu.enqueue_dma source(%arg10 : memref<128x16xf32, #tpu.memory_space<vmem>>) target(%dma_start3A_43 : memref<128x16xf32, #tpu.memory_space<vmem_shared>>) target_semaphore(%run_scoped3A_40 : memref<!tpu.dma_semaphore, #tpu.memory_space<semaphore_mem>>)
      %dma_wait3A = arith.constant 0 : i32
      %dma_wait3A_44 = tpu.memref_slice %arg11[%add3A_12, %dma_wait3A] : memref<10240x16xf32, #tpu.memory_space<vmem_shared>> -> memref<128x16xf32, #tpu.memory_space<vmem_shared>>
      %dma_wait3A_45 = arith.constant 0 : i32
      %dma_wait3A_46 = tpu.memref_slice %arg11[%add3A_12, %dma_wait3A_45] : memref<10240x16xf32, #tpu.memory_space<vmem_shared>> -> memref<128x16xf32, #tpu.memory_space<vmem_shared>>
      tpu.wait_dma2 semaphore(%run_scoped3A_40 : memref<!tpu.dma_semaphore, #tpu.memory_space<semaphore_mem>>) src(%arg10 : memref<128x16xf32, #tpu.memory_space<vmem>>) dst(%dma_wait3A_46 : memref<128x16xf32, #tpu.memory_space<vmem_shared>>)
      tpu.yield
    }) : () -> ()
    %add3A_13 = arith.constant 256 : i32
    %add3A_14 = arith.addi %mul3A_2, %add3A_13 : i32
    "tpu.region"() ({
      %run_scoped3A_40 = tpu.sem_alloc : memref<!tpu.dma_semaphore, #tpu.memory_space<semaphore_mem>>
      %dma_start3A = arith.constant 0 : i32
      %dma_start3A_41 = tpu.memref_slice %arg12[%add3A_14, %dma_start3A] : memref<10240x16xf32, #tpu.memory_space<vmem_shared>> -> memref<128x16xf32, #tpu.memory_space<vmem_shared>>
      %dma_start3A_42 = arith.constant 0 : i32
      %dma_start3A_43 = tpu.memref_slice %arg12[%add3A_14, %dma_start3A_42] : memref<10240x16xf32, #tpu.memory_space<vmem_shared>> -> memref<128x16xf32, #tpu.memory_space<vmem_shared>>
      tpu.enqueue_dma source(%arg10 : memref<128x16xf32, #tpu.memory_space<vmem>>) target(%dma_start3A_43 : memref<128x16xf32, #tpu.memory_space<vmem_shared>>) target_semaphore(%run_scoped3A_40 : memref<!tpu.dma_semaphore, #tpu.memory_space<semaphore_mem>>)
      %dma_wait3A = arith.constant 0 : i32
      %dma_wait3A_44 = tpu.memref_slice %arg12[%add3A_14, %dma_wait3A] : memref<10240x16xf32, #tpu.memory_space<vmem_shared>> -> memref<128x16xf32, #tpu.memory_space<vmem_shared>>
      %dma_wait3A_45 = arith.constant 0 : i32
      %dma_wait3A_46 = tpu.memref_slice %arg12[%add3A_14, %dma_wait3A_45] : memref<10240x16xf32, #tpu.memory_space<vmem_shared>> -> memref<128x16xf32, #tpu.memory_space<vmem_shared>>
      tpu.wait_dma2 semaphore(%run_scoped3A_40 : memref<!tpu.dma_semaphore, #tpu.memory_space<semaphore_mem>>) src(%arg10 : memref<128x16xf32, #tpu.memory_space<vmem>>) dst(%dma_wait3A_46 : memref<128x16xf32, #tpu.memory_space<vmem_shared>>)
      tpu.yield
    }) : () -> ()
    %add3A_15 = arith.constant 384 : i32
    %add3A_16 = arith.addi %mul3A_2, %add3A_15 : i32
    "tpu.region"() ({
      %run_scoped3A_40 = tpu.sem_alloc : memref<!tpu.dma_semaphore, #tpu.memory_space<semaphore_mem>>
      %dma_start3A = arith.constant 0 : i32
      %dma_start3A_41 = tpu.memref_slice %arg11[%add3A_16, %dma_start3A] : memref<10240x16xf32, #tpu.memory_space<vmem_shared>> -> memref<128x16xf32, #tpu.memory_space<vmem_shared>>
      %dma_start3A_42 = arith.constant 0 : i32
      %dma_start3A_43 = tpu.memref_slice %arg11[%add3A_16, %dma_start3A_42] : memref<10240x16xf32, #tpu.memory_space<vmem_shared>> -> memref<128x16xf32, #tpu.memory_space<vmem_shared>>
      tpu.enqueue_dma source(%arg10 : memref<128x16xf32, #tpu.memory_space<vmem>>) target(%dma_start3A_43 : memref<128x16xf32, #tpu.memory_space<vmem_shared>>) target_semaphore(%run_scoped3A_40 : memref<!tpu.dma_semaphore, #tpu.memory_space<semaphore_mem>>)
      %dma_wait3A = arith.constant 0 : i32
      %dma_wait3A_44 = tpu.memref_slice %arg11[%add3A_16, %dma_wait3A] : memref<10240x16xf32, #tpu.memory_space<vmem_shared>> -> memref<128x16xf32, #tpu.memory_space<vmem_shared>>
      %dma_wait3A_45 = arith.constant 0 : i32
      %dma_wait3A_46 = tpu.memref_slice %arg11[%add3A_16, %dma_wait3A_45] : memref<10240x16xf32, #tpu.memory_space<vmem_shared>> -> memref<128x16xf32, #tpu.memory_space<vmem_shared>>
      tpu.wait_dma2 semaphore(%run_scoped3A_40 : memref<!tpu.dma_semaphore, #tpu.memory_space<semaphore_mem>>) src(%arg10 : memref<128x16xf32, #tpu.memory_space<vmem>>) dst(%dma_wait3A_46 : memref<128x16xf32, #tpu.memory_space<vmem_shared>>)
      tpu.yield
    }) : () -> ()
    %add3A_17 = arith.constant 384 : i32
    %add3A_18 = arith.addi %mul3A_2, %add3A_17 : i32
    "tpu.region"() ({
      %run_scoped3A_40 = tpu.sem_alloc : memref<!tpu.dma_semaphore, #tpu.memory_space<semaphore_mem>>
      %dma_start3A = arith.constant 0 : i32
      %dma_start3A_41 = tpu.memref_slice %arg12[%add3A_18, %dma_start3A] : memref<10240x16xf32, #tpu.memory_space<vmem_shared>> -> memref<128x16xf32, #tpu.memory_space<vmem_shared>>
      %dma_start3A_42 = arith.constant 0 : i32
      %dma_start3A_43 = tpu.memref_slice %arg12[%add3A_18, %dma_start3A_42] : memref<10240x16xf32, #tpu.memory_space<vmem_shared>> -> memref<128x16xf32, #tpu.memory_space<vmem_shared>>
      tpu.enqueue_dma source(%arg10 : memref<128x16xf32, #tpu.memory_space<vmem>>) target(%dma_start3A_43 : memref<128x16xf32, #tpu.memory_space<vmem_shared>>) target_semaphore(%run_scoped3A_40 : memref<!tpu.dma_semaphore, #tpu.memory_space<semaphore_mem>>)
      %dma_wait3A = arith.constant 0 : i32
      %dma_wait3A_44 = tpu.memref_slice %arg12[%add3A_18, %dma_wait3A] : memref<10240x16xf32, #tpu.memory_space<vmem_shared>> -> memref<128x16xf32, #tpu.memory_space<vmem_shared>>
      %dma_wait3A_45 = arith.constant 0 : i32
      %dma_wait3A_46 = tpu.memref_slice %arg12[%add3A_18, %dma_wait3A_45] : memref<10240x16xf32, #tpu.memory_space<vmem_shared>> -> memref<128x16xf32, #tpu.memory_space<vmem_shared>>
      tpu.wait_dma2 semaphore(%run_scoped3A_40 : memref<!tpu.dma_semaphore, #tpu.memory_space<semaphore_mem>>) src(%arg10 : memref<128x16xf32, #tpu.memory_space<vmem>>) dst(%dma_wait3A_46 : memref<128x16xf32, #tpu.memory_space<vmem_shared>>)
      tpu.yield
    }) : () -> ()
    %add3A_19 = arith.constant 512 : i32
    %add3A_20 = arith.addi %mul3A_2, %add3A_19 : i32
    "tpu.region"() ({
      %run_scoped3A_40 = tpu.sem_alloc : memref<!tpu.dma_semaphore, #tpu.memory_space<semaphore_mem>>
      %dma_start3A = arith.constant 0 : i32
      %dma_start3A_41 = tpu.memref_slice %arg11[%add3A_20, %dma_start3A] : memref<10240x16xf32, #tpu.memory_space<vmem_shared>> -> memref<128x16xf32, #tpu.memory_space<vmem_shared>>
      %dma_start3A_42 = arith.constant 0 : i32
      %dma_start3A_43 = tpu.memref_slice %arg11[%add3A_20, %dma_start3A_42] : memref<10240x16xf32, #tpu.memory_space<vmem_shared>> -> memref<128x16xf32, #tpu.memory_space<vmem_shared>>
      tpu.enqueue_dma source(%arg10 : memref<128x16xf32, #tpu.memory_space<vmem>>) target(%dma_start3A_43 : memref<128x16xf32, #tpu.memory_space<vmem_shared>>) target_semaphore(%run_scoped3A_40 : memref<!tpu.dma_semaphore, #tpu.memory_space<semaphore_mem>>)
      %dma_wait3A = arith.constant 0 : i32
      %dma_wait3A_44 = tpu.memref_slice %arg11[%add3A_20, %dma_wait3A] : memref<10240x16xf32, #tpu.memory_space<vmem_shared>> -> memref<128x16xf32, #tpu.memory_space<vmem_shared>>
      %dma_wait3A_45 = arith.constant 0 : i32
      %dma_wait3A_46 = tpu.memref_slice %arg11[%add3A_20, %dma_wait3A_45] : memref<10240x16xf32, #tpu.memory_space<vmem_shared>> -> memref<128x16xf32, #tpu.memory_space<vmem_shared>>
      tpu.wait_dma2 semaphore(%run_scoped3A_40 : memref<!tpu.dma_semaphore, #tpu.memory_space<semaphore_mem>>) src(%arg10 : memref<128x16xf32, #tpu.memory_space<vmem>>) dst(%dma_wait3A_46 : memref<128x16xf32, #tpu.memory_space<vmem_shared>>)
      tpu.yield
    }) : () -> ()
    %add3A_21 = arith.constant 512 : i32
    %add3A_22 = arith.addi %mul3A_2, %add3A_21 : i32
    "tpu.region"() ({
      %run_scoped3A_40 = tpu.sem_alloc : memref<!tpu.dma_semaphore, #tpu.memory_space<semaphore_mem>>
      %dma_start3A = arith.constant 0 : i32
      %dma_start3A_41 = tpu.memref_slice %arg12[%add3A_22, %dma_start3A] : memref<10240x16xf32, #tpu.memory_space<vmem_shared>> -> memref<128x16xf32, #tpu.memory_space<vmem_shared>>
      %dma_start3A_42 = arith.constant 0 : i32
      %dma_start3A_43 = tpu.memref_slice %arg12[%add3A_22, %dma_start3A_42] : memref<10240x16xf32, #tpu.memory_space<vmem_shared>> -> memref<128x16xf32, #tpu.memory_space<vmem_shared>>
      tpu.enqueue_dma source(%arg10 : memref<128x16xf32, #tpu.memory_space<vmem>>) target(%dma_start3A_43 : memref<128x16xf32, #tpu.memory_space<vmem_shared>>) target_semaphore(%run_scoped3A_40 : memref<!tpu.dma_semaphore, #tpu.memory_space<semaphore_mem>>)
      %dma_wait3A = arith.constant 0 : i32
      %dma_wait3A_44 = tpu.memref_slice %arg12[%add3A_22, %dma_wait3A] : memref<10240x16xf32, #tpu.memory_space<vmem_shared>> -> memref<128x16xf32, #tpu.memory_space<vmem_shared>>
      %dma_wait3A_45 = arith.constant 0 : i32
      %dma_wait3A_46 = tpu.memref_slice %arg12[%add3A_22, %dma_wait3A_45] : memref<10240x16xf32, #tpu.memory_space<vmem_shared>> -> memref<128x16xf32, #tpu.memory_space<vmem_shared>>
      tpu.wait_dma2 semaphore(%run_scoped3A_40 : memref<!tpu.dma_semaphore, #tpu.memory_space<semaphore_mem>>) src(%arg10 : memref<128x16xf32, #tpu.memory_space<vmem>>) dst(%dma_wait3A_46 : memref<128x16xf32, #tpu.memory_space<vmem_shared>>)
      tpu.yield
    }) : () -> ()
    %mul3A_23 = arith.constant 80 : i32
    %mul3A_24 = arith.muli %add3A, %mul3A_23 : i32
    "tpu.region"() ({
      %run_scoped3A_40 = tpu.sem_alloc : memref<!tpu.dma_semaphore, #tpu.memory_space<semaphore_mem>>
      %dma_start3A = arith.constant 0 : i32
      %dma_start3A_41 = tpu.memref_slice %arg2[%mul3A_24, %dma_start3A] : memref<2560x128xi32, #tpu.memory_space<hbm>> -> memref<80x128xi32, #tpu.memory_space<hbm>>
      %dma_start3A_42 = arith.constant 0 : i32
      %dma_start3A_43 = tpu.memref_slice %arg2[%mul3A_24, %dma_start3A_42] : memref<2560x128xi32, #tpu.memory_space<hbm>> -> memref<80x128xi32, #tpu.memory_space<hbm>>
      tpu.enqueue_dma source(%dma_start3A_43 : memref<80x128xi32, #tpu.memory_space<hbm>>) target(%arg7 : memref<80x128xi32, #tpu.memory_space<vmem>>) target_semaphore(%run_scoped3A_40 : memref<!tpu.dma_semaphore, #tpu.memory_space<semaphore_mem>>)
      %dma_wait3A = arith.constant 0 : i32
      %dma_wait3A_44 = tpu.memref_slice %arg2[%mul3A_24, %dma_wait3A] : memref<2560x128xi32, #tpu.memory_space<hbm>> -> memref<80x128xi32, #tpu.memory_space<hbm>>
      %dma_wait3A_45 = arith.constant 0 : i32
      %dma_wait3A_46 = tpu.memref_slice %arg2[%mul3A_24, %dma_wait3A_45] : memref<2560x128xi32, #tpu.memory_space<hbm>> -> memref<80x128xi32, #tpu.memory_space<hbm>>
      tpu.wait_dma2 semaphore(%run_scoped3A_40 : memref<!tpu.dma_semaphore, #tpu.memory_space<semaphore_mem>>) src(%dma_wait3A_46 : memref<80x128xi32, #tpu.memory_space<hbm>>) dst(%arg7 : memref<80x128xi32, #tpu.memory_space<vmem>>)
      tpu.yield
    }) : () -> ()
    %mul3A_25 = arith.constant 80 : i32
    %mul3A_26 = arith.muli %add3A, %mul3A_25 : i32
    "tpu.region"() ({
      %run_scoped3A_40 = tpu.sem_alloc : memref<!tpu.dma_semaphore, #tpu.memory_space<semaphore_mem>>
      %dma_start3A = arith.constant 0 : i32
      %dma_start3A_41 = tpu.memref_slice %arg3[%mul3A_26, %dma_start3A] : memref<2560x128xi32, #tpu.memory_space<hbm>> -> memref<80x128xi32, #tpu.memory_space<hbm>>
      %dma_start3A_42 = arith.constant 0 : i32
      %dma_start3A_43 = tpu.memref_slice %arg3[%mul3A_26, %dma_start3A_42] : memref<2560x128xi32, #tpu.memory_space<hbm>> -> memref<80x128xi32, #tpu.memory_space<hbm>>
      tpu.enqueue_dma source(%dma_start3A_43 : memref<80x128xi32, #tpu.memory_space<hbm>>) target(%arg8 : memref<80x128xi32, #tpu.memory_space<vmem>>) target_semaphore(%run_scoped3A_40 : memref<!tpu.dma_semaphore, #tpu.memory_space<semaphore_mem>>)
      %dma_wait3A = arith.constant 0 : i32
      %dma_wait3A_44 = tpu.memref_slice %arg3[%mul3A_26, %dma_wait3A] : memref<2560x128xi32, #tpu.memory_space<hbm>> -> memref<80x128xi32, #tpu.memory_space<hbm>>
      %dma_wait3A_45 = arith.constant 0 : i32
      %dma_wait3A_46 = tpu.memref_slice %arg3[%mul3A_26, %dma_wait3A_45] : memref<2560x128xi32, #tpu.memory_space<hbm>> -> memref<80x128xi32, #tpu.memory_space<hbm>>
      tpu.wait_dma2 semaphore(%run_scoped3A_40 : memref<!tpu.dma_semaphore, #tpu.memory_space<semaphore_mem>>) src(%dma_wait3A_46 : memref<80x128xi32, #tpu.memory_space<hbm>>) dst(%arg8 : memref<80x128xi32, #tpu.memory_space<vmem>>)
      tpu.yield
    }) : () -> ()
    %barrier3A = arith.constant 0 : index
    tpu.barrier barrier_id(%barrier3A)
    %scan3A = arith.constant 0 : i32
    %scan3A_27 = arith.constant 0 : i32
    %scan3A_28 = arith.constant 80 : i32
    %scan3A_29 = arith.addi %scan3A_27, %scan3A_28 : i32
    %scan3A_30 = arith.constant 1 : i32
    scf.for %scan3A_40 = %scan3A_27 to %scan3A_29 step %scan3A_30  : i32 {
      %dma_start3A = arith.constant 0 : i32
      %dma_start3A_41 = tpu.memref_slice %arg7[%scan3A_40, %dma_start3A] : memref<80x128xi32, #tpu.memory_space<vmem>> -> memref<1x128xi32, #tpu.memory_space<vmem>>
      %dma_start3A_42 = tpu.memref_squeeze %dma_start3A_41 : memref<1x128xi32, #tpu.memory_space<vmem>> -> memref<128xi32, #tpu.memory_space<vmem>>
      %dma_start3A_43 = arith.constant 0 : i32
      %dma_start3A_44 = arith.constant 0 : i32
      %dma_start3A_45 = tpu.memref_slice %arg11[%dma_start3A_43, %dma_start3A_44] : memref<10240x16xf32, #tpu.memory_space<vmem_shared>> -> memref<10240x16xf32, #tpu.memory_space<vmem_shared>>
      tpu.enqueue_indirect_dma source(%arg9 : memref<128x16xf32, #tpu.memory_space<vmem>>) target(%dma_start3A_45 : memref<10240x16xf32, #tpu.memory_space<vmem_shared>>) offsets(%dma_start3A_42 : memref<128xi32, #tpu.memory_space<vmem>>) semaphore(%arg13 : memref<!tpu.dma_semaphore, #tpu.memory_space<semaphore_mem>>) {add = true}
      %dma_start3A_46 = arith.constant 0 : i32
      %dma_start3A_47 = tpu.memref_slice %arg8[%scan3A_40, %dma_start3A_46] : memref<80x128xi32, #tpu.memory_space<vmem>> -> memref<1x128xi32, #tpu.memory_space<vmem>>
      %dma_start3A_48 = tpu.memref_squeeze %dma_start3A_47 : memref<1x128xi32, #tpu.memory_space<vmem>> -> memref<128xi32, #tpu.memory_space<vmem>>
      %dma_start3A_49 = arith.constant 0 : i32
      %dma_start3A_50 = arith.constant 0 : i32
      %dma_start3A_51 = tpu.memref_slice %arg12[%dma_start3A_49, %dma_start3A_50] : memref<10240x16xf32, #tpu.memory_space<vmem_shared>> -> memref<10240x16xf32, #tpu.memory_space<vmem_shared>>
      tpu.enqueue_indirect_dma source(%arg9 : memref<128x16xf32, #tpu.memory_space<vmem>>) target(%dma_start3A_51 : memref<10240x16xf32, #tpu.memory_space<vmem_shared>>) offsets(%dma_start3A_48 : memref<128xi32, #tpu.memory_space<vmem>>) semaphore(%arg14 : memref<!tpu.dma_semaphore, #tpu.memory_space<semaphore_mem>>) {add = true}
    }
    %scan3A_31 = arith.constant 80 : i32
    %scan3A_32 = arith.constant 0 : i32
    %scan3A_33 = arith.constant 0 : i32
    %scan3A_34 = arith.constant 80 : i32
    %scan3A_35 = arith.addi %scan3A_33, %scan3A_34 : i32
    %scan3A_36 = arith.constant 1 : i32
    scf.for %scan3A_40 = %scan3A_33 to %scan3A_35 step %scan3A_36  : i32 {
      %dma_wait3A = arith.constant 0 : i32
      %dma_wait3A_41 = tpu.memref_slice %arg7[%scan3A_40, %dma_wait3A] : memref<80x128xi32, #tpu.memory_space<vmem>> -> memref<1x128xi32, #tpu.memory_space<vmem>>
      %dma_wait3A_42 = tpu.memref_squeeze %dma_wait3A_41 : memref<1x128xi32, #tpu.memory_space<vmem>> -> memref<128xi32, #tpu.memory_space<vmem>>
      %dma_wait3A_43 = arith.constant 0 : i32
      %dma_wait3A_44 = arith.constant 0 : i32
      %dma_wait3A_45 = tpu.memref_slice %arg11[%dma_wait3A_43, %dma_wait3A_44] : memref<10240x16xf32, #tpu.memory_space<vmem_shared>> -> memref<10240x16xf32, #tpu.memory_space<vmem_shared>>
      tpu.wait_indirect_dma semaphore(%arg13 : memref<!tpu.dma_semaphore, #tpu.memory_space<semaphore_mem>>) src(%arg9 : memref<128x16xf32, #tpu.memory_space<vmem>>) dst(%dma_wait3A_45 : memref<10240x16xf32, #tpu.memory_space<vmem_shared>>)
      %dma_wait3A_46 = arith.constant 0 : i32
      %dma_wait3A_47 = tpu.memref_slice %arg8[%scan3A_40, %dma_wait3A_46] : memref<80x128xi32, #tpu.memory_space<vmem>> -> memref<1x128xi32, #tpu.memory_space<vmem>>
      %dma_wait3A_48 = tpu.memref_squeeze %dma_wait3A_47 : memref<1x128xi32, #tpu.memory_space<vmem>> -> memref<128xi32, #tpu.memory_space<vmem>>
      %dma_wait3A_49 = arith.constant 0 : i32
      %dma_wait3A_50 = arith.constant 0 : i32
      %dma_wait3A_51 = tpu.memref_slice %arg12[%dma_wait3A_49, %dma_wait3A_50] : memref<10240x16xf32, #tpu.memory_space<vmem_shared>> -> memref<10240x16xf32, #tpu.memory_space<vmem_shared>>
      tpu.wait_indirect_dma semaphore(%arg14 : memref<!tpu.dma_semaphore, #tpu.memory_space<semaphore_mem>>) src(%arg9 : memref<128x16xf32, #tpu.memory_space<vmem>>) dst(%dma_wait3A_51 : memref<10240x16xf32, #tpu.memory_space<vmem_shared>>)
    }
    %scan3A_37 = arith.constant 80 : i32
    %barrier3A_38 = arith.constant 0 : index
    tpu.barrier barrier_id(%barrier3A_38)
    %run_scoped3A = arith.constant 0 : i32
    "tpu.region"() ({
      %run_scoped3A_40 = tpu.sem_alloc : memref<!tpu.dma_semaphore, #tpu.memory_space<semaphore_mem>>
      %dma_start3A = arith.constant 0 : i32
      %dma_start3A_41 = tpu.memref_slice %arg6[%arg0, %run_scoped3A, %mul3A_2, %dma_start3A] : memref<2x2x10240x16xf32, #tpu.memory_space<hbm>> -> memref<1x1x640x16xf32, #tpu.memory_space<hbm>>
      %dma_start3A_42 = tpu.memref_squeeze %dma_start3A_41 : memref<1x1x640x16xf32, #tpu.memory_space<hbm>> -> memref<640x16xf32, #tpu.memory_space<hbm>>
      %dma_start3A_43 = arith.constant 0 : i32
      %dma_start3A_44 = tpu.memref_slice %arg11[%mul3A_2, %dma_start3A_43] : memref<10240x16xf32, #tpu.memory_space<vmem_shared>> -> memref<640x16xf32, #tpu.memory_space<vmem_shared>>
      tpu.enqueue_dma source(%dma_start3A_44 : memref<640x16xf32, #tpu.memory_space<vmem_shared>>) target(%dma_start3A_42 : memref<640x16xf32, #tpu.memory_space<hbm>>) target_semaphore(%run_scoped3A_40 : memref<!tpu.dma_semaphore, #tpu.memory_space<semaphore_mem>>)
      %dma_wait3A = arith.constant 0 : i32
      %dma_wait3A_45 = tpu.memref_slice %arg6[%arg0, %run_scoped3A, %mul3A_2, %dma_wait3A] : memref<2x2x10240x16xf32, #tpu.memory_space<hbm>> -> memref<1x1x640x16xf32, #tpu.memory_space<hbm>>
      %dma_wait3A_46 = tpu.memref_squeeze %dma_wait3A_45 : memref<1x1x640x16xf32, #tpu.memory_space<hbm>> -> memref<640x16xf32, #tpu.memory_space<hbm>>
      %dma_wait3A_47 = arith.constant 0 : i32
      %dma_wait3A_48 = tpu.memref_slice %arg11[%mul3A_2, %dma_wait3A_47] : memref<10240x16xf32, #tpu.memory_space<vmem_shared>> -> memref<640x16xf32, #tpu.memory_space<vmem_shared>>
      tpu.wait_dma2 semaphore(%run_scoped3A_40 : memref<!tpu.dma_semaphore, #tpu.memory_space<semaphore_mem>>) src(%dma_wait3A_48 : memref<640x16xf32, #tpu.memory_space<vmem_shared>>) dst(%dma_wait3A_46 : memref<640x16xf32, #tpu.memory_space<hbm>>)
      tpu.yield
    }) : () -> ()
    %run_scoped3A_39 = arith.constant 1 : i32
    "tpu.region"() ({
      %run_scoped3A_40 = tpu.sem_alloc : memref<!tpu.dma_semaphore, #tpu.memory_space<semaphore_mem>>
      %dma_start3A = arith.constant 0 : i32
      %dma_start3A_41 = tpu.memref_slice %arg6[%arg0, %run_scoped3A_39, %mul3A_2, %dma_start3A] : memref<2x2x10240x16xf32, #tpu.memory_space<hbm>> -> memref<1x1x640x16xf32, #tpu.memory_space<hbm>>
      %dma_start3A_42 = tpu.memref_squeeze %dma_start3A_41 : memref<1x1x640x16xf32, #tpu.memory_space<hbm>> -> memref<640x16xf32, #tpu.memory_space<hbm>>
      %dma_start3A_43 = arith.constant 0 : i32
      %dma_start3A_44 = tpu.memref_slice %arg12[%mul3A_2, %dma_start3A_43] : memref<10240x16xf32, #tpu.memory_space<vmem_shared>> -> memref<640x16xf32, #tpu.memory_space<vmem_shared>>
      tpu.enqueue_dma source(%dma_start3A_44 : memref<640x16xf32, #tpu.memory_space<vmem_shared>>) target(%dma_start3A_42 : memref<640x16xf32, #tpu.memory_space<hbm>>) target_semaphore(%run_scoped3A_40 : memref<!tpu.dma_semaphore, #tpu.memory_space<semaphore_mem>>)
      %dma_wait3A = arith.constant 0 : i32
      %dma_wait3A_45 = tpu.memref_slice %arg6[%arg0, %run_scoped3A_39, %mul3A_2, %dma_wait3A] : memref<2x2x10240x16xf32, #tpu.memory_space<hbm>> -> memref<1x1x640x16xf32, #tpu.memory_space<hbm>>
      %dma_wait3A_46 = tpu.memref_squeeze %dma_wait3A_45 : memref<1x1x640x16xf32, #tpu.memory_space<hbm>> -> memref<640x16xf32, #tpu.memory_space<hbm>>
      %dma_wait3A_47 = arith.constant 0 : i32
      %dma_wait3A_48 = tpu.memref_slice %arg12[%mul3A_2, %dma_wait3A_47] : memref<10240x16xf32, #tpu.memory_space<vmem_shared>> -> memref<640x16xf32, #tpu.memory_space<vmem_shared>>
      tpu.wait_dma2 semaphore(%run_scoped3A_40 : memref<!tpu.dma_semaphore, #tpu.memory_space<semaphore_mem>>) src(%dma_wait3A_48 : memref<640x16xf32, #tpu.memory_space<vmem_shared>>) dst(%dma_wait3A_46 : memref<640x16xf32, #tpu.memory_space<hbm>>)
      tpu.yield
    }) : () -> ()
    return
  }
}

#map = affine_map<(d0, d1) -> (0, 0)>
#map1 = affine_map<(d0, d1) -> (0, 0, 0)>
module attributes {stable_mosaic.version = 14 : i64} {
  func.func @_prop_body(%arg0: i32, %arg1: i32, %arg2: memref<10000x64xf32, #tpu.memory_space<hbm>>, %arg3: memref<2560x128xi32, #tpu.memory_space<hbm>>, %arg4: memref<2560x128xi32, #tpu.memory_space<hbm>>, %arg5: memref<128x64xf32, #tpu.memory_space<hbm>>, %arg6: memref<2x10240x64xf32, #tpu.memory_space<hbm>>, %arg7: memref<80x128xi32, #tpu.memory_space<vmem>>, %arg8: memref<80x128xi32, #tpu.memory_space<vmem>>, %arg9: memref<7x128x64xf32, #tpu.memory_space<vmem>>, %arg10: memref<10240x64xf32, #tpu.memory_space<vmem_shared>>, %arg11: memref<7x!tpu.dma_semaphore, #tpu.memory_space<semaphore_mem>>, %arg12: memref<7x!tpu.dma_semaphore, #tpu.memory_space<semaphore_mem>>) attributes {dimension_semantics = [#tpu.dimension_semantics<core_parallel>, #tpu.dimension_semantics<subcore_parallel>], iteration_bounds = array<i64: 2, 16>, scalar_prefetch = 0 : i64, scratch_operands = 6 : i64, tpu.core_type = #tpu.core_type<sc_vector_subcore>, window_params = [{transform_indices = #map}, {transform_indices = #map}, {transform_indices = #map}, {transform_indices = #map}, {transform_indices = #map1}]} {
    %mul3A = arith.constant 16 : i32
    %mul3A_0 = arith.muli %arg0, %mul3A : i32
    %add3A = arith.addi %mul3A_0, %arg1 : i32
    %run_scoped3A = arith.constant 0 : i32
    "tpu.region"() ({
      %run_scoped3A_108 = tpu.sem_alloc : memref<!tpu.dma_semaphore, #tpu.memory_space<semaphore_mem>>
      %dma_start3A_109 = arith.constant 0 : i32
      %dma_start3A_110 = arith.constant 0 : i32
      %dma_start3A_111 = tpu.memref_slice %arg9[%run_scoped3A, %dma_start3A_109, %dma_start3A_110] : memref<7x128x64xf32, #tpu.memory_space<vmem>> -> memref<1x128x64xf32, #tpu.memory_space<vmem>>
      %dma_start3A_112 = tpu.memref_squeeze %dma_start3A_111 : memref<1x128x64xf32, #tpu.memory_space<vmem>> -> memref<128x64xf32, #tpu.memory_space<vmem>>
      %dma_start3A_113 = arith.constant 0 : i32
      %dma_start3A_114 = arith.constant 0 : i32
      %dma_start3A_115 = tpu.memref_slice %arg9[%run_scoped3A, %dma_start3A_113, %dma_start3A_114] : memref<7x128x64xf32, #tpu.memory_space<vmem>> -> memref<1x128x64xf32, #tpu.memory_space<vmem>>
      %dma_start3A_116 = tpu.memref_squeeze %dma_start3A_115 : memref<1x128x64xf32, #tpu.memory_space<vmem>> -> memref<128x64xf32, #tpu.memory_space<vmem>>
      tpu.enqueue_dma source(%arg5 : memref<128x64xf32, #tpu.memory_space<hbm>>) target(%dma_start3A_116 : memref<128x64xf32, #tpu.memory_space<vmem>>) target_semaphore(%run_scoped3A_108 : memref<!tpu.dma_semaphore, #tpu.memory_space<semaphore_mem>>)
      %dma_wait3A = arith.constant 0 : i32
      %dma_wait3A_117 = arith.constant 0 : i32
      %dma_wait3A_118 = tpu.memref_slice %arg9[%run_scoped3A, %dma_wait3A, %dma_wait3A_117] : memref<7x128x64xf32, #tpu.memory_space<vmem>> -> memref<1x128x64xf32, #tpu.memory_space<vmem>>
      %dma_wait3A_119 = tpu.memref_squeeze %dma_wait3A_118 : memref<1x128x64xf32, #tpu.memory_space<vmem>> -> memref<128x64xf32, #tpu.memory_space<vmem>>
      %dma_wait3A_120 = arith.constant 0 : i32
      %dma_wait3A_121 = arith.constant 0 : i32
      %dma_wait3A_122 = tpu.memref_slice %arg9[%run_scoped3A, %dma_wait3A_120, %dma_wait3A_121] : memref<7x128x64xf32, #tpu.memory_space<vmem>> -> memref<1x128x64xf32, #tpu.memory_space<vmem>>
      %dma_wait3A_123 = tpu.memref_squeeze %dma_wait3A_122 : memref<1x128x64xf32, #tpu.memory_space<vmem>> -> memref<128x64xf32, #tpu.memory_space<vmem>>
      tpu.wait_dma2 semaphore(%run_scoped3A_108 : memref<!tpu.dma_semaphore, #tpu.memory_space<semaphore_mem>>) src(%arg5 : memref<128x64xf32, #tpu.memory_space<hbm>>) dst(%dma_wait3A_123 : memref<128x64xf32, #tpu.memory_space<vmem>>)
      tpu.yield
    }) : () -> ()
    %mul3A_1 = arith.constant 640 : i32
    %mul3A_2 = arith.muli %arg1, %mul3A_1 : i32
    %add3A_3 = arith.constant 0 : i32
    %add3A_4 = arith.addi %mul3A_2, %add3A_3 : i32
    %run_scoped3A_5 = arith.constant 0 : i32
    "tpu.region"() ({
      %run_scoped3A_108 = tpu.sem_alloc : memref<!tpu.dma_semaphore, #tpu.memory_space<semaphore_mem>>
      %dma_start3A_109 = arith.constant 0 : i32
      %dma_start3A_110 = arith.constant 0 : i32
      %dma_start3A_111 = tpu.memref_slice %arg9[%run_scoped3A_5, %dma_start3A_109, %dma_start3A_110] : memref<7x128x64xf32, #tpu.memory_space<vmem>> -> memref<1x128x64xf32, #tpu.memory_space<vmem>>
      %dma_start3A_112 = tpu.memref_squeeze %dma_start3A_111 : memref<1x128x64xf32, #tpu.memory_space<vmem>> -> memref<128x64xf32, #tpu.memory_space<vmem>>
      %dma_start3A_113 = arith.constant 0 : i32
      %dma_start3A_114 = tpu.memref_slice %arg10[%add3A_4, %dma_start3A_113] : memref<10240x64xf32, #tpu.memory_space<vmem_shared>> -> memref<128x64xf32, #tpu.memory_space<vmem_shared>>
      %dma_start3A_115 = arith.constant 0 : i32
      %dma_start3A_116 = tpu.memref_slice %arg10[%add3A_4, %dma_start3A_115] : memref<10240x64xf32, #tpu.memory_space<vmem_shared>> -> memref<128x64xf32, #tpu.memory_space<vmem_shared>>
      %dma_start3A_117 = arith.constant 0 : i32
      %dma_start3A_118 = arith.constant 0 : i32
      %dma_start3A_119 = tpu.memref_slice %arg9[%run_scoped3A_5, %dma_start3A_117, %dma_start3A_118] : memref<7x128x64xf32, #tpu.memory_space<vmem>> -> memref<1x128x64xf32, #tpu.memory_space<vmem>>
      %dma_start3A_120 = tpu.memref_squeeze %dma_start3A_119 : memref<1x128x64xf32, #tpu.memory_space<vmem>> -> memref<128x64xf32, #tpu.memory_space<vmem>>
      tpu.enqueue_dma source(%dma_start3A_120 : memref<128x64xf32, #tpu.memory_space<vmem>>) target(%dma_start3A_116 : memref<128x64xf32, #tpu.memory_space<vmem_shared>>) target_semaphore(%run_scoped3A_108 : memref<!tpu.dma_semaphore, #tpu.memory_space<semaphore_mem>>)
      %dma_wait3A = arith.constant 0 : i32
      %dma_wait3A_121 = arith.constant 0 : i32
      %dma_wait3A_122 = tpu.memref_slice %arg9[%run_scoped3A_5, %dma_wait3A, %dma_wait3A_121] : memref<7x128x64xf32, #tpu.memory_space<vmem>> -> memref<1x128x64xf32, #tpu.memory_space<vmem>>
      %dma_wait3A_123 = tpu.memref_squeeze %dma_wait3A_122 : memref<1x128x64xf32, #tpu.memory_space<vmem>> -> memref<128x64xf32, #tpu.memory_space<vmem>>
      %dma_wait3A_124 = arith.constant 0 : i32
      %dma_wait3A_125 = tpu.memref_slice %arg10[%add3A_4, %dma_wait3A_124] : memref<10240x64xf32, #tpu.memory_space<vmem_shared>> -> memref<128x64xf32, #tpu.memory_space<vmem_shared>>
      %dma_wait3A_126 = arith.constant 0 : i32
      %dma_wait3A_127 = tpu.memref_slice %arg10[%add3A_4, %dma_wait3A_126] : memref<10240x64xf32, #tpu.memory_space<vmem_shared>> -> memref<128x64xf32, #tpu.memory_space<vmem_shared>>
      %dma_wait3A_128 = arith.constant 0 : i32
      %dma_wait3A_129 = arith.constant 0 : i32
      %dma_wait3A_130 = tpu.memref_slice %arg9[%run_scoped3A_5, %dma_wait3A_128, %dma_wait3A_129] : memref<7x128x64xf32, #tpu.memory_space<vmem>> -> memref<1x128x64xf32, #tpu.memory_space<vmem>>
      %dma_wait3A_131 = tpu.memref_squeeze %dma_wait3A_130 : memref<1x128x64xf32, #tpu.memory_space<vmem>> -> memref<128x64xf32, #tpu.memory_space<vmem>>
      tpu.wait_dma2 semaphore(%run_scoped3A_108 : memref<!tpu.dma_semaphore, #tpu.memory_space<semaphore_mem>>) src(%dma_wait3A_131 : memref<128x64xf32, #tpu.memory_space<vmem>>) dst(%dma_wait3A_127 : memref<128x64xf32, #tpu.memory_space<vmem_shared>>)
      tpu.yield
    }) : () -> ()
    %add3A_6 = arith.constant 128 : i32
    %add3A_7 = arith.addi %mul3A_2, %add3A_6 : i32
    %run_scoped3A_8 = arith.constant 0 : i32
    "tpu.region"() ({
      %run_scoped3A_108 = tpu.sem_alloc : memref<!tpu.dma_semaphore, #tpu.memory_space<semaphore_mem>>
      %dma_start3A_109 = arith.constant 0 : i32
      %dma_start3A_110 = arith.constant 0 : i32
      %dma_start3A_111 = tpu.memref_slice %arg9[%run_scoped3A_8, %dma_start3A_109, %dma_start3A_110] : memref<7x128x64xf32, #tpu.memory_space<vmem>> -> memref<1x128x64xf32, #tpu.memory_space<vmem>>
      %dma_start3A_112 = tpu.memref_squeeze %dma_start3A_111 : memref<1x128x64xf32, #tpu.memory_space<vmem>> -> memref<128x64xf32, #tpu.memory_space<vmem>>
      %dma_start3A_113 = arith.constant 0 : i32
      %dma_start3A_114 = tpu.memref_slice %arg10[%add3A_7, %dma_start3A_113] : memref<10240x64xf32, #tpu.memory_space<vmem_shared>> -> memref<128x64xf32, #tpu.memory_space<vmem_shared>>
      %dma_start3A_115 = arith.constant 0 : i32
      %dma_start3A_116 = tpu.memref_slice %arg10[%add3A_7, %dma_start3A_115] : memref<10240x64xf32, #tpu.memory_space<vmem_shared>> -> memref<128x64xf32, #tpu.memory_space<vmem_shared>>
      %dma_start3A_117 = arith.constant 0 : i32
      %dma_start3A_118 = arith.constant 0 : i32
      %dma_start3A_119 = tpu.memref_slice %arg9[%run_scoped3A_8, %dma_start3A_117, %dma_start3A_118] : memref<7x128x64xf32, #tpu.memory_space<vmem>> -> memref<1x128x64xf32, #tpu.memory_space<vmem>>
      %dma_start3A_120 = tpu.memref_squeeze %dma_start3A_119 : memref<1x128x64xf32, #tpu.memory_space<vmem>> -> memref<128x64xf32, #tpu.memory_space<vmem>>
      tpu.enqueue_dma source(%dma_start3A_120 : memref<128x64xf32, #tpu.memory_space<vmem>>) target(%dma_start3A_116 : memref<128x64xf32, #tpu.memory_space<vmem_shared>>) target_semaphore(%run_scoped3A_108 : memref<!tpu.dma_semaphore, #tpu.memory_space<semaphore_mem>>)
      %dma_wait3A = arith.constant 0 : i32
      %dma_wait3A_121 = arith.constant 0 : i32
      %dma_wait3A_122 = tpu.memref_slice %arg9[%run_scoped3A_8, %dma_wait3A, %dma_wait3A_121] : memref<7x128x64xf32, #tpu.memory_space<vmem>> -> memref<1x128x64xf32, #tpu.memory_space<vmem>>
      %dma_wait3A_123 = tpu.memref_squeeze %dma_wait3A_122 : memref<1x128x64xf32, #tpu.memory_space<vmem>> -> memref<128x64xf32, #tpu.memory_space<vmem>>
      %dma_wait3A_124 = arith.constant 0 : i32
      %dma_wait3A_125 = tpu.memref_slice %arg10[%add3A_7, %dma_wait3A_124] : memref<10240x64xf32, #tpu.memory_space<vmem_shared>> -> memref<128x64xf32, #tpu.memory_space<vmem_shared>>
      %dma_wait3A_126 = arith.constant 0 : i32
      %dma_wait3A_127 = tpu.memref_slice %arg10[%add3A_7, %dma_wait3A_126] : memref<10240x64xf32, #tpu.memory_space<vmem_shared>> -> memref<128x64xf32, #tpu.memory_space<vmem_shared>>
      %dma_wait3A_128 = arith.constant 0 : i32
      %dma_wait3A_129 = arith.constant 0 : i32
      %dma_wait3A_130 = tpu.memref_slice %arg9[%run_scoped3A_8, %dma_wait3A_128, %dma_wait3A_129] : memref<7x128x64xf32, #tpu.memory_space<vmem>> -> memref<1x128x64xf32, #tpu.memory_space<vmem>>
      %dma_wait3A_131 = tpu.memref_squeeze %dma_wait3A_130 : memref<1x128x64xf32, #tpu.memory_space<vmem>> -> memref<128x64xf32, #tpu.memory_space<vmem>>
      tpu.wait_dma2 semaphore(%run_scoped3A_108 : memref<!tpu.dma_semaphore, #tpu.memory_space<semaphore_mem>>) src(%dma_wait3A_131 : memref<128x64xf32, #tpu.memory_space<vmem>>) dst(%dma_wait3A_127 : memref<128x64xf32, #tpu.memory_space<vmem_shared>>)
      tpu.yield
    }) : () -> ()
    %add3A_9 = arith.constant 256 : i32
    %add3A_10 = arith.addi %mul3A_2, %add3A_9 : i32
    %run_scoped3A_11 = arith.constant 0 : i32
    "tpu.region"() ({
      %run_scoped3A_108 = tpu.sem_alloc : memref<!tpu.dma_semaphore, #tpu.memory_space<semaphore_mem>>
      %dma_start3A_109 = arith.constant 0 : i32
      %dma_start3A_110 = arith.constant 0 : i32
      %dma_start3A_111 = tpu.memref_slice %arg9[%run_scoped3A_11, %dma_start3A_109, %dma_start3A_110] : memref<7x128x64xf32, #tpu.memory_space<vmem>> -> memref<1x128x64xf32, #tpu.memory_space<vmem>>
      %dma_start3A_112 = tpu.memref_squeeze %dma_start3A_111 : memref<1x128x64xf32, #tpu.memory_space<vmem>> -> memref<128x64xf32, #tpu.memory_space<vmem>>
      %dma_start3A_113 = arith.constant 0 : i32
      %dma_start3A_114 = tpu.memref_slice %arg10[%add3A_10, %dma_start3A_113] : memref<10240x64xf32, #tpu.memory_space<vmem_shared>> -> memref<128x64xf32, #tpu.memory_space<vmem_shared>>
      %dma_start3A_115 = arith.constant 0 : i32
      %dma_start3A_116 = tpu.memref_slice %arg10[%add3A_10, %dma_start3A_115] : memref<10240x64xf32, #tpu.memory_space<vmem_shared>> -> memref<128x64xf32, #tpu.memory_space<vmem_shared>>
      %dma_start3A_117 = arith.constant 0 : i32
      %dma_start3A_118 = arith.constant 0 : i32
      %dma_start3A_119 = tpu.memref_slice %arg9[%run_scoped3A_11, %dma_start3A_117, %dma_start3A_118] : memref<7x128x64xf32, #tpu.memory_space<vmem>> -> memref<1x128x64xf32, #tpu.memory_space<vmem>>
      %dma_start3A_120 = tpu.memref_squeeze %dma_start3A_119 : memref<1x128x64xf32, #tpu.memory_space<vmem>> -> memref<128x64xf32, #tpu.memory_space<vmem>>
      tpu.enqueue_dma source(%dma_start3A_120 : memref<128x64xf32, #tpu.memory_space<vmem>>) target(%dma_start3A_116 : memref<128x64xf32, #tpu.memory_space<vmem_shared>>) target_semaphore(%run_scoped3A_108 : memref<!tpu.dma_semaphore, #tpu.memory_space<semaphore_mem>>)
      %dma_wait3A = arith.constant 0 : i32
      %dma_wait3A_121 = arith.constant 0 : i32
      %dma_wait3A_122 = tpu.memref_slice %arg9[%run_scoped3A_11, %dma_wait3A, %dma_wait3A_121] : memref<7x128x64xf32, #tpu.memory_space<vmem>> -> memref<1x128x64xf32, #tpu.memory_space<vmem>>
      %dma_wait3A_123 = tpu.memref_squeeze %dma_wait3A_122 : memref<1x128x64xf32, #tpu.memory_space<vmem>> -> memref<128x64xf32, #tpu.memory_space<vmem>>
      %dma_wait3A_124 = arith.constant 0 : i32
      %dma_wait3A_125 = tpu.memref_slice %arg10[%add3A_10, %dma_wait3A_124] : memref<10240x64xf32, #tpu.memory_space<vmem_shared>> -> memref<128x64xf32, #tpu.memory_space<vmem_shared>>
      %dma_wait3A_126 = arith.constant 0 : i32
      %dma_wait3A_127 = tpu.memref_slice %arg10[%add3A_10, %dma_wait3A_126] : memref<10240x64xf32, #tpu.memory_space<vmem_shared>> -> memref<128x64xf32, #tpu.memory_space<vmem_shared>>
      %dma_wait3A_128 = arith.constant 0 : i32
      %dma_wait3A_129 = arith.constant 0 : i32
      %dma_wait3A_130 = tpu.memref_slice %arg9[%run_scoped3A_11, %dma_wait3A_128, %dma_wait3A_129] : memref<7x128x64xf32, #tpu.memory_space<vmem>> -> memref<1x128x64xf32, #tpu.memory_space<vmem>>
      %dma_wait3A_131 = tpu.memref_squeeze %dma_wait3A_130 : memref<1x128x64xf32, #tpu.memory_space<vmem>> -> memref<128x64xf32, #tpu.memory_space<vmem>>
      tpu.wait_dma2 semaphore(%run_scoped3A_108 : memref<!tpu.dma_semaphore, #tpu.memory_space<semaphore_mem>>) src(%dma_wait3A_131 : memref<128x64xf32, #tpu.memory_space<vmem>>) dst(%dma_wait3A_127 : memref<128x64xf32, #tpu.memory_space<vmem_shared>>)
      tpu.yield
    }) : () -> ()
    %add3A_12 = arith.constant 384 : i32
    %add3A_13 = arith.addi %mul3A_2, %add3A_12 : i32
    %run_scoped3A_14 = arith.constant 0 : i32
    "tpu.region"() ({
      %run_scoped3A_108 = tpu.sem_alloc : memref<!tpu.dma_semaphore, #tpu.memory_space<semaphore_mem>>
      %dma_start3A_109 = arith.constant 0 : i32
      %dma_start3A_110 = arith.constant 0 : i32
      %dma_start3A_111 = tpu.memref_slice %arg9[%run_scoped3A_14, %dma_start3A_109, %dma_start3A_110] : memref<7x128x64xf32, #tpu.memory_space<vmem>> -> memref<1x128x64xf32, #tpu.memory_space<vmem>>
      %dma_start3A_112 = tpu.memref_squeeze %dma_start3A_111 : memref<1x128x64xf32, #tpu.memory_space<vmem>> -> memref<128x64xf32, #tpu.memory_space<vmem>>
      %dma_start3A_113 = arith.constant 0 : i32
      %dma_start3A_114 = tpu.memref_slice %arg10[%add3A_13, %dma_start3A_113] : memref<10240x64xf32, #tpu.memory_space<vmem_shared>> -> memref<128x64xf32, #tpu.memory_space<vmem_shared>>
      %dma_start3A_115 = arith.constant 0 : i32
      %dma_start3A_116 = tpu.memref_slice %arg10[%add3A_13, %dma_start3A_115] : memref<10240x64xf32, #tpu.memory_space<vmem_shared>> -> memref<128x64xf32, #tpu.memory_space<vmem_shared>>
      %dma_start3A_117 = arith.constant 0 : i32
      %dma_start3A_118 = arith.constant 0 : i32
      %dma_start3A_119 = tpu.memref_slice %arg9[%run_scoped3A_14, %dma_start3A_117, %dma_start3A_118] : memref<7x128x64xf32, #tpu.memory_space<vmem>> -> memref<1x128x64xf32, #tpu.memory_space<vmem>>
      %dma_start3A_120 = tpu.memref_squeeze %dma_start3A_119 : memref<1x128x64xf32, #tpu.memory_space<vmem>> -> memref<128x64xf32, #tpu.memory_space<vmem>>
      tpu.enqueue_dma source(%dma_start3A_120 : memref<128x64xf32, #tpu.memory_space<vmem>>) target(%dma_start3A_116 : memref<128x64xf32, #tpu.memory_space<vmem_shared>>) target_semaphore(%run_scoped3A_108 : memref<!tpu.dma_semaphore, #tpu.memory_space<semaphore_mem>>)
      %dma_wait3A = arith.constant 0 : i32
      %dma_wait3A_121 = arith.constant 0 : i32
      %dma_wait3A_122 = tpu.memref_slice %arg9[%run_scoped3A_14, %dma_wait3A, %dma_wait3A_121] : memref<7x128x64xf32, #tpu.memory_space<vmem>> -> memref<1x128x64xf32, #tpu.memory_space<vmem>>
      %dma_wait3A_123 = tpu.memref_squeeze %dma_wait3A_122 : memref<1x128x64xf32, #tpu.memory_space<vmem>> -> memref<128x64xf32, #tpu.memory_space<vmem>>
      %dma_wait3A_124 = arith.constant 0 : i32
      %dma_wait3A_125 = tpu.memref_slice %arg10[%add3A_13, %dma_wait3A_124] : memref<10240x64xf32, #tpu.memory_space<vmem_shared>> -> memref<128x64xf32, #tpu.memory_space<vmem_shared>>
      %dma_wait3A_126 = arith.constant 0 : i32
      %dma_wait3A_127 = tpu.memref_slice %arg10[%add3A_13, %dma_wait3A_126] : memref<10240x64xf32, #tpu.memory_space<vmem_shared>> -> memref<128x64xf32, #tpu.memory_space<vmem_shared>>
      %dma_wait3A_128 = arith.constant 0 : i32
      %dma_wait3A_129 = arith.constant 0 : i32
      %dma_wait3A_130 = tpu.memref_slice %arg9[%run_scoped3A_14, %dma_wait3A_128, %dma_wait3A_129] : memref<7x128x64xf32, #tpu.memory_space<vmem>> -> memref<1x128x64xf32, #tpu.memory_space<vmem>>
      %dma_wait3A_131 = tpu.memref_squeeze %dma_wait3A_130 : memref<1x128x64xf32, #tpu.memory_space<vmem>> -> memref<128x64xf32, #tpu.memory_space<vmem>>
      tpu.wait_dma2 semaphore(%run_scoped3A_108 : memref<!tpu.dma_semaphore, #tpu.memory_space<semaphore_mem>>) src(%dma_wait3A_131 : memref<128x64xf32, #tpu.memory_space<vmem>>) dst(%dma_wait3A_127 : memref<128x64xf32, #tpu.memory_space<vmem_shared>>)
      tpu.yield
    }) : () -> ()
    %add3A_15 = arith.constant 512 : i32
    %add3A_16 = arith.addi %mul3A_2, %add3A_15 : i32
    %run_scoped3A_17 = arith.constant 0 : i32
    "tpu.region"() ({
      %run_scoped3A_108 = tpu.sem_alloc : memref<!tpu.dma_semaphore, #tpu.memory_space<semaphore_mem>>
      %dma_start3A_109 = arith.constant 0 : i32
      %dma_start3A_110 = arith.constant 0 : i32
      %dma_start3A_111 = tpu.memref_slice %arg9[%run_scoped3A_17, %dma_start3A_109, %dma_start3A_110] : memref<7x128x64xf32, #tpu.memory_space<vmem>> -> memref<1x128x64xf32, #tpu.memory_space<vmem>>
      %dma_start3A_112 = tpu.memref_squeeze %dma_start3A_111 : memref<1x128x64xf32, #tpu.memory_space<vmem>> -> memref<128x64xf32, #tpu.memory_space<vmem>>
      %dma_start3A_113 = arith.constant 0 : i32
      %dma_start3A_114 = tpu.memref_slice %arg10[%add3A_16, %dma_start3A_113] : memref<10240x64xf32, #tpu.memory_space<vmem_shared>> -> memref<128x64xf32, #tpu.memory_space<vmem_shared>>
      %dma_start3A_115 = arith.constant 0 : i32
      %dma_start3A_116 = tpu.memref_slice %arg10[%add3A_16, %dma_start3A_115] : memref<10240x64xf32, #tpu.memory_space<vmem_shared>> -> memref<128x64xf32, #tpu.memory_space<vmem_shared>>
      %dma_start3A_117 = arith.constant 0 : i32
      %dma_start3A_118 = arith.constant 0 : i32
      %dma_start3A_119 = tpu.memref_slice %arg9[%run_scoped3A_17, %dma_start3A_117, %dma_start3A_118] : memref<7x128x64xf32, #tpu.memory_space<vmem>> -> memref<1x128x64xf32, #tpu.memory_space<vmem>>
      %dma_start3A_120 = tpu.memref_squeeze %dma_start3A_119 : memref<1x128x64xf32, #tpu.memory_space<vmem>> -> memref<128x64xf32, #tpu.memory_space<vmem>>
      tpu.enqueue_dma source(%dma_start3A_120 : memref<128x64xf32, #tpu.memory_space<vmem>>) target(%dma_start3A_116 : memref<128x64xf32, #tpu.memory_space<vmem_shared>>) target_semaphore(%run_scoped3A_108 : memref<!tpu.dma_semaphore, #tpu.memory_space<semaphore_mem>>)
      %dma_wait3A = arith.constant 0 : i32
      %dma_wait3A_121 = arith.constant 0 : i32
      %dma_wait3A_122 = tpu.memref_slice %arg9[%run_scoped3A_17, %dma_wait3A, %dma_wait3A_121] : memref<7x128x64xf32, #tpu.memory_space<vmem>> -> memref<1x128x64xf32, #tpu.memory_space<vmem>>
      %dma_wait3A_123 = tpu.memref_squeeze %dma_wait3A_122 : memref<1x128x64xf32, #tpu.memory_space<vmem>> -> memref<128x64xf32, #tpu.memory_space<vmem>>
      %dma_wait3A_124 = arith.constant 0 : i32
      %dma_wait3A_125 = tpu.memref_slice %arg10[%add3A_16, %dma_wait3A_124] : memref<10240x64xf32, #tpu.memory_space<vmem_shared>> -> memref<128x64xf32, #tpu.memory_space<vmem_shared>>
      %dma_wait3A_126 = arith.constant 0 : i32
      %dma_wait3A_127 = tpu.memref_slice %arg10[%add3A_16, %dma_wait3A_126] : memref<10240x64xf32, #tpu.memory_space<vmem_shared>> -> memref<128x64xf32, #tpu.memory_space<vmem_shared>>
      %dma_wait3A_128 = arith.constant 0 : i32
      %dma_wait3A_129 = arith.constant 0 : i32
      %dma_wait3A_130 = tpu.memref_slice %arg9[%run_scoped3A_17, %dma_wait3A_128, %dma_wait3A_129] : memref<7x128x64xf32, #tpu.memory_space<vmem>> -> memref<1x128x64xf32, #tpu.memory_space<vmem>>
      %dma_wait3A_131 = tpu.memref_squeeze %dma_wait3A_130 : memref<1x128x64xf32, #tpu.memory_space<vmem>> -> memref<128x64xf32, #tpu.memory_space<vmem>>
      tpu.wait_dma2 semaphore(%run_scoped3A_108 : memref<!tpu.dma_semaphore, #tpu.memory_space<semaphore_mem>>) src(%dma_wait3A_131 : memref<128x64xf32, #tpu.memory_space<vmem>>) dst(%dma_wait3A_127 : memref<128x64xf32, #tpu.memory_space<vmem_shared>>)
      tpu.yield
    }) : () -> ()
    %mul3A_18 = arith.constant 80 : i32
    %mul3A_19 = arith.muli %add3A, %mul3A_18 : i32
    "tpu.region"() ({
      %run_scoped3A_108 = tpu.sem_alloc : memref<!tpu.dma_semaphore, #tpu.memory_space<semaphore_mem>>
      %dma_start3A_109 = arith.constant 0 : i32
      %dma_start3A_110 = tpu.memref_slice %arg3[%mul3A_19, %dma_start3A_109] : memref<2560x128xi32, #tpu.memory_space<hbm>> -> memref<80x128xi32, #tpu.memory_space<hbm>>
      %dma_start3A_111 = arith.constant 0 : i32
      %dma_start3A_112 = tpu.memref_slice %arg3[%mul3A_19, %dma_start3A_111] : memref<2560x128xi32, #tpu.memory_space<hbm>> -> memref<80x128xi32, #tpu.memory_space<hbm>>
      tpu.enqueue_dma source(%dma_start3A_112 : memref<80x128xi32, #tpu.memory_space<hbm>>) target(%arg7 : memref<80x128xi32, #tpu.memory_space<vmem>>) target_semaphore(%run_scoped3A_108 : memref<!tpu.dma_semaphore, #tpu.memory_space<semaphore_mem>>)
      %dma_wait3A = arith.constant 0 : i32
      %dma_wait3A_113 = tpu.memref_slice %arg3[%mul3A_19, %dma_wait3A] : memref<2560x128xi32, #tpu.memory_space<hbm>> -> memref<80x128xi32, #tpu.memory_space<hbm>>
      %dma_wait3A_114 = arith.constant 0 : i32
      %dma_wait3A_115 = tpu.memref_slice %arg3[%mul3A_19, %dma_wait3A_114] : memref<2560x128xi32, #tpu.memory_space<hbm>> -> memref<80x128xi32, #tpu.memory_space<hbm>>
      tpu.wait_dma2 semaphore(%run_scoped3A_108 : memref<!tpu.dma_semaphore, #tpu.memory_space<semaphore_mem>>) src(%dma_wait3A_115 : memref<80x128xi32, #tpu.memory_space<hbm>>) dst(%arg7 : memref<80x128xi32, #tpu.memory_space<vmem>>)
      tpu.yield
    }) : () -> ()
    %mul3A_20 = arith.constant 80 : i32
    %mul3A_21 = arith.muli %add3A, %mul3A_20 : i32
    "tpu.region"() ({
      %run_scoped3A_108 = tpu.sem_alloc : memref<!tpu.dma_semaphore, #tpu.memory_space<semaphore_mem>>
      %dma_start3A_109 = arith.constant 0 : i32
      %dma_start3A_110 = tpu.memref_slice %arg4[%mul3A_21, %dma_start3A_109] : memref<2560x128xi32, #tpu.memory_space<hbm>> -> memref<80x128xi32, #tpu.memory_space<hbm>>
      %dma_start3A_111 = arith.constant 0 : i32
      %dma_start3A_112 = tpu.memref_slice %arg4[%mul3A_21, %dma_start3A_111] : memref<2560x128xi32, #tpu.memory_space<hbm>> -> memref<80x128xi32, #tpu.memory_space<hbm>>
      tpu.enqueue_dma source(%dma_start3A_112 : memref<80x128xi32, #tpu.memory_space<hbm>>) target(%arg8 : memref<80x128xi32, #tpu.memory_space<vmem>>) target_semaphore(%run_scoped3A_108 : memref<!tpu.dma_semaphore, #tpu.memory_space<semaphore_mem>>)
      %dma_wait3A = arith.constant 0 : i32
      %dma_wait3A_113 = tpu.memref_slice %arg4[%mul3A_21, %dma_wait3A] : memref<2560x128xi32, #tpu.memory_space<hbm>> -> memref<80x128xi32, #tpu.memory_space<hbm>>
      %dma_wait3A_114 = arith.constant 0 : i32
      %dma_wait3A_115 = tpu.memref_slice %arg4[%mul3A_21, %dma_wait3A_114] : memref<2560x128xi32, #tpu.memory_space<hbm>> -> memref<80x128xi32, #tpu.memory_space<hbm>>
      tpu.wait_dma2 semaphore(%run_scoped3A_108 : memref<!tpu.dma_semaphore, #tpu.memory_space<semaphore_mem>>) src(%dma_wait3A_115 : memref<80x128xi32, #tpu.memory_space<hbm>>) dst(%arg8 : memref<80x128xi32, #tpu.memory_space<vmem>>)
      tpu.yield
    }) : () -> ()
    %barrier3A = arith.constant 0 : index
    tpu.barrier barrier_id(%barrier3A)
    %rem3A = arith.constant 0 : i32
    %rem3A_22 = arith.constant 7 : i32
    %rem3A_23 = arith.remsi %rem3A, %rem3A_22 : i32
    %dma_start3A = arith.constant 0 : i32
    %dma_start3A_24 = arith.constant 0 : i32
    %dma_start3A_25 = arith.constant 0 : i32
    %dma_start3A_26 = tpu.memref_slice %arg9[%rem3A_23, %dma_start3A_24, %dma_start3A_25] : memref<7x128x64xf32, #tpu.memory_space<vmem>> -> memref<1x128x64xf32, #tpu.memory_space<vmem>>
    %dma_start3A_27 = tpu.memref_squeeze %dma_start3A_26 : memref<1x128x64xf32, #tpu.memory_space<vmem>> -> memref<128x64xf32, #tpu.memory_space<vmem>>
    %dma_start3A_28 = arith.constant 0 : i32
    %dma_start3A_29 = tpu.memref_slice %arg7[%dma_start3A, %dma_start3A_28] : memref<80x128xi32, #tpu.memory_space<vmem>> -> memref<1x128xi32, #tpu.memory_space<vmem>>
    %dma_start3A_30 = tpu.memref_squeeze %dma_start3A_29 : memref<1x128xi32, #tpu.memory_space<vmem>> -> memref<128xi32, #tpu.memory_space<vmem>>
    %dma_start3A_31 = arith.constant 0 : i32
    %dma_start3A_32 = arith.constant 0 : i32
    %dma_start3A_33 = tpu.memref_slice %arg2[%dma_start3A_31, %dma_start3A_32] : memref<10000x64xf32, #tpu.memory_space<hbm>> -> memref<10000x64xf32, #tpu.memory_space<hbm>>
    %dma_start3A_34 = tpu.memref_slice %arg11[%rem3A_23] : memref<7x!tpu.dma_semaphore, #tpu.memory_space<semaphore_mem>> -> memref<1x!tpu.dma_semaphore, #tpu.memory_space<semaphore_mem>>
    %dma_start3A_35 = tpu.memref_squeeze %dma_start3A_34 : memref<1x!tpu.dma_semaphore, #tpu.memory_space<semaphore_mem>> -> memref<!tpu.dma_semaphore, #tpu.memory_space<semaphore_mem>>
    tpu.enqueue_indirect_dma source(%dma_start3A_33 : memref<10000x64xf32, #tpu.memory_space<hbm>>) target(%dma_start3A_27 : memref<128x64xf32, #tpu.memory_space<vmem>>) offsets(%dma_start3A_30 : memref<128xi32, #tpu.memory_space<vmem>>) semaphore(%dma_start3A_35 : memref<!tpu.dma_semaphore, #tpu.memory_space<semaphore_mem>>)
    %rem3A_36 = arith.constant 1 : i32
    %rem3A_37 = arith.constant 7 : i32
    %rem3A_38 = arith.remsi %rem3A_36, %rem3A_37 : i32
    %dma_start3A_39 = arith.constant 1 : i32
    %dma_start3A_40 = arith.constant 0 : i32
    %dma_start3A_41 = arith.constant 0 : i32
    %dma_start3A_42 = tpu.memref_slice %arg9[%rem3A_38, %dma_start3A_40, %dma_start3A_41] : memref<7x128x64xf32, #tpu.memory_space<vmem>> -> memref<1x128x64xf32, #tpu.memory_space<vmem>>
    %dma_start3A_43 = tpu.memref_squeeze %dma_start3A_42 : memref<1x128x64xf32, #tpu.memory_space<vmem>> -> memref<128x64xf32, #tpu.memory_space<vmem>>
    %dma_start3A_44 = arith.constant 0 : i32
    %dma_start3A_45 = tpu.memref_slice %arg7[%dma_start3A_39, %dma_start3A_44] : memref<80x128xi32, #tpu.memory_space<vmem>> -> memref<1x128xi32, #tpu.memory_space<vmem>>
    %dma_start3A_46 = tpu.memref_squeeze %dma_start3A_45 : memref<1x128xi32, #tpu.memory_space<vmem>> -> memref<128xi32, #tpu.memory_space<vmem>>
    %dma_start3A_47 = arith.constant 0 : i32
    %dma_start3A_48 = arith.constant 0 : i32
    %dma_start3A_49 = tpu.memref_slice %arg2[%dma_start3A_47, %dma_start3A_48] : memref<10000x64xf32, #tpu.memory_space<hbm>> -> memref<10000x64xf32, #tpu.memory_space<hbm>>
    %dma_start3A_50 = tpu.memref_slice %arg11[%rem3A_38] : memref<7x!tpu.dma_semaphore, #tpu.memory_space<semaphore_mem>> -> memref<1x!tpu.dma_semaphore, #tpu.memory_space<semaphore_mem>>
    %dma_start3A_51 = tpu.memref_squeeze %dma_start3A_50 : memref<1x!tpu.dma_semaphore, #tpu.memory_space<semaphore_mem>> -> memref<!tpu.dma_semaphore, #tpu.memory_space<semaphore_mem>>
    tpu.enqueue_indirect_dma source(%dma_start3A_49 : memref<10000x64xf32, #tpu.memory_space<hbm>>) target(%dma_start3A_43 : memref<128x64xf32, #tpu.memory_space<vmem>>) offsets(%dma_start3A_46 : memref<128xi32, #tpu.memory_space<vmem>>) semaphore(%dma_start3A_51 : memref<!tpu.dma_semaphore, #tpu.memory_space<semaphore_mem>>)
    %rem3A_52 = arith.constant 2 : i32
    %rem3A_53 = arith.constant 7 : i32
    %rem3A_54 = arith.remsi %rem3A_52, %rem3A_53 : i32
    %dma_start3A_55 = arith.constant 2 : i32
    %dma_start3A_56 = arith.constant 0 : i32
    %dma_start3A_57 = arith.constant 0 : i32
    %dma_start3A_58 = tpu.memref_slice %arg9[%rem3A_54, %dma_start3A_56, %dma_start3A_57] : memref<7x128x64xf32, #tpu.memory_space<vmem>> -> memref<1x128x64xf32, #tpu.memory_space<vmem>>
    %dma_start3A_59 = tpu.memref_squeeze %dma_start3A_58 : memref<1x128x64xf32, #tpu.memory_space<vmem>> -> memref<128x64xf32, #tpu.memory_space<vmem>>
    %dma_start3A_60 = arith.constant 0 : i32
    %dma_start3A_61 = tpu.memref_slice %arg7[%dma_start3A_55, %dma_start3A_60] : memref<80x128xi32, #tpu.memory_space<vmem>> -> memref<1x128xi32, #tpu.memory_space<vmem>>
    %dma_start3A_62 = tpu.memref_squeeze %dma_start3A_61 : memref<1x128xi32, #tpu.memory_space<vmem>> -> memref<128xi32, #tpu.memory_space<vmem>>
    %dma_start3A_63 = arith.constant 0 : i32
    %dma_start3A_64 = arith.constant 0 : i32
    %dma_start3A_65 = tpu.memref_slice %arg2[%dma_start3A_63, %dma_start3A_64] : memref<10000x64xf32, #tpu.memory_space<hbm>> -> memref<10000x64xf32, #tpu.memory_space<hbm>>
    %dma_start3A_66 = tpu.memref_slice %arg11[%rem3A_54] : memref<7x!tpu.dma_semaphore, #tpu.memory_space<semaphore_mem>> -> memref<1x!tpu.dma_semaphore, #tpu.memory_space<semaphore_mem>>
    %dma_start3A_67 = tpu.memref_squeeze %dma_start3A_66 : memref<1x!tpu.dma_semaphore, #tpu.memory_space<semaphore_mem>> -> memref<!tpu.dma_semaphore, #tpu.memory_space<semaphore_mem>>
    tpu.enqueue_indirect_dma source(%dma_start3A_65 : memref<10000x64xf32, #tpu.memory_space<hbm>>) target(%dma_start3A_59 : memref<128x64xf32, #tpu.memory_space<vmem>>) offsets(%dma_start3A_62 : memref<128xi32, #tpu.memory_space<vmem>>) semaphore(%dma_start3A_67 : memref<!tpu.dma_semaphore, #tpu.memory_space<semaphore_mem>>)
    %rem3A_68 = arith.constant 3 : i32
    %rem3A_69 = arith.constant 7 : i32
    %rem3A_70 = arith.remsi %rem3A_68, %rem3A_69 : i32
    %dma_start3A_71 = arith.constant 3 : i32
    %dma_start3A_72 = arith.constant 0 : i32
    %dma_start3A_73 = arith.constant 0 : i32
    %dma_start3A_74 = tpu.memref_slice %arg9[%rem3A_70, %dma_start3A_72, %dma_start3A_73] : memref<7x128x64xf32, #tpu.memory_space<vmem>> -> memref<1x128x64xf32, #tpu.memory_space<vmem>>
    %dma_start3A_75 = tpu.memref_squeeze %dma_start3A_74 : memref<1x128x64xf32, #tpu.memory_space<vmem>> -> memref<128x64xf32, #tpu.memory_space<vmem>>
    %dma_start3A_76 = arith.constant 0 : i32
    %dma_start3A_77 = tpu.memref_slice %arg7[%dma_start3A_71, %dma_start3A_76] : memref<80x128xi32, #tpu.memory_space<vmem>> -> memref<1x128xi32, #tpu.memory_space<vmem>>
    %dma_start3A_78 = tpu.memref_squeeze %dma_start3A_77 : memref<1x128xi32, #tpu.memory_space<vmem>> -> memref<128xi32, #tpu.memory_space<vmem>>
    %dma_start3A_79 = arith.constant 0 : i32
    %dma_start3A_80 = arith.constant 0 : i32
    %dma_start3A_81 = tpu.memref_slice %arg2[%dma_start3A_79, %dma_start3A_80] : memref<10000x64xf32, #tpu.memory_space<hbm>> -> memref<10000x64xf32, #tpu.memory_space<hbm>>
    %dma_start3A_82 = tpu.memref_slice %arg11[%rem3A_70] : memref<7x!tpu.dma_semaphore, #tpu.memory_space<semaphore_mem>> -> memref<1x!tpu.dma_semaphore, #tpu.memory_space<semaphore_mem>>
    %dma_start3A_83 = tpu.memref_squeeze %dma_start3A_82 : memref<1x!tpu.dma_semaphore, #tpu.memory_space<semaphore_mem>> -> memref<!tpu.dma_semaphore, #tpu.memory_space<semaphore_mem>>
    tpu.enqueue_indirect_dma source(%dma_start3A_81 : memref<10000x64xf32, #tpu.memory_space<hbm>>) target(%dma_start3A_75 : memref<128x64xf32, #tpu.memory_space<vmem>>) offsets(%dma_start3A_78 : memref<128xi32, #tpu.memory_space<vmem>>) semaphore(%dma_start3A_83 : memref<!tpu.dma_semaphore, #tpu.memory_space<semaphore_mem>>)
    %scan3A = arith.constant 0 : i32
    %scan3A_84 = arith.constant 0 : i32
    %scan3A_85 = arith.constant 3 : i32
    %scan3A_86 = arith.addi %scan3A_84, %scan3A_85 : i32
    %scan3A_87 = arith.constant 1 : i32
    scf.for %scan3A_108 = %scan3A_84 to %scan3A_86 step %scan3A_87  : i32 {
      %rem3A_109 = arith.constant 7 : i32
      %rem3A_110 = arith.remsi %scan3A_108, %rem3A_109 : i32
      %dma_wait3A = arith.constant 0 : i32
      %dma_wait3A_111 = arith.constant 0 : i32
      %dma_wait3A_112 = tpu.memref_slice %arg9[%rem3A_110, %dma_wait3A, %dma_wait3A_111] : memref<7x128x64xf32, #tpu.memory_space<vmem>> -> memref<1x128x64xf32, #tpu.memory_space<vmem>>
      %dma_wait3A_113 = tpu.memref_squeeze %dma_wait3A_112 : memref<1x128x64xf32, #tpu.memory_space<vmem>> -> memref<128x64xf32, #tpu.memory_space<vmem>>
      %dma_wait3A_114 = arith.constant 0 : i32
      %dma_wait3A_115 = tpu.memref_slice %arg7[%scan3A_108, %dma_wait3A_114] : memref<80x128xi32, #tpu.memory_space<vmem>> -> memref<1x128xi32, #tpu.memory_space<vmem>>
      %dma_wait3A_116 = tpu.memref_squeeze %dma_wait3A_115 : memref<1x128xi32, #tpu.memory_space<vmem>> -> memref<128xi32, #tpu.memory_space<vmem>>
      %dma_wait3A_117 = arith.constant 0 : i32
      %dma_wait3A_118 = arith.constant 0 : i32
      %dma_wait3A_119 = tpu.memref_slice %arg2[%dma_wait3A_117, %dma_wait3A_118] : memref<10000x64xf32, #tpu.memory_space<hbm>> -> memref<10000x64xf32, #tpu.memory_space<hbm>>
      %dma_wait3A_120 = tpu.memref_slice %arg11[%rem3A_110] : memref<7x!tpu.dma_semaphore, #tpu.memory_space<semaphore_mem>> -> memref<1x!tpu.dma_semaphore, #tpu.memory_space<semaphore_mem>>
      %dma_wait3A_121 = tpu.memref_squeeze %dma_wait3A_120 : memref<1x!tpu.dma_semaphore, #tpu.memory_space<semaphore_mem>> -> memref<!tpu.dma_semaphore, #tpu.memory_space<semaphore_mem>>
      tpu.wait_indirect_dma semaphore(%dma_wait3A_121 : memref<!tpu.dma_semaphore, #tpu.memory_space<semaphore_mem>>) src(%dma_wait3A_119 : memref<10000x64xf32, #tpu.memory_space<hbm>>) dst(%dma_wait3A_113 : memref<128x64xf32, #tpu.memory_space<vmem>>)
      %rem3A_122 = arith.constant 7 : i32
      %rem3A_123 = arith.remsi %scan3A_108, %rem3A_122 : i32
      %dma_start3A_124 = arith.constant 0 : i32
      %dma_start3A_125 = arith.constant 0 : i32
      %dma_start3A_126 = tpu.memref_slice %arg9[%rem3A_123, %dma_start3A_124, %dma_start3A_125] : memref<7x128x64xf32, #tpu.memory_space<vmem>> -> memref<1x128x64xf32, #tpu.memory_space<vmem>>
      %dma_start3A_127 = tpu.memref_squeeze %dma_start3A_126 : memref<1x128x64xf32, #tpu.memory_space<vmem>> -> memref<128x64xf32, #tpu.memory_space<vmem>>
      %dma_start3A_128 = arith.constant 0 : i32
      %dma_start3A_129 = tpu.memref_slice %arg8[%scan3A_108, %dma_start3A_128] : memref<80x128xi32, #tpu.memory_space<vmem>> -> memref<1x128xi32, #tpu.memory_space<vmem>>
      %dma_start3A_130 = tpu.memref_squeeze %dma_start3A_129 : memref<1x128xi32, #tpu.memory_space<vmem>> -> memref<128xi32, #tpu.memory_space<vmem>>
      %dma_start3A_131 = arith.constant 0 : i32
      %dma_start3A_132 = arith.constant 0 : i32
      %dma_start3A_133 = tpu.memref_slice %arg10[%dma_start3A_131, %dma_start3A_132] : memref<10240x64xf32, #tpu.memory_space<vmem_shared>> -> memref<10240x64xf32, #tpu.memory_space<vmem_shared>>
      %dma_start3A_134 = tpu.memref_slice %arg12[%rem3A_123] : memref<7x!tpu.dma_semaphore, #tpu.memory_space<semaphore_mem>> -> memref<1x!tpu.dma_semaphore, #tpu.memory_space<semaphore_mem>>
      %dma_start3A_135 = tpu.memref_squeeze %dma_start3A_134 : memref<1x!tpu.dma_semaphore, #tpu.memory_space<semaphore_mem>> -> memref<!tpu.dma_semaphore, #tpu.memory_space<semaphore_mem>>
      tpu.enqueue_indirect_dma source(%dma_start3A_127 : memref<128x64xf32, #tpu.memory_space<vmem>>) target(%dma_start3A_133 : memref<10240x64xf32, #tpu.memory_space<vmem_shared>>) offsets(%dma_start3A_130 : memref<128xi32, #tpu.memory_space<vmem>>) semaphore(%dma_start3A_135 : memref<!tpu.dma_semaphore, #tpu.memory_space<semaphore_mem>>) {add = true}
      %add3A_136 = arith.constant 4 : i32
      %add3A_137 = arith.addi %scan3A_108, %add3A_136 : i32
      %rem3A_138 = arith.constant 7 : i32
      %rem3A_139 = arith.remsi %add3A_137, %rem3A_138 : i32
      %dma_start3A_140 = arith.constant 0 : i32
      %dma_start3A_141 = arith.constant 0 : i32
      %dma_start3A_142 = tpu.memref_slice %arg9[%rem3A_139, %dma_start3A_140, %dma_start3A_141] : memref<7x128x64xf32, #tpu.memory_space<vmem>> -> memref<1x128x64xf32, #tpu.memory_space<vmem>>
      %dma_start3A_143 = tpu.memref_squeeze %dma_start3A_142 : memref<1x128x64xf32, #tpu.memory_space<vmem>> -> memref<128x64xf32, #tpu.memory_space<vmem>>
      %dma_start3A_144 = arith.constant 0 : i32
      %dma_start3A_145 = tpu.memref_slice %arg7[%add3A_137, %dma_start3A_144] : memref<80x128xi32, #tpu.memory_space<vmem>> -> memref<1x128xi32, #tpu.memory_space<vmem>>
      %dma_start3A_146 = tpu.memref_squeeze %dma_start3A_145 : memref<1x128xi32, #tpu.memory_space<vmem>> -> memref<128xi32, #tpu.memory_space<vmem>>
      %dma_start3A_147 = arith.constant 0 : i32
      %dma_start3A_148 = arith.constant 0 : i32
      %dma_start3A_149 = tpu.memref_slice %arg2[%dma_start3A_147, %dma_start3A_148] : memref<10000x64xf32, #tpu.memory_space<hbm>> -> memref<10000x64xf32, #tpu.memory_space<hbm>>
      %dma_start3A_150 = tpu.memref_slice %arg11[%rem3A_139] : memref<7x!tpu.dma_semaphore, #tpu.memory_space<semaphore_mem>> -> memref<1x!tpu.dma_semaphore, #tpu.memory_space<semaphore_mem>>
      %dma_start3A_151 = tpu.memref_squeeze %dma_start3A_150 : memref<1x!tpu.dma_semaphore, #tpu.memory_space<semaphore_mem>> -> memref<!tpu.dma_semaphore, #tpu.memory_space<semaphore_mem>>
      tpu.enqueue_indirect_dma source(%dma_start3A_149 : memref<10000x64xf32, #tpu.memory_space<hbm>>) target(%dma_start3A_143 : memref<128x64xf32, #tpu.memory_space<vmem>>) offsets(%dma_start3A_146 : memref<128xi32, #tpu.memory_space<vmem>>) semaphore(%dma_start3A_151 : memref<!tpu.dma_semaphore, #tpu.memory_space<semaphore_mem>>)
    }
    %scan3A_88 = arith.constant 3 : i32
    %scan3A_89 = arith.constant 0 : i32
    %scan3A_90 = arith.constant 3 : i32
    %scan3A_91 = arith.constant 73 : i32
    %scan3A_92 = arith.addi %scan3A_90, %scan3A_91 : i32
    %scan3A_93 = arith.constant 1 : i32
    scf.for %scan3A_108 = %scan3A_90 to %scan3A_92 step %scan3A_93  : i32 {
      %rem3A_109 = arith.constant 7 : i32
      %rem3A_110 = arith.remsi %scan3A_108, %rem3A_109 : i32
      %dma_wait3A = arith.constant 0 : i32
      %dma_wait3A_111 = arith.constant 0 : i32
      %dma_wait3A_112 = tpu.memref_slice %arg9[%rem3A_110, %dma_wait3A, %dma_wait3A_111] : memref<7x128x64xf32, #tpu.memory_space<vmem>> -> memref<1x128x64xf32, #tpu.memory_space<vmem>>
      %dma_wait3A_113 = tpu.memref_squeeze %dma_wait3A_112 : memref<1x128x64xf32, #tpu.memory_space<vmem>> -> memref<128x64xf32, #tpu.memory_space<vmem>>
      %dma_wait3A_114 = arith.constant 0 : i32
      %dma_wait3A_115 = tpu.memref_slice %arg7[%scan3A_108, %dma_wait3A_114] : memref<80x128xi32, #tpu.memory_space<vmem>> -> memref<1x128xi32, #tpu.memory_space<vmem>>
      %dma_wait3A_116 = tpu.memref_squeeze %dma_wait3A_115 : memref<1x128xi32, #tpu.memory_space<vmem>> -> memref<128xi32, #tpu.memory_space<vmem>>
      %dma_wait3A_117 = arith.constant 0 : i32
      %dma_wait3A_118 = arith.constant 0 : i32
      %dma_wait3A_119 = tpu.memref_slice %arg2[%dma_wait3A_117, %dma_wait3A_118] : memref<10000x64xf32, #tpu.memory_space<hbm>> -> memref<10000x64xf32, #tpu.memory_space<hbm>>
      %dma_wait3A_120 = tpu.memref_slice %arg11[%rem3A_110] : memref<7x!tpu.dma_semaphore, #tpu.memory_space<semaphore_mem>> -> memref<1x!tpu.dma_semaphore, #tpu.memory_space<semaphore_mem>>
      %dma_wait3A_121 = tpu.memref_squeeze %dma_wait3A_120 : memref<1x!tpu.dma_semaphore, #tpu.memory_space<semaphore_mem>> -> memref<!tpu.dma_semaphore, #tpu.memory_space<semaphore_mem>>
      tpu.wait_indirect_dma semaphore(%dma_wait3A_121 : memref<!tpu.dma_semaphore, #tpu.memory_space<semaphore_mem>>) src(%dma_wait3A_119 : memref<10000x64xf32, #tpu.memory_space<hbm>>) dst(%dma_wait3A_113 : memref<128x64xf32, #tpu.memory_space<vmem>>)
      %rem3A_122 = arith.constant 7 : i32
      %rem3A_123 = arith.remsi %scan3A_108, %rem3A_122 : i32
      %dma_start3A_124 = arith.constant 0 : i32
      %dma_start3A_125 = arith.constant 0 : i32
      %dma_start3A_126 = tpu.memref_slice %arg9[%rem3A_123, %dma_start3A_124, %dma_start3A_125] : memref<7x128x64xf32, #tpu.memory_space<vmem>> -> memref<1x128x64xf32, #tpu.memory_space<vmem>>
      %dma_start3A_127 = tpu.memref_squeeze %dma_start3A_126 : memref<1x128x64xf32, #tpu.memory_space<vmem>> -> memref<128x64xf32, #tpu.memory_space<vmem>>
      %dma_start3A_128 = arith.constant 0 : i32
      %dma_start3A_129 = tpu.memref_slice %arg8[%scan3A_108, %dma_start3A_128] : memref<80x128xi32, #tpu.memory_space<vmem>> -> memref<1x128xi32, #tpu.memory_space<vmem>>
      %dma_start3A_130 = tpu.memref_squeeze %dma_start3A_129 : memref<1x128xi32, #tpu.memory_space<vmem>> -> memref<128xi32, #tpu.memory_space<vmem>>
      %dma_start3A_131 = arith.constant 0 : i32
      %dma_start3A_132 = arith.constant 0 : i32
      %dma_start3A_133 = tpu.memref_slice %arg10[%dma_start3A_131, %dma_start3A_132] : memref<10240x64xf32, #tpu.memory_space<vmem_shared>> -> memref<10240x64xf32, #tpu.memory_space<vmem_shared>>
      %dma_start3A_134 = tpu.memref_slice %arg12[%rem3A_123] : memref<7x!tpu.dma_semaphore, #tpu.memory_space<semaphore_mem>> -> memref<1x!tpu.dma_semaphore, #tpu.memory_space<semaphore_mem>>
      %dma_start3A_135 = tpu.memref_squeeze %dma_start3A_134 : memref<1x!tpu.dma_semaphore, #tpu.memory_space<semaphore_mem>> -> memref<!tpu.dma_semaphore, #tpu.memory_space<semaphore_mem>>
      tpu.enqueue_indirect_dma source(%dma_start3A_127 : memref<128x64xf32, #tpu.memory_space<vmem>>) target(%dma_start3A_133 : memref<10240x64xf32, #tpu.memory_space<vmem_shared>>) offsets(%dma_start3A_130 : memref<128xi32, #tpu.memory_space<vmem>>) semaphore(%dma_start3A_135 : memref<!tpu.dma_semaphore, #tpu.memory_space<semaphore_mem>>) {add = true}
      %add3A_136 = arith.constant 4 : i32
      %add3A_137 = arith.addi %scan3A_108, %add3A_136 : i32
      %sub3A = arith.constant 7 : i32
      %sub3A_138 = arith.subi %add3A_137, %sub3A : i32
      %rem3A_139 = arith.constant 7 : i32
      %rem3A_140 = arith.remsi %sub3A_138, %rem3A_139 : i32
      %dma_wait3A_141 = arith.constant 0 : i32
      %dma_wait3A_142 = arith.constant 0 : i32
      %dma_wait3A_143 = tpu.memref_slice %arg9[%rem3A_140, %dma_wait3A_141, %dma_wait3A_142] : memref<7x128x64xf32, #tpu.memory_space<vmem>> -> memref<1x128x64xf32, #tpu.memory_space<vmem>>
      %dma_wait3A_144 = tpu.memref_squeeze %dma_wait3A_143 : memref<1x128x64xf32, #tpu.memory_space<vmem>> -> memref<128x64xf32, #tpu.memory_space<vmem>>
      %dma_wait3A_145 = arith.constant 0 : i32
      %dma_wait3A_146 = tpu.memref_slice %arg8[%sub3A_138, %dma_wait3A_145] : memref<80x128xi32, #tpu.memory_space<vmem>> -> memref<1x128xi32, #tpu.memory_space<vmem>>
      %dma_wait3A_147 = tpu.memref_squeeze %dma_wait3A_146 : memref<1x128xi32, #tpu.memory_space<vmem>> -> memref<128xi32, #tpu.memory_space<vmem>>
      %dma_wait3A_148 = arith.constant 0 : i32
      %dma_wait3A_149 = arith.constant 0 : i32
      %dma_wait3A_150 = tpu.memref_slice %arg10[%dma_wait3A_148, %dma_wait3A_149] : memref<10240x64xf32, #tpu.memory_space<vmem_shared>> -> memref<10240x64xf32, #tpu.memory_space<vmem_shared>>
      %dma_wait3A_151 = tpu.memref_slice %arg12[%rem3A_140] : memref<7x!tpu.dma_semaphore, #tpu.memory_space<semaphore_mem>> -> memref<1x!tpu.dma_semaphore, #tpu.memory_space<semaphore_mem>>
      %dma_wait3A_152 = tpu.memref_squeeze %dma_wait3A_151 : memref<1x!tpu.dma_semaphore, #tpu.memory_space<semaphore_mem>> -> memref<!tpu.dma_semaphore, #tpu.memory_space<semaphore_mem>>
      tpu.wait_indirect_dma semaphore(%dma_wait3A_152 : memref<!tpu.dma_semaphore, #tpu.memory_space<semaphore_mem>>) src(%dma_wait3A_144 : memref<128x64xf32, #tpu.memory_space<vmem>>) dst(%dma_wait3A_150 : memref<10240x64xf32, #tpu.memory_space<vmem_shared>>)
      %add3A_153 = arith.constant 4 : i32
      %add3A_154 = arith.addi %scan3A_108, %add3A_153 : i32
      %rem3A_155 = arith.constant 7 : i32
      %rem3A_156 = arith.remsi %add3A_154, %rem3A_155 : i32
      %dma_start3A_157 = arith.constant 0 : i32
      %dma_start3A_158 = arith.constant 0 : i32
      %dma_start3A_159 = tpu.memref_slice %arg9[%rem3A_156, %dma_start3A_157, %dma_start3A_158] : memref<7x128x64xf32, #tpu.memory_space<vmem>> -> memref<1x128x64xf32, #tpu.memory_space<vmem>>
      %dma_start3A_160 = tpu.memref_squeeze %dma_start3A_159 : memref<1x128x64xf32, #tpu.memory_space<vmem>> -> memref<128x64xf32, #tpu.memory_space<vmem>>
      %dma_start3A_161 = arith.constant 0 : i32
      %dma_start3A_162 = tpu.memref_slice %arg7[%add3A_154, %dma_start3A_161] : memref<80x128xi32, #tpu.memory_space<vmem>> -> memref<1x128xi32, #tpu.memory_space<vmem>>
      %dma_start3A_163 = tpu.memref_squeeze %dma_start3A_162 : memref<1x128xi32, #tpu.memory_space<vmem>> -> memref<128xi32, #tpu.memory_space<vmem>>
      %dma_start3A_164 = arith.constant 0 : i32
      %dma_start3A_165 = arith.constant 0 : i32
      %dma_start3A_166 = tpu.memref_slice %arg2[%dma_start3A_164, %dma_start3A_165] : memref<10000x64xf32, #tpu.memory_space<hbm>> -> memref<10000x64xf32, #tpu.memory_space<hbm>>
      %dma_start3A_167 = tpu.memref_slice %arg11[%rem3A_156] : memref<7x!tpu.dma_semaphore, #tpu.memory_space<semaphore_mem>> -> memref<1x!tpu.dma_semaphore, #tpu.memory_space<semaphore_mem>>
      %dma_start3A_168 = tpu.memref_squeeze %dma_start3A_167 : memref<1x!tpu.dma_semaphore, #tpu.memory_space<semaphore_mem>> -> memref<!tpu.dma_semaphore, #tpu.memory_space<semaphore_mem>>
      tpu.enqueue_indirect_dma source(%dma_start3A_166 : memref<10000x64xf32, #tpu.memory_space<hbm>>) target(%dma_start3A_160 : memref<128x64xf32, #tpu.memory_space<vmem>>) offsets(%dma_start3A_163 : memref<128xi32, #tpu.memory_space<vmem>>) semaphore(%dma_start3A_168 : memref<!tpu.dma_semaphore, #tpu.memory_space<semaphore_mem>>)
    }
    %scan3A_94 = arith.constant 73 : i32
    %scan3A_95 = arith.constant 0 : i32
    %scan3A_96 = arith.constant 76 : i32
    %scan3A_97 = arith.constant 4 : i32
    %scan3A_98 = arith.addi %scan3A_96, %scan3A_97 : i32
    %scan3A_99 = arith.constant 1 : i32
    scf.for %scan3A_108 = %scan3A_96 to %scan3A_98 step %scan3A_99  : i32 {
      %rem3A_109 = arith.constant 7 : i32
      %rem3A_110 = arith.remsi %scan3A_108, %rem3A_109 : i32
      %dma_wait3A = arith.constant 0 : i32
      %dma_wait3A_111 = arith.constant 0 : i32
      %dma_wait3A_112 = tpu.memref_slice %arg9[%rem3A_110, %dma_wait3A, %dma_wait3A_111] : memref<7x128x64xf32, #tpu.memory_space<vmem>> -> memref<1x128x64xf32, #tpu.memory_space<vmem>>
      %dma_wait3A_113 = tpu.memref_squeeze %dma_wait3A_112 : memref<1x128x64xf32, #tpu.memory_space<vmem>> -> memref<128x64xf32, #tpu.memory_space<vmem>>
      %dma_wait3A_114 = arith.constant 0 : i32
      %dma_wait3A_115 = tpu.memref_slice %arg7[%scan3A_108, %dma_wait3A_114] : memref<80x128xi32, #tpu.memory_space<vmem>> -> memref<1x128xi32, #tpu.memory_space<vmem>>
      %dma_wait3A_116 = tpu.memref_squeeze %dma_wait3A_115 : memref<1x128xi32, #tpu.memory_space<vmem>> -> memref<128xi32, #tpu.memory_space<vmem>>
      %dma_wait3A_117 = arith.constant 0 : i32
      %dma_wait3A_118 = arith.constant 0 : i32
      %dma_wait3A_119 = tpu.memref_slice %arg2[%dma_wait3A_117, %dma_wait3A_118] : memref<10000x64xf32, #tpu.memory_space<hbm>> -> memref<10000x64xf32, #tpu.memory_space<hbm>>
      %dma_wait3A_120 = tpu.memref_slice %arg11[%rem3A_110] : memref<7x!tpu.dma_semaphore, #tpu.memory_space<semaphore_mem>> -> memref<1x!tpu.dma_semaphore, #tpu.memory_space<semaphore_mem>>
      %dma_wait3A_121 = tpu.memref_squeeze %dma_wait3A_120 : memref<1x!tpu.dma_semaphore, #tpu.memory_space<semaphore_mem>> -> memref<!tpu.dma_semaphore, #tpu.memory_space<semaphore_mem>>
      tpu.wait_indirect_dma semaphore(%dma_wait3A_121 : memref<!tpu.dma_semaphore, #tpu.memory_space<semaphore_mem>>) src(%dma_wait3A_119 : memref<10000x64xf32, #tpu.memory_space<hbm>>) dst(%dma_wait3A_113 : memref<128x64xf32, #tpu.memory_space<vmem>>)
      %rem3A_122 = arith.constant 7 : i32
      %rem3A_123 = arith.remsi %scan3A_108, %rem3A_122 : i32
      %dma_start3A_124 = arith.constant 0 : i32
      %dma_start3A_125 = arith.constant 0 : i32
      %dma_start3A_126 = tpu.memref_slice %arg9[%rem3A_123, %dma_start3A_124, %dma_start3A_125] : memref<7x128x64xf32, #tpu.memory_space<vmem>> -> memref<1x128x64xf32, #tpu.memory_space<vmem>>
      %dma_start3A_127 = tpu.memref_squeeze %dma_start3A_126 : memref<1x128x64xf32, #tpu.memory_space<vmem>> -> memref<128x64xf32, #tpu.memory_space<vmem>>
      %dma_start3A_128 = arith.constant 0 : i32
      %dma_start3A_129 = tpu.memref_slice %arg8[%scan3A_108, %dma_start3A_128] : memref<80x128xi32, #tpu.memory_space<vmem>> -> memref<1x128xi32, #tpu.memory_space<vmem>>
      %dma_start3A_130 = tpu.memref_squeeze %dma_start3A_129 : memref<1x128xi32, #tpu.memory_space<vmem>> -> memref<128xi32, #tpu.memory_space<vmem>>
      %dma_start3A_131 = arith.constant 0 : i32
      %dma_start3A_132 = arith.constant 0 : i32
      %dma_start3A_133 = tpu.memref_slice %arg10[%dma_start3A_131, %dma_start3A_132] : memref<10240x64xf32, #tpu.memory_space<vmem_shared>> -> memref<10240x64xf32, #tpu.memory_space<vmem_shared>>
      %dma_start3A_134 = tpu.memref_slice %arg12[%rem3A_123] : memref<7x!tpu.dma_semaphore, #tpu.memory_space<semaphore_mem>> -> memref<1x!tpu.dma_semaphore, #tpu.memory_space<semaphore_mem>>
      %dma_start3A_135 = tpu.memref_squeeze %dma_start3A_134 : memref<1x!tpu.dma_semaphore, #tpu.memory_space<semaphore_mem>> -> memref<!tpu.dma_semaphore, #tpu.memory_space<semaphore_mem>>
      tpu.enqueue_indirect_dma source(%dma_start3A_127 : memref<128x64xf32, #tpu.memory_space<vmem>>) target(%dma_start3A_133 : memref<10240x64xf32, #tpu.memory_space<vmem_shared>>) offsets(%dma_start3A_130 : memref<128xi32, #tpu.memory_space<vmem>>) semaphore(%dma_start3A_135 : memref<!tpu.dma_semaphore, #tpu.memory_space<semaphore_mem>>) {add = true}
    }
    %scan3A_100 = arith.constant 4 : i32
    %scan3A_101 = arith.constant 0 : i32
    %scan3A_102 = arith.constant 73 : i32
    %scan3A_103 = arith.constant 7 : i32
    %scan3A_104 = arith.addi %scan3A_102, %scan3A_103 : i32
    %scan3A_105 = arith.constant 1 : i32
    scf.for %scan3A_108 = %scan3A_102 to %scan3A_104 step %scan3A_105  : i32 {
      %rem3A_109 = arith.constant 7 : i32
      %rem3A_110 = arith.remsi %scan3A_108, %rem3A_109 : i32
      %dma_wait3A = arith.constant 0 : i32
      %dma_wait3A_111 = arith.constant 0 : i32
      %dma_wait3A_112 = tpu.memref_slice %arg9[%rem3A_110, %dma_wait3A, %dma_wait3A_111] : memref<7x128x64xf32, #tpu.memory_space<vmem>> -> memref<1x128x64xf32, #tpu.memory_space<vmem>>
      %dma_wait3A_113 = tpu.memref_squeeze %dma_wait3A_112 : memref<1x128x64xf32, #tpu.memory_space<vmem>> -> memref<128x64xf32, #tpu.memory_space<vmem>>
      %dma_wait3A_114 = arith.constant 0 : i32
      %dma_wait3A_115 = tpu.memref_slice %arg8[%scan3A_108, %dma_wait3A_114] : memref<80x128xi32, #tpu.memory_space<vmem>> -> memref<1x128xi32, #tpu.memory_space<vmem>>
      %dma_wait3A_116 = tpu.memref_squeeze %dma_wait3A_115 : memref<1x128xi32, #tpu.memory_space<vmem>> -> memref<128xi32, #tpu.memory_space<vmem>>
      %dma_wait3A_117 = arith.constant 0 : i32
      %dma_wait3A_118 = arith.constant 0 : i32
      %dma_wait3A_119 = tpu.memref_slice %arg10[%dma_wait3A_117, %dma_wait3A_118] : memref<10240x64xf32, #tpu.memory_space<vmem_shared>> -> memref<10240x64xf32, #tpu.memory_space<vmem_shared>>
      %dma_wait3A_120 = tpu.memref_slice %arg12[%rem3A_110] : memref<7x!tpu.dma_semaphore, #tpu.memory_space<semaphore_mem>> -> memref<1x!tpu.dma_semaphore, #tpu.memory_space<semaphore_mem>>
      %dma_wait3A_121 = tpu.memref_squeeze %dma_wait3A_120 : memref<1x!tpu.dma_semaphore, #tpu.memory_space<semaphore_mem>> -> memref<!tpu.dma_semaphore, #tpu.memory_space<semaphore_mem>>
      tpu.wait_indirect_dma semaphore(%dma_wait3A_121 : memref<!tpu.dma_semaphore, #tpu.memory_space<semaphore_mem>>) src(%dma_wait3A_113 : memref<128x64xf32, #tpu.memory_space<vmem>>) dst(%dma_wait3A_119 : memref<10240x64xf32, #tpu.memory_space<vmem_shared>>)
    }
    %scan3A_106 = arith.constant 7 : i32
    %barrier3A_107 = arith.constant 0 : index
    tpu.barrier barrier_id(%barrier3A_107)
    "tpu.region"() ({
      %run_scoped3A_108 = tpu.sem_alloc : memref<!tpu.dma_semaphore, #tpu.memory_space<semaphore_mem>>
      %dma_start3A_109 = arith.constant 0 : i32
      %dma_start3A_110 = tpu.memref_slice %arg6[%arg0, %mul3A_2, %dma_start3A_109] : memref<2x10240x64xf32, #tpu.memory_space<hbm>> -> memref<1x640x64xf32, #tpu.memory_space<hbm>>
      %dma_start3A_111 = tpu.memref_squeeze %dma_start3A_110 : memref<1x640x64xf32, #tpu.memory_space<hbm>> -> memref<640x64xf32, #tpu.memory_space<hbm>>
      %dma_start3A_112 = arith.constant 0 : i32
      %dma_start3A_113 = tpu.memref_slice %arg10[%mul3A_2, %dma_start3A_112] : memref<10240x64xf32, #tpu.memory_space<vmem_shared>> -> memref<640x64xf32, #tpu.memory_space<vmem_shared>>
      tpu.enqueue_dma source(%dma_start3A_113 : memref<640x64xf32, #tpu.memory_space<vmem_shared>>) target(%dma_start3A_111 : memref<640x64xf32, #tpu.memory_space<hbm>>) target_semaphore(%run_scoped3A_108 : memref<!tpu.dma_semaphore, #tpu.memory_space<semaphore_mem>>)
      %dma_wait3A = arith.constant 0 : i32
      %dma_wait3A_114 = tpu.memref_slice %arg6[%arg0, %mul3A_2, %dma_wait3A] : memref<2x10240x64xf32, #tpu.memory_space<hbm>> -> memref<1x640x64xf32, #tpu.memory_space<hbm>>
      %dma_wait3A_115 = tpu.memref_squeeze %dma_wait3A_114 : memref<1x640x64xf32, #tpu.memory_space<hbm>> -> memref<640x64xf32, #tpu.memory_space<hbm>>
      %dma_wait3A_116 = arith.constant 0 : i32
      %dma_wait3A_117 = tpu.memref_slice %arg10[%mul3A_2, %dma_wait3A_116] : memref<10240x64xf32, #tpu.memory_space<vmem_shared>> -> memref<640x64xf32, #tpu.memory_space<vmem_shared>>
      tpu.wait_dma2 semaphore(%run_scoped3A_108 : memref<!tpu.dma_semaphore, #tpu.memory_space<semaphore_mem>>) src(%dma_wait3A_117 : memref<640x64xf32, #tpu.memory_space<vmem_shared>>) dst(%dma_wait3A_115 : memref<640x64xf32, #tpu.memory_space<hbm>>)
      tpu.yield
    }) : () -> ()
    return
  }
}

#map = affine_map<(d0, d1) -> (0, 0)>
#map1 = affine_map<(d0, d1) -> (0, 0, 0)>
module attributes {stable_mosaic.version = 14 : i64} {
  func.func @_prop_body(%arg0: i32, %arg1: i32, %arg2: memref<10000x64xf32, #tpu.memory_space<hbm>>, %arg3: memref<2560x128xi32, #tpu.memory_space<hbm>>, %arg4: memref<2560x128xi32, #tpu.memory_space<hbm>>, %arg5: memref<128x64xf32, #tpu.memory_space<hbm>>, %arg6: memref<2x10240x64xf32, #tpu.memory_space<hbm>>, %arg7: memref<80x128xi32, #tpu.memory_space<vmem>>, %arg8: memref<80x128xi32, #tpu.memory_space<vmem>>, %arg9: memref<7x128x64xf32, #tpu.memory_space<vmem>>, %arg10: memref<10240x64xf32, #tpu.memory_space<vmem_shared>>, %arg11: memref<7x!tpu.dma_semaphore, #tpu.memory_space<semaphore_mem>>, %arg12: memref<7x!tpu.dma_semaphore, #tpu.memory_space<semaphore_mem>>) attributes {dimension_semantics = [#tpu.dimension_semantics<core_parallel>, #tpu.dimension_semantics<subcore_parallel>], iteration_bounds = array<i64: 2, 16>, scalar_prefetch = 0 : i64, scratch_operands = 6 : i64, tpu.core_type = #tpu.core_type<sc_vector_subcore>, window_params = [{transform_indices = #map}, {transform_indices = #map}, {transform_indices = #map}, {transform_indices = #map}, {transform_indices = #map1}]} {
    %mul3A = arith.constant 16 : i32
    %mul3A_0 = arith.muli %arg0, %mul3A : i32
    %add3A = arith.addi %mul3A_0, %arg1 : i32
    %run_scoped3A = arith.constant 0 : i32
    "tpu.region"() ({
      %run_scoped3A_108 = tpu.sem_alloc : memref<!tpu.dma_semaphore, #tpu.memory_space<semaphore_mem>>
      %dma_start3A_109 = arith.constant 0 : i32
      %dma_start3A_110 = arith.constant 0 : i32
      %dma_start3A_111 = tpu.memref_slice %arg9[%run_scoped3A, %dma_start3A_109, %dma_start3A_110] : memref<7x128x64xf32, #tpu.memory_space<vmem>> -> memref<1x128x64xf32, #tpu.memory_space<vmem>>
      %dma_start3A_112 = tpu.memref_squeeze %dma_start3A_111 : memref<1x128x64xf32, #tpu.memory_space<vmem>> -> memref<128x64xf32, #tpu.memory_space<vmem>>
      %dma_start3A_113 = arith.constant 0 : i32
      %dma_start3A_114 = arith.constant 0 : i32
      %dma_start3A_115 = tpu.memref_slice %arg9[%run_scoped3A, %dma_start3A_113, %dma_start3A_114] : memref<7x128x64xf32, #tpu.memory_space<vmem>> -> memref<1x128x64xf32, #tpu.memory_space<vmem>>
      %dma_start3A_116 = tpu.memref_squeeze %dma_start3A_115 : memref<1x128x64xf32, #tpu.memory_space<vmem>> -> memref<128x64xf32, #tpu.memory_space<vmem>>
      tpu.enqueue_dma source(%arg5 : memref<128x64xf32, #tpu.memory_space<hbm>>) target(%dma_start3A_116 : memref<128x64xf32, #tpu.memory_space<vmem>>) target_semaphore(%run_scoped3A_108 : memref<!tpu.dma_semaphore, #tpu.memory_space<semaphore_mem>>)
      %dma_wait3A = arith.constant 0 : i32
      %dma_wait3A_117 = arith.constant 0 : i32
      %dma_wait3A_118 = tpu.memref_slice %arg9[%run_scoped3A, %dma_wait3A, %dma_wait3A_117] : memref<7x128x64xf32, #tpu.memory_space<vmem>> -> memref<1x128x64xf32, #tpu.memory_space<vmem>>
      %dma_wait3A_119 = tpu.memref_squeeze %dma_wait3A_118 : memref<1x128x64xf32, #tpu.memory_space<vmem>> -> memref<128x64xf32, #tpu.memory_space<vmem>>
      %dma_wait3A_120 = arith.constant 0 : i32
      %dma_wait3A_121 = arith.constant 0 : i32
      %dma_wait3A_122 = tpu.memref_slice %arg9[%run_scoped3A, %dma_wait3A_120, %dma_wait3A_121] : memref<7x128x64xf32, #tpu.memory_space<vmem>> -> memref<1x128x64xf32, #tpu.memory_space<vmem>>
      %dma_wait3A_123 = tpu.memref_squeeze %dma_wait3A_122 : memref<1x128x64xf32, #tpu.memory_space<vmem>> -> memref<128x64xf32, #tpu.memory_space<vmem>>
      tpu.wait_dma2 semaphore(%run_scoped3A_108 : memref<!tpu.dma_semaphore, #tpu.memory_space<semaphore_mem>>) src(%arg5 : memref<128x64xf32, #tpu.memory_space<hbm>>) dst(%dma_wait3A_123 : memref<128x64xf32, #tpu.memory_space<vmem>>)
      tpu.yield
    }) : () -> ()
    %mul3A_1 = arith.constant 640 : i32
    %mul3A_2 = arith.muli %arg1, %mul3A_1 : i32
    %add3A_3 = arith.constant 0 : i32
    %add3A_4 = arith.addi %mul3A_2, %add3A_3 : i32
    %run_scoped3A_5 = arith.constant 0 : i32
    "tpu.region"() ({
      %run_scoped3A_108 = tpu.sem_alloc : memref<!tpu.dma_semaphore, #tpu.memory_space<semaphore_mem>>
      %dma_start3A_109 = arith.constant 0 : i32
      %dma_start3A_110 = arith.constant 0 : i32
      %dma_start3A_111 = tpu.memref_slice %arg9[%run_scoped3A_5, %dma_start3A_109, %dma_start3A_110] : memref<7x128x64xf32, #tpu.memory_space<vmem>> -> memref<1x128x64xf32, #tpu.memory_space<vmem>>
      %dma_start3A_112 = tpu.memref_squeeze %dma_start3A_111 : memref<1x128x64xf32, #tpu.memory_space<vmem>> -> memref<128x64xf32, #tpu.memory_space<vmem>>
      %dma_start3A_113 = arith.constant 0 : i32
      %dma_start3A_114 = tpu.memref_slice %arg10[%add3A_4, %dma_start3A_113] : memref<10240x64xf32, #tpu.memory_space<vmem_shared>> -> memref<128x64xf32, #tpu.memory_space<vmem_shared>>
      %dma_start3A_115 = arith.constant 0 : i32
      %dma_start3A_116 = tpu.memref_slice %arg10[%add3A_4, %dma_start3A_115] : memref<10240x64xf32, #tpu.memory_space<vmem_shared>> -> memref<128x64xf32, #tpu.memory_space<vmem_shared>>
      %dma_start3A_117 = arith.constant 0 : i32
      %dma_start3A_118 = arith.constant 0 : i32
      %dma_start3A_119 = tpu.memref_slice %arg9[%run_scoped3A_5, %dma_start3A_117, %dma_start3A_118] : memref<7x128x64xf32, #tpu.memory_space<vmem>> -> memref<1x128x64xf32, #tpu.memory_space<vmem>>
      %dma_start3A_120 = tpu.memref_squeeze %dma_start3A_119 : memref<1x128x64xf32, #tpu.memory_space<vmem>> -> memref<128x64xf32, #tpu.memory_space<vmem>>
      tpu.enqueue_dma source(%dma_start3A_120 : memref<128x64xf32, #tpu.memory_space<vmem>>) target(%dma_start3A_116 : memref<128x64xf32, #tpu.memory_space<vmem_shared>>) target_semaphore(%run_scoped3A_108 : memref<!tpu.dma_semaphore, #tpu.memory_space<semaphore_mem>>)
      %dma_wait3A = arith.constant 0 : i32
      %dma_wait3A_121 = arith.constant 0 : i32
      %dma_wait3A_122 = tpu.memref_slice %arg9[%run_scoped3A_5, %dma_wait3A, %dma_wait3A_121] : memref<7x128x64xf32, #tpu.memory_space<vmem>> -> memref<1x128x64xf32, #tpu.memory_space<vmem>>
      %dma_wait3A_123 = tpu.memref_squeeze %dma_wait3A_122 : memref<1x128x64xf32, #tpu.memory_space<vmem>> -> memref<128x64xf32, #tpu.memory_space<vmem>>
      %dma_wait3A_124 = arith.constant 0 : i32
      %dma_wait3A_125 = tpu.memref_slice %arg10[%add3A_4, %dma_wait3A_124] : memref<10240x64xf32, #tpu.memory_space<vmem_shared>> -> memref<128x64xf32, #tpu.memory_space<vmem_shared>>
      %dma_wait3A_126 = arith.constant 0 : i32
      %dma_wait3A_127 = tpu.memref_slice %arg10[%add3A_4, %dma_wait3A_126] : memref<10240x64xf32, #tpu.memory_space<vmem_shared>> -> memref<128x64xf32, #tpu.memory_space<vmem_shared>>
      %dma_wait3A_128 = arith.constant 0 : i32
      %dma_wait3A_129 = arith.constant 0 : i32
      %dma_wait3A_130 = tpu.memref_slice %arg9[%run_scoped3A_5, %dma_wait3A_128, %dma_wait3A_129] : memref<7x128x64xf32, #tpu.memory_space<vmem>> -> memref<1x128x64xf32, #tpu.memory_space<vmem>>
      %dma_wait3A_131 = tpu.memref_squeeze %dma_wait3A_130 : memref<1x128x64xf32, #tpu.memory_space<vmem>> -> memref<128x64xf32, #tpu.memory_space<vmem>>
      tpu.wait_dma2 semaphore(%run_scoped3A_108 : memref<!tpu.dma_semaphore, #tpu.memory_space<semaphore_mem>>) src(%dma_wait3A_131 : memref<128x64xf32, #tpu.memory_space<vmem>>) dst(%dma_wait3A_127 : memref<128x64xf32, #tpu.memory_space<vmem_shared>>)
      tpu.yield
    }) : () -> ()
    %add3A_6 = arith.constant 128 : i32
    %add3A_7 = arith.addi %mul3A_2, %add3A_6 : i32
    %run_scoped3A_8 = arith.constant 0 : i32
    "tpu.region"() ({
      %run_scoped3A_108 = tpu.sem_alloc : memref<!tpu.dma_semaphore, #tpu.memory_space<semaphore_mem>>
      %dma_start3A_109 = arith.constant 0 : i32
      %dma_start3A_110 = arith.constant 0 : i32
      %dma_start3A_111 = tpu.memref_slice %arg9[%run_scoped3A_8, %dma_start3A_109, %dma_start3A_110] : memref<7x128x64xf32, #tpu.memory_space<vmem>> -> memref<1x128x64xf32, #tpu.memory_space<vmem>>
      %dma_start3A_112 = tpu.memref_squeeze %dma_start3A_111 : memref<1x128x64xf32, #tpu.memory_space<vmem>> -> memref<128x64xf32, #tpu.memory_space<vmem>>
      %dma_start3A_113 = arith.constant 0 : i32
      %dma_start3A_114 = tpu.memref_slice %arg10[%add3A_7, %dma_start3A_113] : memref<10240x64xf32, #tpu.memory_space<vmem_shared>> -> memref<128x64xf32, #tpu.memory_space<vmem_shared>>
      %dma_start3A_115 = arith.constant 0 : i32
      %dma_start3A_116 = tpu.memref_slice %arg10[%add3A_7, %dma_start3A_115] : memref<10240x64xf32, #tpu.memory_space<vmem_shared>> -> memref<128x64xf32, #tpu.memory_space<vmem_shared>>
      %dma_start3A_117 = arith.constant 0 : i32
      %dma_start3A_118 = arith.constant 0 : i32
      %dma_start3A_119 = tpu.memref_slice %arg9[%run_scoped3A_8, %dma_start3A_117, %dma_start3A_118] : memref<7x128x64xf32, #tpu.memory_space<vmem>> -> memref<1x128x64xf32, #tpu.memory_space<vmem>>
      %dma_start3A_120 = tpu.memref_squeeze %dma_start3A_119 : memref<1x128x64xf32, #tpu.memory_space<vmem>> -> memref<128x64xf32, #tpu.memory_space<vmem>>
      tpu.enqueue_dma source(%dma_start3A_120 : memref<128x64xf32, #tpu.memory_space<vmem>>) target(%dma_start3A_116 : memref<128x64xf32, #tpu.memory_space<vmem_shared>>) target_semaphore(%run_scoped3A_108 : memref<!tpu.dma_semaphore, #tpu.memory_space<semaphore_mem>>)
      %dma_wait3A = arith.constant 0 : i32
      %dma_wait3A_121 = arith.constant 0 : i32
      %dma_wait3A_122 = tpu.memref_slice %arg9[%run_scoped3A_8, %dma_wait3A, %dma_wait3A_121] : memref<7x128x64xf32, #tpu.memory_space<vmem>> -> memref<1x128x64xf32, #tpu.memory_space<vmem>>
      %dma_wait3A_123 = tpu.memref_squeeze %dma_wait3A_122 : memref<1x128x64xf32, #tpu.memory_space<vmem>> -> memref<128x64xf32, #tpu.memory_space<vmem>>
      %dma_wait3A_124 = arith.constant 0 : i32
      %dma_wait3A_125 = tpu.memref_slice %arg10[%add3A_7, %dma_wait3A_124] : memref<10240x64xf32, #tpu.memory_space<vmem_shared>> -> memref<128x64xf32, #tpu.memory_space<vmem_shared>>
      %dma_wait3A_126 = arith.constant 0 : i32
      %dma_wait3A_127 = tpu.memref_slice %arg10[%add3A_7, %dma_wait3A_126] : memref<10240x64xf32, #tpu.memory_space<vmem_shared>> -> memref<128x64xf32, #tpu.memory_space<vmem_shared>>
      %dma_wait3A_128 = arith.constant 0 : i32
      %dma_wait3A_129 = arith.constant 0 : i32
      %dma_wait3A_130 = tpu.memref_slice %arg9[%run_scoped3A_8, %dma_wait3A_128, %dma_wait3A_129] : memref<7x128x64xf32, #tpu.memory_space<vmem>> -> memref<1x128x64xf32, #tpu.memory_space<vmem>>
      %dma_wait3A_131 = tpu.memref_squeeze %dma_wait3A_130 : memref<1x128x64xf32, #tpu.memory_space<vmem>> -> memref<128x64xf32, #tpu.memory_space<vmem>>
      tpu.wait_dma2 semaphore(%run_scoped3A_108 : memref<!tpu.dma_semaphore, #tpu.memory_space<semaphore_mem>>) src(%dma_wait3A_131 : memref<128x64xf32, #tpu.memory_space<vmem>>) dst(%dma_wait3A_127 : memref<128x64xf32, #tpu.memory_space<vmem_shared>>)
      tpu.yield
    }) : () -> ()
    %add3A_9 = arith.constant 256 : i32
    %add3A_10 = arith.addi %mul3A_2, %add3A_9 : i32
    %run_scoped3A_11 = arith.constant 0 : i32
    "tpu.region"() ({
      %run_scoped3A_108 = tpu.sem_alloc : memref<!tpu.dma_semaphore, #tpu.memory_space<semaphore_mem>>
      %dma_start3A_109 = arith.constant 0 : i32
      %dma_start3A_110 = arith.constant 0 : i32
      %dma_start3A_111 = tpu.memref_slice %arg9[%run_scoped3A_11, %dma_start3A_109, %dma_start3A_110] : memref<7x128x64xf32, #tpu.memory_space<vmem>> -> memref<1x128x64xf32, #tpu.memory_space<vmem>>
      %dma_start3A_112 = tpu.memref_squeeze %dma_start3A_111 : memref<1x128x64xf32, #tpu.memory_space<vmem>> -> memref<128x64xf32, #tpu.memory_space<vmem>>
      %dma_start3A_113 = arith.constant 0 : i32
      %dma_start3A_114 = tpu.memref_slice %arg10[%add3A_10, %dma_start3A_113] : memref<10240x64xf32, #tpu.memory_space<vmem_shared>> -> memref<128x64xf32, #tpu.memory_space<vmem_shared>>
      %dma_start3A_115 = arith.constant 0 : i32
      %dma_start3A_116 = tpu.memref_slice %arg10[%add3A_10, %dma_start3A_115] : memref<10240x64xf32, #tpu.memory_space<vmem_shared>> -> memref<128x64xf32, #tpu.memory_space<vmem_shared>>
      %dma_start3A_117 = arith.constant 0 : i32
      %dma_start3A_118 = arith.constant 0 : i32
      %dma_start3A_119 = tpu.memref_slice %arg9[%run_scoped3A_11, %dma_start3A_117, %dma_start3A_118] : memref<7x128x64xf32, #tpu.memory_space<vmem>> -> memref<1x128x64xf32, #tpu.memory_space<vmem>>
      %dma_start3A_120 = tpu.memref_squeeze %dma_start3A_119 : memref<1x128x64xf32, #tpu.memory_space<vmem>> -> memref<128x64xf32, #tpu.memory_space<vmem>>
      tpu.enqueue_dma source(%dma_start3A_120 : memref<128x64xf32, #tpu.memory_space<vmem>>) target(%dma_start3A_116 : memref<128x64xf32, #tpu.memory_space<vmem_shared>>) target_semaphore(%run_scoped3A_108 : memref<!tpu.dma_semaphore, #tpu.memory_space<semaphore_mem>>)
      %dma_wait3A = arith.constant 0 : i32
      %dma_wait3A_121 = arith.constant 0 : i32
      %dma_wait3A_122 = tpu.memref_slice %arg9[%run_scoped3A_11, %dma_wait3A, %dma_wait3A_121] : memref<7x128x64xf32, #tpu.memory_space<vmem>> -> memref<1x128x64xf32, #tpu.memory_space<vmem>>
      %dma_wait3A_123 = tpu.memref_squeeze %dma_wait3A_122 : memref<1x128x64xf32, #tpu.memory_space<vmem>> -> memref<128x64xf32, #tpu.memory_space<vmem>>
      %dma_wait3A_124 = arith.constant 0 : i32
      %dma_wait3A_125 = tpu.memref_slice %arg10[%add3A_10, %dma_wait3A_124] : memref<10240x64xf32, #tpu.memory_space<vmem_shared>> -> memref<128x64xf32, #tpu.memory_space<vmem_shared>>
      %dma_wait3A_126 = arith.constant 0 : i32
      %dma_wait3A_127 = tpu.memref_slice %arg10[%add3A_10, %dma_wait3A_126] : memref<10240x64xf32, #tpu.memory_space<vmem_shared>> -> memref<128x64xf32, #tpu.memory_space<vmem_shared>>
      %dma_wait3A_128 = arith.constant 0 : i32
      %dma_wait3A_129 = arith.constant 0 : i32
      %dma_wait3A_130 = tpu.memref_slice %arg9[%run_scoped3A_11, %dma_wait3A_128, %dma_wait3A_129] : memref<7x128x64xf32, #tpu.memory_space<vmem>> -> memref<1x128x64xf32, #tpu.memory_space<vmem>>
      %dma_wait3A_131 = tpu.memref_squeeze %dma_wait3A_130 : memref<1x128x64xf32, #tpu.memory_space<vmem>> -> memref<128x64xf32, #tpu.memory_space<vmem>>
      tpu.wait_dma2 semaphore(%run_scoped3A_108 : memref<!tpu.dma_semaphore, #tpu.memory_space<semaphore_mem>>) src(%dma_wait3A_131 : memref<128x64xf32, #tpu.memory_space<vmem>>) dst(%dma_wait3A_127 : memref<128x64xf32, #tpu.memory_space<vmem_shared>>)
      tpu.yield
    }) : () -> ()
    %add3A_12 = arith.constant 384 : i32
    %add3A_13 = arith.addi %mul3A_2, %add3A_12 : i32
    %run_scoped3A_14 = arith.constant 0 : i32
    "tpu.region"() ({
      %run_scoped3A_108 = tpu.sem_alloc : memref<!tpu.dma_semaphore, #tpu.memory_space<semaphore_mem>>
      %dma_start3A_109 = arith.constant 0 : i32
      %dma_start3A_110 = arith.constant 0 : i32
      %dma_start3A_111 = tpu.memref_slice %arg9[%run_scoped3A_14, %dma_start3A_109, %dma_start3A_110] : memref<7x128x64xf32, #tpu.memory_space<vmem>> -> memref<1x128x64xf32, #tpu.memory_space<vmem>>
      %dma_start3A_112 = tpu.memref_squeeze %dma_start3A_111 : memref<1x128x64xf32, #tpu.memory_space<vmem>> -> memref<128x64xf32, #tpu.memory_space<vmem>>
      %dma_start3A_113 = arith.constant 0 : i32
      %dma_start3A_114 = tpu.memref_slice %arg10[%add3A_13, %dma_start3A_113] : memref<10240x64xf32, #tpu.memory_space<vmem_shared>> -> memref<128x64xf32, #tpu.memory_space<vmem_shared>>
      %dma_start3A_115 = arith.constant 0 : i32
      %dma_start3A_116 = tpu.memref_slice %arg10[%add3A_13, %dma_start3A_115] : memref<10240x64xf32, #tpu.memory_space<vmem_shared>> -> memref<128x64xf32, #tpu.memory_space<vmem_shared>>
      %dma_start3A_117 = arith.constant 0 : i32
      %dma_start3A_118 = arith.constant 0 : i32
      %dma_start3A_119 = tpu.memref_slice %arg9[%run_scoped3A_14, %dma_start3A_117, %dma_start3A_118] : memref<7x128x64xf32, #tpu.memory_space<vmem>> -> memref<1x128x64xf32, #tpu.memory_space<vmem>>
      %dma_start3A_120 = tpu.memref_squeeze %dma_start3A_119 : memref<1x128x64xf32, #tpu.memory_space<vmem>> -> memref<128x64xf32, #tpu.memory_space<vmem>>
      tpu.enqueue_dma source(%dma_start3A_120 : memref<128x64xf32, #tpu.memory_space<vmem>>) target(%dma_start3A_116 : memref<128x64xf32, #tpu.memory_space<vmem_shared>>) target_semaphore(%run_scoped3A_108 : memref<!tpu.dma_semaphore, #tpu.memory_space<semaphore_mem>>)
      %dma_wait3A = arith.constant 0 : i32
      %dma_wait3A_121 = arith.constant 0 : i32
      %dma_wait3A_122 = tpu.memref_slice %arg9[%run_scoped3A_14, %dma_wait3A, %dma_wait3A_121] : memref<7x128x64xf32, #tpu.memory_space<vmem>> -> memref<1x128x64xf32, #tpu.memory_space<vmem>>
      %dma_wait3A_123 = tpu.memref_squeeze %dma_wait3A_122 : memref<1x128x64xf32, #tpu.memory_space<vmem>> -> memref<128x64xf32, #tpu.memory_space<vmem>>
      %dma_wait3A_124 = arith.constant 0 : i32
      %dma_wait3A_125 = tpu.memref_slice %arg10[%add3A_13, %dma_wait3A_124] : memref<10240x64xf32, #tpu.memory_space<vmem_shared>> -> memref<128x64xf32, #tpu.memory_space<vmem_shared>>
      %dma_wait3A_126 = arith.constant 0 : i32
      %dma_wait3A_127 = tpu.memref_slice %arg10[%add3A_13, %dma_wait3A_126] : memref<10240x64xf32, #tpu.memory_space<vmem_shared>> -> memref<128x64xf32, #tpu.memory_space<vmem_shared>>
      %dma_wait3A_128 = arith.constant 0 : i32
      %dma_wait3A_129 = arith.constant 0 : i32
      %dma_wait3A_130 = tpu.memref_slice %arg9[%run_scoped3A_14, %dma_wait3A_128, %dma_wait3A_129] : memref<7x128x64xf32, #tpu.memory_space<vmem>> -> memref<1x128x64xf32, #tpu.memory_space<vmem>>
      %dma_wait3A_131 = tpu.memref_squeeze %dma_wait3A_130 : memref<1x128x64xf32, #tpu.memory_space<vmem>> -> memref<128x64xf32, #tpu.memory_space<vmem>>
      tpu.wait_dma2 semaphore(%run_scoped3A_108 : memref<!tpu.dma_semaphore, #tpu.memory_space<semaphore_mem>>) src(%dma_wait3A_131 : memref<128x64xf32, #tpu.memory_space<vmem>>) dst(%dma_wait3A_127 : memref<128x64xf32, #tpu.memory_space<vmem_shared>>)
      tpu.yield
    }) : () -> ()
    %add3A_15 = arith.constant 512 : i32
    %add3A_16 = arith.addi %mul3A_2, %add3A_15 : i32
    %run_scoped3A_17 = arith.constant 0 : i32
    "tpu.region"() ({
      %run_scoped3A_108 = tpu.sem_alloc : memref<!tpu.dma_semaphore, #tpu.memory_space<semaphore_mem>>
      %dma_start3A_109 = arith.constant 0 : i32
      %dma_start3A_110 = arith.constant 0 : i32
      %dma_start3A_111 = tpu.memref_slice %arg9[%run_scoped3A_17, %dma_start3A_109, %dma_start3A_110] : memref<7x128x64xf32, #tpu.memory_space<vmem>> -> memref<1x128x64xf32, #tpu.memory_space<vmem>>
      %dma_start3A_112 = tpu.memref_squeeze %dma_start3A_111 : memref<1x128x64xf32, #tpu.memory_space<vmem>> -> memref<128x64xf32, #tpu.memory_space<vmem>>
      %dma_start3A_113 = arith.constant 0 : i32
      %dma_start3A_114 = tpu.memref_slice %arg10[%add3A_16, %dma_start3A_113] : memref<10240x64xf32, #tpu.memory_space<vmem_shared>> -> memref<128x64xf32, #tpu.memory_space<vmem_shared>>
      %dma_start3A_115 = arith.constant 0 : i32
      %dma_start3A_116 = tpu.memref_slice %arg10[%add3A_16, %dma_start3A_115] : memref<10240x64xf32, #tpu.memory_space<vmem_shared>> -> memref<128x64xf32, #tpu.memory_space<vmem_shared>>
      %dma_start3A_117 = arith.constant 0 : i32
      %dma_start3A_118 = arith.constant 0 : i32
      %dma_start3A_119 = tpu.memref_slice %arg9[%run_scoped3A_17, %dma_start3A_117, %dma_start3A_118] : memref<7x128x64xf32, #tpu.memory_space<vmem>> -> memref<1x128x64xf32, #tpu.memory_space<vmem>>
      %dma_start3A_120 = tpu.memref_squeeze %dma_start3A_119 : memref<1x128x64xf32, #tpu.memory_space<vmem>> -> memref<128x64xf32, #tpu.memory_space<vmem>>
      tpu.enqueue_dma source(%dma_start3A_120 : memref<128x64xf32, #tpu.memory_space<vmem>>) target(%dma_start3A_116 : memref<128x64xf32, #tpu.memory_space<vmem_shared>>) target_semaphore(%run_scoped3A_108 : memref<!tpu.dma_semaphore, #tpu.memory_space<semaphore_mem>>)
      %dma_wait3A = arith.constant 0 : i32
      %dma_wait3A_121 = arith.constant 0 : i32
      %dma_wait3A_122 = tpu.memref_slice %arg9[%run_scoped3A_17, %dma_wait3A, %dma_wait3A_121] : memref<7x128x64xf32, #tpu.memory_space<vmem>> -> memref<1x128x64xf32, #tpu.memory_space<vmem>>
      %dma_wait3A_123 = tpu.memref_squeeze %dma_wait3A_122 : memref<1x128x64xf32, #tpu.memory_space<vmem>> -> memref<128x64xf32, #tpu.memory_space<vmem>>
      %dma_wait3A_124 = arith.constant 0 : i32
      %dma_wait3A_125 = tpu.memref_slice %arg10[%add3A_16, %dma_wait3A_124] : memref<10240x64xf32, #tpu.memory_space<vmem_shared>> -> memref<128x64xf32, #tpu.memory_space<vmem_shared>>
      %dma_wait3A_126 = arith.constant 0 : i32
      %dma_wait3A_127 = tpu.memref_slice %arg10[%add3A_16, %dma_wait3A_126] : memref<10240x64xf32, #tpu.memory_space<vmem_shared>> -> memref<128x64xf32, #tpu.memory_space<vmem_shared>>
      %dma_wait3A_128 = arith.constant 0 : i32
      %dma_wait3A_129 = arith.constant 0 : i32
      %dma_wait3A_130 = tpu.memref_slice %arg9[%run_scoped3A_17, %dma_wait3A_128, %dma_wait3A_129] : memref<7x128x64xf32, #tpu.memory_space<vmem>> -> memref<1x128x64xf32, #tpu.memory_space<vmem>>
      %dma_wait3A_131 = tpu.memref_squeeze %dma_wait3A_130 : memref<1x128x64xf32, #tpu.memory_space<vmem>> -> memref<128x64xf32, #tpu.memory_space<vmem>>
      tpu.wait_dma2 semaphore(%run_scoped3A_108 : memref<!tpu.dma_semaphore, #tpu.memory_space<semaphore_mem>>) src(%dma_wait3A_131 : memref<128x64xf32, #tpu.memory_space<vmem>>) dst(%dma_wait3A_127 : memref<128x64xf32, #tpu.memory_space<vmem_shared>>)
      tpu.yield
    }) : () -> ()
    %mul3A_18 = arith.constant 80 : i32
    %mul3A_19 = arith.muli %add3A, %mul3A_18 : i32
    "tpu.region"() ({
      %run_scoped3A_108 = tpu.sem_alloc : memref<!tpu.dma_semaphore, #tpu.memory_space<semaphore_mem>>
      %dma_start3A_109 = arith.constant 0 : i32
      %dma_start3A_110 = tpu.memref_slice %arg3[%mul3A_19, %dma_start3A_109] : memref<2560x128xi32, #tpu.memory_space<hbm>> -> memref<80x128xi32, #tpu.memory_space<hbm>>
      %dma_start3A_111 = arith.constant 0 : i32
      %dma_start3A_112 = tpu.memref_slice %arg3[%mul3A_19, %dma_start3A_111] : memref<2560x128xi32, #tpu.memory_space<hbm>> -> memref<80x128xi32, #tpu.memory_space<hbm>>
      tpu.enqueue_dma source(%dma_start3A_112 : memref<80x128xi32, #tpu.memory_space<hbm>>) target(%arg7 : memref<80x128xi32, #tpu.memory_space<vmem>>) target_semaphore(%run_scoped3A_108 : memref<!tpu.dma_semaphore, #tpu.memory_space<semaphore_mem>>)
      %dma_wait3A = arith.constant 0 : i32
      %dma_wait3A_113 = tpu.memref_slice %arg3[%mul3A_19, %dma_wait3A] : memref<2560x128xi32, #tpu.memory_space<hbm>> -> memref<80x128xi32, #tpu.memory_space<hbm>>
      %dma_wait3A_114 = arith.constant 0 : i32
      %dma_wait3A_115 = tpu.memref_slice %arg3[%mul3A_19, %dma_wait3A_114] : memref<2560x128xi32, #tpu.memory_space<hbm>> -> memref<80x128xi32, #tpu.memory_space<hbm>>
      tpu.wait_dma2 semaphore(%run_scoped3A_108 : memref<!tpu.dma_semaphore, #tpu.memory_space<semaphore_mem>>) src(%dma_wait3A_115 : memref<80x128xi32, #tpu.memory_space<hbm>>) dst(%arg7 : memref<80x128xi32, #tpu.memory_space<vmem>>)
      tpu.yield
    }) : () -> ()
    %mul3A_20 = arith.constant 80 : i32
    %mul3A_21 = arith.muli %add3A, %mul3A_20 : i32
    "tpu.region"() ({
      %run_scoped3A_108 = tpu.sem_alloc : memref<!tpu.dma_semaphore, #tpu.memory_space<semaphore_mem>>
      %dma_start3A_109 = arith.constant 0 : i32
      %dma_start3A_110 = tpu.memref_slice %arg4[%mul3A_21, %dma_start3A_109] : memref<2560x128xi32, #tpu.memory_space<hbm>> -> memref<80x128xi32, #tpu.memory_space<hbm>>
      %dma_start3A_111 = arith.constant 0 : i32
      %dma_start3A_112 = tpu.memref_slice %arg4[%mul3A_21, %dma_start3A_111] : memref<2560x128xi32, #tpu.memory_space<hbm>> -> memref<80x128xi32, #tpu.memory_space<hbm>>
      tpu.enqueue_dma source(%dma_start3A_112 : memref<80x128xi32, #tpu.memory_space<hbm>>) target(%arg8 : memref<80x128xi32, #tpu.memory_space<vmem>>) target_semaphore(%run_scoped3A_108 : memref<!tpu.dma_semaphore, #tpu.memory_space<semaphore_mem>>)
      %dma_wait3A = arith.constant 0 : i32
      %dma_wait3A_113 = tpu.memref_slice %arg4[%mul3A_21, %dma_wait3A] : memref<2560x128xi32, #tpu.memory_space<hbm>> -> memref<80x128xi32, #tpu.memory_space<hbm>>
      %dma_wait3A_114 = arith.constant 0 : i32
      %dma_wait3A_115 = tpu.memref_slice %arg4[%mul3A_21, %dma_wait3A_114] : memref<2560x128xi32, #tpu.memory_space<hbm>> -> memref<80x128xi32, #tpu.memory_space<hbm>>
      tpu.wait_dma2 semaphore(%run_scoped3A_108 : memref<!tpu.dma_semaphore, #tpu.memory_space<semaphore_mem>>) src(%dma_wait3A_115 : memref<80x128xi32, #tpu.memory_space<hbm>>) dst(%arg8 : memref<80x128xi32, #tpu.memory_space<vmem>>)
      tpu.yield
    }) : () -> ()
    %barrier3A = arith.constant 0 : index
    tpu.barrier barrier_id(%barrier3A)
    %rem3A = arith.constant 0 : i32
    %rem3A_22 = arith.constant 7 : i32
    %rem3A_23 = arith.remsi %rem3A, %rem3A_22 : i32
    %dma_start3A = arith.constant 0 : i32
    %dma_start3A_24 = arith.constant 0 : i32
    %dma_start3A_25 = arith.constant 0 : i32
    %dma_start3A_26 = tpu.memref_slice %arg9[%rem3A_23, %dma_start3A_24, %dma_start3A_25] : memref<7x128x64xf32, #tpu.memory_space<vmem>> -> memref<1x128x64xf32, #tpu.memory_space<vmem>>
    %dma_start3A_27 = tpu.memref_squeeze %dma_start3A_26 : memref<1x128x64xf32, #tpu.memory_space<vmem>> -> memref<128x64xf32, #tpu.memory_space<vmem>>
    %dma_start3A_28 = arith.constant 0 : i32
    %dma_start3A_29 = tpu.memref_slice %arg7[%dma_start3A, %dma_start3A_28] : memref<80x128xi32, #tpu.memory_space<vmem>> -> memref<1x128xi32, #tpu.memory_space<vmem>>
    %dma_start3A_30 = tpu.memref_squeeze %dma_start3A_29 : memref<1x128xi32, #tpu.memory_space<vmem>> -> memref<128xi32, #tpu.memory_space<vmem>>
    %dma_start3A_31 = arith.constant 0 : i32
    %dma_start3A_32 = arith.constant 0 : i32
    %dma_start3A_33 = tpu.memref_slice %arg2[%dma_start3A_31, %dma_start3A_32] : memref<10000x64xf32, #tpu.memory_space<hbm>> -> memref<10000x64xf32, #tpu.memory_space<hbm>>
    %dma_start3A_34 = tpu.memref_slice %arg11[%rem3A_23] : memref<7x!tpu.dma_semaphore, #tpu.memory_space<semaphore_mem>> -> memref<1x!tpu.dma_semaphore, #tpu.memory_space<semaphore_mem>>
    %dma_start3A_35 = tpu.memref_squeeze %dma_start3A_34 : memref<1x!tpu.dma_semaphore, #tpu.memory_space<semaphore_mem>> -> memref<!tpu.dma_semaphore, #tpu.memory_space<semaphore_mem>>
    tpu.enqueue_indirect_dma source(%dma_start3A_33 : memref<10000x64xf32, #tpu.memory_space<hbm>>) target(%dma_start3A_27 : memref<128x64xf32, #tpu.memory_space<vmem>>) offsets(%dma_start3A_30 : memref<128xi32, #tpu.memory_space<vmem>>) semaphore(%dma_start3A_35 : memref<!tpu.dma_semaphore, #tpu.memory_space<semaphore_mem>>)
    %rem3A_36 = arith.constant 1 : i32
    %rem3A_37 = arith.constant 7 : i32
    %rem3A_38 = arith.remsi %rem3A_36, %rem3A_37 : i32
    %dma_start3A_39 = arith.constant 1 : i32
    %dma_start3A_40 = arith.constant 0 : i32
    %dma_start3A_41 = arith.constant 0 : i32
    %dma_start3A_42 = tpu.memref_slice %arg9[%rem3A_38, %dma_start3A_40, %dma_start3A_41] : memref<7x128x64xf32, #tpu.memory_space<vmem>> -> memref<1x128x64xf32, #tpu.memory_space<vmem>>
    %dma_start3A_43 = tpu.memref_squeeze %dma_start3A_42 : memref<1x128x64xf32, #tpu.memory_space<vmem>> -> memref<128x64xf32, #tpu.memory_space<vmem>>
    %dma_start3A_44 = arith.constant 0 : i32
    %dma_start3A_45 = tpu.memref_slice %arg7[%dma_start3A_39, %dma_start3A_44] : memref<80x128xi32, #tpu.memory_space<vmem>> -> memref<1x128xi32, #tpu.memory_space<vmem>>
    %dma_start3A_46 = tpu.memref_squeeze %dma_start3A_45 : memref<1x128xi32, #tpu.memory_space<vmem>> -> memref<128xi32, #tpu.memory_space<vmem>>
    %dma_start3A_47 = arith.constant 0 : i32
    %dma_start3A_48 = arith.constant 0 : i32
    %dma_start3A_49 = tpu.memref_slice %arg2[%dma_start3A_47, %dma_start3A_48] : memref<10000x64xf32, #tpu.memory_space<hbm>> -> memref<10000x64xf32, #tpu.memory_space<hbm>>
    %dma_start3A_50 = tpu.memref_slice %arg11[%rem3A_38] : memref<7x!tpu.dma_semaphore, #tpu.memory_space<semaphore_mem>> -> memref<1x!tpu.dma_semaphore, #tpu.memory_space<semaphore_mem>>
    %dma_start3A_51 = tpu.memref_squeeze %dma_start3A_50 : memref<1x!tpu.dma_semaphore, #tpu.memory_space<semaphore_mem>> -> memref<!tpu.dma_semaphore, #tpu.memory_space<semaphore_mem>>
    tpu.enqueue_indirect_dma source(%dma_start3A_49 : memref<10000x64xf32, #tpu.memory_space<hbm>>) target(%dma_start3A_43 : memref<128x64xf32, #tpu.memory_space<vmem>>) offsets(%dma_start3A_46 : memref<128xi32, #tpu.memory_space<vmem>>) semaphore(%dma_start3A_51 : memref<!tpu.dma_semaphore, #tpu.memory_space<semaphore_mem>>)
    %rem3A_52 = arith.constant 2 : i32
    %rem3A_53 = arith.constant 7 : i32
    %rem3A_54 = arith.remsi %rem3A_52, %rem3A_53 : i32
    %dma_start3A_55 = arith.constant 2 : i32
    %dma_start3A_56 = arith.constant 0 : i32
    %dma_start3A_57 = arith.constant 0 : i32
    %dma_start3A_58 = tpu.memref_slice %arg9[%rem3A_54, %dma_start3A_56, %dma_start3A_57] : memref<7x128x64xf32, #tpu.memory_space<vmem>> -> memref<1x128x64xf32, #tpu.memory_space<vmem>>
    %dma_start3A_59 = tpu.memref_squeeze %dma_start3A_58 : memref<1x128x64xf32, #tpu.memory_space<vmem>> -> memref<128x64xf32, #tpu.memory_space<vmem>>
    %dma_start3A_60 = arith.constant 0 : i32
    %dma_start3A_61 = tpu.memref_slice %arg7[%dma_start3A_55, %dma_start3A_60] : memref<80x128xi32, #tpu.memory_space<vmem>> -> memref<1x128xi32, #tpu.memory_space<vmem>>
    %dma_start3A_62 = tpu.memref_squeeze %dma_start3A_61 : memref<1x128xi32, #tpu.memory_space<vmem>> -> memref<128xi32, #tpu.memory_space<vmem>>
    %dma_start3A_63 = arith.constant 0 : i32
    %dma_start3A_64 = arith.constant 0 : i32
    %dma_start3A_65 = tpu.memref_slice %arg2[%dma_start3A_63, %dma_start3A_64] : memref<10000x64xf32, #tpu.memory_space<hbm>> -> memref<10000x64xf32, #tpu.memory_space<hbm>>
    %dma_start3A_66 = tpu.memref_slice %arg11[%rem3A_54] : memref<7x!tpu.dma_semaphore, #tpu.memory_space<semaphore_mem>> -> memref<1x!tpu.dma_semaphore, #tpu.memory_space<semaphore_mem>>
    %dma_start3A_67 = tpu.memref_squeeze %dma_start3A_66 : memref<1x!tpu.dma_semaphore, #tpu.memory_space<semaphore_mem>> -> memref<!tpu.dma_semaphore, #tpu.memory_space<semaphore_mem>>
    tpu.enqueue_indirect_dma source(%dma_start3A_65 : memref<10000x64xf32, #tpu.memory_space<hbm>>) target(%dma_start3A_59 : memref<128x64xf32, #tpu.memory_space<vmem>>) offsets(%dma_start3A_62 : memref<128xi32, #tpu.memory_space<vmem>>) semaphore(%dma_start3A_67 : memref<!tpu.dma_semaphore, #tpu.memory_space<semaphore_mem>>)
    %rem3A_68 = arith.constant 3 : i32
    %rem3A_69 = arith.constant 7 : i32
    %rem3A_70 = arith.remsi %rem3A_68, %rem3A_69 : i32
    %dma_start3A_71 = arith.constant 3 : i32
    %dma_start3A_72 = arith.constant 0 : i32
    %dma_start3A_73 = arith.constant 0 : i32
    %dma_start3A_74 = tpu.memref_slice %arg9[%rem3A_70, %dma_start3A_72, %dma_start3A_73] : memref<7x128x64xf32, #tpu.memory_space<vmem>> -> memref<1x128x64xf32, #tpu.memory_space<vmem>>
    %dma_start3A_75 = tpu.memref_squeeze %dma_start3A_74 : memref<1x128x64xf32, #tpu.memory_space<vmem>> -> memref<128x64xf32, #tpu.memory_space<vmem>>
    %dma_start3A_76 = arith.constant 0 : i32
    %dma_start3A_77 = tpu.memref_slice %arg7[%dma_start3A_71, %dma_start3A_76] : memref<80x128xi32, #tpu.memory_space<vmem>> -> memref<1x128xi32, #tpu.memory_space<vmem>>
    %dma_start3A_78 = tpu.memref_squeeze %dma_start3A_77 : memref<1x128xi32, #tpu.memory_space<vmem>> -> memref<128xi32, #tpu.memory_space<vmem>>
    %dma_start3A_79 = arith.constant 0 : i32
    %dma_start3A_80 = arith.constant 0 : i32
    %dma_start3A_81 = tpu.memref_slice %arg2[%dma_start3A_79, %dma_start3A_80] : memref<10000x64xf32, #tpu.memory_space<hbm>> -> memref<10000x64xf32, #tpu.memory_space<hbm>>
    %dma_start3A_82 = tpu.memref_slice %arg11[%rem3A_70] : memref<7x!tpu.dma_semaphore, #tpu.memory_space<semaphore_mem>> -> memref<1x!tpu.dma_semaphore, #tpu.memory_space<semaphore_mem>>
    %dma_start3A_83 = tpu.memref_squeeze %dma_start3A_82 : memref<1x!tpu.dma_semaphore, #tpu.memory_space<semaphore_mem>> -> memref<!tpu.dma_semaphore, #tpu.memory_space<semaphore_mem>>
    tpu.enqueue_indirect_dma source(%dma_start3A_81 : memref<10000x64xf32, #tpu.memory_space<hbm>>) target(%dma_start3A_75 : memref<128x64xf32, #tpu.memory_space<vmem>>) offsets(%dma_start3A_78 : memref<128xi32, #tpu.memory_space<vmem>>) semaphore(%dma_start3A_83 : memref<!tpu.dma_semaphore, #tpu.memory_space<semaphore_mem>>)
    %scan3A = arith.constant 0 : i32
    %scan3A_84 = arith.constant 0 : i32
    %scan3A_85 = arith.constant 3 : i32
    %scan3A_86 = arith.addi %scan3A_84, %scan3A_85 : i32
    %scan3A_87 = arith.constant 1 : i32
    scf.for %scan3A_108 = %scan3A_84 to %scan3A_86 step %scan3A_87  : i32 {
      %rem3A_109 = arith.constant 7 : i32
      %rem3A_110 = arith.remsi %scan3A_108, %rem3A_109 : i32
      %dma_wait3A = arith.constant 0 : i32
      %dma_wait3A_111 = arith.constant 0 : i32
      %dma_wait3A_112 = tpu.memref_slice %arg9[%rem3A_110, %dma_wait3A, %dma_wait3A_111] : memref<7x128x64xf32, #tpu.memory_space<vmem>> -> memref<1x128x64xf32, #tpu.memory_space<vmem>>
      %dma_wait3A_113 = tpu.memref_squeeze %dma_wait3A_112 : memref<1x128x64xf32, #tpu.memory_space<vmem>> -> memref<128x64xf32, #tpu.memory_space<vmem>>
      %dma_wait3A_114 = arith.constant 0 : i32
      %dma_wait3A_115 = tpu.memref_slice %arg7[%scan3A_108, %dma_wait3A_114] : memref<80x128xi32, #tpu.memory_space<vmem>> -> memref<1x128xi32, #tpu.memory_space<vmem>>
      %dma_wait3A_116 = tpu.memref_squeeze %dma_wait3A_115 : memref<1x128xi32, #tpu.memory_space<vmem>> -> memref<128xi32, #tpu.memory_space<vmem>>
      %dma_wait3A_117 = arith.constant 0 : i32
      %dma_wait3A_118 = arith.constant 0 : i32
      %dma_wait3A_119 = tpu.memref_slice %arg2[%dma_wait3A_117, %dma_wait3A_118] : memref<10000x64xf32, #tpu.memory_space<hbm>> -> memref<10000x64xf32, #tpu.memory_space<hbm>>
      %dma_wait3A_120 = tpu.memref_slice %arg11[%rem3A_110] : memref<7x!tpu.dma_semaphore, #tpu.memory_space<semaphore_mem>> -> memref<1x!tpu.dma_semaphore, #tpu.memory_space<semaphore_mem>>
      %dma_wait3A_121 = tpu.memref_squeeze %dma_wait3A_120 : memref<1x!tpu.dma_semaphore, #tpu.memory_space<semaphore_mem>> -> memref<!tpu.dma_semaphore, #tpu.memory_space<semaphore_mem>>
      tpu.wait_indirect_dma semaphore(%dma_wait3A_121 : memref<!tpu.dma_semaphore, #tpu.memory_space<semaphore_mem>>) src(%dma_wait3A_119 : memref<10000x64xf32, #tpu.memory_space<hbm>>) dst(%dma_wait3A_113 : memref<128x64xf32, #tpu.memory_space<vmem>>)
      %rem3A_122 = arith.constant 7 : i32
      %rem3A_123 = arith.remsi %scan3A_108, %rem3A_122 : i32
      %dma_start3A_124 = arith.constant 0 : i32
      %dma_start3A_125 = arith.constant 0 : i32
      %dma_start3A_126 = tpu.memref_slice %arg9[%rem3A_123, %dma_start3A_124, %dma_start3A_125] : memref<7x128x64xf32, #tpu.memory_space<vmem>> -> memref<1x128x64xf32, #tpu.memory_space<vmem>>
      %dma_start3A_127 = tpu.memref_squeeze %dma_start3A_126 : memref<1x128x64xf32, #tpu.memory_space<vmem>> -> memref<128x64xf32, #tpu.memory_space<vmem>>
      %dma_start3A_128 = arith.constant 0 : i32
      %dma_start3A_129 = tpu.memref_slice %arg8[%scan3A_108, %dma_start3A_128] : memref<80x128xi32, #tpu.memory_space<vmem>> -> memref<1x128xi32, #tpu.memory_space<vmem>>
      %dma_start3A_130 = tpu.memref_squeeze %dma_start3A_129 : memref<1x128xi32, #tpu.memory_space<vmem>> -> memref<128xi32, #tpu.memory_space<vmem>>
      %dma_start3A_131 = arith.constant 0 : i32
      %dma_start3A_132 = arith.constant 0 : i32
      %dma_start3A_133 = tpu.memref_slice %arg10[%dma_start3A_131, %dma_start3A_132] : memref<10240x64xf32, #tpu.memory_space<vmem_shared>> -> memref<10240x64xf32, #tpu.memory_space<vmem_shared>>
      %dma_start3A_134 = tpu.memref_slice %arg12[%rem3A_123] : memref<7x!tpu.dma_semaphore, #tpu.memory_space<semaphore_mem>> -> memref<1x!tpu.dma_semaphore, #tpu.memory_space<semaphore_mem>>
      %dma_start3A_135 = tpu.memref_squeeze %dma_start3A_134 : memref<1x!tpu.dma_semaphore, #tpu.memory_space<semaphore_mem>> -> memref<!tpu.dma_semaphore, #tpu.memory_space<semaphore_mem>>
      tpu.enqueue_indirect_dma source(%dma_start3A_127 : memref<128x64xf32, #tpu.memory_space<vmem>>) target(%dma_start3A_133 : memref<10240x64xf32, #tpu.memory_space<vmem_shared>>) offsets(%dma_start3A_130 : memref<128xi32, #tpu.memory_space<vmem>>) semaphore(%dma_start3A_135 : memref<!tpu.dma_semaphore, #tpu.memory_space<semaphore_mem>>) {add = true}
      %add3A_136 = arith.constant 4 : i32
      %add3A_137 = arith.addi %scan3A_108, %add3A_136 : i32
      %rem3A_138 = arith.constant 7 : i32
      %rem3A_139 = arith.remsi %add3A_137, %rem3A_138 : i32
      %dma_start3A_140 = arith.constant 0 : i32
      %dma_start3A_141 = arith.constant 0 : i32
      %dma_start3A_142 = tpu.memref_slice %arg9[%rem3A_139, %dma_start3A_140, %dma_start3A_141] : memref<7x128x64xf32, #tpu.memory_space<vmem>> -> memref<1x128x64xf32, #tpu.memory_space<vmem>>
      %dma_start3A_143 = tpu.memref_squeeze %dma_start3A_142 : memref<1x128x64xf32, #tpu.memory_space<vmem>> -> memref<128x64xf32, #tpu.memory_space<vmem>>
      %dma_start3A_144 = arith.constant 0 : i32
      %dma_start3A_145 = tpu.memref_slice %arg7[%add3A_137, %dma_start3A_144] : memref<80x128xi32, #tpu.memory_space<vmem>> -> memref<1x128xi32, #tpu.memory_space<vmem>>
      %dma_start3A_146 = tpu.memref_squeeze %dma_start3A_145 : memref<1x128xi32, #tpu.memory_space<vmem>> -> memref<128xi32, #tpu.memory_space<vmem>>
      %dma_start3A_147 = arith.constant 0 : i32
      %dma_start3A_148 = arith.constant 0 : i32
      %dma_start3A_149 = tpu.memref_slice %arg2[%dma_start3A_147, %dma_start3A_148] : memref<10000x64xf32, #tpu.memory_space<hbm>> -> memref<10000x64xf32, #tpu.memory_space<hbm>>
      %dma_start3A_150 = tpu.memref_slice %arg11[%rem3A_139] : memref<7x!tpu.dma_semaphore, #tpu.memory_space<semaphore_mem>> -> memref<1x!tpu.dma_semaphore, #tpu.memory_space<semaphore_mem>>
      %dma_start3A_151 = tpu.memref_squeeze %dma_start3A_150 : memref<1x!tpu.dma_semaphore, #tpu.memory_space<semaphore_mem>> -> memref<!tpu.dma_semaphore, #tpu.memory_space<semaphore_mem>>
      tpu.enqueue_indirect_dma source(%dma_start3A_149 : memref<10000x64xf32, #tpu.memory_space<hbm>>) target(%dma_start3A_143 : memref<128x64xf32, #tpu.memory_space<vmem>>) offsets(%dma_start3A_146 : memref<128xi32, #tpu.memory_space<vmem>>) semaphore(%dma_start3A_151 : memref<!tpu.dma_semaphore, #tpu.memory_space<semaphore_mem>>)
    }
    %scan3A_88 = arith.constant 3 : i32
    %scan3A_89 = arith.constant 0 : i32
    %scan3A_90 = arith.constant 3 : i32
    %scan3A_91 = arith.constant 73 : i32
    %scan3A_92 = arith.addi %scan3A_90, %scan3A_91 : i32
    %scan3A_93 = arith.constant 1 : i32
    scf.for %scan3A_108 = %scan3A_90 to %scan3A_92 step %scan3A_93  : i32 {
      %rem3A_109 = arith.constant 7 : i32
      %rem3A_110 = arith.remsi %scan3A_108, %rem3A_109 : i32
      %dma_wait3A = arith.constant 0 : i32
      %dma_wait3A_111 = arith.constant 0 : i32
      %dma_wait3A_112 = tpu.memref_slice %arg9[%rem3A_110, %dma_wait3A, %dma_wait3A_111] : memref<7x128x64xf32, #tpu.memory_space<vmem>> -> memref<1x128x64xf32, #tpu.memory_space<vmem>>
      %dma_wait3A_113 = tpu.memref_squeeze %dma_wait3A_112 : memref<1x128x64xf32, #tpu.memory_space<vmem>> -> memref<128x64xf32, #tpu.memory_space<vmem>>
      %dma_wait3A_114 = arith.constant 0 : i32
      %dma_wait3A_115 = tpu.memref_slice %arg7[%scan3A_108, %dma_wait3A_114] : memref<80x128xi32, #tpu.memory_space<vmem>> -> memref<1x128xi32, #tpu.memory_space<vmem>>
      %dma_wait3A_116 = tpu.memref_squeeze %dma_wait3A_115 : memref<1x128xi32, #tpu.memory_space<vmem>> -> memref<128xi32, #tpu.memory_space<vmem>>
      %dma_wait3A_117 = arith.constant 0 : i32
      %dma_wait3A_118 = arith.constant 0 : i32
      %dma_wait3A_119 = tpu.memref_slice %arg2[%dma_wait3A_117, %dma_wait3A_118] : memref<10000x64xf32, #tpu.memory_space<hbm>> -> memref<10000x64xf32, #tpu.memory_space<hbm>>
      %dma_wait3A_120 = tpu.memref_slice %arg11[%rem3A_110] : memref<7x!tpu.dma_semaphore, #tpu.memory_space<semaphore_mem>> -> memref<1x!tpu.dma_semaphore, #tpu.memory_space<semaphore_mem>>
      %dma_wait3A_121 = tpu.memref_squeeze %dma_wait3A_120 : memref<1x!tpu.dma_semaphore, #tpu.memory_space<semaphore_mem>> -> memref<!tpu.dma_semaphore, #tpu.memory_space<semaphore_mem>>
      tpu.wait_indirect_dma semaphore(%dma_wait3A_121 : memref<!tpu.dma_semaphore, #tpu.memory_space<semaphore_mem>>) src(%dma_wait3A_119 : memref<10000x64xf32, #tpu.memory_space<hbm>>) dst(%dma_wait3A_113 : memref<128x64xf32, #tpu.memory_space<vmem>>)
      %rem3A_122 = arith.constant 7 : i32
      %rem3A_123 = arith.remsi %scan3A_108, %rem3A_122 : i32
      %dma_start3A_124 = arith.constant 0 : i32
      %dma_start3A_125 = arith.constant 0 : i32
      %dma_start3A_126 = tpu.memref_slice %arg9[%rem3A_123, %dma_start3A_124, %dma_start3A_125] : memref<7x128x64xf32, #tpu.memory_space<vmem>> -> memref<1x128x64xf32, #tpu.memory_space<vmem>>
      %dma_start3A_127 = tpu.memref_squeeze %dma_start3A_126 : memref<1x128x64xf32, #tpu.memory_space<vmem>> -> memref<128x64xf32, #tpu.memory_space<vmem>>
      %dma_start3A_128 = arith.constant 0 : i32
      %dma_start3A_129 = tpu.memref_slice %arg8[%scan3A_108, %dma_start3A_128] : memref<80x128xi32, #tpu.memory_space<vmem>> -> memref<1x128xi32, #tpu.memory_space<vmem>>
      %dma_start3A_130 = tpu.memref_squeeze %dma_start3A_129 : memref<1x128xi32, #tpu.memory_space<vmem>> -> memref<128xi32, #tpu.memory_space<vmem>>
      %dma_start3A_131 = arith.constant 0 : i32
      %dma_start3A_132 = arith.constant 0 : i32
      %dma_start3A_133 = tpu.memref_slice %arg10[%dma_start3A_131, %dma_start3A_132] : memref<10240x64xf32, #tpu.memory_space<vmem_shared>> -> memref<10240x64xf32, #tpu.memory_space<vmem_shared>>
      %dma_start3A_134 = tpu.memref_slice %arg12[%rem3A_123] : memref<7x!tpu.dma_semaphore, #tpu.memory_space<semaphore_mem>> -> memref<1x!tpu.dma_semaphore, #tpu.memory_space<semaphore_mem>>
      %dma_start3A_135 = tpu.memref_squeeze %dma_start3A_134 : memref<1x!tpu.dma_semaphore, #tpu.memory_space<semaphore_mem>> -> memref<!tpu.dma_semaphore, #tpu.memory_space<semaphore_mem>>
      tpu.enqueue_indirect_dma source(%dma_start3A_127 : memref<128x64xf32, #tpu.memory_space<vmem>>) target(%dma_start3A_133 : memref<10240x64xf32, #tpu.memory_space<vmem_shared>>) offsets(%dma_start3A_130 : memref<128xi32, #tpu.memory_space<vmem>>) semaphore(%dma_start3A_135 : memref<!tpu.dma_semaphore, #tpu.memory_space<semaphore_mem>>) {add = true}
      %add3A_136 = arith.constant 4 : i32
      %add3A_137 = arith.addi %scan3A_108, %add3A_136 : i32
      %sub3A = arith.constant 7 : i32
      %sub3A_138 = arith.subi %add3A_137, %sub3A : i32
      %rem3A_139 = arith.constant 7 : i32
      %rem3A_140 = arith.remsi %sub3A_138, %rem3A_139 : i32
      %dma_wait3A_141 = arith.constant 0 : i32
      %dma_wait3A_142 = arith.constant 0 : i32
      %dma_wait3A_143 = tpu.memref_slice %arg9[%rem3A_140, %dma_wait3A_141, %dma_wait3A_142] : memref<7x128x64xf32, #tpu.memory_space<vmem>> -> memref<1x128x64xf32, #tpu.memory_space<vmem>>
      %dma_wait3A_144 = tpu.memref_squeeze %dma_wait3A_143 : memref<1x128x64xf32, #tpu.memory_space<vmem>> -> memref<128x64xf32, #tpu.memory_space<vmem>>
      %dma_wait3A_145 = arith.constant 0 : i32
      %dma_wait3A_146 = tpu.memref_slice %arg8[%sub3A_138, %dma_wait3A_145] : memref<80x128xi32, #tpu.memory_space<vmem>> -> memref<1x128xi32, #tpu.memory_space<vmem>>
      %dma_wait3A_147 = tpu.memref_squeeze %dma_wait3A_146 : memref<1x128xi32, #tpu.memory_space<vmem>> -> memref<128xi32, #tpu.memory_space<vmem>>
      %dma_wait3A_148 = arith.constant 0 : i32
      %dma_wait3A_149 = arith.constant 0 : i32
      %dma_wait3A_150 = tpu.memref_slice %arg10[%dma_wait3A_148, %dma_wait3A_149] : memref<10240x64xf32, #tpu.memory_space<vmem_shared>> -> memref<10240x64xf32, #tpu.memory_space<vmem_shared>>
      %dma_wait3A_151 = tpu.memref_slice %arg12[%rem3A_140] : memref<7x!tpu.dma_semaphore, #tpu.memory_space<semaphore_mem>> -> memref<1x!tpu.dma_semaphore, #tpu.memory_space<semaphore_mem>>
      %dma_wait3A_152 = tpu.memref_squeeze %dma_wait3A_151 : memref<1x!tpu.dma_semaphore, #tpu.memory_space<semaphore_mem>> -> memref<!tpu.dma_semaphore, #tpu.memory_space<semaphore_mem>>
      tpu.wait_indirect_dma semaphore(%dma_wait3A_152 : memref<!tpu.dma_semaphore, #tpu.memory_space<semaphore_mem>>) src(%dma_wait3A_144 : memref<128x64xf32, #tpu.memory_space<vmem>>) dst(%dma_wait3A_150 : memref<10240x64xf32, #tpu.memory_space<vmem_shared>>)
      %add3A_153 = arith.constant 4 : i32
      %add3A_154 = arith.addi %scan3A_108, %add3A_153 : i32
      %rem3A_155 = arith.constant 7 : i32
      %rem3A_156 = arith.remsi %add3A_154, %rem3A_155 : i32
      %dma_start3A_157 = arith.constant 0 : i32
      %dma_start3A_158 = arith.constant 0 : i32
      %dma_start3A_159 = tpu.memref_slice %arg9[%rem3A_156, %dma_start3A_157, %dma_start3A_158] : memref<7x128x64xf32, #tpu.memory_space<vmem>> -> memref<1x128x64xf32, #tpu.memory_space<vmem>>
      %dma_start3A_160 = tpu.memref_squeeze %dma_start3A_159 : memref<1x128x64xf32, #tpu.memory_space<vmem>> -> memref<128x64xf32, #tpu.memory_space<vmem>>
      %dma_start3A_161 = arith.constant 0 : i32
      %dma_start3A_162 = tpu.memref_slice %arg7[%add3A_154, %dma_start3A_161] : memref<80x128xi32, #tpu.memory_space<vmem>> -> memref<1x128xi32, #tpu.memory_space<vmem>>
      %dma_start3A_163 = tpu.memref_squeeze %dma_start3A_162 : memref<1x128xi32, #tpu.memory_space<vmem>> -> memref<128xi32, #tpu.memory_space<vmem>>
      %dma_start3A_164 = arith.constant 0 : i32
      %dma_start3A_165 = arith.constant 0 : i32
      %dma_start3A_166 = tpu.memref_slice %arg2[%dma_start3A_164, %dma_start3A_165] : memref<10000x64xf32, #tpu.memory_space<hbm>> -> memref<10000x64xf32, #tpu.memory_space<hbm>>
      %dma_start3A_167 = tpu.memref_slice %arg11[%rem3A_156] : memref<7x!tpu.dma_semaphore, #tpu.memory_space<semaphore_mem>> -> memref<1x!tpu.dma_semaphore, #tpu.memory_space<semaphore_mem>>
      %dma_start3A_168 = tpu.memref_squeeze %dma_start3A_167 : memref<1x!tpu.dma_semaphore, #tpu.memory_space<semaphore_mem>> -> memref<!tpu.dma_semaphore, #tpu.memory_space<semaphore_mem>>
      tpu.enqueue_indirect_dma source(%dma_start3A_166 : memref<10000x64xf32, #tpu.memory_space<hbm>>) target(%dma_start3A_160 : memref<128x64xf32, #tpu.memory_space<vmem>>) offsets(%dma_start3A_163 : memref<128xi32, #tpu.memory_space<vmem>>) semaphore(%dma_start3A_168 : memref<!tpu.dma_semaphore, #tpu.memory_space<semaphore_mem>>)
    }
    %scan3A_94 = arith.constant 73 : i32
    %scan3A_95 = arith.constant 0 : i32
    %scan3A_96 = arith.constant 76 : i32
    %scan3A_97 = arith.constant 4 : i32
    %scan3A_98 = arith.addi %scan3A_96, %scan3A_97 : i32
    %scan3A_99 = arith.constant 1 : i32
    scf.for %scan3A_108 = %scan3A_96 to %scan3A_98 step %scan3A_99  : i32 {
      %rem3A_109 = arith.constant 7 : i32
      %rem3A_110 = arith.remsi %scan3A_108, %rem3A_109 : i32
      %dma_wait3A = arith.constant 0 : i32
      %dma_wait3A_111 = arith.constant 0 : i32
      %dma_wait3A_112 = tpu.memref_slice %arg9[%rem3A_110, %dma_wait3A, %dma_wait3A_111] : memref<7x128x64xf32, #tpu.memory_space<vmem>> -> memref<1x128x64xf32, #tpu.memory_space<vmem>>
      %dma_wait3A_113 = tpu.memref_squeeze %dma_wait3A_112 : memref<1x128x64xf32, #tpu.memory_space<vmem>> -> memref<128x64xf32, #tpu.memory_space<vmem>>
      %dma_wait3A_114 = arith.constant 0 : i32
      %dma_wait3A_115 = tpu.memref_slice %arg7[%scan3A_108, %dma_wait3A_114] : memref<80x128xi32, #tpu.memory_space<vmem>> -> memref<1x128xi32, #tpu.memory_space<vmem>>
      %dma_wait3A_116 = tpu.memref_squeeze %dma_wait3A_115 : memref<1x128xi32, #tpu.memory_space<vmem>> -> memref<128xi32, #tpu.memory_space<vmem>>
      %dma_wait3A_117 = arith.constant 0 : i32
      %dma_wait3A_118 = arith.constant 0 : i32
      %dma_wait3A_119 = tpu.memref_slice %arg2[%dma_wait3A_117, %dma_wait3A_118] : memref<10000x64xf32, #tpu.memory_space<hbm>> -> memref<10000x64xf32, #tpu.memory_space<hbm>>
      %dma_wait3A_120 = tpu.memref_slice %arg11[%rem3A_110] : memref<7x!tpu.dma_semaphore, #tpu.memory_space<semaphore_mem>> -> memref<1x!tpu.dma_semaphore, #tpu.memory_space<semaphore_mem>>
      %dma_wait3A_121 = tpu.memref_squeeze %dma_wait3A_120 : memref<1x!tpu.dma_semaphore, #tpu.memory_space<semaphore_mem>> -> memref<!tpu.dma_semaphore, #tpu.memory_space<semaphore_mem>>
      tpu.wait_indirect_dma semaphore(%dma_wait3A_121 : memref<!tpu.dma_semaphore, #tpu.memory_space<semaphore_mem>>) src(%dma_wait3A_119 : memref<10000x64xf32, #tpu.memory_space<hbm>>) dst(%dma_wait3A_113 : memref<128x64xf32, #tpu.memory_space<vmem>>)
      %rem3A_122 = arith.constant 7 : i32
      %rem3A_123 = arith.remsi %scan3A_108, %rem3A_122 : i32
      %dma_start3A_124 = arith.constant 0 : i32
      %dma_start3A_125 = arith.constant 0 : i32
      %dma_start3A_126 = tpu.memref_slice %arg9[%rem3A_123, %dma_start3A_124, %dma_start3A_125] : memref<7x128x64xf32, #tpu.memory_space<vmem>> -> memref<1x128x64xf32, #tpu.memory_space<vmem>>
      %dma_start3A_127 = tpu.memref_squeeze %dma_start3A_126 : memref<1x128x64xf32, #tpu.memory_space<vmem>> -> memref<128x64xf32, #tpu.memory_space<vmem>>
      %dma_start3A_128 = arith.constant 0 : i32
      %dma_start3A_129 = tpu.memref_slice %arg8[%scan3A_108, %dma_start3A_128] : memref<80x128xi32, #tpu.memory_space<vmem>> -> memref<1x128xi32, #tpu.memory_space<vmem>>
      %dma_start3A_130 = tpu.memref_squeeze %dma_start3A_129 : memref<1x128xi32, #tpu.memory_space<vmem>> -> memref<128xi32, #tpu.memory_space<vmem>>
      %dma_start3A_131 = arith.constant 0 : i32
      %dma_start3A_132 = arith.constant 0 : i32
      %dma_start3A_133 = tpu.memref_slice %arg10[%dma_start3A_131, %dma_start3A_132] : memref<10240x64xf32, #tpu.memory_space<vmem_shared>> -> memref<10240x64xf32, #tpu.memory_space<vmem_shared>>
      %dma_start3A_134 = tpu.memref_slice %arg12[%rem3A_123] : memref<7x!tpu.dma_semaphore, #tpu.memory_space<semaphore_mem>> -> memref<1x!tpu.dma_semaphore, #tpu.memory_space<semaphore_mem>>
      %dma_start3A_135 = tpu.memref_squeeze %dma_start3A_134 : memref<1x!tpu.dma_semaphore, #tpu.memory_space<semaphore_mem>> -> memref<!tpu.dma_semaphore, #tpu.memory_space<semaphore_mem>>
      tpu.enqueue_indirect_dma source(%dma_start3A_127 : memref<128x64xf32, #tpu.memory_space<vmem>>) target(%dma_start3A_133 : memref<10240x64xf32, #tpu.memory_space<vmem_shared>>) offsets(%dma_start3A_130 : memref<128xi32, #tpu.memory_space<vmem>>) semaphore(%dma_start3A_135 : memref<!tpu.dma_semaphore, #tpu.memory_space<semaphore_mem>>) {add = true}
    }
    %scan3A_100 = arith.constant 4 : i32
    %scan3A_101 = arith.constant 0 : i32
    %scan3A_102 = arith.constant 73 : i32
    %scan3A_103 = arith.constant 7 : i32
    %scan3A_104 = arith.addi %scan3A_102, %scan3A_103 : i32
    %scan3A_105 = arith.constant 1 : i32
    scf.for %scan3A_108 = %scan3A_102 to %scan3A_104 step %scan3A_105  : i32 {
      %rem3A_109 = arith.constant 7 : i32
      %rem3A_110 = arith.remsi %scan3A_108, %rem3A_109 : i32
      %dma_wait3A = arith.constant 0 : i32
      %dma_wait3A_111 = arith.constant 0 : i32
      %dma_wait3A_112 = tpu.memref_slice %arg9[%rem3A_110, %dma_wait3A, %dma_wait3A_111] : memref<7x128x64xf32, #tpu.memory_space<vmem>> -> memref<1x128x64xf32, #tpu.memory_space<vmem>>
      %dma_wait3A_113 = tpu.memref_squeeze %dma_wait3A_112 : memref<1x128x64xf32, #tpu.memory_space<vmem>> -> memref<128x64xf32, #tpu.memory_space<vmem>>
      %dma_wait3A_114 = arith.constant 0 : i32
      %dma_wait3A_115 = tpu.memref_slice %arg8[%scan3A_108, %dma_wait3A_114] : memref<80x128xi32, #tpu.memory_space<vmem>> -> memref<1x128xi32, #tpu.memory_space<vmem>>
      %dma_wait3A_116 = tpu.memref_squeeze %dma_wait3A_115 : memref<1x128xi32, #tpu.memory_space<vmem>> -> memref<128xi32, #tpu.memory_space<vmem>>
      %dma_wait3A_117 = arith.constant 0 : i32
      %dma_wait3A_118 = arith.constant 0 : i32
      %dma_wait3A_119 = tpu.memref_slice %arg10[%dma_wait3A_117, %dma_wait3A_118] : memref<10240x64xf32, #tpu.memory_space<vmem_shared>> -> memref<10240x64xf32, #tpu.memory_space<vmem_shared>>
      %dma_wait3A_120 = tpu.memref_slice %arg12[%rem3A_110] : memref<7x!tpu.dma_semaphore, #tpu.memory_space<semaphore_mem>> -> memref<1x!tpu.dma_semaphore, #tpu.memory_space<semaphore_mem>>
      %dma_wait3A_121 = tpu.memref_squeeze %dma_wait3A_120 : memref<1x!tpu.dma_semaphore, #tpu.memory_space<semaphore_mem>> -> memref<!tpu.dma_semaphore, #tpu.memory_space<semaphore_mem>>
      tpu.wait_indirect_dma semaphore(%dma_wait3A_121 : memref<!tpu.dma_semaphore, #tpu.memory_space<semaphore_mem>>) src(%dma_wait3A_113 : memref<128x64xf32, #tpu.memory_space<vmem>>) dst(%dma_wait3A_119 : memref<10240x64xf32, #tpu.memory_space<vmem_shared>>)
    }
    %scan3A_106 = arith.constant 7 : i32
    %barrier3A_107 = arith.constant 0 : index
    tpu.barrier barrier_id(%barrier3A_107)
    "tpu.region"() ({
      %run_scoped3A_108 = tpu.sem_alloc : memref<!tpu.dma_semaphore, #tpu.memory_space<semaphore_mem>>
      %dma_start3A_109 = arith.constant 0 : i32
      %dma_start3A_110 = tpu.memref_slice %arg6[%arg0, %mul3A_2, %dma_start3A_109] : memref<2x10240x64xf32, #tpu.memory_space<hbm>> -> memref<1x640x64xf32, #tpu.memory_space<hbm>>
      %dma_start3A_111 = tpu.memref_squeeze %dma_start3A_110 : memref<1x640x64xf32, #tpu.memory_space<hbm>> -> memref<640x64xf32, #tpu.memory_space<hbm>>
      %dma_start3A_112 = arith.constant 0 : i32
      %dma_start3A_113 = tpu.memref_slice %arg10[%mul3A_2, %dma_start3A_112] : memref<10240x64xf32, #tpu.memory_space<vmem_shared>> -> memref<640x64xf32, #tpu.memory_space<vmem_shared>>
      tpu.enqueue_dma source(%dma_start3A_113 : memref<640x64xf32, #tpu.memory_space<vmem_shared>>) target(%dma_start3A_111 : memref<640x64xf32, #tpu.memory_space<hbm>>) target_semaphore(%run_scoped3A_108 : memref<!tpu.dma_semaphore, #tpu.memory_space<semaphore_mem>>)
      %dma_wait3A = arith.constant 0 : i32
      %dma_wait3A_114 = tpu.memref_slice %arg6[%arg0, %mul3A_2, %dma_wait3A] : memref<2x10240x64xf32, #tpu.memory_space<hbm>> -> memref<1x640x64xf32, #tpu.memory_space<hbm>>
      %dma_wait3A_115 = tpu.memref_squeeze %dma_wait3A_114 : memref<1x640x64xf32, #tpu.memory_space<hbm>> -> memref<640x64xf32, #tpu.memory_space<hbm>>
      %dma_wait3A_116 = arith.constant 0 : i32
      %dma_wait3A_117 = tpu.memref_slice %arg10[%mul3A_2, %dma_wait3A_116] : memref<10240x64xf32, #tpu.memory_space<vmem_shared>> -> memref<640x64xf32, #tpu.memory_space<vmem_shared>>
      tpu.wait_dma2 semaphore(%run_scoped3A_108 : memref<!tpu.dma_semaphore, #tpu.memory_space<semaphore_mem>>) src(%dma_wait3A_117 : memref<640x64xf32, #tpu.memory_space<vmem_shared>>) dst(%dma_wait3A_115 : memref<640x64xf32, #tpu.memory_space<hbm>>)
      tpu.yield
    }) : () -> ()
    return
  }
}

module attributes {stable_mosaic.version = 14 : i64} {
  func.func @_premlp_body(%arg0: i32, %arg1: memref<2000x128xf32, #tpu.memory_space<vmem>>, %arg2: memref<64x128xf32, #tpu.memory_space<vmem>>, %arg3: memref<1x64xf32, #tpu.memory_space<vmem>>, %arg4: memref<64x64xf32, #tpu.memory_space<vmem>>, %arg5: memref<1x64xf32, #tpu.memory_space<vmem>>, %arg6: memref<2000x64xf32, #tpu.memory_space<vmem>>) attributes {dimension_semantics = [#tpu.dimension_semantics<arbitrary>], iteration_bounds = array<i64: 5>, scalar_prefetch = 0 : i64, scratch_operands = 0 : i64, tpu.core_type = #tpu.core_type<tc>, window_params = [{transform_indices = @transform_0, window_bounds = array<i64: 2000, 128>}, {pipeline_mode = #tpu.pipeline_mode<synchronous>, transform_indices = @transform_1, window_bounds = array<i64: 64, 128>}, {pipeline_mode = #tpu.pipeline_mode<synchronous>, transform_indices = @transform_2, window_bounds = array<i64: 1, 64>}, {pipeline_mode = #tpu.pipeline_mode<synchronous>, transform_indices = @transform_3, window_bounds = array<i64: 64, 64>}, {pipeline_mode = #tpu.pipeline_mode<synchronous>, transform_indices = @transform_4, window_bounds = array<i64: 1, 64>}, {transform_indices = @transform_5, window_bounds = array<i64: 2000, 64>}]} {
    %get3A = arith.constant 0 : index
    %get3A_0 = arith.constant 0 : index
    %get3A_1 = vector.load %arg1[%get3A, %get3A_0] : memref<2000x128xf32, #tpu.memory_space<vmem>>, vector<2000x128xf32>
    %get3A_2 = arith.constant 0 : index
    %get3A_3 = arith.constant 0 : index
    %get3A_4 = vector.load %arg2[%get3A_2, %get3A_3] : memref<64x128xf32, #tpu.memory_space<vmem>>, vector<64x128xf32>
    %dot_general3A = arith.constant dense<0.000000e+00> : vector<2000x64xf32>
    %dot_general3A_5 = tpu.matmul %get3A_1, %get3A_4, %dot_general3A {dimension_numbers = #tpu.dot_dimension_numbers<[1], [1], [0], [0], [0, 0, 1, 0], [], []>, precision = #tpu.contract_precision<fp32>, transpose_lhs_hint = false} : vector<2000x128xf32>, vector<64x128xf32>, vector<2000x64xf32> -> vector<2000x64xf32>
    %get3A_6 = arith.constant 0 : index
    %get3A_7 = arith.constant 0 : index
    %get3A_8 = vector.load %arg3[%get3A_6, %get3A_7] : memref<1x64xf32, #tpu.memory_space<vmem>>, vector<1x64xf32>
    %add3A = vector.broadcast %get3A_8 : vector<1x64xf32> to vector<2000x64xf32>
    %add3A_9 = arith.addf %dot_general3A_5, %add3A : vector<2000x64xf32>
    %max3A = arith.constant 0.000000e+00 : f32
    %max3A_10 = vector.broadcast %max3A : f32 to vector<2000x64xf32>
    %max3A_11 = arith.maximumf %add3A_9, %max3A_10 : vector<2000x64xf32>
    %get3A_12 = arith.constant 0 : index
    %get3A_13 = arith.constant 0 : index
    %get3A_14 = vector.load %arg4[%get3A_12, %get3A_13] : memref<64x64xf32, #tpu.memory_space<vmem>>, vector<64x64xf32>
    %dot_general3A_15 = arith.constant dense<0.000000e+00> : vector<2000x64xf32>
    %dot_general3A_16 = tpu.matmul %max3A_11, %get3A_14, %dot_general3A_15 {dimension_numbers = #tpu.dot_dimension_numbers<[1], [1], [0], [0], [0, 0, 1, 0], [], []>, precision = #tpu.contract_precision<fp32>, transpose_lhs_hint = false} : vector<2000x64xf32>, vector<64x64xf32>, vector<2000x64xf32> -> vector<2000x64xf32>
    %get3A_17 = arith.constant 0 : index
    %get3A_18 = arith.constant 0 : index
    %get3A_19 = vector.load %arg5[%get3A_17, %get3A_18] : memref<1x64xf32, #tpu.memory_space<vmem>>, vector<1x64xf32>
    %add3A_20 = vector.broadcast %get3A_19 : vector<1x64xf32> to vector<2000x64xf32>
    %add3A_21 = arith.addf %dot_general3A_16, %add3A_20 : vector<2000x64xf32>
    %max3A_22 = arith.constant 0.000000e+00 : f32
    %max3A_23 = vector.broadcast %max3A_22 : f32 to vector<2000x64xf32>
    %max3A_24 = arith.maximumf %add3A_21, %max3A_23 : vector<2000x64xf32>
    %swap3A = arith.constant 0 : index
    %swap3A_25 = arith.constant 0 : index
    %swap3A_26 = vector.load %arg6[%swap3A, %swap3A_25] : memref<2000x64xf32, #tpu.memory_space<vmem>>, vector<2000x64xf32>
    tpu.vector_store %arg6[%swap3A, %swap3A_25], %max3A_24 {strides = array<i32>} : memref<2000x64xf32, #tpu.memory_space<vmem>>, vector<2000x64xf32>,
    return
  }
  func.func @transform_0(%arg0: i32) -> (i32, i32) {
    %c0_i32 = arith.constant 0 : i32
    %c0_i32_0 = arith.constant 0 : i32
    return %arg0, %c0_i32 : i32, i32
  }
  func.func @transform_1(%arg0: i32) -> (i32, i32) {
    %c0_i32 = arith.constant 0 : i32
    %c0_i32_0 = arith.constant 0 : i32
    %c0_i32_1 = arith.constant 0 : i32
    return %c0_i32, %c0_i32_0 : i32, i32
  }
  func.func @transform_2(%arg0: i32) -> (i32, i32) {
    %c0_i32 = arith.constant 0 : i32
    %c0_i32_0 = arith.constant 0 : i32
    %c0_i32_1 = arith.constant 0 : i32
    return %c0_i32, %c0_i32_0 : i32, i32
  }
  func.func @transform_3(%arg0: i32) -> (i32, i32) {
    %c0_i32 = arith.constant 0 : i32
    %c0_i32_0 = arith.constant 0 : i32
    %c0_i32_1 = arith.constant 0 : i32
    return %c0_i32, %c0_i32_0 : i32, i32
  }
  func.func @transform_4(%arg0: i32) -> (i32, i32) {
    %c0_i32 = arith.constant 0 : i32
    %c0_i32_0 = arith.constant 0 : i32
    %c0_i32_1 = arith.constant 0 : i32
    return %c0_i32, %c0_i32_0 : i32, i32
  }
  func.func @transform_5(%arg0: i32) -> (i32, i32) {
    %c0_i32 = arith.constant 0 : i32
    %c0_i32_0 = arith.constant 0 : i32
    return %arg0, %c0_i32 : i32, i32
  }
}

module attributes {stable_mosaic.version = 14 : i64} {
  func.func @_norm_body(%arg0: i32, %arg1: memref<2000x64xf32, #tpu.memory_space<vmem>>, %arg2: memref<2x1x2000x16xf32, #tpu.memory_space<vmem>>, %arg3: memref<2000x1xf32, #tpu.memory_space<vmem>>, %arg4: memref<2000x64xf32, #tpu.memory_space<vmem>>) attributes {dimension_semantics = [#tpu.dimension_semantics<arbitrary>], iteration_bounds = array<i64: 5>, scalar_prefetch = 0 : i64, scratch_operands = 0 : i64, tpu.core_type = #tpu.core_type<tc>, window_params = [{transform_indices = @transform_0, window_bounds = array<i64: 2000, 64>}, {transform_indices = @transform_1, window_bounds = array<i64: 2, 1, 2000, 16>}, {transform_indices = @transform_2, window_bounds = array<i64: 2000, 1>}, {transform_indices = @transform_3, window_bounds = array<i64: 2000, 64>}]} {
    %get3A = arith.constant 0 : index
    %get3A_0 = arith.constant 0 : index
    %get3A_1 = arith.constant 0 : index
    %get3A_2 = arith.constant 0 : index
    %get3A_3 = vector.load %arg2[%get3A, %get3A_0, %get3A_1, %get3A_2] : memref<2x1x2000x16xf32, #tpu.memory_space<vmem>>, vector<1x1x2000x1xf32>
    %get3A_4 = vector.shape_cast %get3A_3 : vector<1x1x2000x1xf32> to vector<2000x1xf32>
    %get3A_5 = arith.constant 1 : index
    %get3A_6 = arith.constant 0 : index
    %get3A_7 = arith.constant 0 : index
    %get3A_8 = arith.constant 0 : index
    %get3A_9 = vector.load %arg2[%get3A_5, %get3A_6, %get3A_7, %get3A_8] : memref<2x1x2000x16xf32, #tpu.memory_space<vmem>>, vector<1x1x2000x1xf32>
    %get3A_10 = vector.shape_cast %get3A_9 : vector<1x1x2000x1xf32> to vector<2000x1xf32>
    %add3A = arith.addf %get3A_4, %get3A_10 : vector<2000x1xf32>
    %add3A_11 = arith.constant 1.000000e+00 : f32
    %add3A_12 = vector.broadcast %add3A_11 : f32 to vector<2000x1xf32>
    %add3A_13 = arith.addf %add3A, %add3A_12 : vector<2000x1xf32>
    %max3A = arith.constant 1.000000e+00 : f32
    %max3A_14 = vector.broadcast %max3A : f32 to vector<2000x1xf32>
    %max3A_15 = arith.maximumf %add3A_13, %max3A_14 : vector<2000x1xf32>
    %rsqrt3A = math.rsqrt %max3A_15 : vector<2000x1xf32>
    %swap3A = arith.constant 0 : index
    %swap3A_16 = arith.constant 0 : index
    %swap3A_17 = vector.load %arg3[%swap3A, %swap3A_16] : memref<2000x1xf32, #tpu.memory_space<vmem>>, vector<2000x1xf32>
    tpu.vector_store %arg3[%swap3A, %swap3A_16], %rsqrt3A {strides = array<i32>} : memref<2000x1xf32, #tpu.memory_space<vmem>>, vector<2000x1xf32>,
    %get3A_18 = arith.constant 0 : index
    %get3A_19 = arith.constant 0 : index
    %get3A_20 = vector.load %arg1[%get3A_18, %get3A_19] : memref<2000x64xf32, #tpu.memory_space<vmem>>, vector<2000x64xf32>
    %mul3A = vector.broadcast %rsqrt3A : vector<2000x1xf32> to vector<2000x64xf32>
    %mul3A_21 = arith.mulf %get3A_20, %mul3A : vector<2000x64xf32>
    %swap3A_22 = arith.constant 0 : index
    %swap3A_23 = arith.constant 0 : index
    %swap3A_24 = vector.load %arg4[%swap3A_22, %swap3A_23] : memref<2000x64xf32, #tpu.memory_space<vmem>>, vector<2000x64xf32>
    tpu.vector_store %arg4[%swap3A_22, %swap3A_23], %mul3A_21 {strides = array<i32>} : memref<2000x64xf32, #tpu.memory_space<vmem>>, vector<2000x64xf32>,
    return
  }
  func.func @transform_0(%arg0: i32) -> (i32, i32) {
    %c0_i32 = arith.constant 0 : i32
    %c0_i32_0 = arith.constant 0 : i32
    return %arg0, %c0_i32 : i32, i32
  }
  func.func @transform_1(%arg0: i32) -> (i32, i32, i32, i32) {
    %c0_i32 = arith.constant 0 : i32
    %c0_i32_0 = arith.constant 0 : i32
    %c0_i32_1 = arith.constant 0 : i32
    %c0_i32_2 = arith.constant 0 : i32
    return %c0_i32, %c0_i32_0, %arg0, %c0_i32_1 : i32, i32, i32, i32
  }
  func.func @transform_2(%arg0: i32) -> (i32, i32) {
    %c0_i32 = arith.constant 0 : i32
    %c0_i32_0 = arith.constant 0 : i32
    return %arg0, %c0_i32 : i32, i32
  }
  func.func @transform_3(%arg0: i32) -> (i32, i32) {
    %c0_i32 = arith.constant 0 : i32
    %c0_i32_0 = arith.constant 0 : i32
    return %arg0, %c0_i32 : i32, i32
  }
}

module attributes {stable_mosaic.version = 14 : i64} {
  func.func @_fuse_body(%arg0: i32, %arg1: memref<2000x64xf32, #tpu.memory_space<vmem>>, %arg2: memref<2000x64xf32, #tpu.memory_space<vmem>>, %arg3: memref<2x2000x64xf32, #tpu.memory_space<vmem>>, %arg4: memref<2000x1xf32, #tpu.memory_space<vmem>>, %arg5: memref<2000x64xf32, #tpu.memory_space<vmem>>, %arg6: memref<2000x64xf32, #tpu.memory_space<vmem>>) attributes {dimension_semantics = [#tpu.dimension_semantics<arbitrary>], iteration_bounds = array<i64: 5>, scalar_prefetch = 0 : i64, scratch_operands = 0 : i64, tpu.core_type = #tpu.core_type<tc>, window_params = [{transform_indices = @transform_0, window_bounds = array<i64: 2000, 64>}, {transform_indices = @transform_1, window_bounds = array<i64: 2000, 64>}, {transform_indices = @transform_2, window_bounds = array<i64: 2, 2000, 64>}, {transform_indices = @transform_3, window_bounds = array<i64: 2000, 1>}, {transform_indices = @transform_4, window_bounds = array<i64: 2000, 64>}, {transform_indices = @transform_5, window_bounds = array<i64: 2000, 64>}]} {
    %get3A = arith.constant 0 : index
    %get3A_0 = arith.constant 0 : index
    %get3A_1 = arith.constant 0 : index
    %get3A_2 = vector.load %arg3[%get3A, %get3A_0, %get3A_1] : memref<2x2000x64xf32, #tpu.memory_space<vmem>>, vector<1x2000x64xf32>
    %get3A_3 = vector.shape_cast %get3A_2 : vector<1x2000x64xf32> to vector<2000x64xf32>
    %get3A_4 = arith.constant 1 : index
    %get3A_5 = arith.constant 0 : index
    %get3A_6 = arith.constant 0 : index
    %get3A_7 = vector.load %arg3[%get3A_4, %get3A_5, %get3A_6] : memref<2x2000x64xf32, #tpu.memory_space<vmem>>, vector<1x2000x64xf32>
    %get3A_8 = vector.shape_cast %get3A_7 : vector<1x2000x64xf32> to vector<2000x64xf32>
    %add3A = arith.addf %get3A_3, %get3A_8 : vector<2000x64xf32>
    %get3A_9 = arith.constant 0 : index
    %get3A_10 = arith.constant 0 : index
    %get3A_11 = vector.load %arg2[%get3A_9, %get3A_10] : memref<2000x64xf32, #tpu.memory_space<vmem>>, vector<2000x64xf32>
    %add3A_12 = arith.addf %add3A, %get3A_11 : vector<2000x64xf32>
    %get3A_13 = arith.constant 0 : index
    %get3A_14 = arith.constant 0 : index
    %get3A_15 = vector.load %arg4[%get3A_13, %get3A_14] : memref<2000x1xf32, #tpu.memory_space<vmem>>, vector<2000x1xf32>
    %get3A_16 = arith.constant 0 : index
    %get3A_17 = arith.constant 0 : index
    %get3A_18 = vector.load %arg1[%get3A_16, %get3A_17] : memref<2000x64xf32, #tpu.memory_space<vmem>>, vector<2000x64xf32>
    %mul3A = vector.broadcast %get3A_15 : vector<2000x1xf32> to vector<2000x64xf32>
    %mul3A_19 = arith.mulf %add3A_12, %mul3A : vector<2000x64xf32>
    %sub3A = arith.subf %get3A_18, %mul3A_19 : vector<2000x64xf32>
    %swap3A = arith.constant 0 : index
    %swap3A_20 = arith.constant 0 : index
    %swap3A_21 = vector.load %arg5[%swap3A, %swap3A_20] : memref<2000x64xf32, #tpu.memory_space<vmem>>, vector<2000x64xf32>
    tpu.vector_store %arg5[%swap3A, %swap3A_20], %sub3A {strides = array<i32>} : memref<2000x64xf32, #tpu.memory_space<vmem>>, vector<2000x64xf32>,
    %mul3A_22 = vector.broadcast %get3A_15 : vector<2000x1xf32> to vector<2000x64xf32>
    %mul3A_23 = arith.mulf %sub3A, %mul3A_22 : vector<2000x64xf32>
    %swap3A_24 = arith.constant 0 : index
    %swap3A_25 = arith.constant 0 : index
    %swap3A_26 = vector.load %arg6[%swap3A_24, %swap3A_25] : memref<2000x64xf32, #tpu.memory_space<vmem>>, vector<2000x64xf32>
    tpu.vector_store %arg6[%swap3A_24, %swap3A_25], %mul3A_23 {strides = array<i32>} : memref<2000x64xf32, #tpu.memory_space<vmem>>, vector<2000x64xf32>,
    return
  }
  func.func @transform_0(%arg0: i32) -> (i32, i32) {
    %c0_i32 = arith.constant 0 : i32
    %c0_i32_0 = arith.constant 0 : i32
    return %arg0, %c0_i32 : i32, i32
  }
  func.func @transform_1(%arg0: i32) -> (i32, i32) {
    %c0_i32 = arith.constant 0 : i32
    %c0_i32_0 = arith.constant 0 : i32
    return %arg0, %c0_i32 : i32, i32
  }
  func.func @transform_2(%arg0: i32) -> (i32, i32, i32) {
    %c0_i32 = arith.constant 0 : i32
    %c0_i32_0 = arith.constant 0 : i32
    %c0_i32_1 = arith.constant 0 : i32
    return %c0_i32, %arg0, %c0_i32_0 : i32, i32, i32
  }
  func.func @transform_3(%arg0: i32) -> (i32, i32) {
    %c0_i32 = arith.constant 0 : i32
    %c0_i32_0 = arith.constant 0 : i32
    return %arg0, %c0_i32 : i32, i32
  }
  func.func @transform_4(%arg0: i32) -> (i32, i32) {
    %c0_i32 = arith.constant 0 : i32
    %c0_i32_0 = arith.constant 0 : i32
    return %arg0, %c0_i32 : i32, i32
  }
  func.func @transform_5(%arg0: i32) -> (i32, i32) {
    %c0_i32 = arith.constant 0 : i32
    %c0_i32_0 = arith.constant 0 : i32
    return %arg0, %c0_i32 : i32, i32
  }
}

module attributes {stable_mosaic.version = 14 : i64} {
  func.func @_mid_body(%arg0: i32, %arg1: memref<2000x64xf32, #tpu.memory_space<vmem>>, %arg2: memref<2000x64xf32, #tpu.memory_space<vmem>>, %arg3: memref<2000x64xf32, #tpu.memory_space<vmem>>, %arg4: memref<2x2000x64xf32, #tpu.memory_space<vmem>>, %arg5: memref<2000x1xf32, #tpu.memory_space<vmem>>, %arg6: memref<64x192xf32, #tpu.memory_space<vmem>>, %arg7: memref<1x64xf32, #tpu.memory_space<vmem>>, %arg8: memref<2x1x2000x16xf32, #tpu.memory_space<vmem>>, %arg9: memref<2000x64xf32, #tpu.memory_space<vmem>>, %arg10: memref<2000x1xf32, #tpu.memory_space<vmem>>, %arg11: memref<2000x64xf32, #tpu.memory_space<vmem>>) attributes {dimension_semantics = [#tpu.dimension_semantics<arbitrary>], iteration_bounds = array<i64: 5>, scalar_prefetch = 0 : i64, scratch_operands = 0 : i64, tpu.core_type = #tpu.core_type<tc>, window_params = [{transform_indices = @transform_0, window_bounds = array<i64: 2000, 64>}, {transform_indices = @transform_1, window_bounds = array<i64: 2000, 64>}, {transform_indices = @transform_2, window_bounds = array<i64: 2000, 64>}, {transform_indices = @transform_3, window_bounds = array<i64: 2, 2000, 64>}, {transform_indices = @transform_4, window_bounds = array<i64: 2000, 1>}, {pipeline_mode = #tpu.pipeline_mode<synchronous>, transform_indices = @transform_5, window_bounds = array<i64: 64, 192>}, {pipeline_mode = #tpu.pipeline_mode<synchronous>, transform_indices = @transform_6, window_bounds = array<i64: 1, 64>}, {transform_indices = @transform_7, window_bounds = array<i64: 2, 1, 2000, 16>}, {transform_indices = @transform_8, window_bounds = array<i64: 2000, 64>}, {transform_indices = @transform_9, window_bounds = array<i64: 2000, 1>}, {transform_indices = @transform_10, window_bounds = array<i64: 2000, 64>}]} {
    %get3A = arith.constant 0 : index
    %get3A_0 = arith.constant 0 : index
    %get3A_1 = vector.load %arg5[%get3A, %get3A_0] : memref<2000x1xf32, #tpu.memory_space<vmem>>, vector<2000x1xf32>
    %get3A_2 = arith.constant 0 : index
    %get3A_3 = arith.constant 0 : index
    %get3A_4 = vector.load %arg2[%get3A_2, %get3A_3] : memref<2000x64xf32, #tpu.memory_space<vmem>>, vector<2000x64xf32>
    %get3A_5 = arith.constant 0 : index
    %get3A_6 = arith.constant 0 : index
    %get3A_7 = arith.constant 0 : index
    %get3A_8 = vector.load %arg4[%get3A_5, %get3A_6, %get3A_7] : memref<2x2000x64xf32, #tpu.memory_space<vmem>>, vector<1x2000x64xf32>
    %get3A_9 = vector.shape_cast %get3A_8 : vector<1x2000x64xf32> to vector<2000x64xf32>
    %get3A_10 = arith.constant 1 : index
    %get3A_11 = arith.constant 0 : index
    %get3A_12 = arith.constant 0 : index
    %get3A_13 = vector.load %arg4[%get3A_10, %get3A_11, %get3A_12] : memref<2x2000x64xf32, #tpu.memory_space<vmem>>, vector<1x2000x64xf32>
    %get3A_14 = vector.shape_cast %get3A_13 : vector<1x2000x64xf32> to vector<2000x64xf32>
    %add3A = arith.addf %get3A_9, %get3A_14 : vector<2000x64xf32>
    %get3A_15 = arith.constant 0 : index
    %get3A_16 = arith.constant 0 : index
    %get3A_17 = vector.load %arg3[%get3A_15, %get3A_16] : memref<2000x64xf32, #tpu.memory_space<vmem>>, vector<2000x64xf32>
    %add3A_18 = arith.addf %add3A, %get3A_17 : vector<2000x64xf32>
    %mul3A = vector.broadcast %get3A_1 : vector<2000x1xf32> to vector<2000x64xf32>
    %mul3A_19 = arith.mulf %add3A_18, %mul3A : vector<2000x64xf32>
    %sub3A = arith.subf %get3A_4, %mul3A_19 : vector<2000x64xf32>
    %get3A_20 = arith.constant 0 : index
    %get3A_21 = arith.constant 0 : index
    %get3A_22 = vector.load %arg1[%get3A_20, %get3A_21] : memref<2000x64xf32, #tpu.memory_space<vmem>>, vector<2000x64xf32>
    %get3A_23 = arith.constant 0 : index
    %get3A_24 = arith.constant 0 : index
    %get3A_25 = vector.load %arg2[%get3A_23, %get3A_24] : memref<2000x64xf32, #tpu.memory_space<vmem>>, vector<2000x64xf32>
    %get3A_26 = arith.constant 0 : index
    %get3A_27 = arith.constant 0 : index
    %get3A_28 = vector.load %arg6[%get3A_26, %get3A_27] : memref<64x192xf32, #tpu.memory_space<vmem>>, vector<64x192xf32>
    %get3A_29 = arith.constant 0 : index
    %get3A_30 = arith.constant 0 : index
    %get3A_31 = vector.load %arg7[%get3A_29, %get3A_30] : memref<1x64xf32, #tpu.memory_space<vmem>>, vector<1x64xf32>
    %broadcast_in_dim3A = vector.shape_cast %get3A_31 : vector<1x64xf32> to vector<1x64xf32>
    %broadcast_in_dim3A_32 = vector.broadcast %broadcast_in_dim3A : vector<1x64xf32> to vector<2000x64xf32>
    %slice3A = vector.extract_strided_slice %get3A_28 {offsets = [0, 0], sizes = [64, 64], strides = [1, 1]} : vector<64x192xf32> to vector<64x64xf32>
    %mul3A_33 = arith.constant 3.000000e+00 : f32
    %mul3A_34 = vector.broadcast %mul3A_33 : f32 to vector<64x64xf32>
    %mul3A_35 = arith.mulf %slice3A, %mul3A_34 : vector<64x64xf32>
    %dot_general3A = arith.constant dense<0.000000e+00> : vector<2000x64xf32>
    %dot_general3A_36 = tpu.matmul %get3A_22, %mul3A_35, %dot_general3A {dimension_numbers = #tpu.dot_dimension_numbers<[1], [1], [0], [0], [0, 0, 1, 0], [], []>, precision = #tpu.contract_precision<fp32>, transpose_lhs_hint = false} : vector<2000x64xf32>, vector<64x64xf32>, vector<2000x64xf32> -> vector<2000x64xf32>
    %add3A_37 = arith.addf %broadcast_in_dim3A_32, %dot_general3A_36 : vector<2000x64xf32>
    %slice3A_38 = vector.extract_strided_slice %get3A_28 {offsets = [0, 0], sizes = [64, 64], strides = [1, 1]} : vector<64x192xf32> to vector<64x64xf32>
    %mul3A_39 = arith.constant -3.000000e+00 : f32
    %mul3A_40 = vector.broadcast %mul3A_39 : f32 to vector<64x64xf32>
    %mul3A_41 = arith.mulf %slice3A_38, %mul3A_40 : vector<64x64xf32>
    %slice3A_42 = vector.extract_strided_slice %get3A_28 {offsets = [0, 64], sizes = [64, 64], strides = [1, 1]} : vector<64x192xf32> to vector<64x64xf32>
    %mul3A_43 = arith.constant 3.000000e+00 : f32
    %mul3A_44 = vector.broadcast %mul3A_43 : f32 to vector<64x64xf32>
    %mul3A_45 = arith.mulf %slice3A_42, %mul3A_44 : vector<64x64xf32>
    %add3A_46 = arith.addf %mul3A_41, %mul3A_45 : vector<64x64xf32>
    %dot_general3A_47 = arith.constant dense<0.000000e+00> : vector<2000x64xf32>
    %dot_general3A_48 = tpu.matmul %get3A_25, %add3A_46, %dot_general3A_47 {dimension_numbers = #tpu.dot_dimension_numbers<[1], [1], [0], [0], [0, 0, 1, 0], [], []>, precision = #tpu.contract_precision<fp32>, transpose_lhs_hint = false} : vector<2000x64xf32>, vector<64x64xf32>, vector<2000x64xf32> -> vector<2000x64xf32>
    %add3A_49 = arith.addf %add3A_37, %dot_general3A_48 : vector<2000x64xf32>
    %slice3A_50 = vector.extract_strided_slice %get3A_28 {offsets = [0, 0], sizes = [64, 64], strides = [1, 1]} : vector<64x192xf32> to vector<64x64xf32>
    %mul3A_51 = arith.constant 7.500000e-01 : f32
    %mul3A_52 = vector.broadcast %mul3A_51 : f32 to vector<64x64xf32>
    %mul3A_53 = arith.mulf %slice3A_50, %mul3A_52 : vector<64x64xf32>
    %slice3A_54 = vector.extract_strided_slice %get3A_28 {offsets = [0, 64], sizes = [64, 64], strides = [1, 1]} : vector<64x192xf32> to vector<64x64xf32>
    %mul3A_55 = arith.constant -1.500000e+00 : f32
    %mul3A_56 = vector.broadcast %mul3A_55 : f32 to vector<64x64xf32>
    %mul3A_57 = arith.mulf %slice3A_54, %mul3A_56 : vector<64x64xf32>
    %add3A_58 = arith.addf %mul3A_53, %mul3A_57 : vector<64x64xf32>
    %slice3A_59 = vector.extract_strided_slice %get3A_28 {offsets = [0, 128], sizes = [64, 64], strides = [1, 1]} : vector<64x192xf32> to vector<64x64xf32>
    %mul3A_60 = arith.constant 7.500000e-01 : f32
    %mul3A_61 = vector.broadcast %mul3A_60 : f32 to vector<64x64xf32>
    %mul3A_62 = arith.mulf %slice3A_59, %mul3A_61 : vector<64x64xf32>
    %add3A_63 = arith.addf %add3A_58, %mul3A_62 : vector<64x64xf32>
    %dot_general3A_64 = arith.constant dense<0.000000e+00> : vector<2000x64xf32>
    %dot_general3A_65 = tpu.matmul %sub3A, %add3A_63, %dot_general3A_64 {dimension_numbers = #tpu.dot_dimension_numbers<[1], [1], [0], [0], [0, 0, 1, 0], [], []>, precision = #tpu.contract_precision<fp32>, transpose_lhs_hint = false} : vector<2000x64xf32>, vector<64x64xf32>, vector<2000x64xf32> -> vector<2000x64xf32>
    %add3A_66 = arith.addf %add3A_49, %dot_general3A_65 : vector<2000x64xf32>
    %get3A_67 = arith.constant 0 : index
    %get3A_68 = arith.constant 0 : index
    %get3A_69 = arith.constant 0 : index
    %get3A_70 = arith.constant 0 : index
    %get3A_71 = vector.load %arg8[%get3A_67, %get3A_68, %get3A_69, %get3A_70] : memref<2x1x2000x16xf32, #tpu.memory_space<vmem>>, vector<1x1x2000x1xf32>
    %get3A_72 = vector.shape_cast %get3A_71 : vector<1x1x2000x1xf32> to vector<2000x1xf32>
    %get3A_73 = arith.constant 1 : index
    %get3A_74 = arith.constant 0 : index
    %get3A_75 = arith.constant 0 : index
    %get3A_76 = arith.constant 0 : index
    %get3A_77 = vector.load %arg8[%get3A_73, %get3A_74, %get3A_75, %get3A_76] : memref<2x1x2000x16xf32, #tpu.memory_space<vmem>>, vector<1x1x2000x1xf32>
    %get3A_78 = vector.shape_cast %get3A_77 : vector<1x1x2000x1xf32> to vector<2000x1xf32>
    %add3A_79 = arith.addf %get3A_72, %get3A_78 : vector<2000x1xf32>
    %add3A_80 = arith.constant 1.000000e+00 : f32
    %add3A_81 = vector.broadcast %add3A_80 : f32 to vector<2000x1xf32>
    %add3A_82 = arith.addf %add3A_79, %add3A_81 : vector<2000x1xf32>
    %max3A = arith.constant 1.000000e+00 : f32
    %max3A_83 = vector.broadcast %max3A : f32 to vector<2000x1xf32>
    %max3A_84 = arith.maximumf %add3A_82, %max3A_83 : vector<2000x1xf32>
    %rsqrt3A = math.rsqrt %max3A_84 : vector<2000x1xf32>
    %swap3A = arith.constant 0 : index
    %swap3A_85 = arith.constant 0 : index
    %swap3A_86 = vector.load %arg9[%swap3A, %swap3A_85] : memref<2000x64xf32, #tpu.memory_space<vmem>>, vector<2000x64xf32>
    tpu.vector_store %arg9[%swap3A, %swap3A_85], %add3A_66 {strides = array<i32>} : memref<2000x64xf32, #tpu.memory_space<vmem>>, vector<2000x64xf32>,
    %swap3A_87 = arith.constant 0 : index
    %swap3A_88 = arith.constant 0 : index
    %swap3A_89 = vector.load %arg10[%swap3A_87, %swap3A_88] : memref<2000x1xf32, #tpu.memory_space<vmem>>, vector<2000x1xf32>
    tpu.vector_store %arg10[%swap3A_87, %swap3A_88], %rsqrt3A {strides = array<i32>} : memref<2000x1xf32, #tpu.memory_space<vmem>>, vector<2000x1xf32>,
    %mul3A_90 = vector.broadcast %rsqrt3A : vector<2000x1xf32> to vector<2000x64xf32>
    %mul3A_91 = arith.mulf %add3A_66, %mul3A_90 : vector<2000x64xf32>
    %swap3A_92 = arith.constant 0 : index
    %swap3A_93 = arith.constant 0 : index
    %swap3A_94 = vector.load %arg11[%swap3A_92, %swap3A_93] : memref<2000x64xf32, #tpu.memory_space<vmem>>, vector<2000x64xf32>
    tpu.vector_store %arg11[%swap3A_92, %swap3A_93], %mul3A_91 {strides = array<i32>} : memref<2000x64xf32, #tpu.memory_space<vmem>>, vector<2000x64xf32>,
    return
  }
  func.func @transform_0(%arg0: i32) -> (i32, i32) {
    %c0_i32 = arith.constant 0 : i32
    %c0_i32_0 = arith.constant 0 : i32
    return %arg0, %c0_i32 : i32, i32
  }
  func.func @transform_1(%arg0: i32) -> (i32, i32) {
    %c0_i32 = arith.constant 0 : i32
    %c0_i32_0 = arith.constant 0 : i32
    return %arg0, %c0_i32 : i32, i32
  }
  func.func @transform_2(%arg0: i32) -> (i32, i32) {
    %c0_i32 = arith.constant 0 : i32
    %c0_i32_0 = arith.constant 0 : i32
    return %arg0, %c0_i32 : i32, i32
  }
  func.func @transform_3(%arg0: i32) -> (i32, i32, i32) {
    %c0_i32 = arith.constant 0 : i32
    %c0_i32_0 = arith.constant 0 : i32
    %c0_i32_1 = arith.constant 0 : i32
    return %c0_i32, %arg0, %c0_i32_0 : i32, i32, i32
  }
  func.func @transform_4(%arg0: i32) -> (i32, i32) {
    %c0_i32 = arith.constant 0 : i32
    %c0_i32_0 = arith.constant 0 : i32
    return %arg0, %c0_i32 : i32, i32
  }
  func.func @transform_5(%arg0: i32) -> (i32, i32) {
    %c0_i32 = arith.constant 0 : i32
    %c0_i32_0 = arith.constant 0 : i32
    %c0_i32_1 = arith.constant 0 : i32
    return %c0_i32, %c0_i32_0 : i32, i32
  }
  func.func @transform_6(%arg0: i32) -> (i32, i32) {
    %c0_i32 = arith.constant 0 : i32
    %c0_i32_0 = arith.constant 0 : i32
    %c0_i32_1 = arith.constant 0 : i32
    return %c0_i32, %c0_i32_0 : i32, i32
  }
  func.func @transform_7(%arg0: i32) -> (i32, i32, i32, i32) {
    %c0_i32 = arith.constant 0 : i32
    %c1_i32 = arith.constant 1 : i32
    %c0_i32_0 = arith.constant 0 : i32
    %c0_i32_1 = arith.constant 0 : i32
    return %c0_i32, %c1_i32, %arg0, %c0_i32_0 : i32, i32, i32, i32
  }
  func.func @transform_8(%arg0: i32) -> (i32, i32) {
    %c0_i32 = arith.constant 0 : i32
    %c0_i32_0 = arith.constant 0 : i32
    return %arg0, %c0_i32 : i32, i32
  }
  func.func @transform_9(%arg0: i32) -> (i32, i32) {
    %c0_i32 = arith.constant 0 : i32
    %c0_i32_0 = arith.constant 0 : i32
    return %arg0, %c0_i32 : i32, i32
  }
  func.func @transform_10(%arg0: i32) -> (i32, i32) {
    %c0_i32 = arith.constant 0 : i32
    %c0_i32_0 = arith.constant 0 : i32
    return %arg0, %c0_i32 : i32, i32
  }
}

module attributes {stable_mosaic.version = 14 : i64} {
  func.func @_final_body(%arg0: i32, %arg1: memref<2000x64xf32, #tpu.memory_space<vmem>>, %arg2: memref<2000x64xf32, #tpu.memory_space<vmem>>, %arg3: memref<2000x64xf32, #tpu.memory_space<vmem>>, %arg4: memref<2x2000x64xf32, #tpu.memory_space<vmem>>, %arg5: memref<2000x1xf32, #tpu.memory_space<vmem>>, %arg6: memref<64x192xf32, #tpu.memory_space<vmem>>, %arg7: memref<1x64xf32, #tpu.memory_space<vmem>>, %arg8: memref<2x64xf32, #tpu.memory_space<vmem>>, %arg9: memref<1x2xf32, #tpu.memory_space<vmem>>, %arg10: memref<2000x2xf32, #tpu.memory_space<vmem>>) attributes {dimension_semantics = [#tpu.dimension_semantics<arbitrary>], iteration_bounds = array<i64: 5>, scalar_prefetch = 0 : i64, scratch_operands = 0 : i64, tpu.core_type = #tpu.core_type<tc>, window_params = [{transform_indices = @transform_0, window_bounds = array<i64: 2000, 64>}, {transform_indices = @transform_1, window_bounds = array<i64: 2000, 64>}, {transform_indices = @transform_2, window_bounds = array<i64: 2000, 64>}, {transform_indices = @transform_3, window_bounds = array<i64: 2, 2000, 64>}, {transform_indices = @transform_4, window_bounds = array<i64: 2000, 1>}, {pipeline_mode = #tpu.pipeline_mode<synchronous>, transform_indices = @transform_5, window_bounds = array<i64: 64, 192>}, {pipeline_mode = #tpu.pipeline_mode<synchronous>, transform_indices = @transform_6, window_bounds = array<i64: 1, 64>}, {pipeline_mode = #tpu.pipeline_mode<synchronous>, transform_indices = @transform_7, window_bounds = array<i64: 2, 64>}, {pipeline_mode = #tpu.pipeline_mode<synchronous>, transform_indices = @transform_8, window_bounds = array<i64: 1, 2>}, {transform_indices = @transform_9, window_bounds = array<i64: 2000, 2>}]} {
    %get3A = arith.constant 0 : index
    %get3A_0 = arith.constant 0 : index
    %get3A_1 = vector.load %arg5[%get3A, %get3A_0] : memref<2000x1xf32, #tpu.memory_space<vmem>>, vector<2000x1xf32>
    %get3A_2 = arith.constant 0 : index
    %get3A_3 = arith.constant 0 : index
    %get3A_4 = vector.load %arg2[%get3A_2, %get3A_3] : memref<2000x64xf32, #tpu.memory_space<vmem>>, vector<2000x64xf32>
    %get3A_5 = arith.constant 0 : index
    %get3A_6 = arith.constant 0 : index
    %get3A_7 = arith.constant 0 : index
    %get3A_8 = vector.load %arg4[%get3A_5, %get3A_6, %get3A_7] : memref<2x2000x64xf32, #tpu.memory_space<vmem>>, vector<1x2000x64xf32>
    %get3A_9 = vector.shape_cast %get3A_8 : vector<1x2000x64xf32> to vector<2000x64xf32>
    %get3A_10 = arith.constant 1 : index
    %get3A_11 = arith.constant 0 : index
    %get3A_12 = arith.constant 0 : index
    %get3A_13 = vector.load %arg4[%get3A_10, %get3A_11, %get3A_12] : memref<2x2000x64xf32, #tpu.memory_space<vmem>>, vector<1x2000x64xf32>
    %get3A_14 = vector.shape_cast %get3A_13 : vector<1x2000x64xf32> to vector<2000x64xf32>
    %add3A = arith.addf %get3A_9, %get3A_14 : vector<2000x64xf32>
    %get3A_15 = arith.constant 0 : index
    %get3A_16 = arith.constant 0 : index
    %get3A_17 = vector.load %arg3[%get3A_15, %get3A_16] : memref<2000x64xf32, #tpu.memory_space<vmem>>, vector<2000x64xf32>
    %add3A_18 = arith.addf %add3A, %get3A_17 : vector<2000x64xf32>
    %mul3A = vector.broadcast %get3A_1 : vector<2000x1xf32> to vector<2000x64xf32>
    %mul3A_19 = arith.mulf %add3A_18, %mul3A : vector<2000x64xf32>
    %sub3A = arith.subf %get3A_4, %mul3A_19 : vector<2000x64xf32>
    %get3A_20 = arith.constant 0 : index
    %get3A_21 = arith.constant 0 : index
    %get3A_22 = vector.load %arg1[%get3A_20, %get3A_21] : memref<2000x64xf32, #tpu.memory_space<vmem>>, vector<2000x64xf32>
    %get3A_23 = arith.constant 0 : index
    %get3A_24 = arith.constant 0 : index
    %get3A_25 = vector.load %arg2[%get3A_23, %get3A_24] : memref<2000x64xf32, #tpu.memory_space<vmem>>, vector<2000x64xf32>
    %get3A_26 = arith.constant 0 : index
    %get3A_27 = arith.constant 0 : index
    %get3A_28 = vector.load %arg6[%get3A_26, %get3A_27] : memref<64x192xf32, #tpu.memory_space<vmem>>, vector<64x192xf32>
    %get3A_29 = arith.constant 0 : index
    %get3A_30 = arith.constant 0 : index
    %get3A_31 = vector.load %arg7[%get3A_29, %get3A_30] : memref<1x64xf32, #tpu.memory_space<vmem>>, vector<1x64xf32>
    %broadcast_in_dim3A = vector.shape_cast %get3A_31 : vector<1x64xf32> to vector<1x64xf32>
    %broadcast_in_dim3A_32 = vector.broadcast %broadcast_in_dim3A : vector<1x64xf32> to vector<2000x64xf32>
    %slice3A = vector.extract_strided_slice %get3A_28 {offsets = [0, 0], sizes = [64, 64], strides = [1, 1]} : vector<64x192xf32> to vector<64x64xf32>
    %mul3A_33 = arith.constant 3.000000e+00 : f32
    %mul3A_34 = vector.broadcast %mul3A_33 : f32 to vector<64x64xf32>
    %mul3A_35 = arith.mulf %slice3A, %mul3A_34 : vector<64x64xf32>
    %dot_general3A = arith.constant dense<0.000000e+00> : vector<2000x64xf32>
    %dot_general3A_36 = tpu.matmul %get3A_22, %mul3A_35, %dot_general3A {dimension_numbers = #tpu.dot_dimension_numbers<[1], [1], [0], [0], [0, 0, 1, 0], [], []>, precision = #tpu.contract_precision<fp32>, transpose_lhs_hint = false} : vector<2000x64xf32>, vector<64x64xf32>, vector<2000x64xf32> -> vector<2000x64xf32>
    %add3A_37 = arith.addf %broadcast_in_dim3A_32, %dot_general3A_36 : vector<2000x64xf32>
    %slice3A_38 = vector.extract_strided_slice %get3A_28 {offsets = [0, 0], sizes = [64, 64], strides = [1, 1]} : vector<64x192xf32> to vector<64x64xf32>
    %mul3A_39 = arith.constant -3.000000e+00 : f32
    %mul3A_40 = vector.broadcast %mul3A_39 : f32 to vector<64x64xf32>
    %mul3A_41 = arith.mulf %slice3A_38, %mul3A_40 : vector<64x64xf32>
    %slice3A_42 = vector.extract_strided_slice %get3A_28 {offsets = [0, 64], sizes = [64, 64], strides = [1, 1]} : vector<64x192xf32> to vector<64x64xf32>
    %mul3A_43 = arith.constant 3.000000e+00 : f32
    %mul3A_44 = vector.broadcast %mul3A_43 : f32 to vector<64x64xf32>
    %mul3A_45 = arith.mulf %slice3A_42, %mul3A_44 : vector<64x64xf32>
    %add3A_46 = arith.addf %mul3A_41, %mul3A_45 : vector<64x64xf32>
    %dot_general3A_47 = arith.constant dense<0.000000e+00> : vector<2000x64xf32>
    %dot_general3A_48 = tpu.matmul %get3A_25, %add3A_46, %dot_general3A_47 {dimension_numbers = #tpu.dot_dimension_numbers<[1], [1], [0], [0], [0, 0, 1, 0], [], []>, precision = #tpu.contract_precision<fp32>, transpose_lhs_hint = false} : vector<2000x64xf32>, vector<64x64xf32>, vector<2000x64xf32> -> vector<2000x64xf32>
    %add3A_49 = arith.addf %add3A_37, %dot_general3A_48 : vector<2000x64xf32>
    %slice3A_50 = vector.extract_strided_slice %get3A_28 {offsets = [0, 0], sizes = [64, 64], strides = [1, 1]} : vector<64x192xf32> to vector<64x64xf32>
    %mul3A_51 = arith.constant 7.500000e-01 : f32
    %mul3A_52 = vector.broadcast %mul3A_51 : f32 to vector<64x64xf32>
    %mul3A_53 = arith.mulf %slice3A_50, %mul3A_52 : vector<64x64xf32>
    %slice3A_54 = vector.extract_strided_slice %get3A_28 {offsets = [0, 64], sizes = [64, 64], strides = [1, 1]} : vector<64x192xf32> to vector<64x64xf32>
    %mul3A_55 = arith.constant -1.500000e+00 : f32
    %mul3A_56 = vector.broadcast %mul3A_55 : f32 to vector<64x64xf32>
    %mul3A_57 = arith.mulf %slice3A_54, %mul3A_56 : vector<64x64xf32>
    %add3A_58 = arith.addf %mul3A_53, %mul3A_57 : vector<64x64xf32>
    %slice3A_59 = vector.extract_strided_slice %get3A_28 {offsets = [0, 128], sizes = [64, 64], strides = [1, 1]} : vector<64x192xf32> to vector<64x64xf32>
    %mul3A_60 = arith.constant 7.500000e-01 : f32
    %mul3A_61 = vector.broadcast %mul3A_60 : f32 to vector<64x64xf32>
    %mul3A_62 = arith.mulf %slice3A_59, %mul3A_61 : vector<64x64xf32>
    %add3A_63 = arith.addf %add3A_58, %mul3A_62 : vector<64x64xf32>
    %dot_general3A_64 = arith.constant dense<0.000000e+00> : vector<2000x64xf32>
    %dot_general3A_65 = tpu.matmul %sub3A, %add3A_63, %dot_general3A_64 {dimension_numbers = #tpu.dot_dimension_numbers<[1], [1], [0], [0], [0, 0, 1, 0], [], []>, precision = #tpu.contract_precision<fp32>, transpose_lhs_hint = false} : vector<2000x64xf32>, vector<64x64xf32>, vector<2000x64xf32> -> vector<2000x64xf32>
    %add3A_66 = arith.addf %add3A_49, %dot_general3A_65 : vector<2000x64xf32>
    %add3A_67 = arith.addf %get3A_22, %add3A_66 : vector<2000x64xf32>
    %max3A = arith.constant 0.000000e+00 : f32
    %max3A_68 = vector.broadcast %max3A : f32 to vector<2000x64xf32>
    %max3A_69 = arith.maximumf %add3A_67, %max3A_68 : vector<2000x64xf32>
    %get3A_70 = arith.constant 0 : index
    %get3A_71 = arith.constant 0 : index
    %get3A_72 = vector.load %arg8[%get3A_70, %get3A_71] : memref<2x64xf32, #tpu.memory_space<vmem>>, vector<2x64xf32>
    %dot_general3A_73 = arith.constant dense<0.000000e+00> : vector<2000x2xf32>
    %dot_general3A_74 = tpu.matmul %max3A_69, %get3A_72, %dot_general3A_73 {dimension_numbers = #tpu.dot_dimension_numbers<[1], [1], [0], [0], [0, 0, 1, 0], [], []>, precision = #tpu.contract_precision<fp32>, transpose_lhs_hint = false} : vector<2000x64xf32>, vector<2x64xf32>, vector<2000x2xf32> -> vector<2000x2xf32>
    %get3A_75 = arith.constant 0 : index
    %get3A_76 = arith.constant 0 : index
    %get3A_77 = vector.load %arg9[%get3A_75, %get3A_76] : memref<1x2xf32, #tpu.memory_space<vmem>>, vector<1x2xf32>
    %add3A_78 = vector.broadcast %get3A_77 : vector<1x2xf32> to vector<2000x2xf32>
    %add3A_79 = arith.addf %dot_general3A_74, %add3A_78 : vector<2000x2xf32>
    %swap3A = arith.constant 0 : index
    %swap3A_80 = arith.constant 0 : index
    %swap3A_81 = vector.load %arg10[%swap3A, %swap3A_80] : memref<2000x2xf32, #tpu.memory_space<vmem>>, vector<2000x2xf32>
    tpu.vector_store %arg10[%swap3A, %swap3A_80], %add3A_79 {strides = array<i32>} : memref<2000x2xf32, #tpu.memory_space<vmem>>, vector<2000x2xf32>,
    return
  }
  func.func @transform_0(%arg0: i32) -> (i32, i32) {
    %c0_i32 = arith.constant 0 : i32
    %c0_i32_0 = arith.constant 0 : i32
    return %arg0, %c0_i32 : i32, i32
  }
  func.func @transform_1(%arg0: i32) -> (i32, i32) {
    %c0_i32 = arith.constant 0 : i32
    %c0_i32_0 = arith.constant 0 : i32
    return %arg0, %c0_i32 : i32, i32
  }
  func.func @transform_2(%arg0: i32) -> (i32, i32) {
    %c0_i32 = arith.constant 0 : i32
    %c0_i32_0 = arith.constant 0 : i32
    return %arg0, %c0_i32 : i32, i32
  }
  func.func @transform_3(%arg0: i32) -> (i32, i32, i32) {
    %c0_i32 = arith.constant 0 : i32
    %c0_i32_0 = arith.constant 0 : i32
    %c0_i32_1 = arith.constant 0 : i32
    return %c0_i32, %arg0, %c0_i32_0 : i32, i32, i32
  }
  func.func @transform_4(%arg0: i32) -> (i32, i32) {
    %c0_i32 = arith.constant 0 : i32
    %c0_i32_0 = arith.constant 0 : i32
    return %arg0, %c0_i32 : i32, i32
  }
  func.func @transform_5(%arg0: i32) -> (i32, i32) {
    %c0_i32 = arith.constant 0 : i32
    %c0_i32_0 = arith.constant 0 : i32
    %c0_i32_1 = arith.constant 0 : i32
    return %c0_i32, %c0_i32_0 : i32, i32
  }
  func.func @transform_6(%arg0: i32) -> (i32, i32) {
    %c0_i32 = arith.constant 0 : i32
    %c0_i32_0 = arith.constant 0 : i32
    %c0_i32_1 = arith.constant 0 : i32
    return %c0_i32, %c0_i32_0 : i32, i32
  }
  func.func @transform_7(%arg0: i32) -> (i32, i32) {
    %c0_i32 = arith.constant 0 : i32
    %c0_i32_0 = arith.constant 0 : i32
    %c0_i32_1 = arith.constant 0 : i32
    return %c0_i32, %c0_i32_0 : i32, i32
  }
  func.func @transform_8(%arg0: i32) -> (i32, i32) {
    %c0_i32 = arith.constant 0 : i32
    %c0_i32_0 = arith.constant 0 : i32
    %c0_i32_1 = arith.constant 0 : i32
    return %c0_i32, %c0_i32_0 : i32, i32
  }
  func.func @transform_9(%arg0: i32) -> (i32, i32) {
    %c0_i32 = arith.constant 0 : i32
    %c0_i32_0 = arith.constant 0 : i32
    return %arg0, %c0_i32 : i32, i32
  }
}

</mosaic_0001>

<sc_bundles>
// kernel: kernel.13.cloned.1.call-start
scs
__scs_entry_jumppad:
0x0: {  	(pc) =	sbr.rel $0x88, $3  }
0x1: {  	(tag) =	ssettag $0x0;
	lr =	simm.s32 $0x1  }
0x2: {  	[smem:$0x3F96] =	sst lr;
	_ =	strace $0xD0000000  }
0x3: {  	_ = 	snop  }
0x4: {  	_ = 	snop  }
0x5: {  	_ = 	snop  }
0x6: {  	_ = 	snop  }
0x7: {  	_ = 	snop  }
__scs_overlays_trampoline_lowered:
0x8: {  	[smem:$0x3FA5] =	sst s0  }
0x9: {  	[smem:$0x3FA6] =	sst s1  }
0xa: {  	[smem:$0x3FA7] =	sst s2  }
0xb: {  	[smem:$0x3FA8] =	sst s3  }
0xc: {  	[smem:$0x3FA9] =	sst s4  }
0xd: {  	[smem:$0x3FAA] =	sst s5  }
0xe: {  	[smem:$0x3FAB] =	sst s6  }
0xf: {  	[smem:$0x3FAC] =	sst s7  }
0x10: {  	[smem:$0x3FAD] =	sst s8  }
0x11: {  	[smem:$0x3FAE] =	sst s9;
	s0 =	simm.s32 @!p0 $0x0  }
0x12: {  	s1 =	sld [smem:$0x3F94];
	s0 =	simm.s32 @p0 $0x1  }
0x13: {  	[smem:$0x3FAF] =	sst s0;
	s0 =	simm.s32 @!p1 $0x0  }
0x14: {  	s2 =	sld [smem:$0x3F93];
	s0 =	simm.s32 @p1 $0x1  }
0x15: {  	[smem:$0x3FB0] =	sst s0;
	s0 =	simm.s32 @!p2 $0x0  }
0x16: {  	s3 =	sld [smem:$0x3FDB];
	s0 =	simm.s32 @p2 $0x1  }
0x17: {  	s4 =	simm.s32 $0x1BF5;
	[smem:$0x3FB2] =	sst s0  }
0x18: {  	s0 =	sld [smem:$0x3F95];
	_ =	swait.ge [sflag:s4], $0x0  }
0x19: {  	s7 =	sld [smem:$0x3F96]  }
0x1a: {  	s8 =	sadd.s32 $0xFFFFE003, lr  }
0x1b: {  	s9 =	sadd.s32 $0xFFFFFEF7, lr;
	s5 =	simm.s32 $0xFFFFFFFF;
	p2 =	slt.u32 s8, $0xFFFFF086  }
0x1c: {  	p1 =	slt.u32 s9, $0xF7A;
	s5 =	simm.s32 @!p2 $0x0  }
0x1d: {  	s5 =	simm.s32 @p1 $0x1;
	p0 =	seq.s32 s7, s2  }
0x1e: {  	s7 =	smul.u32 @!p0 $0xF7A, s2;
	p2 =	seq.s32 @!p0 s5, $0x0  }
0x1f: {  	s9 =	smul.u32 $0xF7A, s1;
	s8 =	simm.s32 @!p0 $0x1BF5;
	p2 =	por !p2, p0  }
0x20: {  	[sflag:s8] =	ssyncset.s32 @!p0 $0xFFFFF086;
	s6 =	sadd.s32 @!p0 s3, s7;
	s7 =	simm.s32 @!p0 $0x108  }
0x21: {  	s3 =	sadd.s32 s3, s9;
	s6 =	sadd.s32 @!p0 $0x88, s6;
	s7 =	simm.s32 @p2 $0x1082  }
0x22: {  	[simem:s7], [sflag:s8] =	dma.local @!p0 [hbm:s6], $0xF7A  }
0x23: {  	s9 =	sor.u32 $0xD0000000, s2;
	s6 =	simm.s32 $0x108;
	_ =	swait.ge @!p0 [sflag:s8], $0x0  }
0x24: {  	s3 =	sadd.s32 $0x88, s3;
	s6 =	simm.s32 @!p1 $0x1082;
	[sflag:s4] =	ssyncset.s32 $0xFFFFF086  }
0x25: {  	[simem:s6], [sflag:s4] =	dma.local [hbm:s3], $0xF7A  }
0x26: {  	[smem:$0x3F96] =	sst s1;
	(tag) =	ssettag s2;
	_ =	strace s9  }
0x27: {  	s1 =	sld [smem:$0x3FA6]  }
0x28: {  	s2 =	sld [smem:$0x3FA7]  }
0x29: {  	s4 =	sld [smem:$0x3FA9]  }
0x2a: {  	p0 =	seq.s32 s5, $0x0;
	s5 =	sld [smem:$0x3FAA]  }
0x2b: {  	s6 =	sld [smem:$0x3FAB]  }
0x2c: {  	s7 =	sld [smem:$0x3FAC]  }
0x2d: {  	s3 =	simm.s32 $0x108;
	s8 =	sld [smem:$0x3FAD]  }
0x2e: {  	s3 =	simm.s32 @!p0 $0x1082;
	s9 =	sld [smem:$0x3FAE]  }
0x2f: {  	lr =	sadd.s32 s0, s3;
	s0 =	sld [smem:$0x3FA5]  }
0x30: {  	s3 =	sld [smem:$0x3FA8]  }
0x31: {  	[smem:$0x3FB1] =	sst s10  }
0x32: {  	s10 =	sld [smem:$0x3FAF];
	_ =	sdelay $0x3  }
0x33: {  	p0 =	seq.s32 s10, $0x1;
	s10 =	sld [smem:$0x3FB1];
	_ =	sdelay $0x3  }
0x34: {  	[smem:$0x3FB1] =	sst s10  }
0x35: {  	s10 =	sld [smem:$0x3FB0];
	_ =	sdelay $0x3  }
0x36: {  	p1 =	seq.s32 s10, $0x1;
	s10 =	sld [smem:$0x3FB1];
	_ =	sdelay $0x3  }
0x37: {  	[smem:$0x3FB1] =	sst s10  }
0x38: {  	s10 =	sld [smem:$0x3FB2]  }
0x39: {  	_ = 	snop;
	(pc) =	sbr.ind lr, $3  }
0x3a: {  	_ = 	snop  }
0x3b: {  	_ = 	snop  }
0x3c: {  	p2 =	seq.s32 s10, $0x1;
	s10 =	sld [smem:$0x3FB1]  }
0x3d: {  	_ =	shalt  }
0x3e: {  	_ =	shalt  }
0x3f: {  	_ =	shalt  }
0x40: {  	_ =	shalt  }
0x41: {  	_ =	shalt  }
0x42: {  	_ =	shalt  }
0x43: {  	_ =	shalt  }
0x44: {  	_ =	shalt  }
0x45: {  	_ =	shalt  }
0x46: {  	_ =	shalt  }
0x47: {  	_ =	shalt  }
0x48: {  	_ =	shalt  }
0x49: {  	_ =	shalt  }
0x4a: {  	_ =	shalt  }
0x4b: {  	_ =	shalt  }
0x4c: {  	_ =	shalt  }
0x4d: {  	_ =	shalt  }
0x4e: {  	_ =	shalt  }
0x4f: {  	_ =	shalt  }
0x50: {  	_ =	shalt  }
0x51: {  	_ =	shalt  }
0x52: {  	_ =	shalt  }
0x53: {  	_ =	shalt  }
0x54: {  	_ =	shalt  }
0x55: {  	_ =	shalt  }
0x56: {  	_ =	shalt  }
0x57: {  	_ =	shalt  }
0x58: {  	_ =	shalt  }
0x59: {  	_ =	shalt  }
0x5a: {  	_ =	shalt  }
0x5b: {  	_ =	shalt  }
0x5c: {  	_ =	shalt  }
0x5d: {  	_ =	shalt  }
0x5e: {  	_ =	shalt  }
0x5f: {  	_ =	shalt  }
0x60: {  	_ =	shalt  }
0x61: {  	_ =	shalt  }
0x62: {  	_ =	shalt  }
0x63: {  	_ =	shalt  }
0x64: {  	_ =	shalt  }
0x65: {  	_ =	shalt  }
0x66: {  	_ =	shalt  }
0x67: {  	_ =	shalt  }
0x68: {  	_ =	shalt  }
0x69: {  	_ =	shalt  }
0x6a: {  	_ =	shalt  }
0x6b: {  	_ =	shalt  }
0x6c: {  	_ =	shalt  }
0x6d: {  	_ =	shalt  }
0x6e: {  	_ =	shalt  }
0x6f: {  	_ =	shalt  }
0x70: {  	_ =	shalt  }
0x71: {  	_ =	shalt  }
0x72: {  	_ =	shalt  }
0x73: {  	_ =	shalt  }
0x74: {  	_ =	shalt  }
0x75: {  	_ =	shalt  }
0x76: {  	_ =	shalt  }
0x77: {  	_ =	shalt  }
0x78: {  	_ =	shalt  }
0x79: {  	_ =	shalt  }
0x7a: {  	_ =	shalt  }
0x7b: {  	_ =	shalt  }
0x7c: {  	_ =	shalt  }
0x7d: {  	_ =	shalt  }
0x7e: {  	_ =	shalt  }
0x7f: {  	_ =	shalt  }
0x80: {  	_ =	shalt  }
0x81: {  	_ =	shalt  }
0x82: {  	_ =	shalt  }
0x83: {  	_ =	shalt  }
0x84: {  	_ =	shalt  }
0x85: {  	_ =	shalt  }
0x86: {  	_ =	shalt  }
0x87: {  	_ =	shalt  }
.Lfunc_end0:
.L_simem_size_0:
called_computation_lowered:
.L_overlay_start_0:
0x88: {  	s2 =	sld [smem:$0x3FD9]  }
0x89: {  	s3 =	sld [smem:$0x3FFE];
	_ =	sdelay $0x1  }
0x8a: {  	s1 =	srdreg.scid  }
0x8b: {  	s0 =	sand.u32 $0x1, s1  }
0x8c: {  	s17 =	sshll.u32 s0, $0xA;
	s2 =	sadd.s32 s3, s2  }
0x8d: {  	s2 =	sadd.s32 s2, s17  }
0x8e: {  	[smem:$0x3FBD] =	sst s2  }
0x8f: {  	_ = 	snop  }
0x90: {  	s2 =	sld [smem:$0x3FD0];
	(tm) =	ssettm $0x1  }
0x91: {  	s18 =	sld [smem:$0x3FFB];
	_ =	sdelay $0x3  }
0x92: {  	_ =	strace s18  }
0x93: {  	s3 =	sld [smem:$0x3FFC];
	_ =	sdelay $0x3  }
0x94: {  	_ =	strace s3  }
0x95: {  	s3 =	sld [smem:$0x3FFD];
	_ =	sdelay $0x3  }
0x96: {  	_ =	strace s3  }
0x97: {  	_ =	strace $0x8FFFFFFF  }
0x98: {  	s19 =	sld [smem:$0x3FDB];
	_ =	sdelay $0x1  }
0x99: {  	s4 =	simm.s32 $_scs_section_size  }
0x9a: {  	s5 =	simm.s32 $_size__tile_overlayer_lowered;
	s6 =	simm.s32 $_tile_overlayer_lowered  }
0x9b: {  	s22 =	simm.s32 $0x1BFF;
	s21 =	sshll.u32 s6, $0x1;
	s3 =	sadd.s32 s4, s19  }
0x9c: {  	s7 =	simm.s32 $0x0;
	s20 =	sshll.u32 s5, $0x1;
	s5 =	sadd.s32 s21, s3  }
0x9d: {  	[timem:s7], [sflag:s22] =	dma.local [hbm:s5], s20  }
0x9e: {  	_ =	swait.ge [sflag:s22], s20  }
0x9f: {  	s4 =	ssub.s32 $0x0, s20;
	[sflag:s22] =	ssyncset.done $0x0  }
0xa0: {  	[sflag:s22] =	ssyncadd.s32 s4;
	_ =	sdelay $0x1  }
0xa1: {  	s23 =	simm.s32 $0x1B8B  }
0xa2: {  	_ =	swait.ge [sflag:s23], $0x1  }
0xa3: {  	[sflag:s23] =	ssyncset.done $0x0  }
0xa4: {  	s25 =	simm.s32 $0x1B8E;
	s24 =	sld [smem:$0x3FFE];
	[sflag:s23] =	ssyncadd.s32 $0xFFFFFFFF  }
0xa5: {  	s26 =	simm.s32 $execute0_lowered;
	[smem:$0x3FD2] =	sst s25  }
0xa6: {  	s5 =	sshll.u32 s26, $0x1;
	_ =	strace $0x80000046;
	[dreg:$0x1] =	wrdreg $0xFFFFFFFF  }
0xa7: {  	s28 =	simm.s32 $_size_execute0_lowered;
	s3 =	sadd.s32 s3, s5;
	[dreg:$0x0] =	wrdreg $0x0  }
0xa8: {  	s5 =	sshll.u32 s28, $0x1;
	[dreg:$0x2] =	wrdreg s3  }
0xa9: {  	[dreg:$0x3] =	wrdreg s5  }
0xaa: {  	[dreg:$0x4] =	wrdreg $0xC0  }
0xab: {  	_ =	task [dreg:s7], $0x5FFFF  }
0xac: {  	[dreg:$0x1] =	wrdreg $0xFFFFFFFF  }
0xad: {  	[dreg:$0x0] =	wrdreg $0x60  }
0xae: {  	[dreg:$0x2] =	wrdreg s24  }
0xaf: {  	[dreg:$0x3] =	wrdreg s2  }
0xb0: {  	[dreg:$0x4] =	wrdreg $0x60000  }
0xb1: {  	[dreg:$0x5] =	wrdreg $0x88000  }
0xb2: {  	[dreg:$0x6] =	wrdreg $0x9  }
0xb3: {  	_ =	task.clear_ibuf [dreg:s7], $0x7FFFF;
	_ =	strace $0x90000046  }
0xb4: {  	s29 =	simm.s32 $0x9;
	_ =	strace $0x80000048  }
0xb5: {  	_ =	swait.ge [sflag:s29], $0x1  }
0xb6: {  	[sflag:s29] =	ssyncadd.s32 $0xFFFFFFFF  }
0xb7: {  	_ =	strace $0x90000048  }
0xb8: {  	_ =	sfence  }
0xb9: {  	s30 =	sld [smem:$0x0];
	_ =	sdelay $0x2  }
0xba: {  	s31 =	sshll.u32 s1, $0xD;
	s1 =	sshrl.u32 s1, $0x2  }
0xbb: {  	s3 =	sand.u32 $0x4000, s31;
	s1 =	sadd.s32 s1, s30  }
0xbc: {  	s0 =	sor.u32 s3, s0;
	s1 =	sshll.u32 s1, $0x11  }
0xbd: {  	s0 =	sor.u32 s1, s0  }
0xbe: {  	s0 =	sadd.s32 $0x8F2B, s0  }
0xbf: {  	[sflag:s0] =	ssyncadd.remote.s32 $0x1  }
0xc0: {  	_ =	sfence.sel $0xFFFF  }
0xc1: {  	[dreg:$0x0] =	wrdreg $0xFFFFFFFF;
	(pc) =	sbr.abs _section_cstart, $3  }
0xc2: {  	[dreg:$0x1] =	wrdreg $0xFFFFFFFF  }
0xc3: {  	_ =	task.clear_ibuf [dreg:s7], $0x2FFFF;
	_ =	strace $0x9FFFFFFF  }
0xc4: {  	(tm) =	ssettm $0x7FFFFFFF  }
0xc5: {  	_ =	shalt  }
tec
execute0_lowered:
.L_overlay_start_1:
0x0: {  	(tag) =	ssettag $0x1  }
0x1: {  	s0 =	rddreg [dreg:$0x0]  }
0x2: {  	s2 =	rddreg [dreg:$0x1]  }
0x3: {  	s3 =	rddreg [dreg:$0x2]  }
0x4: {  	s5 =	srdreg.scid;
	s4 =	rddreg [dreg:$0x3]  }
0x5: {  	s1 =	stileid.u32;
	s22 =	simm.s32 $0x5000;
	s23 =	simm.s32 $0x3  }
0x6: {  	s24 =	simm.s32 $0x5800;
	s25 =	simm.s32 $0x2800;
	s28 =	simm.s32 $0x1  }
0x7: {  	s29 =	simm.s32 $0x2;
	s30 =	simm.s32 $0x0;
	s6 =	sand.u32 $0x1, s5  }
0x8: {  	s15 =	smul.u32 $0x2800, s1;
	s5 =	simm.s32 $0x0;
	s7 =	sshll.u32 s6, $0x4  }
0x9: {  	s8 =	smul.u32 $0x50000, s6;
	[smem:$0x7FF] =	sst s5;
	s9 =	ssub.s32 $0x2, s6  }
0xa: {  	s6 =	sadd.s32 $0x2AE00, s0;
	s7 =	sor.u32 s1, s7;
	_ =	strace $0x80000047  }
0xb: {  	s31 =	sshrl.u32 s9, $0x1;
	s10 =	sadd.s32 $0x800, s15;
	s12 =	sadd.s32 $0x1000, s15  }
0xc: {  	s14 =	sadd.s32 $0x1800, s15;
	s16 =	sadd.s32 $0x2000, s15;
	s7 =	smul.u32 $0x500, s7  }
0xd: {  	s8 =	sadd.s32 s15, s8;
	s21 =	ssub.s32 s9, s31;
	s9 =	sadd.s32 s10, s3  }
0xe: {  	s10 =	sadd.s32 s10, s4;
	s11 =	sadd.s32 s12, s3;
	s12 =	sadd.s32 s12, s4  }
0xf: {  	s13 =	sadd.s32 s14, s3;
	s14 =	sadd.s32 s14, s4;
	s26 =	sshrl.u32 s8, $0x3  }
0x10: {  	s8 =	sadd.s32 s15, s4;
	s21 =	smax.u32 s21, $0x1;
	s18 =	sadd.s32 s7, s0  }
0x11: {  	s0 =	sadd.s32 s26, s0;
	s7 =	sadd.s32 s15, s3;
	s15 =	sadd.s32 s16, s3  }
0x12: {  	s16 =	sadd.s32 s16, s4;
	s26 =	simm.s32 $0x80;
	s17 =	sadd.s32 $0x2E00, s18  }
0x13: {  	s18 =	sadd.s32 $0x16E00, s18;
	s19 =	sadd.s32 $0x2B000, s0;
	s20 =	sadd.s32 $0x30000, s0  }
.LBB2_1:
0x14: {  	[tilespmem:s22], [sflag:$0x3] =	stream.linear.gather [hbm4b:s2+s5], $0x800, $0x38;
	[tilespmem:$0xB000] =	vst v63  }
0x15: {  	_ =	swait.ge [sflag:s23], $0x800  }
0x16: {  	[sflag:s23] =	ssyncset.done $0x0  }
0x17: {  	[sflag:s23] =	ssyncadd.s32 $0xFFFFF800  }
0x18: {  	[tilespmem:s24], [sflag:$0x3] =	stream.linear.gather [hbm4b:s6+s5], $0x800, $0x38;
	[tilespmem:$0xB000] =	vst v63  }
0x19: {  	_ =	swait.ge [sflag:s23], $0x800  }
0x1a: {  	[sflag:s23] =	ssyncset.done $0x0  }
0x1b: {  	[sflag:s23] =	ssyncadd.s32 $0xFFFFF800  }
0x1c: {  	[spmem:s7] =	stream.linear.scatter [tilespmem:s24], [sflag:$0x3], $0x800, $0x38;
	[tilespmem:$0xB000] =	vst v63  }
0x1d: {  	_ =	swait.ge [sflag:s23], $0x800  }
0x1e: {  	[sflag:s23] =	ssyncset.done $0x0  }
0x1f: {  	[sflag:s23] =	ssyncadd.s32 $0xFFFFF800  }
0x20: {  	[spmem:s8] =	stream.linear.scatter [tilespmem:s24], [sflag:$0x3], $0x800, $0x38;
	[tilespmem:$0xB000] =	vst v63  }
0x21: {  	_ =	swait.ge [sflag:s23], $0x800  }
0x22: {  	[sflag:s23] =	ssyncset.done $0x0  }
0x23: {  	[sflag:s23] =	ssyncadd.s32 $0xFFFFF800  }
0x24: {  	[spmem:s9] =	stream.linear.scatter [tilespmem:s24], [sflag:$0x3], $0x800, $0x38;
	[tilespmem:$0xB000] =	vst v63  }
0x25: {  	_ =	swait.ge [sflag:s23], $0x800  }
0x26: {  	[sflag:s23] =	ssyncset.done $0x0  }
0x27: {  	[sflag:s23] =	ssyncadd.s32 $0xFFFFF800  }
0x28: {  	[spmem:s10] =	stream.linear.scatter [tilespmem:s24], [sflag:$0x3], $0x800, $0x38;
	[tilespmem:$0xB000] =	vst v63  }
0x29: {  	_ =	swait.ge [sflag:s23], $0x800  }
0x2a: {  	[sflag:s23] =	ssyncset.done $0x0  }
0x2b: {  	[sflag:s23] =	ssyncadd.s32 $0xFFFFF800  }
0x2c: {  	[spmem:s11] =	stream.linear.scatter [tilespmem:s24], [sflag:$0x3], $0x800, $0x38;
	[tilespmem:$0xB000] =	vst v63  }
0x2d: {  	_ =	swait.ge [sflag:s23], $0x800  }
0x2e: {  	[sflag:s23] =	ssyncset.done $0x0  }
0x2f: {  	[sflag:s23] =	ssyncadd.s32 $0xFFFFF800  }
0x30: {  	[spmem:s12] =	stream.linear.scatter [tilespmem:s24], [sflag:$0x3], $0x800, $0x38;
	[tilespmem:$0xB000] =	vst v63  }
0x31: {  	_ =	swait.ge [sflag:s23], $0x800  }
0x32: {  	[sflag:s23] =	ssyncset.done $0x0  }
0x33: {  	[sflag:s23] =	ssyncadd.s32 $0xFFFFF800  }
0x34: {  	[spmem:s13] =	stream.linear.scatter [tilespmem:s24], [sflag:$0x3], $0x800, $0x38;
	[tilespmem:$0xB000] =	vst v63  }
0x35: {  	_ =	swait.ge [sflag:s23], $0x800  }
0x36: {  	[sflag:s23] =	ssyncset.done $0x0  }
0x37: {  	[sflag:s23] =	ssyncadd.s32 $0xFFFFF800  }
0x38: {  	[spmem:s14] =	stream.linear.scatter [tilespmem:s24], [sflag:$0x3], $0x800, $0x38;
	[tilespmem:$0xB000] =	vst v63  }
0x39: {  	_ =	swait.ge [sflag:s23], $0x800  }
0x3a: {  	[sflag:s23] =	ssyncset.done $0x0  }
0x3b: {  	[sflag:s23] =	ssyncadd.s32 $0xFFFFF800  }
0x3c: {  	[spmem:s15] =	stream.linear.scatter [tilespmem:s24], [sflag:$0x3], $0x800, $0x38;
	[tilespmem:$0xB000] =	vst v63  }
0x3d: {  	_ =	swait.ge [sflag:s23], $0x800  }
0x3e: {  	[sflag:s23] =	ssyncset.done $0x0  }
0x3f: {  	[sflag:s23] =	ssyncadd.s32 $0xFFFFF800  }
0x40: {  	[spmem:s16] =	stream.linear.scatter [tilespmem:s24], [sflag:$0x3], $0x800, $0x38;
	[tilespmem:$0xB000] =	vst v63  }
0x41: {  	_ =	swait.ge [sflag:s23], $0x800  }
0x42: {  	[sflag:s23] =	ssyncset.done $0x0  }
0x43: {  	[sflag:s23] =	ssyncadd.s32 $0xFFFFF800  }
0x44: {  	[tilespmem:s5], [sflag:$0x3] =	stream.linear.gather [hbm4b:s17+s5], $0x2800, $0x38;
	[tilespmem:$0xB000] =	vst v63  }
0x45: {  	_ =	swait.ge [sflag:s23], $0x2800  }
0x46: {  	[sflag:s23] =	ssyncset.done $0x0  }
0x47: {  	[sflag:s23] =	ssyncadd.s32 $0xFFFFD800  }
0x48: {  	[tilespmem:s25], [sflag:$0x3] =	stream.linear.gather [hbm4b:s18+s5], $0x2800, $0x38;
	[tilespmem:$0xB000] =	vst v63  }
0x49: {  	_ =	swait.ge [sflag:s23], $0x2800  }
0x4a: {  	[sflag:s23] =	ssyncset.done $0x0  }
0x4b: {  	[sflag:s23] =	ssyncadd.s32 $0xFFFFD800  }
0x4c: {  	s0 =	simm.s32 $0x0;
	[bflag:$0x0] =	sbarrier.arrive $0xFFFF  }
0x4d: {  	[spmem:s3] =	stream.indirect.scatter.add.f32 [tilespmem:s22], [sflag:$0x1], $0x10, s0, s26, $0xb8;
	[tilespmem:$0xB000] =	vst v63  }
0x4e: {  	s31 =	simm.s32 $0x200;
	s0 =	simm.s32 $0x2800  }
.LBB2_2:
0x4f: {  	[spmem:s4] =	stream.indirect.scatter.add.f32 [tilespmem:s22], [sflag:$0x2], $0x10, s0, s26, $0xb8;
	[tilespmem:$0xB000] =	vst v63  }
0x50: {  	s0 =	smov.u32 s31;
	p0 =	sne.s32 s31, $0x9E00  }
.Ltmp0:
0x51: {  	s31 =	sadd.s32 $0x200, s31;
	(pc) =	sbr.rel @p0 .LBB2_2-.Ltmp0, $4  }
0x52: {  	_ = 	snop  }
0x53: {  	s0 =	sshra.s32 s0, $0x2  }
0x54: {  	[spmem:s3] =	stream.indirect.scatter.add.f32 [tilespmem:s22], [sflag:$0x1], $0x10, s0, s26, $0xb8;
	[tilespmem:$0xB000] =	vst v63  }
0x55: {  	s0 =	sadd.s32 $0x2800, s0  }
0x56: {  	[spmem:s4] =	stream.indirect.scatter.add.f32 [tilespmem:s22], [sflag:$0x2], $0x10, s0, s26, $0xb8;
	[tilespmem:$0xB000] =	vst v63  }
0x57: {  	_ =	swait.ge [sflag:s28], $0x800  }
0x58: {  	[sflag:s28] =	ssyncset.done $0x0  }
0x59: {  	[sflag:s28] =	ssyncadd.s32 $0xFFFFF800  }
0x5a: {  	_ =	swait.ge [sflag:s29], $0x800  }
0x5b: {  	s31 =	simm.s32 $0x4F;
	[sflag:s29] =	ssyncset.done $0x0  }
.LBB2_4:
0x5c: {  	p0 =	sne.s32 s31, $0x1;
	s31 =	sadd.s32 $0xFFFFFFFF, s31;
	[sflag:s29] =	ssyncadd.s32 $0xFFFFF800  }
.Ltmp1:
0x5d: {  	_ =	swait.ge [sflag:s28], $0x800;
	(pc) =	sbr.rel @p0 .LBB2_4-.Ltmp1, $4  }
0x5e: {  	[sflag:s28] =	ssyncset.done $0x0  }
0x5f: {  	[sflag:s28] =	ssyncadd.s32 $0xFFFFF800  }
0x60: {  	_ =	swait.ge [sflag:s29], $0x800  }
0x61: {  	[sflag:s29] =	ssyncset.done $0x0  }
0x62: {  	[sflag:s29] =	ssyncadd.s32 $0xFFFFF800;
	s0 =	sshll.u32 s1, $0x6  }
0x63: {  	s31 =	sshrl.u32 s7, $0x3;
	[bflag:$0x0] =	sbarrier.arrive $0xFFFF;
	s0 =	sor.u32 $0x1C03, s0  }
0x64: {  	[hbm:s19], [sflag:s0] =	dma.local [spmem:s31], $0x500  }
0x65: {  	s30 =	sadd.s32 $0x1, s30;
	_ =	swait.ge [sflag:s23], $0x500  }
0x66: {  	p0 =	sne.s32 s30, s21;
	[sflag:s23] =	ssyncset.done $0x0  }
.Ltmp2:
0x67: {  	s31 =	sshrl.u32 s8, $0x3;
	[sflag:s23] =	ssyncadd.s32 $0xFFFFFB00;
	(pc) =	sbr.rel @p0 .LBB2_1-.Ltmp2, $4  }
0x68: {  	[hbm:s20], [sflag:s0] =	dma.local [spmem:s31], $0x500  }
0x69: {  	_ =	swait.ge [sflag:s23], $0x500  }
0x6a: {  	[sflag:s23] =	ssyncset.done $0x0  }
0x6b: {  	[sflag:s23] =	ssyncadd.s32 $0xFFFFFB00  }
0x6c: {  	_ =	sfence.sel $0x180000  }
0x6d: {  	[bflag:$0x0] =	sbarrier.arrive $0xFFFF  }
0x6e: {  	_ =	strace $0x90000047  }
0x6f: {  	[bflag:$0x2] =	sbarrier.arrive $0xFFFF  }
0x70: {  	p0 =	sne.s32 s1, $0x0;
	s0 =	rddreg [dreg:$0x4]  }
0x71: {  	s0 =	sadd.s32 @!p0 $0x100000, s0  }
0x72: {  	[sflag:s0] =	ssyncadd.tile.s32 @!p0 $0x1;
	_ =	shalt  }
.Lfunc_end2:
_tile_overlayer_lowered:
.L_overlay_start_2:
0x73: {  	(tag) =	ssettag $0x2  }
0x74: {  	s0 =	rddreg [dreg:$0x0];
	s2 =	stileid.u32  }
0x75: {  	s1 =	rddreg [dreg:$0x1];
	p0 =	sne.s32 s2, $0x0  }
0x76: {  	s3 =	rddreg [dreg:$0x2];
	[bflag:$0x3] =	sbarrier.arrive $0xFFFF;
	s2 =	simm.s32 @!p0 $0x1C03  }
0x77: {  	[timem:s3], [sflag:s2] =	dma.local @!p0 [hbm:s0], s1  }
0x78: {  	s0 =	simm.s32 @!p0 $0x3  }
0x79: {  	_ =	swait.ge @!p0 [sflag:s0], s1  }
0x7a: {  	s1 =	ssub.s32 @!p0 $0x0, s1;
	[sflag:s0] =	ssyncset.done @!p0 $0x0  }
0x7b: {  	[sflag:s0] =	ssyncadd.s32 @!p0 s1  }
0x7c: {  	[bflag:$0x3] =	sbarrier.arrive $0xFFFF  }
0x7d: {  	_ =	shalt  }

// kernel: kernel.16.cloned.1.call-start
scs
__scs_entry_jumppad:
0x0: {  	(pc) =	sbr.rel $0x88, $3  }
0x1: {  	(tag) =	ssettag $0x0;
	lr =	simm.s32 $0x1  }
0x2: {  	[smem:$0x3F96] =	sst lr;
	_ =	strace $0xD0000000  }
0x3: {  	_ = 	snop  }
0x4: {  	_ = 	snop  }
0x5: {  	_ = 	snop  }
0x6: {  	_ = 	snop  }
0x7: {  	_ = 	snop  }
__scs_overlays_trampoline_lowered:
0x8: {  	[smem:$0x3FA5] =	sst s0  }
0x9: {  	[smem:$0x3FA6] =	sst s1  }
0xa: {  	[smem:$0x3FA7] =	sst s2  }
0xb: {  	[smem:$0x3FA8] =	sst s3  }
0xc: {  	[smem:$0x3FA9] =	sst s4  }
0xd: {  	[smem:$0x3FAA] =	sst s5  }
0xe: {  	[smem:$0x3FAB] =	sst s6  }
0xf: {  	[smem:$0x3FAC] =	sst s7  }
0x10: {  	[smem:$0x3FAD] =	sst s8  }
0x11: {  	[smem:$0x3FAE] =	sst s9;
	s0 =	simm.s32 @!p0 $0x0  }
0x12: {  	s1 =	sld [smem:$0x3F94];
	s0 =	simm.s32 @p0 $0x1  }
0x13: {  	[smem:$0x3FAF] =	sst s0;
	s0 =	simm.s32 @!p1 $0x0  }
0x14: {  	s2 =	sld [smem:$0x3F93];
	s0 =	simm.s32 @p1 $0x1  }
0x15: {  	[smem:$0x3FB0] =	sst s0;
	s0 =	simm.s32 @!p2 $0x0  }
0x16: {  	s3 =	sld [smem:$0x3FDB];
	s0 =	simm.s32 @p2 $0x1  }
0x17: {  	s4 =	simm.s32 $0x1BF5;
	[smem:$0x3FB2] =	sst s0  }
0x18: {  	s0 =	sld [smem:$0x3F95];
	_ =	swait.ge [sflag:s4], $0x0  }
0x19: {  	s7 =	sld [smem:$0x3F96]  }
0x1a: {  	s8 =	sadd.s32 $0xFFFFE003, lr  }
0x1b: {  	s9 =	sadd.s32 $0xFFFFFEF7, lr;
	s5 =	simm.s32 $0xFFFFFFFF;
	p2 =	slt.u32 s8, $0xFFFFF086  }
0x1c: {  	p1 =	slt.u32 s9, $0xF7A;
	s5 =	simm.s32 @!p2 $0x0  }
0x1d: {  	s5 =	simm.s32 @p1 $0x1;
	p0 =	seq.s32 s7, s2  }
0x1e: {  	s7 =	smul.u32 @!p0 $0xF7A, s2;
	p2 =	seq.s32 @!p0 s5, $0x0  }
0x1f: {  	s9 =	smul.u32 $0xF7A, s1;
	s8 =	simm.s32 @!p0 $0x1BF5;
	p2 =	por !p2, p0  }
0x20: {  	[sflag:s8] =	ssyncset.s32 @!p0 $0xFFFFF086;
	s6 =	sadd.s32 @!p0 s3, s7;
	s7 =	simm.s32 @!p0 $0x108  }
0x21: {  	s3 =	sadd.s32 s3, s9;
	s6 =	sadd.s32 @!p0 $0x88, s6;
	s7 =	simm.s32 @p2 $0x1082  }
0x22: {  	[simem:s7], [sflag:s8] =	dma.local @!p0 [hbm:s6], $0xF7A  }
0x23: {  	s9 =	sor.u32 $0xD0000000, s2;
	s6 =	simm.s32 $0x108;
	_ =	swait.ge @!p0 [sflag:s8], $0x0  }
0x24: {  	s3 =	sadd.s32 $0x88, s3;
	s6 =	simm.s32 @!p1 $0x1082;
	[sflag:s4] =	ssyncset.s32 $0xFFFFF086  }
0x25: {  	[simem:s6], [sflag:s4] =	dma.local [hbm:s3], $0xF7A  }
0x26: {  	[smem:$0x3F96] =	sst s1;
	(tag) =	ssettag s2;
	_ =	strace s9  }
0x27: {  	s1 =	sld [smem:$0x3FA6]  }
0x28: {  	s2 =	sld [smem:$0x3FA7]  }
0x29: {  	s4 =	sld [smem:$0x3FA9]  }
0x2a: {  	p0 =	seq.s32 s5, $0x0;
	s5 =	sld [smem:$0x3FAA]  }
0x2b: {  	s6 =	sld [smem:$0x3FAB]  }
0x2c: {  	s7 =	sld [smem:$0x3FAC]  }
0x2d: {  	s3 =	simm.s32 $0x108;
	s8 =	sld [smem:$0x3FAD]  }
0x2e: {  	s3 =	simm.s32 @!p0 $0x1082;
	s9 =	sld [smem:$0x3FAE]  }
0x2f: {  	lr =	sadd.s32 s0, s3;
	s0 =	sld [smem:$0x3FA5]  }
0x30: {  	s3 =	sld [smem:$0x3FA8]  }
0x31: {  	[smem:$0x3FB1] =	sst s10  }
0x32: {  	s10 =	sld [smem:$0x3FAF];
	_ =	sdelay $0x3  }
0x33: {  	p0 =	seq.s32 s10, $0x1;
	s10 =	sld [smem:$0x3FB1];
	_ =	sdelay $0x3  }
0x34: {  	[smem:$0x3FB1] =	sst s10  }
0x35: {  	s10 =	sld [smem:$0x3FB0];
	_ =	sdelay $0x3  }
0x36: {  	p1 =	seq.s32 s10, $0x1;
	s10 =	sld [smem:$0x3FB1];
	_ =	sdelay $0x3  }
0x37: {  	[smem:$0x3FB1] =	sst s10  }
0x38: {  	s10 =	sld [smem:$0x3FB2]  }
0x39: {  	_ = 	snop;
	(pc) =	sbr.ind lr, $3  }
0x3a: {  	_ = 	snop  }
0x3b: {  	_ = 	snop  }
0x3c: {  	p2 =	seq.s32 s10, $0x1;
	s10 =	sld [smem:$0x3FB1]  }
0x3d: {  	_ =	shalt  }
0x3e: {  	_ =	shalt  }
0x3f: {  	_ =	shalt  }
0x40: {  	_ =	shalt  }
0x41: {  	_ =	shalt  }
0x42: {  	_ =	shalt  }
0x43: {  	_ =	shalt  }
0x44: {  	_ =	shalt  }
0x45: {  	_ =	shalt  }
0x46: {  	_ =	shalt  }
0x47: {  	_ =	shalt  }
0x48: {  	_ =	shalt  }
0x49: {  	_ =	shalt  }
0x4a: {  	_ =	shalt  }
0x4b: {  	_ =	shalt  }
0x4c: {  	_ =	shalt  }
0x4d: {  	_ =	shalt  }
0x4e: {  	_ =	shalt  }
0x4f: {  	_ =	shalt  }
0x50: {  	_ =	shalt  }
0x51: {  	_ =	shalt  }
0x52: {  	_ =	shalt  }
0x53: {  	_ =	shalt  }
0x54: {  	_ =	shalt  }
0x55: {  	_ =	shalt  }
0x56: {  	_ =	shalt  }
0x57: {  	_ =	shalt  }
0x58: {  	_ =	shalt  }
0x59: {  	_ =	shalt  }
0x5a: {  	_ =	shalt  }
0x5b: {  	_ =	shalt  }
0x5c: {  	_ =	shalt  }
0x5d: {  	_ =	shalt  }
0x5e: {  	_ =	shalt  }
0x5f: {  	_ =	shalt  }
0x60: {  	_ =	shalt  }
0x61: {  	_ =	shalt  }
0x62: {  	_ =	shalt  }
0x63: {  	_ =	shalt  }
0x64: {  	_ =	shalt  }
0x65: {  	_ =	shalt  }
0x66: {  	_ =	shalt  }
0x67: {  	_ =	shalt  }
0x68: {  	_ =	shalt  }
0x69: {  	_ =	shalt  }
0x6a: {  	_ =	shalt  }
0x6b: {  	_ =	shalt  }
0x6c: {  	_ =	shalt  }
0x6d: {  	_ =	shalt  }
0x6e: {  	_ =	shalt  }
0x6f: {  	_ =	shalt  }
0x70: {  	_ =	shalt  }
0x71: {  	_ =	shalt  }
0x72: {  	_ =	shalt  }
0x73: {  	_ =	shalt  }
0x74: {  	_ =	shalt  }
0x75: {  	_ =	shalt  }
0x76: {  	_ =	shalt  }
0x77: {  	_ =	shalt  }
0x78: {  	_ =	shalt  }
0x79: {  	_ =	shalt  }
0x7a: {  	_ =	shalt  }
0x7b: {  	_ =	shalt  }
0x7c: {  	_ =	shalt  }
0x7d: {  	_ =	shalt  }
0x7e: {  	_ =	shalt  }
0x7f: {  	_ =	shalt  }
0x80: {  	_ =	shalt  }
0x81: {  	_ =	shalt  }
0x82: {  	_ =	shalt  }
0x83: {  	_ =	shalt  }
0x84: {  	_ =	shalt  }
0x85: {  	_ =	shalt  }
0x86: {  	_ =	shalt  }
0x87: {  	_ =	shalt  }
.Lfunc_end0:
.L_simem_size_0:
called_computation.1_lowered:
.L_overlay_start_0:
0x88: {  	s2 =	sld [smem:$0x3FD9]  }
0x89: {  	s3 =	sld [smem:$0x3FFE];
	_ =	sdelay $0x1  }
0x8a: {  	s1 =	srdreg.scid  }
0x8b: {  	s0 =	sand.u32 $0x1, s1  }
0x8c: {  	s17 =	sshll.u32 s0, $0xA;
	s2 =	sadd.s32 s3, s2  }
0x8d: {  	s2 =	sadd.s32 s2, s17  }
0x8e: {  	[smem:$0x3FBD] =	sst s2  }
0x8f: {  	_ = 	snop  }
0x90: {  	s2 =	sld [smem:$0x3FD0];
	(tm) =	ssettm $0x1  }
0x91: {  	s18 =	sld [smem:$0x3FFB];
	_ =	sdelay $0x3  }
0x92: {  	_ =	strace s18  }
0x93: {  	s3 =	sld [smem:$0x3FFC];
	_ =	sdelay $0x3  }
0x94: {  	_ =	strace s3  }
0x95: {  	s3 =	sld [smem:$0x3FFD];
	_ =	sdelay $0x3  }
0x96: {  	_ =	strace s3  }
0x97: {  	_ =	strace $0x8FFFFFFF  }
0x98: {  	s19 =	sld [smem:$0x3FDB];
	_ =	sdelay $0x1  }
0x99: {  	s4 =	simm.s32 $_scs_section_size  }
0x9a: {  	s5 =	simm.s32 $_size__tile_overlayer_lowered;
	s6 =	simm.s32 $_tile_overlayer_lowered  }
0x9b: {  	s22 =	simm.s32 $0x1BFF;
	s21 =	sshll.u32 s6, $0x1;
	s3 =	sadd.s32 s4, s19  }
0x9c: {  	s7 =	simm.s32 $0x0;
	s20 =	sshll.u32 s5, $0x1;
	s5 =	sadd.s32 s21, s3  }
0x9d: {  	[timem:s7], [sflag:s22] =	dma.local [hbm:s5], s20  }
0x9e: {  	_ =	swait.ge [sflag:s22], s20  }
0x9f: {  	s4 =	ssub.s32 $0x0, s20;
	[sflag:s22] =	ssyncset.done $0x0  }
0xa0: {  	[sflag:s22] =	ssyncadd.s32 s4;
	_ =	sdelay $0x1  }
0xa1: {  	s23 =	simm.s32 $0x1B8B  }
0xa2: {  	_ =	swait.ge [sflag:s23], $0x1  }
0xa3: {  	[sflag:s23] =	ssyncset.done $0x0  }
0xa4: {  	s25 =	simm.s32 $0x1B8E;
	s24 =	sld [smem:$0x3FFE];
	[sflag:s23] =	ssyncadd.s32 $0xFFFFFFFF  }
0xa5: {  	s26 =	simm.s32 $execute0_lowered;
	[smem:$0x3FD2] =	sst s25  }
0xa6: {  	s5 =	sshll.u32 s26, $0x1;
	_ =	strace $0x80000049;
	[dreg:$0x1] =	wrdreg $0xFFFFFFFF  }
0xa7: {  	s28 =	simm.s32 $_size_execute0_lowered;
	s3 =	sadd.s32 s3, s5;
	[dreg:$0x0] =	wrdreg $0x0  }
0xa8: {  	s5 =	sshll.u32 s28, $0x1;
	[dreg:$0x2] =	wrdreg s3  }
0xa9: {  	[dreg:$0x3] =	wrdreg s5  }
0xaa: {  	[dreg:$0x4] =	wrdreg $0xC0  }
0xab: {  	_ =	task [dreg:s7], $0x5FFFF  }
0xac: {  	[dreg:$0x1] =	wrdreg $0xFFFFFFFF  }
0xad: {  	[dreg:$0x0] =	wrdreg $0x60  }
0xae: {  	[dreg:$0x2] =	wrdreg s24  }
0xaf: {  	[dreg:$0x3] =	wrdreg s2  }
0xb0: {  	[dreg:$0x4] =	wrdreg $0x130000  }
0xb1: {  	[dreg:$0x5] =	wrdreg $0x9  }
0xb2: {  	_ =	task.clear_ibuf [dreg:s7], $0x6FFFF;
	_ =	strace $0x90000049  }
0xb3: {  	s29 =	simm.s32 $0x9;
	_ =	strace $0x8000004B  }
0xb4: {  	_ =	swait.ge [sflag:s29], $0x1  }
0xb5: {  	[sflag:s29] =	ssyncadd.s32 $0xFFFFFFFF  }
0xb6: {  	_ =	strace $0x9000004B  }
0xb7: {  	_ =	sfence  }
0xb8: {  	s30 =	sld [smem:$0x0];
	_ =	sdelay $0x2  }
0xb9: {  	s31 =	sshll.u32 s1, $0xD;
	s1 =	sshrl.u32 s1, $0x2  }
0xba: {  	s3 =	sand.u32 $0x4000, s31;
	s1 =	sadd.s32 s1, s30  }
0xbb: {  	s0 =	sor.u32 s3, s0;
	s1 =	sshll.u32 s1, $0x11  }
0xbc: {  	s0 =	sor.u32 s1, s0  }
0xbd: {  	s0 =	sadd.s32 $0x8F2B, s0  }
0xbe: {  	[sflag:s0] =	ssyncadd.remote.s32 $0x1  }
0xbf: {  	_ =	sfence.sel $0xFFFF  }
0xc0: {  	[dreg:$0x0] =	wrdreg $0xFFFFFFFF;
	(pc) =	sbr.abs _section_cstart, $3  }
0xc1: {  	[dreg:$0x1] =	wrdreg $0xFFFFFFFF  }
0xc2: {  	_ =	task.clear_ibuf [dreg:s7], $0x2FFFF;
	_ =	strace $0x9FFFFFFF  }
0xc3: {  	(tm) =	ssettm $0x7FFFFFFF  }
tec
execute0_lowered:
.L_overlay_start_1:
0x0: {  	(tag) =	ssettag $0x1  }
0x1: {  	s0 =	srdreg.scid;
	s1 =	rddreg [dreg:$0x0]  }
0x2: {  	s8 =	stileid.u32;
	s3 =	rddreg [dreg:$0x2];
	s4 =	simm.s32 $0x0  }
0x3: {  	s15 =	simm.s32 $0x5000;
	s16 =	simm.s32 $0xF;
	s18 =	simm.s32 $0x80  }
0x4: {  	s24 =	simm.s32 $0x1;
	s28 =	simm.s32 $0x2;
	s10 =	simm.s32 $0x11000  }
0x5: {  	s22 =	simm.s32 $0x7;
	s0 =	sand.u32 $0x1, s0;
	s6 =	smul.u32 $0xA000, s8  }
0x6: {  	s20 =	simm.s32 $0xE;
	s2 =	sshll.u32 s0, $0x4;
	s7 =	smul.u32 $0xA0000, s0  }
0x7: {  	s0 =	ssub.s32 $0x2, s0;
	s2 =	sor.u32 s8, s2;
	s8 =	smul.u32 $0x28000, s8  }
0x8: {  	[smem:$0x7FF] =	sst s4;
	s5 =	sadd.s32 $0x2AE00, s1;
	s9 =	sshrl.u32 s0, $0x1  }
0x9: {  	_ =	strace $0x8000004A;
	s0 =	ssub.s32 s0, s9;
	s8 =	sshrl.u32 s8, $0x2  }
0xa: {  	s2 =	smul.u32 $0x500, s2;
	s0 =	smax.u32 s0, $0x1;
	s25 =	sadd.s32 s8, s3  }
0xb: {  	s7 =	sadd.s32 s6, s7;
	[dreg:$0xb] =	wrdreg s0;
	s8 =	sadd.s32 $0x2000, s25  }
0xc: {  	s7 =	sshrl.u32 s7, $0x3;
	s26 =	sadd.s32 $0x4000, s25;
	[dreg:$0x4] =	wrdreg s8  }
0xd: {  	s2 =	sadd.s32 s2, s1;
	s30 =	sadd.s32 $0x6000, s25;
	[dreg:$0x5] =	wrdreg s26  }
0xe: {  	s1 =	sadd.s32 s7, s1;
	s7 =	sadd.s32 $0x8000, s25;
	[dreg:$0x6] =	wrdreg s30  }
0xf: {  	s23 =	simm.s32 $0x8;
	s31 =	sadd.s32 $0xCE00, s2;
	[dreg:$0x7] =	wrdreg s7  }
0x10: {  	s29 =	simm.s32 $0x0;
	s2 =	sadd.s32 $0x2E00, s2;
	[dreg:$0x8] =	wrdreg s31  }
0x11: {  	s6 =	sadd.s32 s6, s3;
	s1 =	sadd.s32 $0x106200, s1;
	[dreg:$0x9] =	wrdreg s2  }
0x12: {  	s9 =	simm.s32 $0x9000;
	s25 =	simm.s32 $0x9;
	[dreg:$0xa] =	wrdreg s1  }
0x13: {  	s8 =	simm.s32 $0x7000;
	s1 =	simm.s32 $0x3;
	s26 =	simm.s32 $0xA  }
.LBB2_1:
0x14: {  	s0 =	rddreg [dreg:$0x1]  }
0x15: {  	[tilespmem:s15], [sflag:$0xF] =	stream.linear.gather [hbm4b:s0+s4], $0x2000, $0x38;
	[tilespmem:$0x1D000] =	vst v63  }
0x16: {  	_ =	swait.ge [sflag:s16], $0x2000  }
0x17: {  	[sflag:s16] =	ssyncset.done $0x0  }
0x18: {  	[sflag:s16] =	ssyncadd.s32 $0xFFFFE000  }
0x19: {  	[spmem:s6] =	stream.linear.scatter [tilespmem:s15], [sflag:$0xF], $0x2000, $0x38;
	[tilespmem:$0x1D000] =	vst v63  }
0x1a: {  	_ =	swait.ge [sflag:s16], $0x2000  }
0x1b: {  	[sflag:s16] =	ssyncset.done $0x0  }
0x1c: {  	s7 =	rddreg [dreg:$0x4];
	[sflag:s16] =	ssyncadd.s32 $0xFFFFE000  }
0x1d: {  	[spmem:s7] =	stream.linear.scatter [tilespmem:s15], [sflag:$0xF], $0x2000, $0x38;
	[tilespmem:$0x1D000] =	vst v63  }
0x1e: {  	_ =	swait.ge [sflag:s16], $0x2000  }
0x1f: {  	[sflag:s16] =	ssyncset.done $0x0  }
0x20: {  	s11 =	rddreg [dreg:$0x5];
	[sflag:s16] =	ssyncadd.s32 $0xFFFFE000  }
0x21: {  	[spmem:s11] =	stream.linear.scatter [tilespmem:s15], [sflag:$0xF], $0x2000, $0x38;
	[tilespmem:$0x1D000] =	vst v63  }
0x22: {  	_ =	swait.ge [sflag:s16], $0x2000  }
0x23: {  	[sflag:s16] =	ssyncset.done $0x0  }
0x24: {  	s12 =	rddreg [dreg:$0x6];
	[sflag:s16] =	ssyncadd.s32 $0xFFFFE000  }
0x25: {  	[spmem:s12] =	stream.linear.scatter [tilespmem:s15], [sflag:$0xF], $0x2000, $0x38;
	[tilespmem:$0x1D000] =	vst v63  }
0x26: {  	_ =	swait.ge [sflag:s16], $0x2000  }
0x27: {  	[sflag:s16] =	ssyncset.done $0x0  }
0x28: {  	s13 =	rddreg [dreg:$0x7];
	[sflag:s16] =	ssyncadd.s32 $0xFFFFE000  }
0x29: {  	[spmem:s13] =	stream.linear.scatter [tilespmem:s15], [sflag:$0xF], $0x2000, $0x38;
	[tilespmem:$0x1D000] =	vst v63  }
0x2a: {  	_ =	swait.ge [sflag:s16], $0x2000  }
0x2b: {  	[sflag:s16] =	ssyncset.done $0x0  }
0x2c: {  	s14 =	rddreg [dreg:$0x8];
	[sflag:s16] =	ssyncadd.s32 $0xFFFFE000  }
0x2d: {  	[tilespmem:s4], [sflag:$0xF] =	stream.linear.gather [hbm4b:s14+s4], $0x2800, $0x38;
	[tilespmem:$0x1D000] =	vst v63  }
0x2e: {  	_ =	swait.ge [sflag:s16], $0x2800  }
0x2f: {  	[sflag:s16] =	ssyncset.done $0x0  }
0x30: {  	s2 =	simm.s32 $0x2800;
	s17 =	rddreg [dreg:$0x9];
	[sflag:s16] =	ssyncadd.s32 $0xFFFFD800  }
0x31: {  	[tilespmem:s2], [sflag:$0xF] =	stream.linear.gather [hbm4b:s17+s4], $0x2800, $0x38;
	[tilespmem:$0x1D000] =	vst v63  }
0x32: {  	_ =	swait.ge [sflag:s16], $0x2800  }
0x33: {  	[sflag:s16] =	ssyncset.done $0x0  }
0x34: {  	[sflag:s16] =	ssyncadd.s32 $0xFFFFD800  }
0x35: {  	[bflag:$0x0] =	sbarrier.arrive $0xFFFF  }
0x36: {  	[tilespmem:s15], [sflag:$0x1] =	stream.indirect.gather [hbm4b:s5+s18], $0x40, s4, s18, $0xb8;
	[tilespmem:$0x1D000] =	vst v63  }
0x37: {  	_ = 	snop  }
0x38: {  	[tilespmem:s8], [sflag:$0x2] =	stream.indirect.gather [hbm4b:s5+s18], $0x40, s18, s18, $0xb8;
	[tilespmem:$0x1D000] =	vst v63  }
0x39: {  	s19 =	simm.s32 $0x100  }
0x3a: {  	[tilespmem:s9], [sflag:$0x3] =	stream.indirect.gather [hbm4b:s5+s18], $0x40, s19, s18, $0xb8;
	[tilespmem:$0x1D000] =	vst v63  }
0x3b: {  	s21 =	simm.s32 $0x180;
	s7 =	simm.s32 $0xB000  }
0x3c: {  	[tilespmem:s7], [sflag:$0x4] =	stream.indirect.gather [hbm4b:s5+s18], $0x40, s21, s18, $0xb8;
	[tilespmem:$0x1D000] =	vst v63  }
0x3d: {  	_ =	swait.ge [sflag:s24], $0x2000  }
0x3e: {  	[sflag:s24] =	ssyncset.done $0x0  }
0x3f: {  	[sflag:s24] =	ssyncadd.s32 $0xFFFFE000  }
0x40: {  	[spmem:s3] =	stream.indirect.scatter.add.f32 [tilespmem:s15], [sflag:$0x8], $0x40, s2, s18, $0xb8;
	[tilespmem:$0x1D000] =	vst v63  }
0x41: {  	s11 =	simm.s32 $0x200;
	s12 =	simm.s32 $0xD000  }
0x42: {  	[tilespmem:s12], [sflag:$0x5] =	stream.indirect.gather [hbm4b:s5+s18], $0x40, s11, s18, $0xb8;
	[tilespmem:$0x1D000] =	vst v63  }
0x43: {  	s21 =	smul.u32 $0x25, s22;
	_ =	swait.ge [sflag:s28], $0x2000  }
0x44: {  	s13 =	simm.s32 $0x2880;
	[sflag:s28] =	ssyncset.done $0x0  }
0x45: {  	s0 =	sadd.s32 $0xFFFFFF6C, s21;
	s12 =	sshrl.u32 s21, $0x8;
	[sflag:s28] =	ssyncadd.s32 $0xFFFFE000  }
0x46: {  	[spmem:s3] =	stream.indirect.scatter.add.f32 [tilespmem:s8], [sflag:$0x9], $0x40, s13, s18, $0xb8;
	[tilespmem:$0x1D000] =	vst v63  }
0x47: {  	s14 =	simm.s32 $0x280;
	s0 =	sshrl.u32 s0, $0x8;
	s13 =	ssub.s32 $0x7, s12  }
0x48: {  	s17 =	simm.s32 $0xF000;
	s8 =	sand.u32 $0xFE, s13;
	s13 =	ssub.s32 $0x3, s0  }
0x49: {  	[tilespmem:s17], [sflag:$0x6] =	stream.indirect.gather [hbm4b:s5+s18], $0x40, s14, s18, $0xb8;
	[tilespmem:$0x1D000] =	vst v63  }
0x4a: {  	s13 =	sand.u32 $0xFE, s13  }
0x4b: {  	s19 =	simm.s32 $0x2900;
	_ =	swait.ge [sflag:s1], $0x2000;
	s13 =	sshrl.u32 s13, $0x1  }
0x4c: {  	s11 =	simm.s32 $0x300;
	[sflag:s1] =	ssyncset.done $0x0;
	s0 =	sadd.s32 s0, s13  }
0x4d: {  	s14 =	simm.s32 $0x0;
	[sflag:s1] =	ssyncadd.s32 $0xFFFFE000;
	s0 =	sand.u32 $0xFC, s0  }
0x4e: {  	[spmem:s3] =	stream.indirect.scatter.add.f32 [tilespmem:s9], [sflag:$0xA], $0x40, s19, s18, $0xb8;
	[tilespmem:$0x1D000] =	vst v63  }
0x4f: {  	s8 =	sshrl.u32 s8, $0x1;
	s14 =	smul.u32 $0xFFFFFF93, s14;
	s0 =	sshrl.u32 s0, $0x2  }
0x50: {  	[tilespmem:s10], [sflag:$0x7] =	stream.indirect.gather [hbm4b:s5+s18], $0x40, s11, s18, $0xb8;
	[tilespmem:$0x1D000] =	vst v63  }
0x51: {  	s7 =	sadd.s32 s12, s8;
	s0 =	smul.u32 $0x7, s0;
	s10 =	simm.s32 $0x8  }
0x52: {  	s7 =	sand.u32 $0xFC, s7;
	s8 =	smul.u32 $0x25, s10  }
0x53: {  	s7 =	sshrl.u32 s7, $0x2  }
0x54: {  	s14 =	sshrl.u32 s14, $0x8;
	s0 =	ssub.s32 $0x3, s0;
	s11 =	sshrl.u32 s8, $0x8  }
0x55: {  	s7 =	smul.u32 $0x7, s7;
	s0 =	sand.u32 $0xFF, s0;
	s12 =	ssub.s32 $0x8, s11  }
0x56: {  	s9 =	simm.s32 $0x2980;
	s2 =	sadd.s32 $0x1, s0;
	s12 =	sand.u32 $0xFE, s12  }
0x57: {  	s7 =	ssub.s32 $0x7, s7;
	_ =	swait.ge [sflag:s2], $0x2000;
	s12 =	sshrl.u32 s12, $0x1  }
0x58: {  	[sflag:s2] =	ssyncset.done $0x0;
	s11 =	sadd.s32 s11, s12;
	s12 =	sadd.s32 $0x0, s14  }
0x59: {  	[sflag:s2] =	ssyncadd.s32 $0xFFFFE000;
	s19 =	sand.u32 $0x80, s12;
	s12 =	sshll.u32 s12, $0x18  }
0x5a: {  	s14 =	sand.u32 $0xFF, s7;
	s13 =	sshrl.u32 s19, $0x7;
	s12 =	sshra.s32 s12, $0x1A  }
0x5b: {  	s11 =	sand.u32 $0xFC, s11;
	s19 =	sshll.u32 s0, $0xD;
	s21 =	sadd.s32 s13, s12  }
0x5c: {  	s0 =	sor.u32 $0x8, s0;
	s13 =	sadd.s32 $0x5000, s19;
	s7 =	smul.u32 $0x7, s21  }
0x5d: {  	[spmem:s3] =	stream.indirect.scatter.add.f32 [tilespmem:s13], [sflag:s0], $0x40, s9, s18, $0xb8;
	[tilespmem:$0x1D000] =	vst v63  }
0x5e: {  	s17 =	simm.s32 $0x380;
	s11 =	sshrl.u32 s11, $0x2;
	s7 =	ssub.s32 $0x0, s7  }
0x5f: {  	s31 =	sadd.s32 $0x1, s14;
	s11 =	smul.u32 $0x7, s11;
	s7 =	sshll.u32 s7, $0x18  }
0x60: {  	s21 =	sshll.u32 s14, $0xD;
	s13 =	simm.s32 $0x9;
	s7 =	sshra.s32 s7, $0x18  }
0x61: {  	s9 =	simm.s32 $0x2A00;
	s11 =	ssub.s32 $0x8, s11;
	s19 =	sadd.s32 $0x8, s7  }
0x62: {  	s30 =	sadd.s32 $0x5000, s21;
	s11 =	sand.u32 $0xFF, s11;
	_ =	swait.ge [sflag:s19], $0x2000  }
0x63: {  	s12 =	sshll.u32 s11, $0xD;
	s7 =	simm.s32 $0x400;
	[sflag:s19] =	ssyncset.done $0x0  }
.LBB2_2:
0x64: {  	s2 =	smul.u32 $0x25, s13;
	[sflag:s19] =	ssyncadd.s32 $0xFFFFE000;
	s19 =	smov.u32 s13  }
0x65: {  	s21 =	sadd.s32 $0x1, s13;
	s14 =	smov.u32 s11;
	s0 =	smov.u32 s12  }
0x66: {  	p0 =	sne.s32 s13, $0x4F;
	s8 =	sadd.s32 $0xFFFFFF6C, s8;
	s12 =	sadd.s32 $0xFFFFFFFC, s10  }
0x67: {  	[tilespmem:s30], [sflag:s31] =	stream.indirect.gather [hbm4b:s5+s18], $0x40, s17, s18, $0xb8;
	[tilespmem:$0x1D000] =	vst v63  }
0x68: {  	s13 =	sadd.s32 $0xFFFFFFF9, s10;
	s8 =	sshrl.u32 s8, $0x8;
	s11 =	sshrl.u32 s2, $0x8  }
0x69: {  	s30 =	sshll.u32 s13, $0x18;
	s17 =	ssub.s32 s12, s8;
	s10 =	ssub.s32 s19, s11  }
0x6a: {  	s30 =	sshra.s32 s30, $0x18;
	s17 =	sand.u32 $0xFE, s17;
	s10 =	sand.u32 $0xFE, s10  }
0x6b: {  	s30 =	smul.u32 $0xFFFFFF93, s30;
	s17 =	sshrl.u32 s17, $0x1;
	s10 =	sshrl.u32 s10, $0x1  }
0x6c: {  	s10 =	sadd.s32 s11, s10;
	s11 =	sadd.s32 s8, s17;
	s8 =	smov.u32 s2  }
0x6d: {  	s2 =	sand.u32 $0xFC, s10;
	s10 =	sand.u32 $0xFC, s11;
	s11 =	sshrl.u32 s30, $0x8  }
0x6e: {  	s10 =	sshrl.u32 s10, $0x2;
	s11 =	sadd.s32 s13, s11  }
0x6f: {  	s2 =	sshrl.u32 s2, $0x2;
	s10 =	smul.u32 $0x7, s10;
	s17 =	sand.u32 $0x80, s11  }
0x70: {  	s11 =	sshll.u32 s11, $0x18;
	s2 =	smul.u32 $0x7, s2;
	s17 =	sshrl.u32 s17, $0x7  }
0x71: {  	s11 =	sshra.s32 s11, $0x1A;
	s12 =	ssub.s32 s12, s10;
	s10 =	smov.u32 s19  }
0x72: {  	s11 =	sadd.s32 s17, s11;
	s2 =	ssub.s32 s10, s2  }
0x73: {  	s17 =	sand.u32 $0xFF, s12;
	s19 =	smul.u32 $0x7, s11;
	s11 =	sand.u32 $0xFF, s2  }
0x74: {  	s2 =	sshll.u32 s17, $0xD;
	s30 =	sadd.s32 $0x1, s17;
	s17 =	sor.u32 $0x8, s17  }
0x75: {  	s12 =	sshll.u32 s11, $0xD;
	s13 =	ssub.s32 s13, s19;
	_ =	swait.ge [sflag:s30], $0x2000  }
0x76: {  	s2 =	sadd.s32 $0x5000, s2;
	s13 =	sshll.u32 s13, $0x18;
	[sflag:s30] =	ssyncset.done $0x0  }
.Ltmp0:
0x77: {  	s13 =	sshra.s32 s13, $0x18;
	[sflag:s30] =	ssyncadd.s32 $0xFFFFE000;
	(pc) =	sbr.rel @p0 .LBB2_2-.Ltmp0, $4  }
0x78: {  	[spmem:s3] =	stream.indirect.scatter.add.f32 [tilespmem:s2], [sflag:s17], $0x40, s9, s18, $0xb8;
	[tilespmem:$0x1D000] =	vst v63  }
0x79: {  	s31 =	sadd.s32 $0x1, s14;
	s19 =	sadd.s32 $0x8, s13;
	s17 =	smov.u32 s7  }
0x7a: {  	s7 =	sadd.s32 $0x80, s7;
	s9 =	sadd.s32 $0x80, s9;
	_ =	swait.ge [sflag:s19], $0x2000  }
0x7b: {  	s30 =	sadd.s32 $0x5000, s0;
	s13 =	smov.u32 s21;
	[sflag:s19] =	ssyncset.done $0x0  }
0x7c: {  	[sflag:s19] =	ssyncadd.s32 $0xFFFFE000;
	s0 =	sadd.s32 $0xFFFFFF6C, s8  }
0x7d: {  	[tilespmem:s30], [sflag:s31] =	stream.indirect.gather [hbm4b:s5+s18], $0x40, s17, s18, $0xb8;
	[tilespmem:$0x1D000] =	vst v63  }
0x7e: {  	s2 =	sadd.s32 $0xFFFFFFFC, s10;
	s0 =	sshrl.u32 s0, $0x8  }
0x7f: {  	s30 =	ssub.s32 s2, s0  }
0x80: {  	s8 =	sand.u32 $0xFE, s30  }
0x81: {  	s31 =	sadd.s32 $0xFFFFFFF9, s10;
	s8 =	sshrl.u32 s8, $0x1  }
0x82: {  	s10 =	sshll.u32 s31, $0x18;
	s0 =	sadd.s32 s0, s8  }
0x83: {  	s10 =	sshra.s32 s10, $0x18;
	s0 =	sand.u32 $0xFC, s0  }
0x84: {  	s10 =	smul.u32 $0xFFFFFF93, s10;
	s0 =	sshrl.u32 s0, $0x2  }
0x85: {  	s0 =	smul.u32 $0x7, s0  }
0x86: {  	s14 =	sshrl.u32 s10, $0x8  }
0x87: {  	s0 =	ssub.s32 s2, s0;
	s2 =	sadd.s32 s31, s14  }
0x88: {  	s0 =	sand.u32 $0xFF, s0;
	s13 =	sand.u32 $0x80, s2  }
0x89: {  	s2 =	sshll.u32 s2, $0x18;
	s17 =	sadd.s32 $0x1, s0;
	s13 =	sshrl.u32 s13, $0x7  }
0x8a: {  	s2 =	sshra.s32 s2, $0x1A;
	s19 =	sshll.u32 s0, $0xD;
	_ =	swait.ge [sflag:s17], $0x2000  }
0x8b: {  	s0 =	sor.u32 $0x8, s0;
	s2 =	sadd.s32 s13, s2;
	[sflag:s17] =	ssyncset.done $0x0  }
0x8c: {  	s10 =	sadd.s32 $0x5000, s19;
	s2 =	smul.u32 $0x7, s2;
	[sflag:s17] =	ssyncadd.s32 $0xFFFFE000  }
0x8d: {  	[spmem:s3] =	stream.indirect.scatter.add.f32 [tilespmem:s10], [sflag:s0], $0x40, s9, s18, $0xb8;
	[tilespmem:$0x1D000] =	vst v63  }
0x8e: {  	s21 =	ssub.s32 s31, s2  }
0x8f: {  	s0 =	sshll.u32 s21, $0x18  }
0x90: {  	s0 =	sshra.s32 s0, $0x18  }
0x91: {  	s0 =	sadd.s32 $0x8, s0  }
0x92: {  	_ =	swait.ge [sflag:s0], $0x2000  }
0x93: {  	[sflag:s0] =	ssyncset.done $0x0  }
0x94: {  	s30 =	sadd.s32 $0x5000, s12;
	s31 =	sadd.s32 $0x1, s11;
	[sflag:s0] =	ssyncadd.s32 $0xFFFFE000  }
0x95: {  	[tilespmem:s30], [sflag:s31] =	stream.indirect.gather [hbm4b:s5+s18], $0x40, s7, s18, $0xb8;
	[tilespmem:$0x1D000] =	vst v63  }
0x96: {  	_ =	swait.ge [sflag:s22], $0x2000  }
0x97: {  	[sflag:s22] =	ssyncset.done $0x0  }
0x98: {  	s8 =	simm.s32 $0x4E00;
	s10 =	simm.s32 $0x11000;
	[sflag:s22] =	ssyncadd.s32 $0xFFFFE000  }
0x99: {  	[spmem:s3] =	stream.indirect.scatter.add.f32 [tilespmem:s10], [sflag:$0xE], $0x40, s8, s18, $0xb8;
	[tilespmem:$0x1D000] =	vst v63  }
0x9a: {  	_ =	swait.ge [sflag:s24], $0x2000  }
0x9b: {  	[sflag:s24] =	ssyncset.done $0x0  }
0x9c: {  	s9 =	simm.s32 $0x4E80;
	[sflag:s24] =	ssyncadd.s32 $0xFFFFE000  }
0x9d: {  	[spmem:s3] =	stream.indirect.scatter.add.f32 [tilespmem:s15], [sflag:$0x8], $0x40, s9, s18, $0xb8;
	[tilespmem:$0x1D000] =	vst v63  }
0x9e: {  	_ =	swait.ge [sflag:s28], $0x2000  }
0x9f: {  	[sflag:s28] =	ssyncset.done $0x0  }
0xa0: {  	s11 =	simm.s32 $0x4F00;
	s8 =	simm.s32 $0x7000;
	[sflag:s28] =	ssyncadd.s32 $0xFFFFE000  }
0xa1: {  	[spmem:s3] =	stream.indirect.scatter.add.f32 [tilespmem:s8], [sflag:$0x9], $0x40, s11, s18, $0xb8;
	[tilespmem:$0x1D000] =	vst v63  }
0xa2: {  	_ =	swait.ge [sflag:s1], $0x2000  }
0xa3: {  	s12 =	simm.s32 $0x4F80;
	[sflag:s1] =	ssyncset.done $0x0  }
0xa4: {  	s13 =	simm.s32 $0xB;
	s9 =	simm.s32 $0x9000;
	[sflag:s1] =	ssyncadd.s32 $0xFFFFE000  }
0xa5: {  	[spmem:s3] =	stream.indirect.scatter.add.f32 [tilespmem:s9], [sflag:$0xA], $0x40, s12, s18, $0xb8;
	[tilespmem:$0x1D000] =	vst v63  }
0xa6: {  	_ =	swait.ge [sflag:s13], $0x2000  }
0xa7: {  	[sflag:s13] =	ssyncset.done $0x0  }
0xa8: {  	s14 =	simm.s32 $0xC;
	[sflag:s13] =	ssyncadd.s32 $0xFFFFE000  }
0xa9: {  	_ =	swait.ge [sflag:s14], $0x2000  }
0xaa: {  	[sflag:s14] =	ssyncset.done $0x0  }
0xab: {  	s17 =	simm.s32 $0xD;
	[sflag:s14] =	ssyncadd.s32 $0xFFFFE000  }
0xac: {  	_ =	swait.ge [sflag:s17], $0x2000  }
0xad: {  	[sflag:s17] =	ssyncset.done $0x0  }
0xae: {  	[sflag:s17] =	ssyncadd.s32 $0xFFFFE000  }
0xaf: {  	_ =	swait.ge [sflag:s20], $0x2000  }
0xb0: {  	[sflag:s20] =	ssyncset.done $0x0  }
0xb1: {  	[sflag:s20] =	ssyncadd.s32 $0xFFFFE000  }
0xb2: {  	_ =	swait.ge [sflag:s23], $0x2000  }
0xb3: {  	[sflag:s23] =	ssyncset.done $0x0  }
0xb4: {  	[sflag:s23] =	ssyncadd.s32 $0xFFFFE000  }
0xb5: {  	_ =	swait.ge [sflag:s25], $0x2000  }
0xb6: {  	[sflag:s25] =	ssyncset.done $0x0  }
0xb7: {  	[sflag:s25] =	ssyncadd.s32 $0xFFFFE000  }
0xb8: {  	_ =	swait.ge [sflag:s26], $0x2000  }
0xb9: {  	[sflag:s26] =	ssyncset.done $0x0  }
0xba: {  	s19 =	stileid.u32;
	[sflag:s26] =	ssyncadd.s32 $0xFFFFE000  }
0xbb: {  	s0 =	sshll.u32 s19, $0x6;
	[bflag:$0x0] =	sbarrier.arrive $0xFFFF  }
0xbc: {  	s21 =	sshrl.u32 s6, $0x3;
	s0 =	sor.u32 $0x1C0F, s0;
	s30 =	rddreg [dreg:$0xa]  }
0xbd: {  	[hbm:s30], [sflag:s0] =	dma.local [spmem:s21], $0x1400  }
0xbe: {  	_ =	swait.ge [sflag:s16], $0x1400  }
0xbf: {  	s29 =	sadd.s32 $0x1, s29;
	s31 =	rddreg [dreg:$0xb]  }
0xc0: {  	p0 =	sne.s32 s29, s31  }
.Ltmp1:
0xc1: {  	_ = 	snop;
	(pc) =	sbr.rel @p0 .LBB2_1-.Ltmp1, $3  }
0xc2: {  	_ =	sdelay $0x1  }
0xc3: {  	[sflag:s16] =	ssyncset.done $0x0  }
0xc4: {  	[sflag:s16] =	ssyncadd.s32 $0xFFFFEC00  }
0xc5: {  	_ =	sfence.sel $0x180000  }
0xc6: {  	[bflag:$0x0] =	sbarrier.arrive $0xFFFF  }
0xc7: {  	_ =	strace $0x9000004A  }
0xc8: {  	s0 =	stileid.u32;
	[bflag:$0x2] =	sbarrier.arrive $0xFFFF  }
0xc9: {  	p0 =	sne.s32 s0, $0x0;
	s0 =	rddreg [dreg:$0x3]  }
0xca: {  	s0 =	sadd.s32 @!p0 $0x100000, s0  }
0xcb: {  	[sflag:s0] =	ssyncadd.tile.s32 @!p0 $0x1;
	_ =	shalt  }
.Lfunc_end2:
_tile_overlayer_lowered:
.L_overlay_start_2:
0xcc: {  	(tag) =	ssettag $0x2  }
0xcd: {  	s0 =	rddreg [dreg:$0x0];
	s2 =	stileid.u32  }
0xce: {  	s1 =	rddreg [dreg:$0x1];
	p0 =	sne.s32 s2, $0x0  }
0xcf: {  	s3 =	rddreg [dreg:$0x2];
	[bflag:$0x3] =	sbarrier.arrive $0xFFFF;
	s2 =	simm.s32 @!p0 $0x1C0F  }
0xd0: {  	[timem:s3], [sflag:s2] =	dma.local @!p0 [hbm:s0], s1  }
0xd1: {  	s0 =	simm.s32 @!p0 $0xF  }
0xd2: {  	_ =	swait.ge @!p0 [sflag:s0], s1  }
0xd3: {  	s1 =	ssub.s32 @!p0 $0x0, s1;
	[sflag:s0] =	ssyncset.done @!p0 $0x0  }
0xd4: {  	[sflag:s0] =	ssyncadd.s32 @!p0 s1  }
0xd5: {  	[bflag:$0x3] =	sbarrier.arrive $0xFFFF  }
0xd6: {  	_ =	shalt  }

// kernel: kernel.19.cloned.1.call-start
scs
__scs_entry_jumppad:
0x0: {  	(pc) =	sbr.rel $0x88, $3  }
0x1: {  	(tag) =	ssettag $0x0;
	lr =	simm.s32 $0x1  }
0x2: {  	[smem:$0x3F96] =	sst lr;
	_ =	strace $0xD0000000  }
0x3: {  	_ = 	snop  }
0x4: {  	_ = 	snop  }
0x5: {  	_ = 	snop  }
0x6: {  	_ = 	snop  }
0x7: {  	_ = 	snop  }
__scs_overlays_trampoline_lowered:
0x8: {  	[smem:$0x3FA5] =	sst s0  }
0x9: {  	[smem:$0x3FA6] =	sst s1  }
0xa: {  	[smem:$0x3FA7] =	sst s2  }
0xb: {  	[smem:$0x3FA8] =	sst s3  }
0xc: {  	[smem:$0x3FA9] =	sst s4  }
0xd: {  	[smem:$0x3FAA] =	sst s5  }
0xe: {  	[smem:$0x3FAB] =	sst s6  }
0xf: {  	[smem:$0x3FAC] =	sst s7  }
0x10: {  	[smem:$0x3FAD] =	sst s8  }
0x11: {  	[smem:$0x3FAE] =	sst s9;
	s0 =	simm.s32 @!p0 $0x0  }
0x12: {  	s1 =	sld [smem:$0x3F94];
	s0 =	simm.s32 @p0 $0x1  }
0x13: {  	[smem:$0x3FAF] =	sst s0;
	s0 =	simm.s32 @!p1 $0x0  }
0x14: {  	s2 =	sld [smem:$0x3F93];
	s0 =	simm.s32 @p1 $0x1  }
0x15: {  	[smem:$0x3FB0] =	sst s0;
	s0 =	simm.s32 @!p2 $0x0  }
0x16: {  	s3 =	sld [smem:$0x3FDB];
	s0 =	simm.s32 @p2 $0x1  }
0x17: {  	s4 =	simm.s32 $0x1BF5;
	[smem:$0x3FB2] =	sst s0  }
0x18: {  	s0 =	sld [smem:$0x3F95];
	_ =	swait.ge [sflag:s4], $0x0  }
0x19: {  	s7 =	sld [smem:$0x3F96]  }
0x1a: {  	s8 =	sadd.s32 $0xFFFFE003, lr  }
0x1b: {  	s9 =	sadd.s32 $0xFFFFFEF7, lr;
	s5 =	simm.s32 $0xFFFFFFFF;
	p2 =	slt.u32 s8, $0xFFFFF086  }
0x1c: {  	p1 =	slt.u32 s9, $0xF7A;
	s5 =	simm.s32 @!p2 $0x0  }
0x1d: {  	s5 =	simm.s32 @p1 $0x1;
	p0 =	seq.s32 s7, s2  }
0x1e: {  	s7 =	smul.u32 @!p0 $0xF7A, s2;
	p2 =	seq.s32 @!p0 s5, $0x0  }
0x1f: {  	s9 =	smul.u32 $0xF7A, s1;
	s8 =	simm.s32 @!p0 $0x1BF5;
	p2 =	por !p2, p0  }
0x20: {  	[sflag:s8] =	ssyncset.s32 @!p0 $0xFFFFF086;
	s6 =	sadd.s32 @!p0 s3, s7;
	s7 =	simm.s32 @!p0 $0x108  }
0x21: {  	s3 =	sadd.s32 s3, s9;
	s6 =	sadd.s32 @!p0 $0x88, s6;
	s7 =	simm.s32 @p2 $0x1082  }
0x22: {  	[simem:s7], [sflag:s8] =	dma.local @!p0 [hbm:s6], $0xF7A  }
0x23: {  	s9 =	sor.u32 $0xD0000000, s2;
	s6 =	simm.s32 $0x108;
	_ =	swait.ge @!p0 [sflag:s8], $0x0  }
0x24: {  	s3 =	sadd.s32 $0x88, s3;
	s6 =	simm.s32 @!p1 $0x1082;
	[sflag:s4] =	ssyncset.s32 $0xFFFFF086  }
0x25: {  	[simem:s6], [sflag:s4] =	dma.local [hbm:s3], $0xF7A  }
0x26: {  	[smem:$0x3F96] =	sst s1;
	(tag) =	ssettag s2;
	_ =	strace s9  }
0x27: {  	s1 =	sld [smem:$0x3FA6]  }
0x28: {  	s2 =	sld [smem:$0x3FA7]  }
0x29: {  	s4 =	sld [smem:$0x3FA9]  }
0x2a: {  	p0 =	seq.s32 s5, $0x0;
	s5 =	sld [smem:$0x3FAA]  }
0x2b: {  	s6 =	sld [smem:$0x3FAB]  }
0x2c: {  	s7 =	sld [smem:$0x3FAC]  }
0x2d: {  	s3 =	simm.s32 $0x108;
	s8 =	sld [smem:$0x3FAD]  }
0x2e: {  	s3 =	simm.s32 @!p0 $0x1082;
	s9 =	sld [smem:$0x3FAE]  }
0x2f: {  	lr =	sadd.s32 s0, s3;
	s0 =	sld [smem:$0x3FA5]  }
0x30: {  	s3 =	sld [smem:$0x3FA8]  }
0x31: {  	[smem:$0x3FB1] =	sst s10  }
0x32: {  	s10 =	sld [smem:$0x3FAF];
	_ =	sdelay $0x3  }
0x33: {  	p0 =	seq.s32 s10, $0x1;
	s10 =	sld [smem:$0x3FB1];
	_ =	sdelay $0x3  }
0x34: {  	[smem:$0x3FB1] =	sst s10  }
0x35: {  	s10 =	sld [smem:$0x3FB0];
	_ =	sdelay $0x3  }
0x36: {  	p1 =	seq.s32 s10, $0x1;
	s10 =	sld [smem:$0x3FB1];
	_ =	sdelay $0x3  }
0x37: {  	[smem:$0x3FB1] =	sst s10  }
0x38: {  	s10 =	sld [smem:$0x3FB2]  }
0x39: {  	_ = 	snop;
	(pc) =	sbr.ind lr, $3  }
0x3a: {  	_ = 	snop  }
0x3b: {  	_ = 	snop  }
0x3c: {  	p2 =	seq.s32 s10, $0x1;
	s10 =	sld [smem:$0x3FB1]  }
0x3d: {  	_ =	shalt  }
0x3e: {  	_ =	shalt  }
0x3f: {  	_ =	shalt  }
0x40: {  	_ =	shalt  }
0x41: {  	_ =	shalt  }
0x42: {  	_ =	shalt  }
0x43: {  	_ =	shalt  }
0x44: {  	_ =	shalt  }
0x45: {  	_ =	shalt  }
0x46: {  	_ =	shalt  }
0x47: {  	_ =	shalt  }
0x48: {  	_ =	shalt  }
0x49: {  	_ =	shalt  }
0x4a: {  	_ =	shalt  }
0x4b: {  	_ =	shalt  }
0x4c: {  	_ =	shalt  }
0x4d: {  	_ =	shalt  }
0x4e: {  	_ =	shalt  }
0x4f: {  	_ =	shalt  }
0x50: {  	_ =	shalt  }
0x51: {  	_ =	shalt  }
0x52: {  	_ =	shalt  }
0x53: {  	_ =	shalt  }
0x54: {  	_ =	shalt  }
0x55: {  	_ =	shalt  }
0x56: {  	_ =	shalt  }
0x57: {  	_ =	shalt  }
0x58: {  	_ =	shalt  }
0x59: {  	_ =	shalt  }
0x5a: {  	_ =	shalt  }
0x5b: {  	_ =	shalt  }
0x5c: {  	_ =	shalt  }
0x5d: {  	_ =	shalt  }
0x5e: {  	_ =	shalt  }
0x5f: {  	_ =	shalt  }
0x60: {  	_ =	shalt  }
0x61: {  	_ =	shalt  }
0x62: {  	_ =	shalt  }
0x63: {  	_ =	shalt  }
0x64: {  	_ =	shalt  }
0x65: {  	_ =	shalt  }
0x66: {  	_ =	shalt  }
0x67: {  	_ =	shalt  }
0x68: {  	_ =	shalt  }
0x69: {  	_ =	shalt  }
0x6a: {  	_ =	shalt  }
0x6b: {  	_ =	shalt  }
0x6c: {  	_ =	shalt  }
0x6d: {  	_ =	shalt  }
0x6e: {  	_ =	shalt  }
0x6f: {  	_ =	shalt  }
0x70: {  	_ =	shalt  }
0x71: {  	_ =	shalt  }
0x72: {  	_ =	shalt  }
0x73: {  	_ =	shalt  }
0x74: {  	_ =	shalt  }
0x75: {  	_ =	shalt  }
0x76: {  	_ =	shalt  }
0x77: {  	_ =	shalt  }
0x78: {  	_ =	shalt  }
0x79: {  	_ =	shalt  }
0x7a: {  	_ =	shalt  }
0x7b: {  	_ =	shalt  }
0x7c: {  	_ =	shalt  }
0x7d: {  	_ =	shalt  }
0x7e: {  	_ =	shalt  }
0x7f: {  	_ =	shalt  }
0x80: {  	_ =	shalt  }
0x81: {  	_ =	shalt  }
0x82: {  	_ =	shalt  }
0x83: {  	_ =	shalt  }
0x84: {  	_ =	shalt  }
0x85: {  	_ =	shalt  }
0x86: {  	_ =	shalt  }
0x87: {  	_ =	shalt  }
.Lfunc_end0:
.L_simem_size_0:
called_computation.2_lowered:
.L_overlay_start_0:
0x88: {  	s2 =	sld [smem:$0x3FD9]  }
0x89: {  	s3 =	sld [smem:$0x3FFE];
	_ =	sdelay $0x1  }
0x8a: {  	s1 =	srdreg.scid  }
0x8b: {  	s0 =	sand.u32 $0x1, s1  }
0x8c: {  	s17 =	sshll.u32 s0, $0xA;
	s2 =	sadd.s32 s3, s2  }
0x8d: {  	s2 =	sadd.s32 s2, s17  }
0x8e: {  	[smem:$0x3FBD] =	sst s2  }
0x8f: {  	_ = 	snop  }
0x90: {  	s2 =	sld [smem:$0x3FD0];
	(tm) =	ssettm $0x1  }
0x91: {  	s18 =	sld [smem:$0x3FFB];
	_ =	sdelay $0x3  }
0x92: {  	_ =	strace s18  }
0x93: {  	s3 =	sld [smem:$0x3FFC];
	_ =	sdelay $0x3  }
0x94: {  	_ =	strace s3  }
0x95: {  	s3 =	sld [smem:$0x3FFD];
	_ =	sdelay $0x3  }
0x96: {  	_ =	strace s3  }
0x97: {  	_ =	strace $0x8FFFFFFF  }
0x98: {  	s19 =	sld [smem:$0x3FDB];
	_ =	sdelay $0x1  }
0x99: {  	s4 =	simm.s32 $_scs_section_size  }
0x9a: {  	s5 =	simm.s32 $_size__tile_overlayer_lowered;
	s6 =	simm.s32 $_tile_overlayer_lowered  }
0x9b: {  	s22 =	simm.s32 $0x1BFF;
	s21 =	sshll.u32 s6, $0x1;
	s3 =	sadd.s32 s4, s19  }
0x9c: {  	s7 =	simm.s32 $0x0;
	s20 =	sshll.u32 s5, $0x1;
	s5 =	sadd.s32 s21, s3  }
0x9d: {  	[timem:s7], [sflag:s22] =	dma.local [hbm:s5], s20  }
0x9e: {  	_ =	swait.ge [sflag:s22], s20  }
0x9f: {  	s4 =	ssub.s32 $0x0, s20;
	[sflag:s22] =	ssyncset.done $0x0  }
0xa0: {  	[sflag:s22] =	ssyncadd.s32 s4;
	_ =	sdelay $0x1  }
0xa1: {  	s23 =	simm.s32 $0x1B8B  }
0xa2: {  	_ =	swait.ge [sflag:s23], $0x1  }
0xa3: {  	[sflag:s23] =	ssyncset.done $0x0  }
0xa4: {  	s25 =	simm.s32 $0x1B8E;
	s24 =	sld [smem:$0x3FFE];
	[sflag:s23] =	ssyncadd.s32 $0xFFFFFFFF  }
0xa5: {  	s26 =	simm.s32 $execute0_lowered;
	[smem:$0x3FD2] =	sst s25  }
0xa6: {  	s5 =	sshll.u32 s26, $0x1;
	_ =	strace $0x8000004C;
	[dreg:$0x1] =	wrdreg $0xFFFFFFFF  }
0xa7: {  	s28 =	simm.s32 $_size_execute0_lowered;
	s3 =	sadd.s32 s3, s5;
	[dreg:$0x0] =	wrdreg $0x0  }
0xa8: {  	s5 =	sshll.u32 s28, $0x1;
	[dreg:$0x2] =	wrdreg s3  }
0xa9: {  	[dreg:$0x3] =	wrdreg s5  }
0xaa: {  	[dreg:$0x4] =	wrdreg $0xC0  }
0xab: {  	_ =	task [dreg:s7], $0x5FFFF  }
0xac: {  	[dreg:$0x1] =	wrdreg $0xFFFFFFFF  }
0xad: {  	[dreg:$0x0] =	wrdreg $0x60  }
0xae: {  	[dreg:$0x2] =	wrdreg s24  }
0xaf: {  	[dreg:$0x3] =	wrdreg s2  }
0xb0: {  	[dreg:$0x4] =	wrdreg $0x130000  }
0xb1: {  	[dreg:$0x5] =	wrdreg $0x9  }
0xb2: {  	_ =	task.clear_ibuf [dreg:s7], $0x6FFFF;
	_ =	strace $0x9000004C  }
0xb3: {  	s29 =	simm.s32 $0x9;
	_ =	strace $0x8000004E  }
0xb4: {  	_ =	swait.ge [sflag:s29], $0x1  }
0xb5: {  	[sflag:s29] =	ssyncadd.s32 $0xFFFFFFFF  }
0xb6: {  	_ =	strace $0x9000004E  }
0xb7: {  	_ =	sfence  }
0xb8: {  	s30 =	sld [smem:$0x0];
	_ =	sdelay $0x2  }
0xb9: {  	s31 =	sshll.u32 s1, $0xD;
	s1 =	sshrl.u32 s1, $0x2  }
0xba: {  	s3 =	sand.u32 $0x4000, s31;
	s1 =	sadd.s32 s1, s30  }
0xbb: {  	s0 =	sor.u32 s3, s0;
	s1 =	sshll.u32 s1, $0x11  }
0xbc: {  	s0 =	sor.u32 s1, s0  }
0xbd: {  	s0 =	sadd.s32 $0x8F2B, s0  }
0xbe: {  	[sflag:s0] =	ssyncadd.remote.s32 $0x1  }
0xbf: {  	_ =	sfence.sel $0xFFFF  }
0xc0: {  	[dreg:$0x0] =	wrdreg $0xFFFFFFFF;
	(pc) =	sbr.abs _section_cstart, $3  }
0xc1: {  	[dreg:$0x1] =	wrdreg $0xFFFFFFFF  }
0xc2: {  	_ =	task.clear_ibuf [dreg:s7], $0x2FFFF;
	_ =	strace $0x9FFFFFFF  }
0xc3: {  	(tm) =	ssettm $0x7FFFFFFF  }
tec
execute0_lowered:
.L_overlay_start_1:
0x0: {  	(tag) =	ssettag $0x1  }
0x1: {  	s0 =	srdreg.scid;
	s1 =	rddreg [dreg:$0x0]  }
0x2: {  	s8 =	stileid.u32;
	s3 =	rddreg [dreg:$0x2];
	s4 =	simm.s32 $0x0  }
0x3: {  	s15 =	simm.s32 $0x5000;
	s16 =	simm.s32 $0xF;
	s18 =	simm.s32 $0x80  }
0x4: {  	s24 =	simm.s32 $0x1;
	s28 =	simm.s32 $0x2;
	s10 =	simm.s32 $0x11000  }
0x5: {  	s22 =	simm.s32 $0x7;
	s0 =	sand.u32 $0x1, s0;
	s6 =	smul.u32 $0xA000, s8  }
0x6: {  	s20 =	simm.s32 $0xE;
	s2 =	sshll.u32 s0, $0x4;
	s7 =	smul.u32 $0xA0000, s0  }
0x7: {  	s0 =	ssub.s32 $0x2, s0;
	s2 =	sor.u32 s8, s2;
	s8 =	smul.u32 $0x28000, s8  }
0x8: {  	[smem:$0x7FF] =	sst s4;
	s5 =	sadd.s32 $0x2AE00, s1;
	s9 =	sshrl.u32 s0, $0x1  }
0x9: {  	_ =	strace $0x8000004D;
	s0 =	ssub.s32 s0, s9;
	s8 =	sshrl.u32 s8, $0x2  }
0xa: {  	s2 =	smul.u32 $0x500, s2;
	s0 =	smax.u32 s0, $0x1;
	s25 =	sadd.s32 s8, s3  }
0xb: {  	s7 =	sadd.s32 s6, s7;
	[dreg:$0xb] =	wrdreg s0;
	s8 =	sadd.s32 $0x2000, s25  }
0xc: {  	s7 =	sshrl.u32 s7, $0x3;
	s26 =	sadd.s32 $0x4000, s25;
	[dreg:$0x4] =	wrdreg s8  }
0xd: {  	s2 =	sadd.s32 s2, s1;
	s30 =	sadd.s32 $0x6000, s25;
	[dreg:$0x5] =	wrdreg s26  }
0xe: {  	s1 =	sadd.s32 s7, s1;
	s7 =	sadd.s32 $0x8000, s25;
	[dreg:$0x6] =	wrdreg s30  }
0xf: {  	s23 =	simm.s32 $0x8;
	s31 =	sadd.s32 $0xCE00, s2;
	[dreg:$0x7] =	wrdreg s7  }
0x10: {  	s29 =	simm.s32 $0x0;
	s2 =	sadd.s32 $0x2E00, s2;
	[dreg:$0x8] =	wrdreg s31  }
0x11: {  	s6 =	sadd.s32 s6, s3;
	s1 =	sadd.s32 $0x154600, s1;
	[dreg:$0x9] =	wrdreg s2  }
0x12: {  	s9 =	simm.s32 $0x9000;
	s25 =	simm.s32 $0x9;
	[dreg:$0xa] =	wrdreg s1  }
0x13: {  	s8 =	simm.s32 $0x7000;
	s1 =	simm.s32 $0x3;
	s26 =	simm.s32 $0xA  }
.LBB2_1:
0x14: {  	s0 =	rddreg [dreg:$0x1]  }
0x15: {  	[tilespmem:s15], [sflag:$0xF] =	stream.linear.gather [hbm4b:s0+s4], $0x2000, $0x38;
	[tilespmem:$0x1D000] =	vst v63  }
0x16: {  	_ =	swait.ge [sflag:s16], $0x2000  }
0x17: {  	[sflag:s16] =	ssyncset.done $0x0  }
0x18: {  	[sflag:s16] =	ssyncadd.s32 $0xFFFFE000  }
0x19: {  	[spmem:s6] =	stream.linear.scatter [tilespmem:s15], [sflag:$0xF], $0x2000, $0x38;
	[tilespmem:$0x1D000] =	vst v63  }
0x1a: {  	_ =	swait.ge [sflag:s16], $0x2000  }
0x1b: {  	[sflag:s16] =	ssyncset.done $0x0  }
0x1c: {  	s7 =	rddreg [dreg:$0x4];
	[sflag:s16] =	ssyncadd.s32 $0xFFFFE000  }
0x1d: {  	[spmem:s7] =	stream.linear.scatter [tilespmem:s15], [sflag:$0xF], $0x2000, $0x38;
	[tilespmem:$0x1D000] =	vst v63  }
0x1e: {  	_ =	swait.ge [sflag:s16], $0x2000  }
0x1f: {  	[sflag:s16] =	ssyncset.done $0x0  }
0x20: {  	s11 =	rddreg [dreg:$0x5];
	[sflag:s16] =	ssyncadd.s32 $0xFFFFE000  }
0x21: {  	[spmem:s11] =	stream.linear.scatter [tilespmem:s15], [sflag:$0xF], $0x2000, $0x38;
	[tilespmem:$0x1D000] =	vst v63  }
0x22: {  	_ =	swait.ge [sflag:s16], $0x2000  }
0x23: {  	[sflag:s16] =	ssyncset.done $0x0  }
0x24: {  	s12 =	rddreg [dreg:$0x6];
	[sflag:s16] =	ssyncadd.s32 $0xFFFFE000  }
0x25: {  	[spmem:s12] =	stream.linear.scatter [tilespmem:s15], [sflag:$0xF], $0x2000, $0x38;
	[tilespmem:$0x1D000] =	vst v63  }
0x26: {  	_ =	swait.ge [sflag:s16], $0x2000  }
0x27: {  	[sflag:s16] =	ssyncset.done $0x0  }
0x28: {  	s13 =	rddreg [dreg:$0x7];
	[sflag:s16] =	ssyncadd.s32 $0xFFFFE000  }
0x29: {  	[spmem:s13] =	stream.linear.scatter [tilespmem:s15], [sflag:$0xF], $0x2000, $0x38;
	[tilespmem:$0x1D000] =	vst v63  }
0x2a: {  	_ =	swait.ge [sflag:s16], $0x2000  }
0x2b: {  	[sflag:s16] =	ssyncset.done $0x0  }
0x2c: {  	s14 =	rddreg [dreg:$0x8];
	[sflag:s16] =	ssyncadd.s32 $0xFFFFE000  }
0x2d: {  	[tilespmem:s4], [sflag:$0xF] =	stream.linear.gather [hbm4b:s14+s4], $0x2800, $0x38;
	[tilespmem:$0x1D000] =	vst v63  }
0x2e: {  	_ =	swait.ge [sflag:s16], $0x2800  }
0x2f: {  	[sflag:s16] =	ssyncset.done $0x0  }
0x30: {  	s2 =	simm.s32 $0x2800;
	s17 =	rddreg [dreg:$0x9];
	[sflag:s16] =	ssyncadd.s32 $0xFFFFD800  }
0x31: {  	[tilespmem:s2], [sflag:$0xF] =	stream.linear.gather [hbm4b:s17+s4], $0x2800, $0x38;
	[tilespmem:$0x1D000] =	vst v63  }
0x32: {  	_ =	swait.ge [sflag:s16], $0x2800  }
0x33: {  	[sflag:s16] =	ssyncset.done $0x0  }
0x34: {  	[sflag:s16] =	ssyncadd.s32 $0xFFFFD800  }
0x35: {  	[bflag:$0x0] =	sbarrier.arrive $0xFFFF  }
0x36: {  	[tilespmem:s15], [sflag:$0x1] =	stream.indirect.gather [hbm4b:s5+s18], $0x40, s4, s18, $0xb8;
	[tilespmem:$0x1D000] =	vst v63  }
0x37: {  	_ = 	snop  }
0x38: {  	[tilespmem:s8], [sflag:$0x2] =	stream.indirect.gather [hbm4b:s5+s18], $0x40, s18, s18, $0xb8;
	[tilespmem:$0x1D000] =	vst v63  }
0x39: {  	s19 =	simm.s32 $0x100  }
0x3a: {  	[tilespmem:s9], [sflag:$0x3] =	stream.indirect.gather [hbm4b:s5+s18], $0x40, s19, s18, $0xb8;
	[tilespmem:$0x1D000] =	vst v63  }
0x3b: {  	s21 =	simm.s32 $0x180;
	s7 =	simm.s32 $0xB000  }
0x3c: {  	[tilespmem:s7], [sflag:$0x4] =	stream.indirect.gather [hbm4b:s5+s18], $0x40, s21, s18, $0xb8;
	[tilespmem:$0x1D000] =	vst v63  }
0x3d: {  	_ =	swait.ge [sflag:s24], $0x2000  }
0x3e: {  	[sflag:s24] =	ssyncset.done $0x0  }
0x3f: {  	[sflag:s24] =	ssyncadd.s32 $0xFFFFE000  }
0x40: {  	[spmem:s3] =	stream.indirect.scatter.add.f32 [tilespmem:s15], [sflag:$0x8], $0x40, s2, s18, $0xb8;
	[tilespmem:$0x1D000] =	vst v63  }
0x41: {  	s11 =	simm.s32 $0x200;
	s12 =	simm.s32 $0xD000  }
0x42: {  	[tilespmem:s12], [sflag:$0x5] =	stream.indirect.gather [hbm4b:s5+s18], $0x40, s11, s18, $0xb8;
	[tilespmem:$0x1D000] =	vst v63  }
0x43: {  	s21 =	smul.u32 $0x25, s22;
	_ =	swait.ge [sflag:s28], $0x2000  }
0x44: {  	s13 =	simm.s32 $0x2880;
	[sflag:s28] =	ssyncset.done $0x0  }
0x45: {  	s0 =	sadd.s32 $0xFFFFFF6C, s21;
	s12 =	sshrl.u32 s21, $0x8;
	[sflag:s28] =	ssyncadd.s32 $0xFFFFE000  }
0x46: {  	[spmem:s3] =	stream.indirect.scatter.add.f32 [tilespmem:s8], [sflag:$0x9], $0x40, s13, s18, $0xb8;
	[tilespmem:$0x1D000] =	vst v63  }
0x47: {  	s14 =	simm.s32 $0x280;
	s0 =	sshrl.u32 s0, $0x8;
	s13 =	ssub.s32 $0x7, s12  }
0x48: {  	s17 =	simm.s32 $0xF000;
	s8 =	sand.u32 $0xFE, s13;
	s13 =	ssub.s32 $0x3, s0  }
0x49: {  	[tilespmem:s17], [sflag:$0x6] =	stream.indirect.gather [hbm4b:s5+s18], $0x40, s14, s18, $0xb8;
	[tilespmem:$0x1D000] =	vst v63  }
0x4a: {  	s13 =	sand.u32 $0xFE, s13  }
0x4b: {  	s19 =	simm.s32 $0x2900;
	_ =	swait.ge [sflag:s1], $0x2000;
	s13 =	sshrl.u32 s13, $0x1  }
0x4c: {  	s11 =	simm.s32 $0x300;
	[sflag:s1] =	ssyncset.done $0x0;
	s0 =	sadd.s32 s0, s13  }
0x4d: {  	s14 =	simm.s32 $0x0;
	[sflag:s1] =	ssyncadd.s32 $0xFFFFE000;
	s0 =	sand.u32 $0xFC, s0  }
0x4e: {  	[spmem:s3] =	stream.indirect.scatter.add.f32 [tilespmem:s9], [sflag:$0xA], $0x40, s19, s18, $0xb8;
	[tilespmem:$0x1D000] =	vst v63  }
0x4f: {  	s8 =	sshrl.u32 s8, $0x1;
	s14 =	smul.u32 $0xFFFFFF93, s14;
	s0 =	sshrl.u32 s0, $0x2  }
0x50: {  	[tilespmem:s10], [sflag:$0x7] =	stream.indirect.gather [hbm4b:s5+s18], $0x40, s11, s18, $0xb8;
	[tilespmem:$0x1D000] =	vst v63  }
0x51: {  	s7 =	sadd.s32 s12, s8;
	s0 =	smul.u32 $0x7, s0;
	s10 =	simm.s32 $0x8  }
0x52: {  	s7 =	sand.u32 $0xFC, s7;
	s8 =	smul.u32 $0x25, s10  }
0x53: {  	s7 =	sshrl.u32 s7, $0x2  }
0x54: {  	s14 =	sshrl.u32 s14, $0x8;
	s0 =	ssub.s32 $0x3, s0;
	s11 =	sshrl.u32 s8, $0x8  }
0x55: {  	s7 =	smul.u32 $0x7, s7;
	s0 =	sand.u32 $0xFF, s0;
	s12 =	ssub.s32 $0x8, s11  }
0x56: {  	s9 =	simm.s32 $0x2980;
	s2 =	sadd.s32 $0x1, s0;
	s12 =	sand.u32 $0xFE, s12  }
0x57: {  	s7 =	ssub.s32 $0x7, s7;
	_ =	swait.ge [sflag:s2], $0x2000;
	s12 =	sshrl.u32 s12, $0x1  }
0x58: {  	[sflag:s2] =	ssyncset.done $0x0;
	s11 =	sadd.s32 s11, s12;
	s12 =	sadd.s32 $0x0, s14  }
0x59: {  	[sflag:s2] =	ssyncadd.s32 $0xFFFFE000;
	s19 =	sand.u32 $0x80, s12;
	s12 =	sshll.u32 s12, $0x18  }
0x5a: {  	s14 =	sand.u32 $0xFF, s7;
	s13 =	sshrl.u32 s19, $0x7;
	s12 =	sshra.s32 s12, $0x1A  }
0x5b: {  	s11 =	sand.u32 $0xFC, s11;
	s19 =	sshll.u32 s0, $0xD;
	s21 =	sadd.s32 s13, s12  }
0x5c: {  	s0 =	sor.u32 $0x8, s0;
	s13 =	sadd.s32 $0x5000, s19;
	s7 =	smul.u32 $0x7, s21  }
0x5d: {  	[spmem:s3] =	stream.indirect.scatter.add.f32 [tilespmem:s13], [sflag:s0], $0x40, s9, s18, $0xb8;
	[tilespmem:$0x1D000] =	vst v63  }
0x5e: {  	s17 =	simm.s32 $0x380;
	s11 =	sshrl.u32 s11, $0x2;
	s7 =	ssub.s32 $0x0, s7  }
0x5f: {  	s31 =	sadd.s32 $0x1, s14;
	s11 =	smul.u32 $0x7, s11;
	s7 =	sshll.u32 s7, $0x18  }
0x60: {  	s21 =	sshll.u32 s14, $0xD;
	s13 =	simm.s32 $0x9;
	s7 =	sshra.s32 s7, $0x18  }
0x61: {  	s9 =	simm.s32 $0x2A00;
	s11 =	ssub.s32 $0x8, s11;
	s19 =	sadd.s32 $0x8, s7  }
0x62: {  	s30 =	sadd.s32 $0x5000, s21;
	s11 =	sand.u32 $0xFF, s11;
	_ =	swait.ge [sflag:s19], $0x2000  }
0x63: {  	s12 =	sshll.u32 s11, $0xD;
	s7 =	simm.s32 $0x400;
	[sflag:s19] =	ssyncset.done $0x0  }
.LBB2_2:
0x64: {  	s2 =	smul.u32 $0x25, s13;
	[sflag:s19] =	ssyncadd.s32 $0xFFFFE000;
	s19 =	smov.u32 s13  }
0x65: {  	s21 =	sadd.s32 $0x1, s13;
	s14 =	smov.u32 s11;
	s0 =	smov.u32 s12  }
0x66: {  	p0 =	sne.s32 s13, $0x4F;
	s8 =	sadd.s32 $0xFFFFFF6C, s8;
	s12 =	sadd.s32 $0xFFFFFFFC, s10  }
0x67: {  	[tilespmem:s30], [sflag:s31] =	stream.indirect.gather [hbm4b:s5+s18], $0x40, s17, s18, $0xb8;
	[tilespmem:$0x1D000] =	vst v63  }
0x68: {  	s13 =	sadd.s32 $0xFFFFFFF9, s10;
	s8 =	sshrl.u32 s8, $0x8;
	s11 =	sshrl.u32 s2, $0x8  }
0x69: {  	s30 =	sshll.u32 s13, $0x18;
	s17 =	ssub.s32 s12, s8;
	s10 =	ssub.s32 s19, s11  }
0x6a: {  	s30 =	sshra.s32 s30, $0x18;
	s17 =	sand.u32 $0xFE, s17;
	s10 =	sand.u32 $0xFE, s10  }
0x6b: {  	s30 =	smul.u32 $0xFFFFFF93, s30;
	s17 =	sshrl.u32 s17, $0x1;
	s10 =	sshrl.u32 s10, $0x1  }
0x6c: {  	s10 =	sadd.s32 s11, s10;
	s11 =	sadd.s32 s8, s17;
	s8 =	smov.u32 s2  }
0x6d: {  	s2 =	sand.u32 $0xFC, s10;
	s10 =	sand.u32 $0xFC, s11;
	s11 =	sshrl.u32 s30, $0x8  }
0x6e: {  	s10 =	sshrl.u32 s10, $0x2;
	s11 =	sadd.s32 s13, s11  }
0x6f: {  	s2 =	sshrl.u32 s2, $0x2;
	s10 =	smul.u32 $0x7, s10;
	s17 =	sand.u32 $0x80, s11  }
0x70: {  	s11 =	sshll.u32 s11, $0x18;
	s2 =	smul.u32 $0x7, s2;
	s17 =	sshrl.u32 s17, $0x7  }
0x71: {  	s11 =	sshra.s32 s11, $0x1A;
	s12 =	ssub.s32 s12, s10;
	s10 =	smov.u32 s19  }
0x72: {  	s11 =	sadd.s32 s17, s11;
	s2 =	ssub.s32 s10, s2  }
0x73: {  	s17 =	sand.u32 $0xFF, s12;
	s19 =	smul.u32 $0x7, s11;
	s11 =	sand.u32 $0xFF, s2  }
0x74: {  	s2 =	sshll.u32 s17, $0xD;
	s30 =	sadd.s32 $0x1, s17;
	s17 =	sor.u32 $0x8, s17  }
0x75: {  	s12 =	sshll.u32 s11, $0xD;
	s13 =	ssub.s32 s13, s19;
	_ =	swait.ge [sflag:s30], $0x2000  }
0x76: {  	s2 =	sadd.s32 $0x5000, s2;
	s13 =	sshll.u32 s13, $0x18;
	[sflag:s30] =	ssyncset.done $0x0  }
.Ltmp0:
0x77: {  	s13 =	sshra.s32 s13, $0x18;
	[sflag:s30] =	ssyncadd.s32 $0xFFFFE000;
	(pc) =	sbr.rel @p0 .LBB2_2-.Ltmp0, $4  }
0x78: {  	[spmem:s3] =	stream.indirect.scatter.add.f32 [tilespmem:s2], [sflag:s17], $0x40, s9, s18, $0xb8;
	[tilespmem:$0x1D000] =	vst v63  }
0x79: {  	s31 =	sadd.s32 $0x1, s14;
	s19 =	sadd.s32 $0x8, s13;
	s17 =	smov.u32 s7  }
0x7a: {  	s7 =	sadd.s32 $0x80, s7;
	s9 =	sadd.s32 $0x80, s9;
	_ =	swait.ge [sflag:s19], $0x2000  }
0x7b: {  	s30 =	sadd.s32 $0x5000, s0;
	s13 =	smov.u32 s21;
	[sflag:s19] =	ssyncset.done $0x0  }
0x7c: {  	[sflag:s19] =	ssyncadd.s32 $0xFFFFE000;
	s0 =	sadd.s32 $0xFFFFFF6C, s8  }
0x7d: {  	[tilespmem:s30], [sflag:s31] =	stream.indirect.gather [hbm4b:s5+s18], $0x40, s17, s18, $0xb8;
	[tilespmem:$0x1D000] =	vst v63  }
0x7e: {  	s2 =	sadd.s32 $0xFFFFFFFC, s10;
	s0 =	sshrl.u32 s0, $0x8  }
0x7f: {  	s30 =	ssub.s32 s2, s0  }
0x80: {  	s8 =	sand.u32 $0xFE, s30  }
0x81: {  	s31 =	sadd.s32 $0xFFFFFFF9, s10;
	s8 =	sshrl.u32 s8, $0x1  }
0x82: {  	s10 =	sshll.u32 s31, $0x18;
	s0 =	sadd.s32 s0, s8  }
0x83: {  	s10 =	sshra.s32 s10, $0x18;
	s0 =	sand.u32 $0xFC, s0  }
0x84: {  	s10 =	smul.u32 $0xFFFFFF93, s10;
	s0 =	sshrl.u32 s0, $0x2  }
0x85: {  	s0 =	smul.u32 $0x7, s0  }
0x86: {  	s14 =	sshrl.u32 s10, $0x8  }
0x87: {  	s0 =	ssub.s32 s2, s0;
	s2 =	sadd.s32 s31, s14  }
0x88: {  	s0 =	sand.u32 $0xFF, s0;
	s13 =	sand.u32 $0x80, s2  }
0x89: {  	s2 =	sshll.u32 s2, $0x18;
	s17 =	sadd.s32 $0x1, s0;
	s13 =	sshrl.u32 s13, $0x7  }
0x8a: {  	s2 =	sshra.s32 s2, $0x1A;
	s19 =	sshll.u32 s0, $0xD;
	_ =	swait.ge [sflag:s17], $0x2000  }
0x8b: {  	s0 =	sor.u32 $0x8, s0;
	s2 =	sadd.s32 s13, s2;
	[sflag:s17] =	ssyncset.done $0x0  }
0x8c: {  	s10 =	sadd.s32 $0x5000, s19;
	s2 =	smul.u32 $0x7, s2;
	[sflag:s17] =	ssyncadd.s32 $0xFFFFE000  }
0x8d: {  	[spmem:s3] =	stream.indirect.scatter.add.f32 [tilespmem:s10], [sflag:s0], $0x40, s9, s18, $0xb8;
	[tilespmem:$0x1D000] =	vst v63  }
0x8e: {  	s21 =	ssub.s32 s31, s2  }
0x8f: {  	s0 =	sshll.u32 s21, $0x18  }
0x90: {  	s0 =	sshra.s32 s0, $0x18  }
0x91: {  	s0 =	sadd.s32 $0x8, s0  }
0x92: {  	_ =	swait.ge [sflag:s0], $0x2000  }
0x93: {  	[sflag:s0] =	ssyncset.done $0x0  }
0x94: {  	s30 =	sadd.s32 $0x5000, s12;
	s31 =	sadd.s32 $0x1, s11;
	[sflag:s0] =	ssyncadd.s32 $0xFFFFE000  }
0x95: {  	[tilespmem:s30], [sflag:s31] =	stream.indirect.gather [hbm4b:s5+s18], $0x40, s7, s18, $0xb8;
	[tilespmem:$0x1D000] =	vst v63  }
0x96: {  	_ =	swait.ge [sflag:s22], $0x2000  }
0x97: {  	[sflag:s22] =	ssyncset.done $0x0  }
0x98: {  	s8 =	simm.s32 $0x4E00;
	s10 =	simm.s32 $0x11000;
	[sflag:s22] =	ssyncadd.s32 $0xFFFFE000  }
0x99: {  	[spmem:s3] =	stream.indirect.scatter.add.f32 [tilespmem:s10], [sflag:$0xE], $0x40, s8, s18, $0xb8;
	[tilespmem:$0x1D000] =	vst v63  }
0x9a: {  	_ =	swait.ge [sflag:s24], $0x2000  }
0x9b: {  	[sflag:s24] =	ssyncset.done $0x0  }
0x9c: {  	s9 =	simm.s32 $0x4E80;
	[sflag:s24] =	ssyncadd.s32 $0xFFFFE000  }
0x9d: {  	[spmem:s3] =	stream.indirect.scatter.add.f32 [tilespmem:s15], [sflag:$0x8], $0x40, s9, s18, $0xb8;
	[tilespmem:$0x1D000] =	vst v63  }
0x9e: {  	_ =	swait.ge [sflag:s28], $0x2000  }
0x9f: {  	[sflag:s28] =	ssyncset.done $0x0  }
0xa0: {  	s11 =	simm.s32 $0x4F00;
	s8 =	simm.s32 $0x7000;
	[sflag:s28] =	ssyncadd.s32 $0xFFFFE000  }
0xa1: {  	[spmem:s3] =	stream.indirect.scatter.add.f32 [tilespmem:s8], [sflag:$0x9], $0x40, s11, s18, $0xb8;
	[tilespmem:$0x1D000] =	vst v63  }
0xa2: {  	_ =	swait.ge [sflag:s1], $0x2000  }
0xa3: {  	s12 =	simm.s32 $0x4F80;
	[sflag:s1] =	ssyncset.done $0x0  }
0xa4: {  	s13 =	simm.s32 $0xB;
	s9 =	simm.s32 $0x9000;
	[sflag:s1] =	ssyncadd.s32 $0xFFFFE000  }
0xa5: {  	[spmem:s3] =	stream.indirect.scatter.add.f32 [tilespmem:s9], [sflag:$0xA], $0x40, s12, s18, $0xb8;
	[tilespmem:$0x1D000] =	vst v63  }
0xa6: {  	_ =	swait.ge [sflag:s13], $0x2000  }
0xa7: {  	[sflag:s13] =	ssyncset.done $0x0  }
0xa8: {  	s14 =	simm.s32 $0xC;
	[sflag:s13] =	ssyncadd.s32 $0xFFFFE000  }
0xa9: {  	_ =	swait.ge [sflag:s14], $0x2000  }
0xaa: {  	[sflag:s14] =	ssyncset.done $0x0  }
0xab: {  	s17 =	simm.s32 $0xD;
	[sflag:s14] =	ssyncadd.s32 $0xFFFFE000  }
0xac: {  	_ =	swait.ge [sflag:s17], $0x2000  }
0xad: {  	[sflag:s17] =	ssyncset.done $0x0  }
0xae: {  	[sflag:s17] =	ssyncadd.s32 $0xFFFFE000  }
0xaf: {  	_ =	swait.ge [sflag:s20], $0x2000  }
0xb0: {  	[sflag:s20] =	ssyncset.done $0x0  }
0xb1: {  	[sflag:s20] =	ssyncadd.s32 $0xFFFFE000  }
0xb2: {  	_ =	swait.ge [sflag:s23], $0x2000  }
0xb3: {  	[sflag:s23] =	ssyncset.done $0x0  }
0xb4: {  	[sflag:s23] =	ssyncadd.s32 $0xFFFFE000  }
0xb5: {  	_ =	swait.ge [sflag:s25], $0x2000  }
0xb6: {  	[sflag:s25] =	ssyncset.done $0x0  }
0xb7: {  	[sflag:s25] =	ssyncadd.s32 $0xFFFFE000  }
0xb8: {  	_ =	swait.ge [sflag:s26], $0x2000  }
0xb9: {  	[sflag:s26] =	ssyncset.done $0x0  }
0xba: {  	s19 =	stileid.u32;
	[sflag:s26] =	ssyncadd.s32 $0xFFFFE000  }
0xbb: {  	s0 =	sshll.u32 s19, $0x6;
	[bflag:$0x0] =	sbarrier.arrive $0xFFFF  }
0xbc: {  	s21 =	sshrl.u32 s6, $0x3;
	s0 =	sor.u32 $0x1C0F, s0;
	s30 =	rddreg [dreg:$0xa]  }
0xbd: {  	[hbm:s30], [sflag:s0] =	dma.local [spmem:s21], $0x1400  }
0xbe: {  	_ =	swait.ge [sflag:s16], $0x1400  }
0xbf: {  	s29 =	sadd.s32 $0x1, s29;
	s31 =	rddreg [dreg:$0xb]  }
0xc0: {  	p0 =	sne.s32 s29, s31  }
.Ltmp1:
0xc1: {  	_ = 	snop;
	(pc) =	sbr.rel @p0 .LBB2_1-.Ltmp1, $3  }
0xc2: {  	_ =	sdelay $0x1  }
0xc3: {  	[sflag:s16] =	ssyncset.done $0x0  }
0xc4: {  	[sflag:s16] =	ssyncadd.s32 $0xFFFFEC00  }
0xc5: {  	_ =	sfence.sel $0x180000  }
0xc6: {  	[bflag:$0x0] =	sbarrier.arrive $0xFFFF  }
0xc7: {  	_ =	strace $0x9000004D  }
0xc8: {  	s0 =	stileid.u32;
	[bflag:$0x2] =	sbarrier.arrive $0xFFFF  }
0xc9: {  	p0 =	sne.s32 s0, $0x0;
	s0 =	rddreg [dreg:$0x3]  }
0xca: {  	s0 =	sadd.s32 @!p0 $0x100000, s0  }
0xcb: {  	[sflag:s0] =	ssyncadd.tile.s32 @!p0 $0x1;
	_ =	shalt  }
.Lfunc_end2:
_tile_overlayer_lowered:
.L_overlay_start_2:
0xcc: {  	(tag) =	ssettag $0x2  }
0xcd: {  	s0 =	rddreg [dreg:$0x0];
	s2 =	stileid.u32  }
0xce: {  	s1 =	rddreg [dreg:$0x1];
	p0 =	sne.s32 s2, $0x0  }
0xcf: {  	s3 =	rddreg [dreg:$0x2];
	[bflag:$0x3] =	sbarrier.arrive $0xFFFF;
	s2 =	simm.s32 @!p0 $0x1C0F  }
0xd0: {  	[timem:s3], [sflag:s2] =	dma.local @!p0 [hbm:s0], s1  }
0xd1: {  	s0 =	simm.s32 @!p0 $0xF  }
0xd2: {  	_ =	swait.ge @!p0 [sflag:s0], s1  }
0xd3: {  	s1 =	ssub.s32 @!p0 $0x0, s1;
	[sflag:s0] =	ssyncset.done @!p0 $0x0  }
0xd4: {  	[sflag:s0] =	ssyncadd.s32 @!p0 s1  }
0xd5: {  	[bflag:$0x3] =	sbarrier.arrive $0xFFFF  }
0xd6: {  	_ =	shalt  }

// kernel: kernel.22.cloned.1.call-start
scs
__scs_entry_jumppad:
0x0: {  	(pc) =	sbr.rel $0x88, $3  }
0x1: {  	(tag) =	ssettag $0x0;
	lr =	simm.s32 $0x1  }
0x2: {  	[smem:$0x3F96] =	sst lr;
	_ =	strace $0xD0000000  }
0x3: {  	_ = 	snop  }
0x4: {  	_ = 	snop  }
0x5: {  	_ = 	snop  }
0x6: {  	_ = 	snop  }
0x7: {  	_ = 	snop  }
__scs_overlays_trampoline_lowered:
0x8: {  	[smem:$0x3FA5] =	sst s0  }
0x9: {  	[smem:$0x3FA6] =	sst s1  }
0xa: {  	[smem:$0x3FA7] =	sst s2  }
0xb: {  	[smem:$0x3FA8] =	sst s3  }
0xc: {  	[smem:$0x3FA9] =	sst s4  }
0xd: {  	[smem:$0x3FAA] =	sst s5  }
0xe: {  	[smem:$0x3FAB] =	sst s6  }
0xf: {  	[smem:$0x3FAC] =	sst s7  }
0x10: {  	[smem:$0x3FAD] =	sst s8  }
0x11: {  	[smem:$0x3FAE] =	sst s9;
	s0 =	simm.s32 @!p0 $0x0  }
0x12: {  	s1 =	sld [smem:$0x3F94];
	s0 =	simm.s32 @p0 $0x1  }
0x13: {  	[smem:$0x3FAF] =	sst s0;
	s0 =	simm.s32 @!p1 $0x0  }
0x14: {  	s2 =	sld [smem:$0x3F93];
	s0 =	simm.s32 @p1 $0x1  }
0x15: {  	[smem:$0x3FB0] =	sst s0;
	s0 =	simm.s32 @!p2 $0x0  }
0x16: {  	s3 =	sld [smem:$0x3FDB];
	s0 =	simm.s32 @p2 $0x1  }
0x17: {  	s4 =	simm.s32 $0x1BF5;
	[smem:$0x3FB2] =	sst s0  }
0x18: {  	s0 =	sld [smem:$0x3F95];
	_ =	swait.ge [sflag:s4], $0x0  }
0x19: {  	s7 =	sld [smem:$0x3F96]  }
0x1a: {  	s8 =	sadd.s32 $0xFFFFE003, lr  }
0x1b: {  	s9 =	sadd.s32 $0xFFFFFEF7, lr;
	s5 =	simm.s32 $0xFFFFFFFF;
	p2 =	slt.u32 s8, $0xFFFFF086  }
0x1c: {  	p1 =	slt.u32 s9, $0xF7A;
	s5 =	simm.s32 @!p2 $0x0  }
0x1d: {  	s5 =	simm.s32 @p1 $0x1;
	p0 =	seq.s32 s7, s2  }
0x1e: {  	s7 =	smul.u32 @!p0 $0xF7A, s2;
	p2 =	seq.s32 @!p0 s5, $0x0  }
0x1f: {  	s9 =	smul.u32 $0xF7A, s1;
	s8 =	simm.s32 @!p0 $0x1BF5;
	p2 =	por !p2, p0  }
0x20: {  	[sflag:s8] =	ssyncset.s32 @!p0 $0xFFFFF086;
	s6 =	sadd.s32 @!p0 s3, s7;
	s7 =	simm.s32 @!p0 $0x108  }
0x21: {  	s3 =	sadd.s32 s3, s9;
	s6 =	sadd.s32 @!p0 $0x88, s6;
	s7 =	simm.s32 @p2 $0x1082  }
0x22: {  	[simem:s7], [sflag:s8] =	dma.local @!p0 [hbm:s6], $0xF7A  }
0x23: {  	s9 =	sor.u32 $0xD0000000, s2;
	s6 =	simm.s32 $0x108;
	_ =	swait.ge @!p0 [sflag:s8], $0x0  }
0x24: {  	s3 =	sadd.s32 $0x88, s3;
	s6 =	simm.s32 @!p1 $0x1082;
	[sflag:s4] =	ssyncset.s32 $0xFFFFF086  }
0x25: {  	[simem:s6], [sflag:s4] =	dma.local [hbm:s3], $0xF7A  }
0x26: {  	[smem:$0x3F96] =	sst s1;
	(tag) =	ssettag s2;
	_ =	strace s9  }
0x27: {  	s1 =	sld [smem:$0x3FA6]  }
0x28: {  	s2 =	sld [smem:$0x3FA7]  }
0x29: {  	s4 =	sld [smem:$0x3FA9]  }
0x2a: {  	p0 =	seq.s32 s5, $0x0;
	s5 =	sld [smem:$0x3FAA]  }
0x2b: {  	s6 =	sld [smem:$0x3FAB]  }
0x2c: {  	s7 =	sld [smem:$0x3FAC]  }
0x2d: {  	s3 =	simm.s32 $0x108;
	s8 =	sld [smem:$0x3FAD]  }
0x2e: {  	s3 =	simm.s32 @!p0 $0x1082;
	s9 =	sld [smem:$0x3FAE]  }
0x2f: {  	lr =	sadd.s32 s0, s3;
	s0 =	sld [smem:$0x3FA5]  }
0x30: {  	s3 =	sld [smem:$0x3FA8]  }
0x31: {  	[smem:$0x3FB1] =	sst s10  }
0x32: {  	s10 =	sld [smem:$0x3FAF];
	_ =	sdelay $0x3  }
0x33: {  	p0 =	seq.s32 s10, $0x1;
	s10 =	sld [smem:$0x3FB1];
	_ =	sdelay $0x3  }
0x34: {  	[smem:$0x3FB1] =	sst s10  }
0x35: {  	s10 =	sld [smem:$0x3FB0];
	_ =	sdelay $0x3  }
0x36: {  	p1 =	seq.s32 s10, $0x1;
	s10 =	sld [smem:$0x3FB1];
	_ =	sdelay $0x3  }
0x37: {  	[smem:$0x3FB1] =	sst s10  }
0x38: {  	s10 =	sld [smem:$0x3FB2]  }
0x39: {  	_ = 	snop;
	(pc) =	sbr.ind lr, $3  }
0x3a: {  	_ = 	snop  }
0x3b: {  	_ = 	snop  }
0x3c: {  	p2 =	seq.s32 s10, $0x1;
	s10 =	sld [smem:$0x3FB1]  }
0x3d: {  	_ =	shalt  }
0x3e: {  	_ =	shalt  }
0x3f: {  	_ =	shalt  }
0x40: {  	_ =	shalt  }
0x41: {  	_ =	shalt  }
0x42: {  	_ =	shalt  }
0x43: {  	_ =	shalt  }
0x44: {  	_ =	shalt  }
0x45: {  	_ =	shalt  }
0x46: {  	_ =	shalt  }
0x47: {  	_ =	shalt  }
0x48: {  	_ =	shalt  }
0x49: {  	_ =	shalt  }
0x4a: {  	_ =	shalt  }
0x4b: {  	_ =	shalt  }
0x4c: {  	_ =	shalt  }
0x4d: {  	_ =	shalt  }
0x4e: {  	_ =	shalt  }
0x4f: {  	_ =	shalt  }
0x50: {  	_ =	shalt  }
0x51: {  	_ =	shalt  }
0x52: {  	_ =	shalt  }
0x53: {  	_ =	shalt  }
0x54: {  	_ =	shalt  }
0x55: {  	_ =	shalt  }
0x56: {  	_ =	shalt  }
0x57: {  	_ =	shalt  }
0x58: {  	_ =	shalt  }
0x59: {  	_ =	shalt  }
0x5a: {  	_ =	shalt  }
0x5b: {  	_ =	shalt  }
0x5c: {  	_ =	shalt  }
0x5d: {  	_ =	shalt  }
0x5e: {  	_ =	shalt  }
0x5f: {  	_ =	shalt  }
0x60: {  	_ =	shalt  }
0x61: {  	_ =	shalt  }
0x62: {  	_ =	shalt  }
0x63: {  	_ =	shalt  }
0x64: {  	_ =	shalt  }
0x65: {  	_ =	shalt  }
0x66: {  	_ =	shalt  }
0x67: {  	_ =	shalt  }
0x68: {  	_ =	shalt  }
0x69: {  	_ =	shalt  }
0x6a: {  	_ =	shalt  }
0x6b: {  	_ =	shalt  }
0x6c: {  	_ =	shalt  }
0x6d: {  	_ =	shalt  }
0x6e: {  	_ =	shalt  }
0x6f: {  	_ =	shalt  }
0x70: {  	_ =	shalt  }
0x71: {  	_ =	shalt  }
0x72: {  	_ =	shalt  }
0x73: {  	_ =	shalt  }
0x74: {  	_ =	shalt  }
0x75: {  	_ =	shalt  }
0x76: {  	_ =	shalt  }
0x77: {  	_ =	shalt  }
0x78: {  	_ =	shalt  }
0x79: {  	_ =	shalt  }
0x7a: {  	_ =	shalt  }
0x7b: {  	_ =	shalt  }
0x7c: {  	_ =	shalt  }
0x7d: {  	_ =	shalt  }
0x7e: {  	_ =	shalt  }
0x7f: {  	_ =	shalt  }
0x80: {  	_ =	shalt  }
0x81: {  	_ =	shalt  }
0x82: {  	_ =	shalt  }
0x83: {  	_ =	shalt  }
0x84: {  	_ =	shalt  }
0x85: {  	_ =	shalt  }
0x86: {  	_ =	shalt  }
0x87: {  	_ =	shalt  }
.Lfunc_end0:
.L_simem_size_0:
called_computation.3_lowered:
.L_overlay_start_0:
0x88: {  	s2 =	sld [smem:$0x3FD9]  }
0x89: {  	s3 =	sld [smem:$0x3FFE];
	_ =	sdelay $0x1  }
0x8a: {  	s1 =	srdreg.scid  }
0x8b: {  	s0 =	sand.u32 $0x1, s1  }
0x8c: {  	s17 =	sshll.u32 s0, $0xA;
	s2 =	sadd.s32 s3, s2  }
0x8d: {  	s2 =	sadd.s32 s2, s17  }
0x8e: {  	[smem:$0x3FBD] =	sst s2  }
0x8f: {  	_ = 	snop  }
0x90: {  	s2 =	sld [smem:$0x3FD0];
	(tm) =	ssettm $0x1  }
0x91: {  	s18 =	sld [smem:$0x3FFB];
	_ =	sdelay $0x3  }
0x92: {  	_ =	strace s18  }
0x93: {  	s3 =	sld [smem:$0x3FFC];
	_ =	sdelay $0x3  }
0x94: {  	_ =	strace s3  }
0x95: {  	s3 =	sld [smem:$0x3FFD];
	_ =	sdelay $0x3  }
0x96: {  	_ =	strace s3  }
0x97: {  	_ =	strace $0x8FFFFFFF  }
0x98: {  	s19 =	sld [smem:$0x3FDB];
	_ =	sdelay $0x1  }
0x99: {  	s4 =	simm.s32 $_scs_section_size  }
0x9a: {  	s5 =	simm.s32 $_size__tile_overlayer_lowered;
	s6 =	simm.s32 $_tile_overlayer_lowered  }
0x9b: {  	s22 =	simm.s32 $0x1BFF;
	s21 =	sshll.u32 s6, $0x1;
	s3 =	sadd.s32 s4, s19  }
0x9c: {  	s7 =	simm.s32 $0x0;
	s20 =	sshll.u32 s5, $0x1;
	s5 =	sadd.s32 s21, s3  }
0x9d: {  	[timem:s7], [sflag:s22] =	dma.local [hbm:s5], s20  }
0x9e: {  	_ =	swait.ge [sflag:s22], s20  }
0x9f: {  	s4 =	ssub.s32 $0x0, s20;
	[sflag:s22] =	ssyncset.done $0x0  }
0xa0: {  	[sflag:s22] =	ssyncadd.s32 s4;
	_ =	sdelay $0x1  }
0xa1: {  	s23 =	simm.s32 $0x1B8B  }
0xa2: {  	_ =	swait.ge [sflag:s23], $0x1  }
0xa3: {  	[sflag:s23] =	ssyncset.done $0x0  }
0xa4: {  	s25 =	simm.s32 $0x1B8E;
	s24 =	sld [smem:$0x3FFE];
	[sflag:s23] =	ssyncadd.s32 $0xFFFFFFFF  }
0xa5: {  	s26 =	simm.s32 $execute0_lowered;
	[smem:$0x3FD2] =	sst s25  }
0xa6: {  	s5 =	sshll.u32 s26, $0x1;
	_ =	strace $0x8000004F;
	[dreg:$0x1] =	wrdreg $0xFFFFFFFF  }
0xa7: {  	s28 =	simm.s32 $_size_execute0_lowered;
	s3 =	sadd.s32 s3, s5;
	[dreg:$0x0] =	wrdreg $0x0  }
0xa8: {  	s5 =	sshll.u32 s28, $0x1;
	[dreg:$0x2] =	wrdreg s3  }
0xa9: {  	[dreg:$0x3] =	wrdreg s5  }
0xaa: {  	[dreg:$0x4] =	wrdreg $0xC0  }
0xab: {  	_ =	task [dreg:s7], $0x5FFFF  }
0xac: {  	[dreg:$0x1] =	wrdreg $0xFFFFFFFF  }
0xad: {  	[dreg:$0x0] =	wrdreg $0x60  }
0xae: {  	[dreg:$0x2] =	wrdreg s24  }
0xaf: {  	[dreg:$0x3] =	wrdreg s2  }
0xb0: {  	[dreg:$0x4] =	wrdreg $0x130000  }
0xb1: {  	[dreg:$0x5] =	wrdreg $0x9  }
0xb2: {  	_ =	task.clear_ibuf [dreg:s7], $0x6FFFF;
	_ =	strace $0x9000004F  }
0xb3: {  	s29 =	simm.s32 $0x9;
	_ =	strace $0x80000051  }
0xb4: {  	_ =	swait.ge [sflag:s29], $0x1  }
0xb5: {  	[sflag:s29] =	ssyncadd.s32 $0xFFFFFFFF  }
0xb6: {  	_ =	strace $0x90000051  }
0xb7: {  	_ =	sfence  }
0xb8: {  	s30 =	sld [smem:$0x0];
	_ =	sdelay $0x2  }
0xb9: {  	s31 =	sshll.u32 s1, $0xD;
	s1 =	sshrl.u32 s1, $0x2  }
0xba: {  	s3 =	sand.u32 $0x4000, s31;
	s1 =	sadd.s32 s1, s30  }
0xbb: {  	s0 =	sor.u32 s3, s0;
	s1 =	sshll.u32 s1, $0x11  }
0xbc: {  	s0 =	sor.u32 s1, s0  }
0xbd: {  	s0 =	sadd.s32 $0x8F2B, s0  }
0xbe: {  	[sflag:s0] =	ssyncadd.remote.s32 $0x1  }
0xbf: {  	_ =	sfence.sel $0xFFFF  }
0xc0: {  	[dreg:$0x0] =	wrdreg $0xFFFFFFFF;
	(pc) =	sbr.abs _section_cstart, $3  }
0xc1: {  	[dreg:$0x1] =	wrdreg $0xFFFFFFFF  }
0xc2: {  	_ =	task.clear_ibuf [dreg:s7], $0x2FFFF;
	_ =	strace $0x9FFFFFFF  }
0xc3: {  	(tm) =	ssettm $0x7FFFFFFF  }
tec
execute0_lowered:
.L_overlay_start_1:
0x0: {  	(tag) =	ssettag $0x1  }
0x1: {  	s0 =	srdreg.scid;
	s1 =	rddreg [dreg:$0x0]  }
0x2: {  	s8 =	stileid.u32;
	s3 =	rddreg [dreg:$0x2];
	s4 =	simm.s32 $0x0  }
0x3: {  	s15 =	simm.s32 $0x5000;
	s16 =	simm.s32 $0xF;
	s18 =	simm.s32 $0x80  }
0x4: {  	s24 =	simm.s32 $0x1;
	s28 =	simm.s32 $0x2;
	s10 =	simm.s32 $0x11000  }
0x5: {  	s22 =	simm.s32 $0x7;
	s0 =	sand.u32 $0x1, s0;
	s6 =	smul.u32 $0xA000, s8  }
0x6: {  	s20 =	simm.s32 $0xE;
	s2 =	sshll.u32 s0, $0x4;
	s7 =	smul.u32 $0xA0000, s0  }
0x7: {  	s0 =	ssub.s32 $0x2, s0;
	s2 =	sor.u32 s8, s2;
	s8 =	smul.u32 $0x28000, s8  }
0x8: {  	[smem:$0x7FF] =	sst s4;
	s5 =	sadd.s32 $0x2E00, s1;
	s9 =	sshrl.u32 s0, $0x1  }
0x9: {  	_ =	strace $0x80000050;
	s0 =	ssub.s32 s0, s9;
	s8 =	sshrl.u32 s8, $0x2  }
0xa: {  	s2 =	smul.u32 $0x500, s2;
	s0 =	smax.u32 s0, $0x1;
	s25 =	sadd.s32 s8, s3  }
0xb: {  	s7 =	sadd.s32 s6, s7;
	[dreg:$0xb] =	wrdreg s0;
	s8 =	sadd.s32 $0x2000, s25  }
0xc: {  	s7 =	sshrl.u32 s7, $0x3;
	s26 =	sadd.s32 $0x4000, s25;
	[dreg:$0x4] =	wrdreg s8  }
0xd: {  	s2 =	sadd.s32 s2, s1;
	s30 =	sadd.s32 $0x6000, s25;
	[dreg:$0x5] =	wrdreg s26  }
0xe: {  	s1 =	sadd.s32 s7, s1;
	s7 =	sadd.s32 $0x8000, s25;
	[dreg:$0x6] =	wrdreg s30  }
0xf: {  	s23 =	simm.s32 $0x8;
	s31 =	sadd.s32 $0x20E00, s2;
	[dreg:$0x7] =	wrdreg s7  }
0x10: {  	s29 =	simm.s32 $0x0;
	s2 =	sadd.s32 $0x16E00, s2;
	[dreg:$0x8] =	wrdreg s31  }
0x11: {  	s6 =	sadd.s32 s6, s3;
	s1 =	sadd.s32 $0x52000, s1;
	[dreg:$0x9] =	wrdreg s2  }
0x12: {  	s9 =	simm.s32 $0x9000;
	s25 =	simm.s32 $0x9;
	[dreg:$0xa] =	wrdreg s1  }
0x13: {  	s8 =	simm.s32 $0x7000;
	s1 =	simm.s32 $0x3;
	s26 =	simm.s32 $0xA  }
.LBB2_1:
0x14: {  	s0 =	rddreg [dreg:$0x1]  }
0x15: {  	[tilespmem:s15], [sflag:$0xF] =	stream.linear.gather [hbm4b:s0+s4], $0x2000, $0x38;
	[tilespmem:$0x1D000] =	vst v63  }
0x16: {  	_ =	swait.ge [sflag:s16], $0x2000  }
0x17: {  	[sflag:s16] =	ssyncset.done $0x0  }
0x18: {  	[sflag:s16] =	ssyncadd.s32 $0xFFFFE000  }
0x19: {  	[spmem:s6] =	stream.linear.scatter [tilespmem:s15], [sflag:$0xF], $0x2000, $0x38;
	[tilespmem:$0x1D000] =	vst v63  }
0x1a: {  	_ =	swait.ge [sflag:s16], $0x2000  }
0x1b: {  	[sflag:s16] =	ssyncset.done $0x0  }
0x1c: {  	s7 =	rddreg [dreg:$0x4];
	[sflag:s16] =	ssyncadd.s32 $0xFFFFE000  }
0x1d: {  	[spmem:s7] =	stream.linear.scatter [tilespmem:s15], [sflag:$0xF], $0x2000, $0x38;
	[tilespmem:$0x1D000] =	vst v63  }
0x1e: {  	_ =	swait.ge [sflag:s16], $0x2000  }
0x1f: {  	[sflag:s16] =	ssyncset.done $0x0  }
0x20: {  	s11 =	rddreg [dreg:$0x5];
	[sflag:s16] =	ssyncadd.s32 $0xFFFFE000  }
0x21: {  	[spmem:s11] =	stream.linear.scatter [tilespmem:s15], [sflag:$0xF], $0x2000, $0x38;
	[tilespmem:$0x1D000] =	vst v63  }
0x22: {  	_ =	swait.ge [sflag:s16], $0x2000  }
0x23: {  	[sflag:s16] =	ssyncset.done $0x0  }
0x24: {  	s12 =	rddreg [dreg:$0x6];
	[sflag:s16] =	ssyncadd.s32 $0xFFFFE000  }
0x25: {  	[spmem:s12] =	stream.linear.scatter [tilespmem:s15], [sflag:$0xF], $0x2000, $0x38;
	[tilespmem:$0x1D000] =	vst v63  }
0x26: {  	_ =	swait.ge [sflag:s16], $0x2000  }
0x27: {  	[sflag:s16] =	ssyncset.done $0x0  }
0x28: {  	s13 =	rddreg [dreg:$0x7];
	[sflag:s16] =	ssyncadd.s32 $0xFFFFE000  }
0x29: {  	[spmem:s13] =	stream.linear.scatter [tilespmem:s15], [sflag:$0xF], $0x2000, $0x38;
	[tilespmem:$0x1D000] =	vst v63  }
0x2a: {  	_ =	swait.ge [sflag:s16], $0x2000  }
0x2b: {  	[sflag:s16] =	ssyncset.done $0x0  }
0x2c: {  	s14 =	rddreg [dreg:$0x8];
	[sflag:s16] =	ssyncadd.s32 $0xFFFFE000  }
0x2d: {  	[tilespmem:s4], [sflag:$0xF] =	stream.linear.gather [hbm4b:s14+s4], $0x2800, $0x38;
	[tilespmem:$0x1D000] =	vst v63  }
0x2e: {  	_ =	swait.ge [sflag:s16], $0x2800  }
0x2f: {  	[sflag:s16] =	ssyncset.done $0x0  }
0x30: {  	s2 =	simm.s32 $0x2800;
	s17 =	rddreg [dreg:$0x9];
	[sflag:s16] =	ssyncadd.s32 $0xFFFFD800  }
0x31: {  	[tilespmem:s2], [sflag:$0xF] =	stream.linear.gather [hbm4b:s17+s4], $0x2800, $0x38;
	[tilespmem:$0x1D000] =	vst v63  }
0x32: {  	_ =	swait.ge [sflag:s16], $0x2800  }
0x33: {  	[sflag:s16] =	ssyncset.done $0x0  }
0x34: {  	[sflag:s16] =	ssyncadd.s32 $0xFFFFD800  }
0x35: {  	[bflag:$0x0] =	sbarrier.arrive $0xFFFF  }
0x36: {  	[tilespmem:s15], [sflag:$0x1] =	stream.indirect.gather [hbm4b:s5+s18], $0x40, s4, s18, $0xb8;
	[tilespmem:$0x1D000] =	vst v63  }
0x37: {  	_ = 	snop  }
0x38: {  	[tilespmem:s8], [sflag:$0x2] =	stream.indirect.gather [hbm4b:s5+s18], $0x40, s18, s18, $0xb8;
	[tilespmem:$0x1D000] =	vst v63  }
0x39: {  	s19 =	simm.s32 $0x100  }
0x3a: {  	[tilespmem:s9], [sflag:$0x3] =	stream.indirect.gather [hbm4b:s5+s18], $0x40, s19, s18, $0xb8;
	[tilespmem:$0x1D000] =	vst v63  }
0x3b: {  	s21 =	simm.s32 $0x180;
	s7 =	simm.s32 $0xB000  }
0x3c: {  	[tilespmem:s7], [sflag:$0x4] =	stream.indirect.gather [hbm4b:s5+s18], $0x40, s21, s18, $0xb8;
	[tilespmem:$0x1D000] =	vst v63  }
0x3d: {  	_ =	swait.ge [sflag:s24], $0x2000  }
0x3e: {  	[sflag:s24] =	ssyncset.done $0x0  }
0x3f: {  	[sflag:s24] =	ssyncadd.s32 $0xFFFFE000  }
0x40: {  	[spmem:s3] =	stream.indirect.scatter.add.f32 [tilespmem:s15], [sflag:$0x8], $0x40, s2, s18, $0xb8;
	[tilespmem:$0x1D000] =	vst v63  }
0x41: {  	s11 =	simm.s32 $0x200;
	s12 =	simm.s32 $0xD000  }
0x42: {  	[tilespmem:s12], [sflag:$0x5] =	stream.indirect.gather [hbm4b:s5+s18], $0x40, s11, s18, $0xb8;
	[tilespmem:$0x1D000] =	vst v63  }
0x43: {  	s21 =	smul.u32 $0x25, s22;
	_ =	swait.ge [sflag:s28], $0x2000  }
0x44: {  	s13 =	simm.s32 $0x2880;
	[sflag:s28] =	ssyncset.done $0x0  }
0x45: {  	s0 =	sadd.s32 $0xFFFFFF6C, s21;
	s12 =	sshrl.u32 s21, $0x8;
	[sflag:s28] =	ssyncadd.s32 $0xFFFFE000  }
0x46: {  	[spmem:s3] =	stream.indirect.scatter.add.f32 [tilespmem:s8], [sflag:$0x9], $0x40, s13, s18, $0xb8;
	[tilespmem:$0x1D000] =	vst v63  }
0x47: {  	s14 =	simm.s32 $0x280;
	s0 =	sshrl.u32 s0, $0x8;
	s13 =	ssub.s32 $0x7, s12  }
0x48: {  	s17 =	simm.s32 $0xF000;
	s8 =	sand.u32 $0xFE, s13;
	s13 =	ssub.s32 $0x3, s0  }
0x49: {  	[tilespmem:s17], [sflag:$0x6] =	stream.indirect.gather [hbm4b:s5+s18], $0x40, s14, s18, $0xb8;
	[tilespmem:$0x1D000] =	vst v63  }
0x4a: {  	s13 =	sand.u32 $0xFE, s13  }
0x4b: {  	s19 =	simm.s32 $0x2900;
	_ =	swait.ge [sflag:s1], $0x2000;
	s13 =	sshrl.u32 s13, $0x1  }
0x4c: {  	s11 =	simm.s32 $0x300;
	[sflag:s1] =	ssyncset.done $0x0;
	s0 =	sadd.s32 s0, s13  }
0x4d: {  	s14 =	simm.s32 $0x0;
	[sflag:s1] =	ssyncadd.s32 $0xFFFFE000;
	s0 =	sand.u32 $0xFC, s0  }
0x4e: {  	[spmem:s3] =	stream.indirect.scatter.add.f32 [tilespmem:s9], [sflag:$0xA], $0x40, s19, s18, $0xb8;
	[tilespmem:$0x1D000] =	vst v63  }
0x4f: {  	s8 =	sshrl.u32 s8, $0x1;
	s14 =	smul.u32 $0xFFFFFF93, s14;
	s0 =	sshrl.u32 s0, $0x2  }
0x50: {  	[tilespmem:s10], [sflag:$0x7] =	stream.indirect.gather [hbm4b:s5+s18], $0x40, s11, s18, $0xb8;
	[tilespmem:$0x1D000] =	vst v63  }
0x51: {  	s7 =	sadd.s32 s12, s8;
	s0 =	smul.u32 $0x7, s0;
	s10 =	simm.s32 $0x8  }
0x52: {  	s7 =	sand.u32 $0xFC, s7;
	s8 =	smul.u32 $0x25, s10  }
0x53: {  	s7 =	sshrl.u32 s7, $0x2  }
0x54: {  	s14 =	sshrl.u32 s14, $0x8;
	s0 =	ssub.s32 $0x3, s0;
	s11 =	sshrl.u32 s8, $0x8  }
0x55: {  	s7 =	smul.u32 $0x7, s7;
	s0 =	sand.u32 $0xFF, s0;
	s12 =	ssub.s32 $0x8, s11  }
0x56: {  	s9 =	simm.s32 $0x2980;
	s2 =	sadd.s32 $0x1, s0;
	s12 =	sand.u32 $0xFE, s12  }
0x57: {  	s7 =	ssub.s32 $0x7, s7;
	_ =	swait.ge [sflag:s2], $0x2000;
	s12 =	sshrl.u32 s12, $0x1  }
0x58: {  	[sflag:s2] =	ssyncset.done $0x0;
	s11 =	sadd.s32 s11, s12;
	s12 =	sadd.s32 $0x0, s14  }
0x59: {  	[sflag:s2] =	ssyncadd.s32 $0xFFFFE000;
	s19 =	sand.u32 $0x80, s12;
	s12 =	sshll.u32 s12, $0x18  }
0x5a: {  	s14 =	sand.u32 $0xFF, s7;
	s13 =	sshrl.u32 s19, $0x7;
	s12 =	sshra.s32 s12, $0x1A  }
0x5b: {  	s11 =	sand.u32 $0xFC, s11;
	s19 =	sshll.u32 s0, $0xD;
	s21 =	sadd.s32 s13, s12  }
0x5c: {  	s0 =	sor.u32 $0x8, s0;
	s13 =	sadd.s32 $0x5000, s19;
	s7 =	smul.u32 $0x7, s21  }
0x5d: {  	[spmem:s3] =	stream.indirect.scatter.add.f32 [tilespmem:s13], [sflag:s0], $0x40, s9, s18, $0xb8;
	[tilespmem:$0x1D000] =	vst v63  }
0x5e: {  	s17 =	simm.s32 $0x380;
	s11 =	sshrl.u32 s11, $0x2;
	s7 =	ssub.s32 $0x0, s7  }
0x5f: {  	s31 =	sadd.s32 $0x1, s14;
	s11 =	smul.u32 $0x7, s11;
	s7 =	sshll.u32 s7, $0x18  }
0x60: {  	s21 =	sshll.u32 s14, $0xD;
	s13 =	simm.s32 $0x9;
	s7 =	sshra.s32 s7, $0x18  }
0x61: {  	s9 =	simm.s32 $0x2A00;
	s11 =	ssub.s32 $0x8, s11;
	s19 =	sadd.s32 $0x8, s7  }
0x62: {  	s30 =	sadd.s32 $0x5000, s21;
	s11 =	sand.u32 $0xFF, s11;
	_ =	swait.ge [sflag:s19], $0x2000  }
0x63: {  	s12 =	sshll.u32 s11, $0xD;
	s7 =	simm.s32 $0x400;
	[sflag:s19] =	ssyncset.done $0x0  }
.LBB2_2:
0x64: {  	s2 =	smul.u32 $0x25, s13;
	[sflag:s19] =	ssyncadd.s32 $0xFFFFE000;
	s19 =	smov.u32 s13  }
0x65: {  	s21 =	sadd.s32 $0x1, s13;
	s14 =	smov.u32 s11;
	s0 =	smov.u32 s12  }
0x66: {  	p0 =	sne.s32 s13, $0x4F;
	s8 =	sadd.s32 $0xFFFFFF6C, s8;
	s12 =	sadd.s32 $0xFFFFFFFC, s10  }
0x67: {  	[tilespmem:s30], [sflag:s31] =	stream.indirect.gather [hbm4b:s5+s18], $0x40, s17, s18, $0xb8;
	[tilespmem:$0x1D000] =	vst v63  }
0x68: {  	s13 =	sadd.s32 $0xFFFFFFF9, s10;
	s8 =	sshrl.u32 s8, $0x8;
	s11 =	sshrl.u32 s2, $0x8  }
0x69: {  	s30 =	sshll.u32 s13, $0x18;
	s17 =	ssub.s32 s12, s8;
	s10 =	ssub.s32 s19, s11  }
0x6a: {  	s30 =	sshra.s32 s30, $0x18;
	s17 =	sand.u32 $0xFE, s17;
	s10 =	sand.u32 $0xFE, s10  }
0x6b: {  	s30 =	smul.u32 $0xFFFFFF93, s30;
	s17 =	sshrl.u32 s17, $0x1;
	s10 =	sshrl.u32 s10, $0x1  }
0x6c: {  	s10 =	sadd.s32 s11, s10;
	s11 =	sadd.s32 s8, s17;
	s8 =	smov.u32 s2  }
0x6d: {  	s2 =	sand.u32 $0xFC, s10;
	s10 =	sand.u32 $0xFC, s11;
	s11 =	sshrl.u32 s30, $0x8  }
0x6e: {  	s10 =	sshrl.u32 s10, $0x2;
	s11 =	sadd.s32 s13, s11  }
0x6f: {  	s2 =	sshrl.u32 s2, $0x2;
	s10 =	smul.u32 $0x7, s10;
	s17 =	sand.u32 $0x80, s11  }
0x70: {  	s11 =	sshll.u32 s11, $0x18;
	s2 =	smul.u32 $0x7, s2;
	s17 =	sshrl.u32 s17, $0x7  }
0x71: {  	s11 =	sshra.s32 s11, $0x1A;
	s12 =	ssub.s32 s12, s10;
	s10 =	smov.u32 s19  }
0x72: {  	s11 =	sadd.s32 s17, s11;
	s2 =	ssub.s32 s10, s2  }
0x73: {  	s17 =	sand.u32 $0xFF, s12;
	s19 =	smul.u32 $0x7, s11;
	s11 =	sand.u32 $0xFF, s2  }
0x74: {  	s2 =	sshll.u32 s17, $0xD;
	s30 =	sadd.s32 $0x1, s17;
	s17 =	sor.u32 $0x8, s17  }
0x75: {  	s12 =	sshll.u32 s11, $0xD;
	s13 =	ssub.s32 s13, s19;
	_ =	swait.ge [sflag:s30], $0x2000  }
0x76: {  	s2 =	sadd.s32 $0x5000, s2;
	s13 =	sshll.u32 s13, $0x18;
	[sflag:s30] =	ssyncset.done $0x0  }
.Ltmp0:
0x77: {  	s13 =	sshra.s32 s13, $0x18;
	[sflag:s30] =	ssyncadd.s32 $0xFFFFE000;
	(pc) =	sbr.rel @p0 .LBB2_2-.Ltmp0, $4  }
0x78: {  	[spmem:s3] =	stream.indirect.scatter.add.f32 [tilespmem:s2], [sflag:s17], $0x40, s9, s18, $0xb8;
	[tilespmem:$0x1D000] =	vst v63  }
0x79: {  	s31 =	sadd.s32 $0x1, s14;
	s19 =	sadd.s32 $0x8, s13;
	s17 =	smov.u32 s7  }
0x7a: {  	s7 =	sadd.s32 $0x80, s7;
	s9 =	sadd.s32 $0x80, s9;
	_ =	swait.ge [sflag:s19], $0x2000  }
0x7b: {  	s30 =	sadd.s32 $0x5000, s0;
	s13 =	smov.u32 s21;
	[sflag:s19] =	ssyncset.done $0x0  }
0x7c: {  	[sflag:s19] =	ssyncadd.s32 $0xFFFFE000;
	s0 =	sadd.s32 $0xFFFFFF6C, s8  }
0x7d: {  	[tilespmem:s30], [sflag:s31] =	stream.indirect.gather [hbm4b:s5+s18], $0x40, s17, s18, $0xb8;
	[tilespmem:$0x1D000] =	vst v63  }
0x7e: {  	s2 =	sadd.s32 $0xFFFFFFFC, s10;
	s0 =	sshrl.u32 s0, $0x8  }
0x7f: {  	s30 =	ssub.s32 s2, s0  }
0x80: {  	s8 =	sand.u32 $0xFE, s30  }
0x81: {  	s31 =	sadd.s32 $0xFFFFFFF9, s10;
	s8 =	sshrl.u32 s8, $0x1  }
0x82: {  	s10 =	sshll.u32 s31, $0x18;
	s0 =	sadd.s32 s0, s8  }
0x83: {  	s10 =	sshra.s32 s10, $0x18;
	s0 =	sand.u32 $0xFC, s0  }
0x84: {  	s10 =	smul.u32 $0xFFFFFF93, s10;
	s0 =	sshrl.u32 s0, $0x2  }
0x85: {  	s0 =	smul.u32 $0x7, s0  }
0x86: {  	s14 =	sshrl.u32 s10, $0x8  }
0x87: {  	s0 =	ssub.s32 s2, s0;
	s2 =	sadd.s32 s31, s14  }
0x88: {  	s0 =	sand.u32 $0xFF, s0;
	s13 =	sand.u32 $0x80, s2  }
0x89: {  	s2 =	sshll.u32 s2, $0x18;
	s17 =	sadd.s32 $0x1, s0;
	s13 =	sshrl.u32 s13, $0x7  }
0x8a: {  	s2 =	sshra.s32 s2, $0x1A;
	s19 =	sshll.u32 s0, $0xD;
	_ =	swait.ge [sflag:s17], $0x2000  }
0x8b: {  	s0 =	sor.u32 $0x8, s0;
	s2 =	sadd.s32 s13, s2;
	[sflag:s17] =	ssyncset.done $0x0  }
0x8c: {  	s10 =	sadd.s32 $0x5000, s19;
	s2 =	smul.u32 $0x7, s2;
	[sflag:s17] =	ssyncadd.s32 $0xFFFFE000  }
0x8d: {  	[spmem:s3] =	stream.indirect.scatter.add.f32 [tilespmem:s10], [sflag:s0], $0x40, s9, s18, $0xb8;
	[tilespmem:$0x1D000] =	vst v63  }
0x8e: {  	s21 =	ssub.s32 s31, s2  }
0x8f: {  	s0 =	sshll.u32 s21, $0x18  }
0x90: {  	s0 =	sshra.s32 s0, $0x18  }
0x91: {  	s0 =	sadd.s32 $0x8, s0  }
0x92: {  	_ =	swait.ge [sflag:s0], $0x2000  }
0x93: {  	[sflag:s0] =	ssyncset.done $0x0  }
0x94: {  	s30 =	sadd.s32 $0x5000, s12;
	s31 =	sadd.s32 $0x1, s11;
	[sflag:s0] =	ssyncadd.s32 $0xFFFFE000  }
0x95: {  	[tilespmem:s30], [sflag:s31] =	stream.indirect.gather [hbm4b:s5+s18], $0x40, s7, s18, $0xb8;
	[tilespmem:$0x1D000] =	vst v63  }
0x96: {  	_ =	swait.ge [sflag:s22], $0x2000  }
0x97: {  	[sflag:s22] =	ssyncset.done $0x0  }
0x98: {  	s8 =	simm.s32 $0x4E00;
	s10 =	simm.s32 $0x11000;
	[sflag:s22] =	ssyncadd.s32 $0xFFFFE000  }
0x99: {  	[spmem:s3] =	stream.indirect.scatter.add.f32 [tilespmem:s10], [sflag:$0xE], $0x40, s8, s18, $0xb8;
	[tilespmem:$0x1D000] =	vst v63  }
0x9a: {  	_ =	swait.ge [sflag:s24], $0x2000  }
0x9b: {  	[sflag:s24] =	ssyncset.done $0x0  }
0x9c: {  	s9 =	simm.s32 $0x4E80;
	[sflag:s24] =	ssyncadd.s32 $0xFFFFE000  }
0x9d: {  	[spmem:s3] =	stream.indirect.scatter.add.f32 [tilespmem:s15], [sflag:$0x8], $0x40, s9, s18, $0xb8;
	[tilespmem:$0x1D000] =	vst v63  }
0x9e: {  	_ =	swait.ge [sflag:s28], $0x2000  }
0x9f: {  	[sflag:s28] =	ssyncset.done $0x0  }
0xa0: {  	s11 =	simm.s32 $0x4F00;
	s8 =	simm.s32 $0x7000;
	[sflag:s28] =	ssyncadd.s32 $0xFFFFE000  }
0xa1: {  	[spmem:s3] =	stream.indirect.scatter.add.f32 [tilespmem:s8], [sflag:$0x9], $0x40, s11, s18, $0xb8;
	[tilespmem:$0x1D000] =	vst v63  }
0xa2: {  	_ =	swait.ge [sflag:s1], $0x2000  }
0xa3: {  	s12 =	simm.s32 $0x4F80;
	[sflag:s1] =	ssyncset.done $0x0  }
0xa4: {  	s13 =	simm.s32 $0xB;
	s9 =	simm.s32 $0x9000;
	[sflag:s1] =	ssyncadd.s32 $0xFFFFE000  }
0xa5: {  	[spmem:s3] =	stream.indirect.scatter.add.f32 [tilespmem:s9], [sflag:$0xA], $0x40, s12, s18, $0xb8;
	[tilespmem:$0x1D000] =	vst v63  }
0xa6: {  	_ =	swait.ge [sflag:s13], $0x2000  }
0xa7: {  	[sflag:s13] =	ssyncset.done $0x0  }
0xa8: {  	s14 =	simm.s32 $0xC;
	[sflag:s13] =	ssyncadd.s32 $0xFFFFE000  }
0xa9: {  	_ =	swait.ge [sflag:s14], $0x2000  }
0xaa: {  	[sflag:s14] =	ssyncset.done $0x0  }
0xab: {  	s17 =	simm.s32 $0xD;
	[sflag:s14] =	ssyncadd.s32 $0xFFFFE000  }
0xac: {  	_ =	swait.ge [sflag:s17], $0x2000  }
0xad: {  	[sflag:s17] =	ssyncset.done $0x0  }
0xae: {  	[sflag:s17] =	ssyncadd.s32 $0xFFFFE000  }
0xaf: {  	_ =	swait.ge [sflag:s20], $0x2000  }
0xb0: {  	[sflag:s20] =	ssyncset.done $0x0  }
0xb1: {  	[sflag:s20] =	ssyncadd.s32 $0xFFFFE000  }
0xb2: {  	_ =	swait.ge [sflag:s23], $0x2000  }
0xb3: {  	[sflag:s23] =	ssyncset.done $0x0  }
0xb4: {  	[sflag:s23] =	ssyncadd.s32 $0xFFFFE000  }
0xb5: {  	_ =	swait.ge [sflag:s25], $0x2000  }
0xb6: {  	[sflag:s25] =	ssyncset.done $0x0  }
0xb7: {  	[sflag:s25] =	ssyncadd.s32 $0xFFFFE000  }
0xb8: {  	_ =	swait.ge [sflag:s26], $0x2000  }
0xb9: {  	[sflag:s26] =	ssyncset.done $0x0  }
0xba: {  	s19 =	stileid.u32;
	[sflag:s26] =	ssyncadd.s32 $0xFFFFE000  }
0xbb: {  	s0 =	sshll.u32 s19, $0x6;
	[bflag:$0x0] =	sbarrier.arrive $0xFFFF  }
0xbc: {  	s21 =	sshrl.u32 s6, $0x3;
	s0 =	sor.u32 $0x1C0F, s0;
	s30 =	rddreg [dreg:$0xa]  }
0xbd: {  	[hbm:s30], [sflag:s0] =	dma.local [spmem:s21], $0x1400  }
0xbe: {  	_ =	swait.ge [sflag:s16], $0x1400  }
0xbf: {  	s29 =	sadd.s32 $0x1, s29;
	s31 =	rddreg [dreg:$0xb]  }
0xc0: {  	p0 =	sne.s32 s29, s31  }
.Ltmp1:
0xc1: {  	_ = 	snop;
	(pc) =	sbr.rel @p0 .LBB2_1-.Ltmp1, $3  }
0xc2: {  	_ =	sdelay $0x1  }
0xc3: {  	[sflag:s16] =	ssyncset.done $0x0  }
0xc4: {  	[sflag:s16] =	ssyncadd.s32 $0xFFFFEC00  }
0xc5: {  	_ =	sfence.sel $0x180000  }
0xc6: {  	[bflag:$0x0] =	sbarrier.arrive $0xFFFF  }
0xc7: {  	_ =	strace $0x90000050  }
0xc8: {  	s0 =	stileid.u32;
	[bflag:$0x2] =	sbarrier.arrive $0xFFFF  }
0xc9: {  	p0 =	sne.s32 s0, $0x0;
	s0 =	rddreg [dreg:$0x3]  }
0xca: {  	s0 =	sadd.s32 @!p0 $0x100000, s0  }
0xcb: {  	[sflag:s0] =	ssyncadd.tile.s32 @!p0 $0x1;
	_ =	shalt  }
.Lfunc_end2:
_tile_overlayer_lowered:
.L_overlay_start_2:
0xcc: {  	(tag) =	ssettag $0x2  }
0xcd: {  	s0 =	rddreg [dreg:$0x0];
	s2 =	stileid.u32  }
0xce: {  	s1 =	rddreg [dreg:$0x1];
	p0 =	sne.s32 s2, $0x0  }
0xcf: {  	s3 =	rddreg [dreg:$0x2];
	[bflag:$0x3] =	sbarrier.arrive $0xFFFF;
	s2 =	simm.s32 @!p0 $0x1C0F  }
0xd0: {  	[timem:s3], [sflag:s2] =	dma.local @!p0 [hbm:s0], s1  }
0xd1: {  	s0 =	simm.s32 @!p0 $0xF  }
0xd2: {  	_ =	swait.ge @!p0 [sflag:s0], s1  }
0xd3: {  	s1 =	ssub.s32 @!p0 $0x0, s1;
	[sflag:s0] =	ssyncset.done @!p0 $0x0  }
0xd4: {  	[sflag:s0] =	ssyncadd.s32 @!p0 s1  }
0xd5: {  	[bflag:$0x3] =	sbarrier.arrive $0xFFFF  }
0xd6: {  	_ =	shalt  }

// kernel: kernel.25.cloned.1.call-start
scs
__scs_entry_jumppad:
0x0: {  	(pc) =	sbr.rel $0x88, $3  }
0x1: {  	(tag) =	ssettag $0x0;
	lr =	simm.s32 $0x1  }
0x2: {  	[smem:$0x3F96] =	sst lr;
	_ =	strace $0xD0000000  }
0x3: {  	_ = 	snop  }
0x4: {  	_ = 	snop  }
0x5: {  	_ = 	snop  }
0x6: {  	_ = 	snop  }
0x7: {  	_ = 	snop  }
__scs_overlays_trampoline_lowered:
0x8: {  	[smem:$0x3FA5] =	sst s0  }
0x9: {  	[smem:$0x3FA6] =	sst s1  }
0xa: {  	[smem:$0x3FA7] =	sst s2  }
0xb: {  	[smem:$0x3FA8] =	sst s3  }
0xc: {  	[smem:$0x3FA9] =	sst s4  }
0xd: {  	[smem:$0x3FAA] =	sst s5  }
0xe: {  	[smem:$0x3FAB] =	sst s6  }
0xf: {  	[smem:$0x3FAC] =	sst s7  }
0x10: {  	[smem:$0x3FAD] =	sst s8  }
0x11: {  	[smem:$0x3FAE] =	sst s9;
	s0 =	simm.s32 @!p0 $0x0  }
0x12: {  	s1 =	sld [smem:$0x3F94];
	s0 =	simm.s32 @p0 $0x1  }
0x13: {  	[smem:$0x3FAF] =	sst s0;
	s0 =	simm.s32 @!p1 $0x0  }
0x14: {  	s2 =	sld [smem:$0x3F93];
	s0 =	simm.s32 @p1 $0x1  }
0x15: {  	[smem:$0x3FB0] =	sst s0;
	s0 =	simm.s32 @!p2 $0x0  }
0x16: {  	s3 =	sld [smem:$0x3FDB];
	s0 =	simm.s32 @p2 $0x1  }
0x17: {  	s4 =	simm.s32 $0x1BF5;
	[smem:$0x3FB2] =	sst s0  }
0x18: {  	s0 =	sld [smem:$0x3F95];
	_ =	swait.ge [sflag:s4], $0x0  }
0x19: {  	s7 =	sld [smem:$0x3F96]  }
0x1a: {  	s8 =	sadd.s32 $0xFFFFE003, lr  }
0x1b: {  	s9 =	sadd.s32 $0xFFFFFEF7, lr;
	s5 =	simm.s32 $0xFFFFFFFF;
	p2 =	slt.u32 s8, $0xFFFFF086  }
0x1c: {  	p1 =	slt.u32 s9, $0xF7A;
	s5 =	simm.s32 @!p2 $0x0  }
0x1d: {  	s5 =	simm.s32 @p1 $0x1;
	p0 =	seq.s32 s7, s2  }
0x1e: {  	s7 =	smul.u32 @!p0 $0xF7A, s2;
	p2 =	seq.s32 @!p0 s5, $0x0  }
0x1f: {  	s9 =	smul.u32 $0xF7A, s1;
	s8 =	simm.s32 @!p0 $0x1BF5;
	p2 =	por !p2, p0  }
0x20: {  	[sflag:s8] =	ssyncset.s32 @!p0 $0xFFFFF086;
	s6 =	sadd.s32 @!p0 s3, s7;
	s7 =	simm.s32 @!p0 $0x108  }
0x21: {  	s3 =	sadd.s32 s3, s9;
	s6 =	sadd.s32 @!p0 $0x88, s6;
	s7 =	simm.s32 @p2 $0x1082  }
0x22: {  	[simem:s7], [sflag:s8] =	dma.local @!p0 [hbm:s6], $0xF7A  }
0x23: {  	s9 =	sor.u32 $0xD0000000, s2;
	s6 =	simm.s32 $0x108;
	_ =	swait.ge @!p0 [sflag:s8], $0x0  }
0x24: {  	s3 =	sadd.s32 $0x88, s3;
	s6 =	simm.s32 @!p1 $0x1082;
	[sflag:s4] =	ssyncset.s32 $0xFFFFF086  }
0x25: {  	[simem:s6], [sflag:s4] =	dma.local [hbm:s3], $0xF7A  }
0x26: {  	[smem:$0x3F96] =	sst s1;
	(tag) =	ssettag s2;
	_ =	strace s9  }
0x27: {  	s1 =	sld [smem:$0x3FA6]  }
0x28: {  	s2 =	sld [smem:$0x3FA7]  }
0x29: {  	s4 =	sld [smem:$0x3FA9]  }
0x2a: {  	p0 =	seq.s32 s5, $0x0;
	s5 =	sld [smem:$0x3FAA]  }
0x2b: {  	s6 =	sld [smem:$0x3FAB]  }
0x2c: {  	s7 =	sld [smem:$0x3FAC]  }
0x2d: {  	s3 =	simm.s32 $0x108;
	s8 =	sld [smem:$0x3FAD]  }
0x2e: {  	s3 =	simm.s32 @!p0 $0x1082;
	s9 =	sld [smem:$0x3FAE]  }
0x2f: {  	lr =	sadd.s32 s0, s3;
	s0 =	sld [smem:$0x3FA5]  }
0x30: {  	s3 =	sld [smem:$0x3FA8]  }
0x31: {  	[smem:$0x3FB1] =	sst s10  }
0x32: {  	s10 =	sld [smem:$0x3FAF];
	_ =	sdelay $0x3  }
0x33: {  	p0 =	seq.s32 s10, $0x1;
	s10 =	sld [smem:$0x3FB1];
	_ =	sdelay $0x3  }
0x34: {  	[smem:$0x3FB1] =	sst s10  }
0x35: {  	s10 =	sld [smem:$0x3FB0];
	_ =	sdelay $0x3  }
0x36: {  	p1 =	seq.s32 s10, $0x1;
	s10 =	sld [smem:$0x3FB1];
	_ =	sdelay $0x3  }
0x37: {  	[smem:$0x3FB1] =	sst s10  }
0x38: {  	s10 =	sld [smem:$0x3FB2]  }
0x39: {  	_ = 	snop;
	(pc) =	sbr.ind lr, $3  }
0x3a: {  	_ = 	snop  }
0x3b: {  	_ = 	snop  }
0x3c: {  	p2 =	seq.s32 s10, $0x1;
	s10 =	sld [smem:$0x3FB1]  }
0x3d: {  	_ =	shalt  }
0x3e: {  	_ =	shalt  }
0x3f: {  	_ =	shalt  }
0x40: {  	_ =	shalt  }
0x41: {  	_ =	shalt  }
0x42: {  	_ =	shalt  }
0x43: {  	_ =	shalt  }
0x44: {  	_ =	shalt  }
0x45: {  	_ =	shalt  }
0x46: {  	_ =	shalt  }
0x47: {  	_ =	shalt  }
0x48: {  	_ =	shalt  }
0x49: {  	_ =	shalt  }
0x4a: {  	_ =	shalt  }
0x4b: {  	_ =	shalt  }
0x4c: {  	_ =	shalt  }
0x4d: {  	_ =	shalt  }
0x4e: {  	_ =	shalt  }
0x4f: {  	_ =	shalt  }
0x50: {  	_ =	shalt  }
0x51: {  	_ =	shalt  }
0x52: {  	_ =	shalt  }
0x53: {  	_ =	shalt  }
0x54: {  	_ =	shalt  }
0x55: {  	_ =	shalt  }
0x56: {  	_ =	shalt  }
0x57: {  	_ =	shalt  }
0x58: {  	_ =	shalt  }
0x59: {  	_ =	shalt  }
0x5a: {  	_ =	shalt  }
0x5b: {  	_ =	shalt  }
0x5c: {  	_ =	shalt  }
0x5d: {  	_ =	shalt  }
0x5e: {  	_ =	shalt  }
0x5f: {  	_ =	shalt  }
0x60: {  	_ =	shalt  }
0x61: {  	_ =	shalt  }
0x62: {  	_ =	shalt  }
0x63: {  	_ =	shalt  }
0x64: {  	_ =	shalt  }
0x65: {  	_ =	shalt  }
0x66: {  	_ =	shalt  }
0x67: {  	_ =	shalt  }
0x68: {  	_ =	shalt  }
0x69: {  	_ =	shalt  }
0x6a: {  	_ =	shalt  }
0x6b: {  	_ =	shalt  }
0x6c: {  	_ =	shalt  }
0x6d: {  	_ =	shalt  }
0x6e: {  	_ =	shalt  }
0x6f: {  	_ =	shalt  }
0x70: {  	_ =	shalt  }
0x71: {  	_ =	shalt  }
0x72: {  	_ =	shalt  }
0x73: {  	_ =	shalt  }
0x74: {  	_ =	shalt  }
0x75: {  	_ =	shalt  }
0x76: {  	_ =	shalt  }
0x77: {  	_ =	shalt  }
0x78: {  	_ =	shalt  }
0x79: {  	_ =	shalt  }
0x7a: {  	_ =	shalt  }
0x7b: {  	_ =	shalt  }
0x7c: {  	_ =	shalt  }
0x7d: {  	_ =	shalt  }
0x7e: {  	_ =	shalt  }
0x7f: {  	_ =	shalt  }
0x80: {  	_ =	shalt  }
0x81: {  	_ =	shalt  }
0x82: {  	_ =	shalt  }
0x83: {  	_ =	shalt  }
0x84: {  	_ =	shalt  }
0x85: {  	_ =	shalt  }
0x86: {  	_ =	shalt  }
0x87: {  	_ =	shalt  }
.Lfunc_end0:
.L_simem_size_0:
called_computation.4_lowered:
.L_overlay_start_0:
0x88: {  	s2 =	sld [smem:$0x3FD9]  }
0x89: {  	s3 =	sld [smem:$0x3FFE];
	_ =	sdelay $0x1  }
0x8a: {  	s1 =	srdreg.scid  }
0x8b: {  	s0 =	sand.u32 $0x1, s1  }
0x8c: {  	s17 =	sshll.u32 s0, $0xA;
	s2 =	sadd.s32 s3, s2  }
0x8d: {  	s2 =	sadd.s32 s2, s17  }
0x8e: {  	[smem:$0x3FBD] =	sst s2  }
0x8f: {  	_ = 	snop  }
0x90: {  	s2 =	sld [smem:$0x3FD0];
	(tm) =	ssettm $0x1  }
0x91: {  	s18 =	sld [smem:$0x3FFB];
	_ =	sdelay $0x3  }
0x92: {  	_ =	strace s18  }
0x93: {  	s3 =	sld [smem:$0x3FFC];
	_ =	sdelay $0x3  }
0x94: {  	_ =	strace s3  }
0x95: {  	s3 =	sld [smem:$0x3FFD];
	_ =	sdelay $0x3  }
0x96: {  	_ =	strace s3  }
0x97: {  	_ =	strace $0x8FFFFFFF  }
0x98: {  	s19 =	sld [smem:$0x3FDB];
	_ =	sdelay $0x1  }
0x99: {  	s4 =	simm.s32 $_scs_section_size  }
0x9a: {  	s5 =	simm.s32 $_size__tile_overlayer_lowered;
	s6 =	simm.s32 $_tile_overlayer_lowered  }
0x9b: {  	s22 =	simm.s32 $0x1BFF;
	s21 =	sshll.u32 s6, $0x1;
	s3 =	sadd.s32 s4, s19  }
0x9c: {  	s7 =	simm.s32 $0x0;
	s20 =	sshll.u32 s5, $0x1;
	s5 =	sadd.s32 s21, s3  }
0x9d: {  	[timem:s7], [sflag:s22] =	dma.local [hbm:s5], s20  }
0x9e: {  	_ =	swait.ge [sflag:s22], s20  }
0x9f: {  	s4 =	ssub.s32 $0x0, s20;
	[sflag:s22] =	ssyncset.done $0x0  }
0xa0: {  	[sflag:s22] =	ssyncadd.s32 s4;
	_ =	sdelay $0x1  }
0xa1: {  	s23 =	simm.s32 $0x1B8B  }
0xa2: {  	_ =	swait.ge [sflag:s23], $0x1  }
0xa3: {  	[sflag:s23] =	ssyncset.done $0x0  }
0xa4: {  	s25 =	simm.s32 $0x1B8E;
	s24 =	sld [smem:$0x3FFE];
	[sflag:s23] =	ssyncadd.s32 $0xFFFFFFFF  }
0xa5: {  	s26 =	simm.s32 $execute0_lowered;
	[smem:$0x3FD2] =	sst s25  }
0xa6: {  	s5 =	sshll.u32 s26, $0x1;
	_ =	strace $0x80000052;
	[dreg:$0x1] =	wrdreg $0xFFFFFFFF  }
0xa7: {  	s28 =	simm.s32 $_size_execute0_lowered;
	s3 =	sadd.s32 s3, s5;
	[dreg:$0x0] =	wrdreg $0x0  }
0xa8: {  	s5 =	sshll.u32 s28, $0x1;
	[dreg:$0x2] =	wrdreg s3  }
0xa9: {  	[dreg:$0x3] =	wrdreg s5  }
0xaa: {  	[dreg:$0x4] =	wrdreg $0xC0  }
0xab: {  	_ =	task [dreg:s7], $0x5FFFF  }
0xac: {  	[dreg:$0x1] =	wrdreg $0xFFFFFFFF  }
0xad: {  	[dreg:$0x0] =	wrdreg $0x60  }
0xae: {  	[dreg:$0x2] =	wrdreg s24  }
0xaf: {  	[dreg:$0x3] =	wrdreg s2  }
0xb0: {  	[dreg:$0x4] =	wrdreg $0x130000  }
0xb1: {  	[dreg:$0x5] =	wrdreg $0x9  }
0xb2: {  	_ =	task.clear_ibuf [dreg:s7], $0x6FFFF;
	_ =	strace $0x90000052  }
0xb3: {  	s29 =	simm.s32 $0x9;
	_ =	strace $0x80000054  }
0xb4: {  	_ =	swait.ge [sflag:s29], $0x1  }
0xb5: {  	[sflag:s29] =	ssyncadd.s32 $0xFFFFFFFF  }
0xb6: {  	_ =	strace $0x90000054  }
0xb7: {  	_ =	sfence  }
0xb8: {  	s30 =	sld [smem:$0x0];
	_ =	sdelay $0x2  }
0xb9: {  	s31 =	sshll.u32 s1, $0xD;
	s1 =	sshrl.u32 s1, $0x2  }
0xba: {  	s3 =	sand.u32 $0x4000, s31;
	s1 =	sadd.s32 s1, s30  }
0xbb: {  	s0 =	sor.u32 s3, s0;
	s1 =	sshll.u32 s1, $0x11  }
0xbc: {  	s0 =	sor.u32 s1, s0  }
0xbd: {  	s0 =	sadd.s32 $0x8F2B, s0  }
0xbe: {  	[sflag:s0] =	ssyncadd.remote.s32 $0x1  }
0xbf: {  	_ =	sfence.sel $0xFFFF  }
0xc0: {  	[dreg:$0x0] =	wrdreg $0xFFFFFFFF;
	(pc) =	sbr.abs _section_cstart, $3  }
0xc1: {  	[dreg:$0x1] =	wrdreg $0xFFFFFFFF  }
0xc2: {  	_ =	task.clear_ibuf [dreg:s7], $0x2FFFF;
	_ =	strace $0x9FFFFFFF  }
0xc3: {  	(tm) =	ssettm $0x7FFFFFFF  }
tec
execute0_lowered:
.L_overlay_start_1:
0x0: {  	(tag) =	ssettag $0x1  }
0x1: {  	s0 =	srdreg.scid;
	s1 =	rddreg [dreg:$0x0]  }
0x2: {  	s8 =	stileid.u32;
	s3 =	rddreg [dreg:$0x2];
	s4 =	simm.s32 $0x0  }
0x3: {  	s15 =	simm.s32 $0x5000;
	s16 =	simm.s32 $0xF;
	s18 =	simm.s32 $0x80  }
0x4: {  	s24 =	simm.s32 $0x1;
	s28 =	simm.s32 $0x2;
	s10 =	simm.s32 $0x11000  }
0x5: {  	s22 =	simm.s32 $0x7;
	s0 =	sand.u32 $0x1, s0;
	s6 =	smul.u32 $0xA000, s8  }
0x6: {  	s20 =	simm.s32 $0xE;
	s2 =	sshll.u32 s0, $0x4;
	s7 =	smul.u32 $0xA0000, s0  }
0x7: {  	s0 =	ssub.s32 $0x2, s0;
	s2 =	sor.u32 s8, s2;
	s8 =	smul.u32 $0x28000, s8  }
0x8: {  	[smem:$0x7FF] =	sst s4;
	s5 =	sadd.s32 $0x2E00, s1;
	s9 =	sshrl.u32 s0, $0x1  }
0x9: {  	_ =	strace $0x80000053;
	s0 =	ssub.s32 s0, s9;
	s8 =	sshrl.u32 s8, $0x2  }
0xa: {  	s2 =	smul.u32 $0x500, s2;
	s0 =	smax.u32 s0, $0x1;
	s25 =	sadd.s32 s8, s3  }
0xb: {  	s7 =	sadd.s32 s6, s7;
	[dreg:$0xb] =	wrdreg s0;
	s8 =	sadd.s32 $0x2000, s25  }
0xc: {  	s7 =	sshrl.u32 s7, $0x3;
	s26 =	sadd.s32 $0x4000, s25;
	[dreg:$0x4] =	wrdreg s8  }
0xd: {  	s2 =	sadd.s32 s2, s1;
	s30 =	sadd.s32 $0x6000, s25;
	[dreg:$0x5] =	wrdreg s26  }
0xe: {  	s1 =	sadd.s32 s7, s1;
	s7 =	sadd.s32 $0x8000, s25;
	[dreg:$0x6] =	wrdreg s30  }
0xf: {  	s23 =	simm.s32 $0x8;
	s31 =	sadd.s32 $0x20E00, s2;
	[dreg:$0x7] =	wrdreg s7  }
0x10: {  	s29 =	simm.s32 $0x0;
	s2 =	sadd.s32 $0x16E00, s2;
	[dreg:$0x8] =	wrdreg s31  }
0x11: {  	s6 =	sadd.s32 s6, s3;
	s1 =	sadd.s32 $0x52000, s1;
	[dreg:$0x9] =	wrdreg s2  }
0x12: {  	s9 =	simm.s32 $0x9000;
	s25 =	simm.s32 $0x9;
	[dreg:$0xa] =	wrdreg s1  }
0x13: {  	s8 =	simm.s32 $0x7000;
	s1 =	simm.s32 $0x3;
	s26 =	simm.s32 $0xA  }
.LBB2_1:
0x14: {  	s0 =	rddreg [dreg:$0x1]  }
0x15: {  	[tilespmem:s15], [sflag:$0xF] =	stream.linear.gather [hbm4b:s0+s4], $0x2000, $0x38;
	[tilespmem:$0x1D000] =	vst v63  }
0x16: {  	_ =	swait.ge [sflag:s16], $0x2000  }
0x17: {  	[sflag:s16] =	ssyncset.done $0x0  }
0x18: {  	[sflag:s16] =	ssyncadd.s32 $0xFFFFE000  }
0x19: {  	[spmem:s6] =	stream.linear.scatter [tilespmem:s15], [sflag:$0xF], $0x2000, $0x38;
	[tilespmem:$0x1D000] =	vst v63  }
0x1a: {  	_ =	swait.ge [sflag:s16], $0x2000  }
0x1b: {  	[sflag:s16] =	ssyncset.done $0x0  }
0x1c: {  	s7 =	rddreg [dreg:$0x4];
	[sflag:s16] =	ssyncadd.s32 $0xFFFFE000  }
0x1d: {  	[spmem:s7] =	stream.linear.scatter [tilespmem:s15], [sflag:$0xF], $0x2000, $0x38;
	[tilespmem:$0x1D000] =	vst v63  }
0x1e: {  	_ =	swait.ge [sflag:s16], $0x2000  }
0x1f: {  	[sflag:s16] =	ssyncset.done $0x0  }
0x20: {  	s11 =	rddreg [dreg:$0x5];
	[sflag:s16] =	ssyncadd.s32 $0xFFFFE000  }
0x21: {  	[spmem:s11] =	stream.linear.scatter [tilespmem:s15], [sflag:$0xF], $0x2000, $0x38;
	[tilespmem:$0x1D000] =	vst v63  }
0x22: {  	_ =	swait.ge [sflag:s16], $0x2000  }
0x23: {  	[sflag:s16] =	ssyncset.done $0x0  }
0x24: {  	s12 =	rddreg [dreg:$0x6];
	[sflag:s16] =	ssyncadd.s32 $0xFFFFE000  }
0x25: {  	[spmem:s12] =	stream.linear.scatter [tilespmem:s15], [sflag:$0xF], $0x2000, $0x38;
	[tilespmem:$0x1D000] =	vst v63  }
0x26: {  	_ =	swait.ge [sflag:s16], $0x2000  }
0x27: {  	[sflag:s16] =	ssyncset.done $0x0  }
0x28: {  	s13 =	rddreg [dreg:$0x7];
	[sflag:s16] =	ssyncadd.s32 $0xFFFFE000  }
0x29: {  	[spmem:s13] =	stream.linear.scatter [tilespmem:s15], [sflag:$0xF], $0x2000, $0x38;
	[tilespmem:$0x1D000] =	vst v63  }
0x2a: {  	_ =	swait.ge [sflag:s16], $0x2000  }
0x2b: {  	[sflag:s16] =	ssyncset.done $0x0  }
0x2c: {  	s14 =	rddreg [dreg:$0x8];
	[sflag:s16] =	ssyncadd.s32 $0xFFFFE000  }
0x2d: {  	[tilespmem:s4], [sflag:$0xF] =	stream.linear.gather [hbm4b:s14+s4], $0x2800, $0x38;
	[tilespmem:$0x1D000] =	vst v63  }
0x2e: {  	_ =	swait.ge [sflag:s16], $0x2800  }
0x2f: {  	[sflag:s16] =	ssyncset.done $0x0  }
0x30: {  	s2 =	simm.s32 $0x2800;
	s17 =	rddreg [dreg:$0x9];
	[sflag:s16] =	ssyncadd.s32 $0xFFFFD800  }
0x31: {  	[tilespmem:s2], [sflag:$0xF] =	stream.linear.gather [hbm4b:s17+s4], $0x2800, $0x38;
	[tilespmem:$0x1D000] =	vst v63  }
0x32: {  	_ =	swait.ge [sflag:s16], $0x2800  }
0x33: {  	[sflag:s16] =	ssyncset.done $0x0  }
0x34: {  	[sflag:s16] =	ssyncadd.s32 $0xFFFFD800  }
0x35: {  	[bflag:$0x0] =	sbarrier.arrive $0xFFFF  }
0x36: {  	[tilespmem:s15], [sflag:$0x1] =	stream.indirect.gather [hbm4b:s5+s18], $0x40, s4, s18, $0xb8;
	[tilespmem:$0x1D000] =	vst v63  }
0x37: {  	_ = 	snop  }
0x38: {  	[tilespmem:s8], [sflag:$0x2] =	stream.indirect.gather [hbm4b:s5+s18], $0x40, s18, s18, $0xb8;
	[tilespmem:$0x1D000] =	vst v63  }
0x39: {  	s19 =	simm.s32 $0x100  }
0x3a: {  	[tilespmem:s9], [sflag:$0x3] =	stream.indirect.gather [hbm4b:s5+s18], $0x40, s19, s18, $0xb8;
	[tilespmem:$0x1D000] =	vst v63  }
0x3b: {  	s21 =	simm.s32 $0x180;
	s7 =	simm.s32 $0xB000  }
0x3c: {  	[tilespmem:s7], [sflag:$0x4] =	stream.indirect.gather [hbm4b:s5+s18], $0x40, s21, s18, $0xb8;
	[tilespmem:$0x1D000] =	vst v63  }
0x3d: {  	_ =	swait.ge [sflag:s24], $0x2000  }
0x3e: {  	[sflag:s24] =	ssyncset.done $0x0  }
0x3f: {  	[sflag:s24] =	ssyncadd.s32 $0xFFFFE000  }
0x40: {  	[spmem:s3] =	stream.indirect.scatter.add.f32 [tilespmem:s15], [sflag:$0x8], $0x40, s2, s18, $0xb8;
	[tilespmem:$0x1D000] =	vst v63  }
0x41: {  	s11 =	simm.s32 $0x200;
	s12 =	simm.s32 $0xD000  }
0x42: {  	[tilespmem:s12], [sflag:$0x5] =	stream.indirect.gather [hbm4b:s5+s18], $0x40, s11, s18, $0xb8;
	[tilespmem:$0x1D000] =	vst v63  }
0x43: {  	s21 =	smul.u32 $0x25, s22;
	_ =	swait.ge [sflag:s28], $0x2000  }
0x44: {  	s13 =	simm.s32 $0x2880;
	[sflag:s28] =	ssyncset.done $0x0  }
0x45: {  	s0 =	sadd.s32 $0xFFFFFF6C, s21;
	s12 =	sshrl.u32 s21, $0x8;
	[sflag:s28] =	ssyncadd.s32 $0xFFFFE000  }
0x46: {  	[spmem:s3] =	stream.indirect.scatter.add.f32 [tilespmem:s8], [sflag:$0x9], $0x40, s13, s18, $0xb8;
	[tilespmem:$0x1D000] =	vst v63  }
0x47: {  	s14 =	simm.s32 $0x280;
	s0 =	sshrl.u32 s0, $0x8;
	s13 =	ssub.s32 $0x7, s12  }
0x48: {  	s17 =	simm.s32 $0xF000;
	s8 =	sand.u32 $0xFE, s13;
	s13 =	ssub.s32 $0x3, s0  }
0x49: {  	[tilespmem:s17], [sflag:$0x6] =	stream.indirect.gather [hbm4b:s5+s18], $0x40, s14, s18, $0xb8;
	[tilespmem:$0x1D000] =	vst v63  }
0x4a: {  	s13 =	sand.u32 $0xFE, s13  }
0x4b: {  	s19 =	simm.s32 $0x2900;
	_ =	swait.ge [sflag:s1], $0x2000;
	s13 =	sshrl.u32 s13, $0x1  }
0x4c: {  	s11 =	simm.s32 $0x300;
	[sflag:s1] =	ssyncset.done $0x0;
	s0 =	sadd.s32 s0, s13  }
0x4d: {  	s14 =	simm.s32 $0x0;
	[sflag:s1] =	ssyncadd.s32 $0xFFFFE000;
	s0 =	sand.u32 $0xFC, s0  }
0x4e: {  	[spmem:s3] =	stream.indirect.scatter.add.f32 [tilespmem:s9], [sflag:$0xA], $0x40, s19, s18, $0xb8;
	[tilespmem:$0x1D000] =	vst v63  }
0x4f: {  	s8 =	sshrl.u32 s8, $0x1;
	s14 =	smul.u32 $0xFFFFFF93, s14;
	s0 =	sshrl.u32 s0, $0x2  }
0x50: {  	[tilespmem:s10], [sflag:$0x7] =	stream.indirect.gather [hbm4b:s5+s18], $0x40, s11, s18, $0xb8;
	[tilespmem:$0x1D000] =	vst v63  }
0x51: {  	s7 =	sadd.s32 s12, s8;
	s0 =	smul.u32 $0x7, s0;
	s10 =	simm.s32 $0x8  }
0x52: {  	s7 =	sand.u32 $0xFC, s7;
	s8 =	smul.u32 $0x25, s10  }
0x53: {  	s7 =	sshrl.u32 s7, $0x2  }
0x54: {  	s14 =	sshrl.u32 s14, $0x8;
	s0 =	ssub.s32 $0x3, s0;
	s11 =	sshrl.u32 s8, $0x8  }
0x55: {  	s7 =	smul.u32 $0x7, s7;
	s0 =	sand.u32 $0xFF, s0;
	s12 =	ssub.s32 $0x8, s11  }
0x56: {  	s9 =	simm.s32 $0x2980;
	s2 =	sadd.s32 $0x1, s0;
	s12 =	sand.u32 $0xFE, s12  }
0x57: {  	s7 =	ssub.s32 $0x7, s7;
	_ =	swait.ge [sflag:s2], $0x2000;
	s12 =	sshrl.u32 s12, $0x1  }
0x58: {  	[sflag:s2] =	ssyncset.done $0x0;
	s11 =	sadd.s32 s11, s12;
	s12 =	sadd.s32 $0x0, s14  }
0x59: {  	[sflag:s2] =	ssyncadd.s32 $0xFFFFE000;
	s19 =	sand.u32 $0x80, s12;
	s12 =	sshll.u32 s12, $0x18  }
0x5a: {  	s14 =	sand.u32 $0xFF, s7;
	s13 =	sshrl.u32 s19, $0x7;
	s12 =	sshra.s32 s12, $0x1A  }
0x5b: {  	s11 =	sand.u32 $0xFC, s11;
	s19 =	sshll.u32 s0, $0xD;
	s21 =	sadd.s32 s13, s12  }
0x5c: {  	s0 =	sor.u32 $0x8, s0;
	s13 =	sadd.s32 $0x5000, s19;
	s7 =	smul.u32 $0x7, s21  }
0x5d: {  	[spmem:s3] =	stream.indirect.scatter.add.f32 [tilespmem:s13], [sflag:s0], $0x40, s9, s18, $0xb8;
	[tilespmem:$0x1D000] =	vst v63  }
0x5e: {  	s17 =	simm.s32 $0x380;
	s11 =	sshrl.u32 s11, $0x2;
	s7 =	ssub.s32 $0x0, s7  }
0x5f: {  	s31 =	sadd.s32 $0x1, s14;
	s11 =	smul.u32 $0x7, s11;
	s7 =	sshll.u32 s7, $0x18  }
0x60: {  	s21 =	sshll.u32 s14, $0xD;
	s13 =	simm.s32 $0x9;
	s7 =	sshra.s32 s7, $0x18  }
0x61: {  	s9 =	simm.s32 $0x2A00;
	s11 =	ssub.s32 $0x8, s11;
	s19 =	sadd.s32 $0x8, s7  }
0x62: {  	s30 =	sadd.s32 $0x5000, s21;
	s11 =	sand.u32 $0xFF, s11;
	_ =	swait.ge [sflag:s19], $0x2000  }
0x63: {  	s12 =	sshll.u32 s11, $0xD;
	s7 =	simm.s32 $0x400;
	[sflag:s19] =	ssyncset.done $0x0  }
.LBB2_2:
0x64: {  	s2 =	smul.u32 $0x25, s13;
	[sflag:s19] =	ssyncadd.s32 $0xFFFFE000;
	s19 =	smov.u32 s13  }
0x65: {  	s21 =	sadd.s32 $0x1, s13;
	s14 =	smov.u32 s11;
	s0 =	smov.u32 s12  }
0x66: {  	p0 =	sne.s32 s13, $0x4F;
	s8 =	sadd.s32 $0xFFFFFF6C, s8;
	s12 =	sadd.s32 $0xFFFFFFFC, s10  }
0x67: {  	[tilespmem:s30], [sflag:s31] =	stream.indirect.gather [hbm4b:s5+s18], $0x40, s17, s18, $0xb8;
	[tilespmem:$0x1D000] =	vst v63  }
0x68: {  	s13 =	sadd.s32 $0xFFFFFFF9, s10;
	s8 =	sshrl.u32 s8, $0x8;
	s11 =	sshrl.u32 s2, $0x8  }
0x69: {  	s30 =	sshll.u32 s13, $0x18;
	s17 =	ssub.s32 s12, s8;
	s10 =	ssub.s32 s19, s11  }
0x6a: {  	s30 =	sshra.s32 s30, $0x18;
	s17 =	sand.u32 $0xFE, s17;
	s10 =	sand.u32 $0xFE, s10  }
0x6b: {  	s30 =	smul.u32 $0xFFFFFF93, s30;
	s17 =	sshrl.u32 s17, $0x1;
	s10 =	sshrl.u32 s10, $0x1  }
0x6c: {  	s10 =	sadd.s32 s11, s10;
	s11 =	sadd.s32 s8, s17;
	s8 =	smov.u32 s2  }
0x6d: {  	s2 =	sand.u32 $0xFC, s10;
	s10 =	sand.u32 $0xFC, s11;
	s11 =	sshrl.u32 s30, $0x8  }
0x6e: {  	s10 =	sshrl.u32 s10, $0x2;
	s11 =	sadd.s32 s13, s11  }
0x6f: {  	s2 =	sshrl.u32 s2, $0x2;
	s10 =	smul.u32 $0x7, s10;
	s17 =	sand.u32 $0x80, s11  }
0x70: {  	s11 =	sshll.u32 s11, $0x18;
	s2 =	smul.u32 $0x7, s2;
	s17 =	sshrl.u32 s17, $0x7  }
0x71: {  	s11 =	sshra.s32 s11, $0x1A;
	s12 =	ssub.s32 s12, s10;
	s10 =	smov.u32 s19  }
0x72: {  	s11 =	sadd.s32 s17, s11;
	s2 =	ssub.s32 s10, s2  }
0x73: {  	s17 =	sand.u32 $0xFF, s12;
	s19 =	smul.u32 $0x7, s11;
	s11 =	sand.u32 $0xFF, s2  }
0x74: {  	s2 =	sshll.u32 s17, $0xD;
	s30 =	sadd.s32 $0x1, s17;
	s17 =	sor.u32 $0x8, s17  }
0x75: {  	s12 =	sshll.u32 s11, $0xD;
	s13 =	ssub.s32 s13, s19;
	_ =	swait.ge [sflag:s30], $0x2000  }
0x76: {  	s2 =	sadd.s32 $0x5000, s2;
	s13 =	sshll.u32 s13, $0x18;
	[sflag:s30] =	ssyncset.done $0x0  }
.Ltmp0:
0x77: {  	s13 =	sshra.s32 s13, $0x18;
	[sflag:s30] =	ssyncadd.s32 $0xFFFFE000;
	(pc) =	sbr.rel @p0 .LBB2_2-.Ltmp0, $4  }
0x78: {  	[spmem:s3] =	stream.indirect.scatter.add.f32 [tilespmem:s2], [sflag:s17], $0x40, s9, s18, $0xb8;
	[tilespmem:$0x1D000] =	vst v63  }
0x79: {  	s31 =	sadd.s32 $0x1, s14;
	s19 =	sadd.s32 $0x8, s13;
	s17 =	smov.u32 s7  }
0x7a: {  	s7 =	sadd.s32 $0x80, s7;
	s9 =	sadd.s32 $0x80, s9;
	_ =	swait.ge [sflag:s19], $0x2000  }
0x7b: {  	s30 =	sadd.s32 $0x5000, s0;
	s13 =	smov.u32 s21;
	[sflag:s19] =	ssyncset.done $0x0  }
0x7c: {  	[sflag:s19] =	ssyncadd.s32 $0xFFFFE000;
	s0 =	sadd.s32 $0xFFFFFF6C, s8  }
0x7d: {  	[tilespmem:s30], [sflag:s31] =	stream.indirect.gather [hbm4b:s5+s18], $0x40, s17, s18, $0xb8;
	[tilespmem:$0x1D000] =	vst v63  }
0x7e: {  	s2 =	sadd.s32 $0xFFFFFFFC, s10;
	s0 =	sshrl.u32 s0, $0x8  }
0x7f: {  	s30 =	ssub.s32 s2, s0  }
0x80: {  	s8 =	sand.u32 $0xFE, s30  }
0x81: {  	s31 =	sadd.s32 $0xFFFFFFF9, s10;
	s8 =	sshrl.u32 s8, $0x1  }
0x82: {  	s10 =	sshll.u32 s31, $0x18;
	s0 =	sadd.s32 s0, s8  }
0x83: {  	s10 =	sshra.s32 s10, $0x18;
	s0 =	sand.u32 $0xFC, s0  }
0x84: {  	s10 =	smul.u32 $0xFFFFFF93, s10;
	s0 =	sshrl.u32 s0, $0x2  }
0x85: {  	s0 =	smul.u32 $0x7, s0  }
0x86: {  	s14 =	sshrl.u32 s10, $0x8  }
0x87: {  	s0 =	ssub.s32 s2, s0;
	s2 =	sadd.s32 s31, s14  }
0x88: {  	s0 =	sand.u32 $0xFF, s0;
	s13 =	sand.u32 $0x80, s2  }
0x89: {  	s2 =	sshll.u32 s2, $0x18;
	s17 =	sadd.s32 $0x1, s0;
	s13 =	sshrl.u32 s13, $0x7  }
0x8a: {  	s2 =	sshra.s32 s2, $0x1A;
	s19 =	sshll.u32 s0, $0xD;
	_ =	swait.ge [sflag:s17], $0x2000  }
0x8b: {  	s0 =	sor.u32 $0x8, s0;
	s2 =	sadd.s32 s13, s2;
	[sflag:s17] =	ssyncset.done $0x0  }
0x8c: {  	s10 =	sadd.s32 $0x5000, s19;
	s2 =	smul.u32 $0x7, s2;
	[sflag:s17] =	ssyncadd.s32 $0xFFFFE000  }
0x8d: {  	[spmem:s3] =	stream.indirect.scatter.add.f32 [tilespmem:s10], [sflag:s0], $0x40, s9, s18, $0xb8;
	[tilespmem:$0x1D000] =	vst v63  }
0x8e: {  	s21 =	ssub.s32 s31, s2  }
0x8f: {  	s0 =	sshll.u32 s21, $0x18  }
0x90: {  	s0 =	sshra.s32 s0, $0x18  }
0x91: {  	s0 =	sadd.s32 $0x8, s0  }
0x92: {  	_ =	swait.ge [sflag:s0], $0x2000  }
0x93: {  	[sflag:s0] =	ssyncset.done $0x0  }
0x94: {  	s30 =	sadd.s32 $0x5000, s12;
	s31 =	sadd.s32 $0x1, s11;
	[sflag:s0] =	ssyncadd.s32 $0xFFFFE000  }
0x95: {  	[tilespmem:s30], [sflag:s31] =	stream.indirect.gather [hbm4b:s5+s18], $0x40, s7, s18, $0xb8;
	[tilespmem:$0x1D000] =	vst v63  }
0x96: {  	_ =	swait.ge [sflag:s22], $0x2000  }
0x97: {  	[sflag:s22] =	ssyncset.done $0x0  }
0x98: {  	s8 =	simm.s32 $0x4E00;
	s10 =	simm.s32 $0x11000;
	[sflag:s22] =	ssyncadd.s32 $0xFFFFE000  }
0x99: {  	[spmem:s3] =	stream.indirect.scatter.add.f32 [tilespmem:s10], [sflag:$0xE], $0x40, s8, s18, $0xb8;
	[tilespmem:$0x1D000] =	vst v63  }
0x9a: {  	_ =	swait.ge [sflag:s24], $0x2000  }
0x9b: {  	[sflag:s24] =	ssyncset.done $0x0  }
0x9c: {  	s9 =	simm.s32 $0x4E80;
	[sflag:s24] =	ssyncadd.s32 $0xFFFFE000  }
0x9d: {  	[spmem:s3] =	stream.indirect.scatter.add.f32 [tilespmem:s15], [sflag:$0x8], $0x40, s9, s18, $0xb8;
	[tilespmem:$0x1D000] =	vst v63  }
0x9e: {  	_ =	swait.ge [sflag:s28], $0x2000  }
0x9f: {  	[sflag:s28] =	ssyncset.done $0x0  }
0xa0: {  	s11 =	simm.s32 $0x4F00;
	s8 =	simm.s32 $0x7000;
	[sflag:s28] =	ssyncadd.s32 $0xFFFFE000  }
0xa1: {  	[spmem:s3] =	stream.indirect.scatter.add.f32 [tilespmem:s8], [sflag:$0x9], $0x40, s11, s18, $0xb8;
	[tilespmem:$0x1D000] =	vst v63  }
0xa2: {  	_ =	swait.ge [sflag:s1], $0x2000  }
0xa3: {  	s12 =	simm.s32 $0x4F80;
	[sflag:s1] =	ssyncset.done $0x0  }
0xa4: {  	s13 =	simm.s32 $0xB;
	s9 =	simm.s32 $0x9000;
	[sflag:s1] =	ssyncadd.s32 $0xFFFFE000  }
0xa5: {  	[spmem:s3] =	stream.indirect.scatter.add.f32 [tilespmem:s9], [sflag:$0xA], $0x40, s12, s18, $0xb8;
	[tilespmem:$0x1D000] =	vst v63  }
0xa6: {  	_ =	swait.ge [sflag:s13], $0x2000  }
0xa7: {  	[sflag:s13] =	ssyncset.done $0x0  }
0xa8: {  	s14 =	simm.s32 $0xC;
	[sflag:s13] =	ssyncadd.s32 $0xFFFFE000  }
0xa9: {  	_ =	swait.ge [sflag:s14], $0x2000  }
0xaa: {  	[sflag:s14] =	ssyncset.done $0x0  }
0xab: {  	s17 =	simm.s32 $0xD;
	[sflag:s14] =	ssyncadd.s32 $0xFFFFE000  }
0xac: {  	_ =	swait.ge [sflag:s17], $0x2000  }
0xad: {  	[sflag:s17] =	ssyncset.done $0x0  }
0xae: {  	[sflag:s17] =	ssyncadd.s32 $0xFFFFE000  }
0xaf: {  	_ =	swait.ge [sflag:s20], $0x2000  }
0xb0: {  	[sflag:s20] =	ssyncset.done $0x0  }
0xb1: {  	[sflag:s20] =	ssyncadd.s32 $0xFFFFE000  }
0xb2: {  	_ =	swait.ge [sflag:s23], $0x2000  }
0xb3: {  	[sflag:s23] =	ssyncset.done $0x0  }
0xb4: {  	[sflag:s23] =	ssyncadd.s32 $0xFFFFE000  }
0xb5: {  	_ =	swait.ge [sflag:s25], $0x2000  }
0xb6: {  	[sflag:s25] =	ssyncset.done $0x0  }
0xb7: {  	[sflag:s25] =	ssyncadd.s32 $0xFFFFE000  }
0xb8: {  	_ =	swait.ge [sflag:s26], $0x2000  }
0xb9: {  	[sflag:s26] =	ssyncset.done $0x0  }
0xba: {  	s19 =	stileid.u32;
	[sflag:s26] =	ssyncadd.s32 $0xFFFFE000  }
0xbb: {  	s0 =	sshll.u32 s19, $0x6;
	[bflag:$0x0] =	sbarrier.arrive $0xFFFF  }
0xbc: {  	s21 =	sshrl.u32 s6, $0x3;
	s0 =	sor.u32 $0x1C0F, s0;
	s30 =	rddreg [dreg:$0xa]  }
0xbd: {  	[hbm:s30], [sflag:s0] =	dma.local [spmem:s21], $0x1400  }
0xbe: {  	_ =	swait.ge [sflag:s16], $0x1400  }
0xbf: {  	s29 =	sadd.s32 $0x1, s29;
	s31 =	rddreg [dreg:$0xb]  }
0xc0: {  	p0 =	sne.s32 s29, s31  }
.Ltmp1:
0xc1: {  	_ = 	snop;
	(pc) =	sbr.rel @p0 .LBB2_1-.Ltmp1, $3  }
0xc2: {  	_ =	sdelay $0x1  }
0xc3: {  	[sflag:s16] =	ssyncset.done $0x0  }
0xc4: {  	[sflag:s16] =	ssyncadd.s32 $0xFFFFEC00  }
0xc5: {  	_ =	sfence.sel $0x180000  }
0xc6: {  	[bflag:$0x0] =	sbarrier.arrive $0xFFFF  }
0xc7: {  	_ =	strace $0x90000053  }
0xc8: {  	s0 =	stileid.u32;
	[bflag:$0x2] =	sbarrier.arrive $0xFFFF  }
0xc9: {  	p0 =	sne.s32 s0, $0x0;
	s0 =	rddreg [dreg:$0x3]  }
0xca: {  	s0 =	sadd.s32 @!p0 $0x100000, s0  }
0xcb: {  	[sflag:s0] =	ssyncadd.tile.s32 @!p0 $0x1;
	_ =	shalt  }
.Lfunc_end2:
_tile_overlayer_lowered:
.L_overlay_start_2:
0xcc: {  	(tag) =	ssettag $0x2  }
0xcd: {  	s0 =	rddreg [dreg:$0x0];
	s2 =	stileid.u32  }
0xce: {  	s1 =	rddreg [dreg:$0x1];
	p0 =	sne.s32 s2, $0x0  }
0xcf: {  	s3 =	rddreg [dreg:$0x2];
	[bflag:$0x3] =	sbarrier.arrive $0xFFFF;
	s2 =	simm.s32 @!p0 $0x1C0F  }
0xd0: {  	[timem:s3], [sflag:s2] =	dma.local @!p0 [hbm:s0], s1  }
0xd1: {  	s0 =	simm.s32 @!p0 $0xF  }
0xd2: {  	_ =	swait.ge @!p0 [sflag:s0], s1  }
0xd3: {  	s1 =	ssub.s32 @!p0 $0x0, s1;
	[sflag:s0] =	ssyncset.done @!p0 $0x0  }
0xd4: {  	[sflag:s0] =	ssyncadd.s32 @!p0 s1  }
0xd5: {  	[bflag:$0x3] =	sbarrier.arrive $0xFFFF  }
0xd6: {  	_ =	shalt  }

</sc_bundles>
